<compile_context>
chip_gen: v7x
topology: tpu7x:2x2x1
jax: 0.10.2.dev20260603
libtpu: 0.0.44.dev20260713+nightly
codegen_flags: <defaults>
</compile_context>

<pallas_src>
import functools

import jax
import jax.numpy as jnp
from jax import lax
from jax.experimental import pallas as pl
from jax.experimental.pallas import tpu as pltpu
import jax.experimental.pallas.tpu_sc as plsc

N = 10000
E = 320000
D = 128
W = 144
NC = 2
NS = 16
NW = NC * NS
EPW = E // NW
C = 48
NFULL = EPW // C
CT = EPW - NFULL * C
TPAIRS = NFULL // 2 - 1
RPT = 624


def _pre_body(x_ref, beta_ref, xn_ref, xnw_ref, ws_ref):
    xb = x_ref[...]
    b = beta_ref[0, 0]
    n2 = jnp.sum(xb * xb, axis=1, keepdims=True)
    nrm = jnp.sqrt(n2)
    xn = xb / jnp.maximum(nrm, 1e-12)
    s2 = jnp.sum(xn * xn, axis=1, keepdims=True)
    ws = jnp.exp(b * s2 - jnp.abs(b))
    xn_ref[...] = xn
    xnw_ref[...] = jnp.concatenate(
        [xn, nrm, jnp.zeros((xb.shape[0], W - D - 1), jnp.float32)], axis=1)
    ws_ref[...] = ws


def _post_body(nf_ref, x_ref, ws_ref, out_ref):
    nf = nf_ref[...]
    msg = nf[0, :, 0:D] + nf[1, :, 0:D]
    den = nf[0, :, D:D + 1] + nf[1, :, D:D + 1]
    ws = ws_ref[...]
    xb = x_ref[...]
    out_ref[...] = jnp.tanh((msg + ws * xb) / (den + ws + 1e-16))


def _sc_body(src_hbm, dst_hbm, xn_hbm, xnw_hbm, prm_hbm, out_hbm,
             si0, di0, si1, di1, dis0, dis1, sit, dit,
             a0, a1, b0, b1, s0, s1, prm_v, num_sh,
             sa0, sb0, sa1, sb1, ss0, sd0, ss1, sd1, ssc0, ssc1):
    cid = lax.axis_index("c")
    sid = lax.axis_index("s")
    wid = cid * NS + sid

    zero16 = jnp.zeros((16,), jnp.float32)

    def zero_buf(s_v):
        def zrow(r, carry):
            for k in range(W // 16):
                s_v[r, pl.ds(k * 16, 16)] = zero16
            return carry
        lax.fori_loop(0, C, zrow, 0)

    zero_buf(s0)
    zero_buf(s1)

    base_r = sid * RPT
    for j in range(RPT // C):
        pltpu.sync_copy(s0, num_sh.at[pl.ds(base_r + j * C, C)])

    @pl.when(sid == NS - 1)
    def _zero_tail():
        pltpu.sync_copy(s0.at[pl.ds(0, N - NS * RPT)],
                        num_sh.at[pl.ds(NS * RPT, N - NS * RPT)])

    pltpu.sync_copy(prm_hbm, prm_v)
    plsc.subcore_barrier()

    prm_vec = prm_v[...]
    beta_s = prm_vec[0]
    c_s = prm_vec[1]
    lanes = lax.iota(jnp.int32, 16)
    mask0f = jnp.where(lanes == 0, 1.0, 0.0).astype(jnp.float32)

    ebase = wid * EPW

    def fetch_idx(c, si, di, ssem, dsem):
        base = ebase + c * C
        pltpu.async_copy(src_hbm.at[pl.ds(base, C)], si, ssem)
        pltpu.async_copy(dst_hbm.at[pl.ds(base, C)], di, dsem)

    def wait_idx(c, si, di, ssem, dsem):
        base = ebase + c * C
        pltpu.make_async_copy(src_hbm.at[pl.ds(base, C)], si, ssem).wait()
        pltpu.make_async_copy(dst_hbm.at[pl.ds(base, C)], di, dsem).wait()

    def fetch_rows(si, di, a, b, asem, bsem):
        pltpu.async_copy(xnw_hbm.at[si], a, asem)
        pltpu.async_copy(xn_hbm.at[di], b, bsem)

    def wait_rows(si, di, a, b, asem, bsem):
        pltpu.make_async_copy(xnw_hbm.at[si], a, asem).wait()
        pltpu.make_async_copy(xn_hbm.at[di], b, bsem).wait()

    def compute(a_v, b_v, s_v, n_edges):
        @plsc.parallel_loop(0, n_edges, 1, unroll=2)
        def edge_body(e):
            al = [a_v[e, pl.ds(k * 16, 16)] for k in range(8)]
            bl = []
            for m in range(4):
                bb = b_v[e, pl.ds(m * 32, 32)]
                lo, hi = plsc.unpack(bb, format=plsc.PackFormat.INTERLEAVED,
                                     preferred_element_type=jnp.float32)
                bl.append(lo)
                bl.append(hi)
            tail = a_v[e, pl.ds(D, 16)]
            p0 = al[0] * bl[0] + al[1] * bl[1]
            p1 = al[2] * bl[2] + al[3] * bl[3]
            p2 = al[4] * bl[4] + al[5] * bl[5]
            p3 = al[6] * bl[6] + al[7] * bl[7]
            dot = jnp.sum((p0 + p1) + (p2 + p3))
            dvec = jnp.broadcast_to(dot, (16,))
            wvec = jnp.exp(beta_s * dvec - c_s)
            wp = wvec * tail[0]
            for k in range(8):
                s_v[e, pl.ds(k * 16, 16)] = al[k] * wp
            s_v[e, pl.ds(D, 16)] = wvec * mask0f

    def scatter(s_v, di, dis, sem):
        for g in range(C // 16):
            dis[pl.ds(g * 16, 16)] = di[pl.ds(g * 16, 16)]
        pltpu.async_copy(s_v, num_sh.at[dis], sem, add=True)

    def wait_scatter(s_v, dis, sem):
        pltpu.make_async_copy(s_v, num_sh.at[dis], sem).wait()

    fetch_idx(0, si0, di0, ss0, sd0)
    wait_idx(0, si0, di0, ss0, sd0)
    fetch_rows(si0, di0, a0, b0, sa0, sb0)
    fetch_idx(1, si1, di1, ss1, sd1)
    scatter(s0, di0, dis0, ssc0)
    scatter(s1, di0, dis1, ssc1)

    def pair_body(t, carry):
        c0 = 2 * t
        wait_rows(si0, di0, a0, b0, sa0, sb0)
        wait_idx(c0 + 1, si1, di1, ss1, sd1)
        fetch_rows(si1, di1, a1, b1, sa1, sb1)
        wait_scatter(s0, dis0, ssc0)
        compute(a0, b0, s0, C)
        scatter(s0, di0, dis0, ssc0)
        fetch_idx(c0 + 2, si0, di0, ss0, sd0)
        wait_rows(si1, di1, a1, b1, sa1, sb1)
        wait_scatter(s1, dis1, ssc1)
        compute(a1, b1, s1, C)
        scatter(s1, di1, dis1, ssc1)
        wait_idx(c0 + 2, si0, di0, ss0, sd0)
        fetch_rows(si0, di0, a0, b0, sa0, sb0)
        fetch_idx(c0 + 3, si1, di1, ss1, sd1)
        return carry

    lax.fori_loop(0, TPAIRS, pair_body, 0)

    wait_rows(si0, di0, a0, b0, sa0, sb0)
    wait_idx(NFULL - 1, si1, di1, ss1, sd1)
    fetch_rows(si1, di1, a1, b1, sa1, sb1)
    wait_scatter(s0, dis0, ssc0)
    compute(a0, b0, s0, C)
    scatter(s0, di0, dis0, ssc0)
    wait_rows(si1, di1, a1, b1, sa1, sb1)
    wait_scatter(s1, dis1, ssc1)
    compute(a1, b1, s1, C)
    scatter(s1, di1, dis1, ssc1)

    tbase = ebase + NFULL * C
    pltpu.sync_copy(src_hbm.at[pl.ds(tbase, CT)], sit)
    pltpu.sync_copy(dst_hbm.at[pl.ds(tbase, CT)], dit)
    pltpu.async_copy(xnw_hbm.at[sit], a1.at[pl.ds(0, CT)], sa0)
    pltpu.async_copy(xn_hbm.at[dit], b1.at[pl.ds(0, CT)], sb0)
    pltpu.make_async_copy(xnw_hbm.at[sit], a1.at[pl.ds(0, CT)], sa0).wait()
    pltpu.make_async_copy(xn_hbm.at[dit], b1.at[pl.ds(0, CT)], sb0).wait()
    wait_scatter(s0, dis0, ssc0)
    compute(a1, b1, s0, CT)
    pltpu.sync_copy(s0.at[pl.ds(0, CT)], num_sh.at[dit], add=True)
    wait_scatter(s1, dis1, ssc1)

    plsc.subcore_barrier()

    out_base = cid * N + sid * RPT
    pltpu.sync_copy(num_sh.at[pl.ds(sid * RPT, RPT)],
                    out_hbm.at[pl.ds(out_base, RPT)])

    @pl.when(sid == NS - 1)
    def _drain_tail():
        pltpu.sync_copy(num_sh.at[pl.ds(NS * RPT, N - NS * RPT)],
                        out_hbm.at[pl.ds(cid * N + NS * RPT, N - NS * RPT)])


_sc_edge = functools.partial(
    pl.kernel,
    out_type=jax.ShapeDtypeStruct((NC * N, W), jnp.float32),
    mesh=plsc.VectorSubcoreMesh(core_axis_name="c", subcore_axis_name="s"),
    compiler_params=pltpu.CompilerParams(
        use_tc_tiling_on_sc=False, needs_layout_passes=False),
    scratch_types=(
        [pltpu.VMEM((C,), jnp.int32)] * 6
        + [pltpu.VMEM((CT,), jnp.int32)] * 2
        + [pltpu.VMEM((C, W), jnp.float32)] * 2
        + [pltpu.VMEM((C, D), jnp.bfloat16)] * 2
        + [pltpu.VMEM((C, W), jnp.float32)] * 2
        + [pltpu.VMEM((16,), jnp.float32),
           pltpu.VMEM_SHARED((N, W), jnp.float32)]
        + [pltpu.SemaphoreType.DMA] * 10
    ),
)(_sc_body)


@jax.jit
def kernel(x, edge_index, beta):
    src = edge_index[0]
    dst = edge_index[1]

    BR = 1000
    xn, xnw, wself = pl.pallas_call(
        _pre_body,
        grid=(N // BR,),
        in_specs=[
            pl.BlockSpec((BR, D), lambda i: (i, 0)),
            pl.BlockSpec((1, 1), lambda i: (0, 0)),
        ],
        out_specs=[
            pl.BlockSpec((BR, D), lambda i: (i, 0)),
            pl.BlockSpec((BR, W), lambda i: (i, 0)),
            pl.BlockSpec((BR, 1), lambda i: (i, 0)),
        ],
        out_shape=[
            jax.ShapeDtypeStruct((N, D), jnp.float32),
            jax.ShapeDtypeStruct((N, W), jnp.float32),
            jax.ShapeDtypeStruct((N, 1), jnp.float32),
        ],
    )(x, beta.reshape(1, 1))

    params = jnp.concatenate(
        [beta, jnp.abs(beta), jnp.zeros((14,), jnp.float32)])

    xnb = (xn.reshape(N, D // 32, 2, 16).transpose(0, 1, 3, 2)
           .reshape(N, D).astype(jnp.bfloat16))

    numfull = _sc_edge(src, dst, xnb, xnw, params)

    out = pl.pallas_call(
        _post_body,
        grid=(N // BR,),
        in_specs=[
            pl.BlockSpec((NC, BR, W), lambda i: (0, i, 0)),
            pl.BlockSpec((BR, D), lambda i: (i, 0)),
            pl.BlockSpec((BR, 1), lambda i: (i, 0)),
        ],
        out_specs=pl.BlockSpec((BR, D), lambda i: (i, 0)),
        out_shape=jax.ShapeDtypeStruct((N, D), jnp.float32),
    )(numfull.reshape(NC, N, W), x, wself)
    return out

# --- scband reference (transcript-rebuilt; emitter-appended) ---
"""Pipeline reference for scband-breadth-27315992002859 (READ-ONLY COPY).

The authoritative reference and input builder live on the scoring server;
editing this copy changes nothing except your own understanding.
"""

import jax, jax.numpy as jnp
import numpy as np

N = 10000
E = 320000
D = 128


def setup_inputs(seed: int = 0) -> dict:
    key = jax.random.key(seed)
    k1, k2 = jax.random.split(key)
    x = jax.random.normal(k1, (N, D), dtype=jnp.float32)
    edge_index = jax.random.randint(k2, (2, E), 0, N, dtype=jnp.int32)
    # AGNNConv learnable scalar beta (requires_grad=True), initialized to 1.0
    beta = jnp.ones((1,), dtype=jnp.float32)
    return {"x": x, "edge_index": edge_index, "beta": beta}


def reference(x, edge_index, beta):
    # Breadth.forward: dropout (identity in eval mode) -> AGNNConv -> tanh
    n = x.shape[0]
    src = edge_index[0]
    dst = edge_index[1]
    # AGNNConv adds self-loops by default
    loop = jnp.arange(n, dtype=src.dtype)
    src = jnp.concatenate([src, loop])
    dst = jnp.concatenate([dst, loop])
    # L2-normalize node features (F.normalize, eps=1e-12)
    norm = jnp.linalg.norm(x, axis=-1, keepdims=True)
    x_n = x / jnp.maximum(norm, 1e-12)
    # attention logits: beta * cos(x_i, x_j) per edge (gather on src and dst)
    alpha = beta[0] * jnp.sum(x_n[src] * x_n[dst], axis=-1)
    # softmax over incoming edges grouped by destination node (segment softmax)
    seg_max = jax.ops.segment_max(alpha, dst, num_segments=n)
    alpha = jnp.exp(alpha - seg_max[dst])
    denom = jax.ops.segment_sum(alpha, dst, num_segments=n)
    alpha = alpha / (denom[dst] + 1e-16)
    # weighted message aggregation: scatter-add of x_j * alpha into dst
    out = jax.ops.segment_sum(x[src] * alpha[:, None], dst, num_segments=n)
    return jnp.tanh(out)

if __name__ == "__main__":
    import jax
    _d = setup_inputs()
    print(jax.jit(kernel)(*tuple(_d.values())))

</pallas_src>

<mosaic_0001>
#map = affine_map<(d0, d1) -> (0)>
#map1 = affine_map<(d0, d1) -> (0, 0)>
module attributes {stable_mosaic.version = 14 : i64} {
  func.func @_sc_body(%arg0: i32, %arg1: i32, %arg2: memref<320000xi32, #tpu.memory_space<hbm>>, %arg3: memref<320000xi32, #tpu.memory_space<hbm>>, %arg4: memref<10000x128xbf16, #tpu.memory_space<hbm>>, %arg5: memref<10000x144xf32, #tpu.memory_space<hbm>>, %arg6: memref<16xf32, #tpu.memory_space<hbm>>, %arg7: memref<20000x144xf32, #tpu.memory_space<hbm>>, %arg8: memref<48xi32, #tpu.memory_space<vmem>>, %arg9: memref<48xi32, #tpu.memory_space<vmem>>, %arg10: memref<48xi32, #tpu.memory_space<vmem>>, %arg11: memref<48xi32, #tpu.memory_space<vmem>>, %arg12: memref<48xi32, #tpu.memory_space<vmem>>, %arg13: memref<48xi32, #tpu.memory_space<vmem>>, %arg14: memref<16xi32, #tpu.memory_space<vmem>>, %arg15: memref<16xi32, #tpu.memory_space<vmem>>, %arg16: memref<48x144xf32, #tpu.memory_space<vmem>>, %arg17: memref<48x144xf32, #tpu.memory_space<vmem>>, %arg18: memref<48x128xbf16, #tpu.memory_space<vmem>>, %arg19: memref<48x128xbf16, #tpu.memory_space<vmem>>, %arg20: memref<48x144xf32, #tpu.memory_space<vmem>>, %arg21: memref<48x144xf32, #tpu.memory_space<vmem>>, %arg22: memref<16xf32, #tpu.memory_space<vmem>>, %arg23: memref<10000x144xf32, #tpu.memory_space<vmem_shared>>, %arg24: memref<!tpu.dma_semaphore, #tpu.memory_space<semaphore_mem>>, %arg25: memref<!tpu.dma_semaphore, #tpu.memory_space<semaphore_mem>>, %arg26: memref<!tpu.dma_semaphore, #tpu.memory_space<semaphore_mem>>, %arg27: memref<!tpu.dma_semaphore, #tpu.memory_space<semaphore_mem>>, %arg28: memref<!tpu.dma_semaphore, #tpu.memory_space<semaphore_mem>>, %arg29: memref<!tpu.dma_semaphore, #tpu.memory_space<semaphore_mem>>, %arg30: memref<!tpu.dma_semaphore, #tpu.memory_space<semaphore_mem>>, %arg31: memref<!tpu.dma_semaphore, #tpu.memory_space<semaphore_mem>>, %arg32: memref<!tpu.dma_semaphore, #tpu.memory_space<semaphore_mem>>, %arg33: memref<!tpu.dma_semaphore, #tpu.memory_space<semaphore_mem>>) attributes {dimension_semantics = [#tpu.dimension_semantics<core_parallel>, #tpu.dimension_semantics<subcore_parallel>], iteration_bounds = array<i64: 2, 16>, scalar_prefetch = 0 : i64, scratch_operands = 26 : i64, tpu.core_type = #tpu.core_type<sc_vector_subcore>, window_params = [{transform_indices = #map}, {transform_indices = #map}, {transform_indices = #map1}, {transform_indices = #map1}, {transform_indices = #map}, {transform_indices = #map1}]} {
    %mul3A = arith.constant 16 : i32
    %mul3A_0 = arith.muli %arg0, %mul3A : i32
    %add3A = arith.addi %mul3A_0, %arg1 : i32
    %broadcast_in_dim3A = arith.constant 0.000000e+00 : f32
    %broadcast_in_dim3A_1 = vector.broadcast %broadcast_in_dim3A : f32 to vector<16xf32>
    %scan3A = arith.constant 0 : i32
    %scan3A_2 = arith.constant 0 : i32
    %scan3A_3 = arith.constant 48 : i32
    %scan3A_4 = arith.addi %scan3A_2, %scan3A_3 : i32
    %scan3A_5 = arith.constant 1 : i32
    scf.for %scan3A_224 = %scan3A_2 to %scan3A_4 step %scan3A_5  : i32 {
      %swap3A_225 = arith.index_cast %scan3A_224 : i32 to index
      %swap3A_226 = arith.constant 0 : index
      %swap3A_227 = tpu.vector_load %arg20[%swap3A_225, %swap3A_226] {strides = array<i32>} : memref<48x144xf32, #tpu.memory_space<vmem>>, vector<16xf32>,
      tpu.vector_store %arg20[%swap3A_225, %swap3A_226], %broadcast_in_dim3A_1 {strides = array<i32>} : memref<48x144xf32, #tpu.memory_space<vmem>>, vector<16xf32>,
      %swap3A_228 = arith.index_cast %scan3A_224 : i32 to index
      %swap3A_229 = arith.constant 16 : index
      %swap3A_230 = tpu.vector_load %arg20[%swap3A_228, %swap3A_229] {strides = array<i32>} : memref<48x144xf32, #tpu.memory_space<vmem>>, vector<16xf32>,
      tpu.vector_store %arg20[%swap3A_228, %swap3A_229], %broadcast_in_dim3A_1 {strides = array<i32>} : memref<48x144xf32, #tpu.memory_space<vmem>>, vector<16xf32>,
      %swap3A_231 = arith.index_cast %scan3A_224 : i32 to index
      %swap3A_232 = arith.constant 32 : index
      %swap3A_233 = tpu.vector_load %arg20[%swap3A_231, %swap3A_232] {strides = array<i32>} : memref<48x144xf32, #tpu.memory_space<vmem>>, vector<16xf32>,
      tpu.vector_store %arg20[%swap3A_231, %swap3A_232], %broadcast_in_dim3A_1 {strides = array<i32>} : memref<48x144xf32, #tpu.memory_space<vmem>>, vector<16xf32>,
      %swap3A_234 = arith.index_cast %scan3A_224 : i32 to index
      %swap3A_235 = arith.constant 48 : index
      %swap3A_236 = tpu.vector_load %arg20[%swap3A_234, %swap3A_235] {strides = array<i32>} : memref<48x144xf32, #tpu.memory_space<vmem>>, vector<16xf32>,
      tpu.vector_store %arg20[%swap3A_234, %swap3A_235], %broadcast_in_dim3A_1 {strides = array<i32>} : memref<48x144xf32, #tpu.memory_space<vmem>>, vector<16xf32>,
      %swap3A_237 = arith.index_cast %scan3A_224 : i32 to index
      %swap3A_238 = arith.constant 64 : index
      %swap3A_239 = tpu.vector_load %arg20[%swap3A_237, %swap3A_238] {strides = array<i32>} : memref<48x144xf32, #tpu.memory_space<vmem>>, vector<16xf32>,
      tpu.vector_store %arg20[%swap3A_237, %swap3A_238], %broadcast_in_dim3A_1 {strides = array<i32>} : memref<48x144xf32, #tpu.memory_space<vmem>>, vector<16xf32>,
      %swap3A_240 = arith.index_cast %scan3A_224 : i32 to index
      %swap3A_241 = arith.constant 80 : index
      %swap3A_242 = tpu.vector_load %arg20[%swap3A_240, %swap3A_241] {strides = array<i32>} : memref<48x144xf32, #tpu.memory_space<vmem>>, vector<16xf32>,
      tpu.vector_store %arg20[%swap3A_240, %swap3A_241], %broadcast_in_dim3A_1 {strides = array<i32>} : memref<48x144xf32, #tpu.memory_space<vmem>>, vector<16xf32>,
      %swap3A_243 = arith.index_cast %scan3A_224 : i32 to index
      %swap3A_244 = arith.constant 96 : index
      %swap3A_245 = tpu.vector_load %arg20[%swap3A_243, %swap3A_244] {strides = array<i32>} : memref<48x144xf32, #tpu.memory_space<vmem>>, vector<16xf32>,
      tpu.vector_store %arg20[%swap3A_243, %swap3A_244], %broadcast_in_dim3A_1 {strides = array<i32>} : memref<48x144xf32, #tpu.memory_space<vmem>>, vector<16xf32>,
      %swap3A_246 = arith.index_cast %scan3A_224 : i32 to index
      %swap3A_247 = arith.constant 112 : index
      %swap3A_248 = tpu.vector_load %arg20[%swap3A_246, %swap3A_247] {strides = array<i32>} : memref<48x144xf32, #tpu.memory_space<vmem>>, vector<16xf32>,
      tpu.vector_store %arg20[%swap3A_246, %swap3A_247], %broadcast_in_dim3A_1 {strides = array<i32>} : memref<48x144xf32, #tpu.memory_space<vmem>>, vector<16xf32>,
      %swap3A_249 = arith.index_cast %scan3A_224 : i32 to index
      %swap3A_250 = arith.constant 128 : index
      %swap3A_251 = tpu.vector_load %arg20[%swap3A_249, %swap3A_250] {strides = array<i32>} : memref<48x144xf32, #tpu.memory_space<vmem>>, vector<16xf32>,
      tpu.vector_store %arg20[%swap3A_249, %swap3A_250], %broadcast_in_dim3A_1 {strides = array<i32>} : memref<48x144xf32, #tpu.memory_space<vmem>>, vector<16xf32>,
    }
    %scan3A_6 = arith.constant 48 : i32
    %scan3A_7 = arith.constant 0 : i32
    %scan3A_8 = arith.constant 0 : i32
    %scan3A_9 = arith.constant 48 : i32
    %scan3A_10 = arith.addi %scan3A_8, %scan3A_9 : i32
    %scan3A_11 = arith.constant 1 : i32
    scf.for %scan3A_224 = %scan3A_8 to %scan3A_10 step %scan3A_11  : i32 {
      %swap3A_225 = arith.index_cast %scan3A_224 : i32 to index
      %swap3A_226 = arith.constant 0 : index
      %swap3A_227 = tpu.vector_load %arg21[%swap3A_225, %swap3A_226] {strides = array<i32>} : memref<48x144xf32, #tpu.memory_space<vmem>>, vector<16xf32>,
      tpu.vector_store %arg21[%swap3A_225, %swap3A_226], %broadcast_in_dim3A_1 {strides = array<i32>} : memref<48x144xf32, #tpu.memory_space<vmem>>, vector<16xf32>,
      %swap3A_228 = arith.index_cast %scan3A_224 : i32 to index
      %swap3A_229 = arith.constant 16 : index
      %swap3A_230 = tpu.vector_load %arg21[%swap3A_228, %swap3A_229] {strides = array<i32>} : memref<48x144xf32, #tpu.memory_space<vmem>>, vector<16xf32>,
      tpu.vector_store %arg21[%swap3A_228, %swap3A_229], %broadcast_in_dim3A_1 {strides = array<i32>} : memref<48x144xf32, #tpu.memory_space<vmem>>, vector<16xf32>,
      %swap3A_231 = arith.index_cast %scan3A_224 : i32 to index
      %swap3A_232 = arith.constant 32 : index
      %swap3A_233 = tpu.vector_load %arg21[%swap3A_231, %swap3A_232] {strides = array<i32>} : memref<48x144xf32, #tpu.memory_space<vmem>>, vector<16xf32>,
      tpu.vector_store %arg21[%swap3A_231, %swap3A_232], %broadcast_in_dim3A_1 {strides = array<i32>} : memref<48x144xf32, #tpu.memory_space<vmem>>, vector<16xf32>,
      %swap3A_234 = arith.index_cast %scan3A_224 : i32 to index
      %swap3A_235 = arith.constant 48 : index
      %swap3A_236 = tpu.vector_load %arg21[%swap3A_234, %swap3A_235] {strides = array<i32>} : memref<48x144xf32, #tpu.memory_space<vmem>>, vector<16xf32>,
      tpu.vector_store %arg21[%swap3A_234, %swap3A_235], %broadcast_in_dim3A_1 {strides = array<i32>} : memref<48x144xf32, #tpu.memory_space<vmem>>, vector<16xf32>,
      %swap3A_237 = arith.index_cast %scan3A_224 : i32 to index
      %swap3A_238 = arith.constant 64 : index
      %swap3A_239 = tpu.vector_load %arg21[%swap3A_237, %swap3A_238] {strides = array<i32>} : memref<48x144xf32, #tpu.memory_space<vmem>>, vector<16xf32>,
      tpu.vector_store %arg21[%swap3A_237, %swap3A_238], %broadcast_in_dim3A_1 {strides = array<i32>} : memref<48x144xf32, #tpu.memory_space<vmem>>, vector<16xf32>,
      %swap3A_240 = arith.index_cast %scan3A_224 : i32 to index
      %swap3A_241 = arith.constant 80 : index
      %swap3A_242 = tpu.vector_load %arg21[%swap3A_240, %swap3A_241] {strides = array<i32>} : memref<48x144xf32, #tpu.memory_space<vmem>>, vector<16xf32>,
      tpu.vector_store %arg21[%swap3A_240, %swap3A_241], %broadcast_in_dim3A_1 {strides = array<i32>} : memref<48x144xf32, #tpu.memory_space<vmem>>, vector<16xf32>,
      %swap3A_243 = arith.index_cast %scan3A_224 : i32 to index
      %swap3A_244 = arith.constant 96 : index
      %swap3A_245 = tpu.vector_load %arg21[%swap3A_243, %swap3A_244] {strides = array<i32>} : memref<48x144xf32, #tpu.memory_space<vmem>>, vector<16xf32>,
      tpu.vector_store %arg21[%swap3A_243, %swap3A_244], %broadcast_in_dim3A_1 {strides = array<i32>} : memref<48x144xf32, #tpu.memory_space<vmem>>, vector<16xf32>,
      %swap3A_246 = arith.index_cast %scan3A_224 : i32 to index
      %swap3A_247 = arith.constant 112 : index
      %swap3A_248 = tpu.vector_load %arg21[%swap3A_246, %swap3A_247] {strides = array<i32>} : memref<48x144xf32, #tpu.memory_space<vmem>>, vector<16xf32>,
      tpu.vector_store %arg21[%swap3A_246, %swap3A_247], %broadcast_in_dim3A_1 {strides = array<i32>} : memref<48x144xf32, #tpu.memory_space<vmem>>, vector<16xf32>,
      %swap3A_249 = arith.index_cast %scan3A_224 : i32 to index
      %swap3A_250 = arith.constant 128 : index
      %swap3A_251 = tpu.vector_load %arg21[%swap3A_249, %swap3A_250] {strides = array<i32>} : memref<48x144xf32, #tpu.memory_space<vmem>>, vector<16xf32>,
      tpu.vector_store %arg21[%swap3A_249, %swap3A_250], %broadcast_in_dim3A_1 {strides = array<i32>} : memref<48x144xf32, #tpu.memory_space<vmem>>, vector<16xf32>,
    }
    %scan3A_12 = arith.constant 48 : i32
    %mul3A_13 = arith.constant 624 : i32
    %mul3A_14 = arith.muli %arg1, %mul3A_13 : i32
    %add3A_15 = arith.constant 0 : i32
    %add3A_16 = arith.addi %mul3A_14, %add3A_15 : i32
    "tpu.region"() ({
      %run_scoped3A = tpu.sem_alloc : memref<!tpu.dma_semaphore, #tpu.memory_space<semaphore_mem>>
      %dma_start3A_224 = arith.constant 0 : i32
      %dma_start3A_225 = tpu.memref_slice %arg23[%add3A_16, %dma_start3A_224] : memref<10000x144xf32, #tpu.memory_space<vmem_shared>> -> memref<48x144xf32, #tpu.memory_space<vmem_shared>>
      %dma_start3A_226 = arith.constant 0 : i32
      %dma_start3A_227 = tpu.memref_slice %arg23[%add3A_16, %dma_start3A_226] : memref<10000x144xf32, #tpu.memory_space<vmem_shared>> -> memref<48x144xf32, #tpu.memory_space<vmem_shared>>
      tpu.enqueue_dma source(%arg20 : memref<48x144xf32, #tpu.memory_space<vmem>>) target(%dma_start3A_227 : memref<48x144xf32, #tpu.memory_space<vmem_shared>>) target_semaphore(%run_scoped3A : memref<!tpu.dma_semaphore, #tpu.memory_space<semaphore_mem>>)
      %dma_wait3A_228 = arith.constant 0 : i32
      %dma_wait3A_229 = tpu.memref_slice %arg23[%add3A_16, %dma_wait3A_228] : memref<10000x144xf32, #tpu.memory_space<vmem_shared>> -> memref<48x144xf32, #tpu.memory_space<vmem_shared>>
      %dma_wait3A_230 = arith.constant 0 : i32
      %dma_wait3A_231 = tpu.memref_slice %arg23[%add3A_16, %dma_wait3A_230] : memref<10000x144xf32, #tpu.memory_space<vmem_shared>> -> memref<48x144xf32, #tpu.memory_space<vmem_shared>>
      tpu.wait_dma2 semaphore(%run_scoped3A : memref<!tpu.dma_semaphore, #tpu.memory_space<semaphore_mem>>) src(%arg20 : memref<48x144xf32, #tpu.memory_space<vmem>>) dst(%dma_wait3A_231 : memref<48x144xf32, #tpu.memory_space<vmem_shared>>)
      tpu.yield
    }) : () -> ()
    %add3A_17 = arith.constant 48 : i32
    %add3A_18 = arith.addi %mul3A_14, %add3A_17 : i32
    "tpu.region"() ({
      %run_scoped3A = tpu.sem_alloc : memref<!tpu.dma_semaphore, #tpu.memory_space<semaphore_mem>>
      %dma_start3A_224 = arith.constant 0 : i32
      %dma_start3A_225 = tpu.memref_slice %arg23[%add3A_18, %dma_start3A_224] : memref<10000x144xf32, #tpu.memory_space<vmem_shared>> -> memref<48x144xf32, #tpu.memory_space<vmem_shared>>
      %dma_start3A_226 = arith.constant 0 : i32
      %dma_start3A_227 = tpu.memref_slice %arg23[%add3A_18, %dma_start3A_226] : memref<10000x144xf32, #tpu.memory_space<vmem_shared>> -> memref<48x144xf32, #tpu.memory_space<vmem_shared>>
      tpu.enqueue_dma source(%arg20 : memref<48x144xf32, #tpu.memory_space<vmem>>) target(%dma_start3A_227 : memref<48x144xf32, #tpu.memory_space<vmem_shared>>) target_semaphore(%run_scoped3A : memref<!tpu.dma_semaphore, #tpu.memory_space<semaphore_mem>>)
      %dma_wait3A_228 = arith.constant 0 : i32
      %dma_wait3A_229 = tpu.memref_slice %arg23[%add3A_18, %dma_wait3A_228] : memref<10000x144xf32, #tpu.memory_space<vmem_shared>> -> memref<48x144xf32, #tpu.memory_space<vmem_shared>>
      %dma_wait3A_230 = arith.constant 0 : i32
      %dma_wait3A_231 = tpu.memref_slice %arg23[%add3A_18, %dma_wait3A_230] : memref<10000x144xf32, #tpu.memory_space<vmem_shared>> -> memref<48x144xf32, #tpu.memory_space<vmem_shared>>
      tpu.wait_dma2 semaphore(%run_scoped3A : memref<!tpu.dma_semaphore, #tpu.memory_space<semaphore_mem>>) src(%arg20 : memref<48x144xf32, #tpu.memory_space<vmem>>) dst(%dma_wait3A_231 : memref<48x144xf32, #tpu.memory_space<vmem_shared>>)
      tpu.yield
    }) : () -> ()
    %add3A_19 = arith.constant 96 : i32
    %add3A_20 = arith.addi %mul3A_14, %add3A_19 : i32
    "tpu.region"() ({
      %run_scoped3A = tpu.sem_alloc : memref<!tpu.dma_semaphore, #tpu.memory_space<semaphore_mem>>
      %dma_start3A_224 = arith.constant 0 : i32
      %dma_start3A_225 = tpu.memref_slice %arg23[%add3A_20, %dma_start3A_224] : memref<10000x144xf32, #tpu.memory_space<vmem_shared>> -> memref<48x144xf32, #tpu.memory_space<vmem_shared>>
      %dma_start3A_226 = arith.constant 0 : i32
      %dma_start3A_227 = tpu.memref_slice %arg23[%add3A_20, %dma_start3A_226] : memref<10000x144xf32, #tpu.memory_space<vmem_shared>> -> memref<48x144xf32, #tpu.memory_space<vmem_shared>>
      tpu.enqueue_dma source(%arg20 : memref<48x144xf32, #tpu.memory_space<vmem>>) target(%dma_start3A_227 : memref<48x144xf32, #tpu.memory_space<vmem_shared>>) target_semaphore(%run_scoped3A : memref<!tpu.dma_semaphore, #tpu.memory_space<semaphore_mem>>)
      %dma_wait3A_228 = arith.constant 0 : i32
      %dma_wait3A_229 = tpu.memref_slice %arg23[%add3A_20, %dma_wait3A_228] : memref<10000x144xf32, #tpu.memory_space<vmem_shared>> -> memref<48x144xf32, #tpu.memory_space<vmem_shared>>
      %dma_wait3A_230 = arith.constant 0 : i32
      %dma_wait3A_231 = tpu.memref_slice %arg23[%add3A_20, %dma_wait3A_230] : memref<10000x144xf32, #tpu.memory_space<vmem_shared>> -> memref<48x144xf32, #tpu.memory_space<vmem_shared>>
      tpu.wait_dma2 semaphore(%run_scoped3A : memref<!tpu.dma_semaphore, #tpu.memory_space<semaphore_mem>>) src(%arg20 : memref<48x144xf32, #tpu.memory_space<vmem>>) dst(%dma_wait3A_231 : memref<48x144xf32, #tpu.memory_space<vmem_shared>>)
      tpu.yield
    }) : () -> ()
    %add3A_21 = arith.constant 144 : i32
    %add3A_22 = arith.addi %mul3A_14, %add3A_21 : i32
    "tpu.region"() ({
      %run_scoped3A = tpu.sem_alloc : memref<!tpu.dma_semaphore, #tpu.memory_space<semaphore_mem>>
      %dma_start3A_224 = arith.constant 0 : i32
      %dma_start3A_225 = tpu.memref_slice %arg23[%add3A_22, %dma_start3A_224] : memref<10000x144xf32, #tpu.memory_space<vmem_shared>> -> memref<48x144xf32, #tpu.memory_space<vmem_shared>>
      %dma_start3A_226 = arith.constant 0 : i32
      %dma_start3A_227 = tpu.memref_slice %arg23[%add3A_22, %dma_start3A_226] : memref<10000x144xf32, #tpu.memory_space<vmem_shared>> -> memref<48x144xf32, #tpu.memory_space<vmem_shared>>
      tpu.enqueue_dma source(%arg20 : memref<48x144xf32, #tpu.memory_space<vmem>>) target(%dma_start3A_227 : memref<48x144xf32, #tpu.memory_space<vmem_shared>>) target_semaphore(%run_scoped3A : memref<!tpu.dma_semaphore, #tpu.memory_space<semaphore_mem>>)
      %dma_wait3A_228 = arith.constant 0 : i32
      %dma_wait3A_229 = tpu.memref_slice %arg23[%add3A_22, %dma_wait3A_228] : memref<10000x144xf32, #tpu.memory_space<vmem_shared>> -> memref<48x144xf32, #tpu.memory_space<vmem_shared>>
      %dma_wait3A_230 = arith.constant 0 : i32
      %dma_wait3A_231 = tpu.memref_slice %arg23[%add3A_22, %dma_wait3A_230] : memref<10000x144xf32, #tpu.memory_space<vmem_shared>> -> memref<48x144xf32, #tpu.memory_space<vmem_shared>>
      tpu.wait_dma2 semaphore(%run_scoped3A : memref<!tpu.dma_semaphore, #tpu.memory_space<semaphore_mem>>) src(%arg20 : memref<48x144xf32, #tpu.memory_space<vmem>>) dst(%dma_wait3A_231 : memref<48x144xf32, #tpu.memory_space<vmem_shared>>)
      tpu.yield
    }) : () -> ()
    %add3A_23 = arith.constant 192 : i32
    %add3A_24 = arith.addi %mul3A_14, %add3A_23 : i32
    "tpu.region"() ({
      %run_scoped3A = tpu.sem_alloc : memref<!tpu.dma_semaphore, #tpu.memory_space<semaphore_mem>>
      %dma_start3A_224 = arith.constant 0 : i32
      %dma_start3A_225 = tpu.memref_slice %arg23[%add3A_24, %dma_start3A_224] : memref<10000x144xf32, #tpu.memory_space<vmem_shared>> -> memref<48x144xf32, #tpu.memory_space<vmem_shared>>
      %dma_start3A_226 = arith.constant 0 : i32
      %dma_start3A_227 = tpu.memref_slice %arg23[%add3A_24, %dma_start3A_226] : memref<10000x144xf32, #tpu.memory_space<vmem_shared>> -> memref<48x144xf32, #tpu.memory_space<vmem_shared>>
      tpu.enqueue_dma source(%arg20 : memref<48x144xf32, #tpu.memory_space<vmem>>) target(%dma_start3A_227 : memref<48x144xf32, #tpu.memory_space<vmem_shared>>) target_semaphore(%run_scoped3A : memref<!tpu.dma_semaphore, #tpu.memory_space<semaphore_mem>>)
      %dma_wait3A_228 = arith.constant 0 : i32
      %dma_wait3A_229 = tpu.memref_slice %arg23[%add3A_24, %dma_wait3A_228] : memref<10000x144xf32, #tpu.memory_space<vmem_shared>> -> memref<48x144xf32, #tpu.memory_space<vmem_shared>>
      %dma_wait3A_230 = arith.constant 0 : i32
      %dma_wait3A_231 = tpu.memref_slice %arg23[%add3A_24, %dma_wait3A_230] : memref<10000x144xf32, #tpu.memory_space<vmem_shared>> -> memref<48x144xf32, #tpu.memory_space<vmem_shared>>
      tpu.wait_dma2 semaphore(%run_scoped3A : memref<!tpu.dma_semaphore, #tpu.memory_space<semaphore_mem>>) src(%arg20 : memref<48x144xf32, #tpu.memory_space<vmem>>) dst(%dma_wait3A_231 : memref<48x144xf32, #tpu.memory_space<vmem_shared>>)
      tpu.yield
    }) : () -> ()
    %add3A_25 = arith.constant 240 : i32
    %add3A_26 = arith.addi %mul3A_14, %add3A_25 : i32
    "tpu.region"() ({
      %run_scoped3A = tpu.sem_alloc : memref<!tpu.dma_semaphore, #tpu.memory_space<semaphore_mem>>
      %dma_start3A_224 = arith.constant 0 : i32
      %dma_start3A_225 = tpu.memref_slice %arg23[%add3A_26, %dma_start3A_224] : memref<10000x144xf32, #tpu.memory_space<vmem_shared>> -> memref<48x144xf32, #tpu.memory_space<vmem_shared>>
      %dma_start3A_226 = arith.constant 0 : i32
      %dma_start3A_227 = tpu.memref_slice %arg23[%add3A_26, %dma_start3A_226] : memref<10000x144xf32, #tpu.memory_space<vmem_shared>> -> memref<48x144xf32, #tpu.memory_space<vmem_shared>>
      tpu.enqueue_dma source(%arg20 : memref<48x144xf32, #tpu.memory_space<vmem>>) target(%dma_start3A_227 : memref<48x144xf32, #tpu.memory_space<vmem_shared>>) target_semaphore(%run_scoped3A : memref<!tpu.dma_semaphore, #tpu.memory_space<semaphore_mem>>)
      %dma_wait3A_228 = arith.constant 0 : i32
      %dma_wait3A_229 = tpu.memref_slice %arg23[%add3A_26, %dma_wait3A_228] : memref<10000x144xf32, #tpu.memory_space<vmem_shared>> -> memref<48x144xf32, #tpu.memory_space<vmem_shared>>
      %dma_wait3A_230 = arith.constant 0 : i32
      %dma_wait3A_231 = tpu.memref_slice %arg23[%add3A_26, %dma_wait3A_230] : memref<10000x144xf32, #tpu.memory_space<vmem_shared>> -> memref<48x144xf32, #tpu.memory_space<vmem_shared>>
      tpu.wait_dma2 semaphore(%run_scoped3A : memref<!tpu.dma_semaphore, #tpu.memory_space<semaphore_mem>>) src(%arg20 : memref<48x144xf32, #tpu.memory_space<vmem>>) dst(%dma_wait3A_231 : memref<48x144xf32, #tpu.memory_space<vmem_shared>>)
      tpu.yield
    }) : () -> ()
    %add3A_27 = arith.constant 288 : i32
    %add3A_28 = arith.addi %mul3A_14, %add3A_27 : i32
    "tpu.region"() ({
      %run_scoped3A = tpu.sem_alloc : memref<!tpu.dma_semaphore, #tpu.memory_space<semaphore_mem>>
      %dma_start3A_224 = arith.constant 0 : i32
      %dma_start3A_225 = tpu.memref_slice %arg23[%add3A_28, %dma_start3A_224] : memref<10000x144xf32, #tpu.memory_space<vmem_shared>> -> memref<48x144xf32, #tpu.memory_space<vmem_shared>>
      %dma_start3A_226 = arith.constant 0 : i32
      %dma_start3A_227 = tpu.memref_slice %arg23[%add3A_28, %dma_start3A_226] : memref<10000x144xf32, #tpu.memory_space<vmem_shared>> -> memref<48x144xf32, #tpu.memory_space<vmem_shared>>
      tpu.enqueue_dma source(%arg20 : memref<48x144xf32, #tpu.memory_space<vmem>>) target(%dma_start3A_227 : memref<48x144xf32, #tpu.memory_space<vmem_shared>>) target_semaphore(%run_scoped3A : memref<!tpu.dma_semaphore, #tpu.memory_space<semaphore_mem>>)
      %dma_wait3A_228 = arith.constant 0 : i32
      %dma_wait3A_229 = tpu.memref_slice %arg23[%add3A_28, %dma_wait3A_228] : memref<10000x144xf32, #tpu.memory_space<vmem_shared>> -> memref<48x144xf32, #tpu.memory_space<vmem_shared>>
      %dma_wait3A_230 = arith.constant 0 : i32
      %dma_wait3A_231 = tpu.memref_slice %arg23[%add3A_28, %dma_wait3A_230] : memref<10000x144xf32, #tpu.memory_space<vmem_shared>> -> memref<48x144xf32, #tpu.memory_space<vmem_shared>>
      tpu.wait_dma2 semaphore(%run_scoped3A : memref<!tpu.dma_semaphore, #tpu.memory_space<semaphore_mem>>) src(%arg20 : memref<48x144xf32, #tpu.memory_space<vmem>>) dst(%dma_wait3A_231 : memref<48x144xf32, #tpu.memory_space<vmem_shared>>)
      tpu.yield
    }) : () -> ()
    %add3A_29 = arith.constant 336 : i32
    %add3A_30 = arith.addi %mul3A_14, %add3A_29 : i32
    "tpu.region"() ({
      %run_scoped3A = tpu.sem_alloc : memref<!tpu.dma_semaphore, #tpu.memory_space<semaphore_mem>>
      %dma_start3A_224 = arith.constant 0 : i32
      %dma_start3A_225 = tpu.memref_slice %arg23[%add3A_30, %dma_start3A_224] : memref<10000x144xf32, #tpu.memory_space<vmem_shared>> -> memref<48x144xf32, #tpu.memory_space<vmem_shared>>
      %dma_start3A_226 = arith.constant 0 : i32
      %dma_start3A_227 = tpu.memref_slice %arg23[%add3A_30, %dma_start3A_226] : memref<10000x144xf32, #tpu.memory_space<vmem_shared>> -> memref<48x144xf32, #tpu.memory_space<vmem_shared>>
      tpu.enqueue_dma source(%arg20 : memref<48x144xf32, #tpu.memory_space<vmem>>) target(%dma_start3A_227 : memref<48x144xf32, #tpu.memory_space<vmem_shared>>) target_semaphore(%run_scoped3A : memref<!tpu.dma_semaphore, #tpu.memory_space<semaphore_mem>>)
      %dma_wait3A_228 = arith.constant 0 : i32
      %dma_wait3A_229 = tpu.memref_slice %arg23[%add3A_30, %dma_wait3A_228] : memref<10000x144xf32, #tpu.memory_space<vmem_shared>> -> memref<48x144xf32, #tpu.memory_space<vmem_shared>>
      %dma_wait3A_230 = arith.constant 0 : i32
      %dma_wait3A_231 = tpu.memref_slice %arg23[%add3A_30, %dma_wait3A_230] : memref<10000x144xf32, #tpu.memory_space<vmem_shared>> -> memref<48x144xf32, #tpu.memory_space<vmem_shared>>
      tpu.wait_dma2 semaphore(%run_scoped3A : memref<!tpu.dma_semaphore, #tpu.memory_space<semaphore_mem>>) src(%arg20 : memref<48x144xf32, #tpu.memory_space<vmem>>) dst(%dma_wait3A_231 : memref<48x144xf32, #tpu.memory_space<vmem_shared>>)
      tpu.yield
    }) : () -> ()
    %add3A_31 = arith.constant 384 : i32
    %add3A_32 = arith.addi %mul3A_14, %add3A_31 : i32
    "tpu.region"() ({
      %run_scoped3A = tpu.sem_alloc : memref<!tpu.dma_semaphore, #tpu.memory_space<semaphore_mem>>
      %dma_start3A_224 = arith.constant 0 : i32
      %dma_start3A_225 = tpu.memref_slice %arg23[%add3A_32, %dma_start3A_224] : memref<10000x144xf32, #tpu.memory_space<vmem_shared>> -> memref<48x144xf32, #tpu.memory_space<vmem_shared>>
      %dma_start3A_226 = arith.constant 0 : i32
      %dma_start3A_227 = tpu.memref_slice %arg23[%add3A_32, %dma_start3A_226] : memref<10000x144xf32, #tpu.memory_space<vmem_shared>> -> memref<48x144xf32, #tpu.memory_space<vmem_shared>>
      tpu.enqueue_dma source(%arg20 : memref<48x144xf32, #tpu.memory_space<vmem>>) target(%dma_start3A_227 : memref<48x144xf32, #tpu.memory_space<vmem_shared>>) target_semaphore(%run_scoped3A : memref<!tpu.dma_semaphore, #tpu.memory_space<semaphore_mem>>)
      %dma_wait3A_228 = arith.constant 0 : i32
      %dma_wait3A_229 = tpu.memref_slice %arg23[%add3A_32, %dma_wait3A_228] : memref<10000x144xf32, #tpu.memory_space<vmem_shared>> -> memref<48x144xf32, #tpu.memory_space<vmem_shared>>
      %dma_wait3A_230 = arith.constant 0 : i32
      %dma_wait3A_231 = tpu.memref_slice %arg23[%add3A_32, %dma_wait3A_230] : memref<10000x144xf32, #tpu.memory_space<vmem_shared>> -> memref<48x144xf32, #tpu.memory_space<vmem_shared>>
      tpu.wait_dma2 semaphore(%run_scoped3A : memref<!tpu.dma_semaphore, #tpu.memory_space<semaphore_mem>>) src(%arg20 : memref<48x144xf32, #tpu.memory_space<vmem>>) dst(%dma_wait3A_231 : memref<48x144xf32, #tpu.memory_space<vmem_shared>>)
      tpu.yield
    }) : () -> ()
    %add3A_33 = arith.constant 432 : i32
    %add3A_34 = arith.addi %mul3A_14, %add3A_33 : i32
    "tpu.region"() ({
      %run_scoped3A = tpu.sem_alloc : memref<!tpu.dma_semaphore, #tpu.memory_space<semaphore_mem>>
      %dma_start3A_224 = arith.constant 0 : i32
      %dma_start3A_225 = tpu.memref_slice %arg23[%add3A_34, %dma_start3A_224] : memref<10000x144xf32, #tpu.memory_space<vmem_shared>> -> memref<48x144xf32, #tpu.memory_space<vmem_shared>>
      %dma_start3A_226 = arith.constant 0 : i32
      %dma_start3A_227 = tpu.memref_slice %arg23[%add3A_34, %dma_start3A_226] : memref<10000x144xf32, #tpu.memory_space<vmem_shared>> -> memref<48x144xf32, #tpu.memory_space<vmem_shared>>
      tpu.enqueue_dma source(%arg20 : memref<48x144xf32, #tpu.memory_space<vmem>>) target(%dma_start3A_227 : memref<48x144xf32, #tpu.memory_space<vmem_shared>>) target_semaphore(%run_scoped3A : memref<!tpu.dma_semaphore, #tpu.memory_space<semaphore_mem>>)
      %dma_wait3A_228 = arith.constant 0 : i32
      %dma_wait3A_229 = tpu.memref_slice %arg23[%add3A_34, %dma_wait3A_228] : memref<10000x144xf32, #tpu.memory_space<vmem_shared>> -> memref<48x144xf32, #tpu.memory_space<vmem_shared>>
      %dma_wait3A_230 = arith.constant 0 : i32
      %dma_wait3A_231 = tpu.memref_slice %arg23[%add3A_34, %dma_wait3A_230] : memref<10000x144xf32, #tpu.memory_space<vmem_shared>> -> memref<48x144xf32, #tpu.memory_space<vmem_shared>>
      tpu.wait_dma2 semaphore(%run_scoped3A : memref<!tpu.dma_semaphore, #tpu.memory_space<semaphore_mem>>) src(%arg20 : memref<48x144xf32, #tpu.memory_space<vmem>>) dst(%dma_wait3A_231 : memref<48x144xf32, #tpu.memory_space<vmem_shared>>)
      tpu.yield
    }) : () -> ()
    %add3A_35 = arith.constant 480 : i32
    %add3A_36 = arith.addi %mul3A_14, %add3A_35 : i32
    "tpu.region"() ({
      %run_scoped3A = tpu.sem_alloc : memref<!tpu.dma_semaphore, #tpu.memory_space<semaphore_mem>>
      %dma_start3A_224 = arith.constant 0 : i32
      %dma_start3A_225 = tpu.memref_slice %arg23[%add3A_36, %dma_start3A_224] : memref<10000x144xf32, #tpu.memory_space<vmem_shared>> -> memref<48x144xf32, #tpu.memory_space<vmem_shared>>
      %dma_start3A_226 = arith.constant 0 : i32
      %dma_start3A_227 = tpu.memref_slice %arg23[%add3A_36, %dma_start3A_226] : memref<10000x144xf32, #tpu.memory_space<vmem_shared>> -> memref<48x144xf32, #tpu.memory_space<vmem_shared>>
      tpu.enqueue_dma source(%arg20 : memref<48x144xf32, #tpu.memory_space<vmem>>) target(%dma_start3A_227 : memref<48x144xf32, #tpu.memory_space<vmem_shared>>) target_semaphore(%run_scoped3A : memref<!tpu.dma_semaphore, #tpu.memory_space<semaphore_mem>>)
      %dma_wait3A_228 = arith.constant 0 : i32
      %dma_wait3A_229 = tpu.memref_slice %arg23[%add3A_36, %dma_wait3A_228] : memref<10000x144xf32, #tpu.memory_space<vmem_shared>> -> memref<48x144xf32, #tpu.memory_space<vmem_shared>>
      %dma_wait3A_230 = arith.constant 0 : i32
      %dma_wait3A_231 = tpu.memref_slice %arg23[%add3A_36, %dma_wait3A_230] : memref<10000x144xf32, #tpu.memory_space<vmem_shared>> -> memref<48x144xf32, #tpu.memory_space<vmem_shared>>
      tpu.wait_dma2 semaphore(%run_scoped3A : memref<!tpu.dma_semaphore, #tpu.memory_space<semaphore_mem>>) src(%arg20 : memref<48x144xf32, #tpu.memory_space<vmem>>) dst(%dma_wait3A_231 : memref<48x144xf32, #tpu.memory_space<vmem_shared>>)
      tpu.yield
    }) : () -> ()
    %add3A_37 = arith.constant 528 : i32
    %add3A_38 = arith.addi %mul3A_14, %add3A_37 : i32
    "tpu.region"() ({
      %run_scoped3A = tpu.sem_alloc : memref<!tpu.dma_semaphore, #tpu.memory_space<semaphore_mem>>
      %dma_start3A_224 = arith.constant 0 : i32
      %dma_start3A_225 = tpu.memref_slice %arg23[%add3A_38, %dma_start3A_224] : memref<10000x144xf32, #tpu.memory_space<vmem_shared>> -> memref<48x144xf32, #tpu.memory_space<vmem_shared>>
      %dma_start3A_226 = arith.constant 0 : i32
      %dma_start3A_227 = tpu.memref_slice %arg23[%add3A_38, %dma_start3A_226] : memref<10000x144xf32, #tpu.memory_space<vmem_shared>> -> memref<48x144xf32, #tpu.memory_space<vmem_shared>>
      tpu.enqueue_dma source(%arg20 : memref<48x144xf32, #tpu.memory_space<vmem>>) target(%dma_start3A_227 : memref<48x144xf32, #tpu.memory_space<vmem_shared>>) target_semaphore(%run_scoped3A : memref<!tpu.dma_semaphore, #tpu.memory_space<semaphore_mem>>)
      %dma_wait3A_228 = arith.constant 0 : i32
      %dma_wait3A_229 = tpu.memref_slice %arg23[%add3A_38, %dma_wait3A_228] : memref<10000x144xf32, #tpu.memory_space<vmem_shared>> -> memref<48x144xf32, #tpu.memory_space<vmem_shared>>
      %dma_wait3A_230 = arith.constant 0 : i32
      %dma_wait3A_231 = tpu.memref_slice %arg23[%add3A_38, %dma_wait3A_230] : memref<10000x144xf32, #tpu.memory_space<vmem_shared>> -> memref<48x144xf32, #tpu.memory_space<vmem_shared>>
      tpu.wait_dma2 semaphore(%run_scoped3A : memref<!tpu.dma_semaphore, #tpu.memory_space<semaphore_mem>>) src(%arg20 : memref<48x144xf32, #tpu.memory_space<vmem>>) dst(%dma_wait3A_231 : memref<48x144xf32, #tpu.memory_space<vmem_shared>>)
      tpu.yield
    }) : () -> ()
    %add3A_39 = arith.constant 576 : i32
    %add3A_40 = arith.addi %mul3A_14, %add3A_39 : i32
    "tpu.region"() ({
      %run_scoped3A = tpu.sem_alloc : memref<!tpu.dma_semaphore, #tpu.memory_space<semaphore_mem>>
      %dma_start3A_224 = arith.constant 0 : i32
      %dma_start3A_225 = tpu.memref_slice %arg23[%add3A_40, %dma_start3A_224] : memref<10000x144xf32, #tpu.memory_space<vmem_shared>> -> memref<48x144xf32, #tpu.memory_space<vmem_shared>>
      %dma_start3A_226 = arith.constant 0 : i32
      %dma_start3A_227 = tpu.memref_slice %arg23[%add3A_40, %dma_start3A_226] : memref<10000x144xf32, #tpu.memory_space<vmem_shared>> -> memref<48x144xf32, #tpu.memory_space<vmem_shared>>
      tpu.enqueue_dma source(%arg20 : memref<48x144xf32, #tpu.memory_space<vmem>>) target(%dma_start3A_227 : memref<48x144xf32, #tpu.memory_space<vmem_shared>>) target_semaphore(%run_scoped3A : memref<!tpu.dma_semaphore, #tpu.memory_space<semaphore_mem>>)
      %dma_wait3A_228 = arith.constant 0 : i32
      %dma_wait3A_229 = tpu.memref_slice %arg23[%add3A_40, %dma_wait3A_228] : memref<10000x144xf32, #tpu.memory_space<vmem_shared>> -> memref<48x144xf32, #tpu.memory_space<vmem_shared>>
      %dma_wait3A_230 = arith.constant 0 : i32
      %dma_wait3A_231 = tpu.memref_slice %arg23[%add3A_40, %dma_wait3A_230] : memref<10000x144xf32, #tpu.memory_space<vmem_shared>> -> memref<48x144xf32, #tpu.memory_space<vmem_shared>>
      tpu.wait_dma2 semaphore(%run_scoped3A : memref<!tpu.dma_semaphore, #tpu.memory_space<semaphore_mem>>) src(%arg20 : memref<48x144xf32, #tpu.memory_space<vmem>>) dst(%dma_wait3A_231 : memref<48x144xf32, #tpu.memory_space<vmem_shared>>)
      tpu.yield
    }) : () -> ()
    %eq3A = arith.constant 15 : i32
    %eq3A_41 = arith.cmpi eq, %arg1, %eq3A : i32
    %convert_element_type3A = arith.extui %eq3A_41 : i1 to i32
    %cond3A = arith.constant 0 : i32
    %cond3A_42 = arith.cmpi ne, %convert_element_type3A, %cond3A : i32
    scf.if %cond3A_42 {
      "tpu.region"() ({
        %run_scoped3A = tpu.sem_alloc : memref<!tpu.dma_semaphore, #tpu.memory_space<semaphore_mem>>
        %dma_start3A_224 = arith.constant 0 : i32
        %dma_start3A_225 = arith.constant 0 : i32
        %dma_start3A_226 = tpu.memref_slice %arg20[%dma_start3A_224, %dma_start3A_225] : memref<48x144xf32, #tpu.memory_space<vmem>> -> memref<16x144xf32, #tpu.memory_space<vmem>>
        %dma_start3A_227 = arith.constant 9984 : i32
        %dma_start3A_228 = arith.constant 0 : i32
        %dma_start3A_229 = tpu.memref_slice %arg23[%dma_start3A_227, %dma_start3A_228] : memref<10000x144xf32, #tpu.memory_space<vmem_shared>> -> memref<16x144xf32, #tpu.memory_space<vmem_shared>>
        %dma_start3A_230 = arith.constant 9984 : i32
        %dma_start3A_231 = arith.constant 0 : i32
        %dma_start3A_232 = tpu.memref_slice %arg23[%dma_start3A_230, %dma_start3A_231] : memref<10000x144xf32, #tpu.memory_space<vmem_shared>> -> memref<16x144xf32, #tpu.memory_space<vmem_shared>>
        %dma_start3A_233 = arith.constant 0 : i32
        %dma_start3A_234 = arith.constant 0 : i32
        %dma_start3A_235 = tpu.memref_slice %arg20[%dma_start3A_233, %dma_start3A_234] : memref<48x144xf32, #tpu.memory_space<vmem>> -> memref<16x144xf32, #tpu.memory_space<vmem>>
        tpu.enqueue_dma source(%dma_start3A_235 : memref<16x144xf32, #tpu.memory_space<vmem>>) target(%dma_start3A_232 : memref<16x144xf32, #tpu.memory_space<vmem_shared>>) target_semaphore(%run_scoped3A : memref<!tpu.dma_semaphore, #tpu.memory_space<semaphore_mem>>)
        %dma_wait3A_236 = arith.constant 0 : i32
        %dma_wait3A_237 = arith.constant 0 : i32
        %dma_wait3A_238 = tpu.memref_slice %arg20[%dma_wait3A_236, %dma_wait3A_237] : memref<48x144xf32, #tpu.memory_space<vmem>> -> memref<16x144xf32, #tpu.memory_space<vmem>>
        %dma_wait3A_239 = arith.constant 9984 : i32
        %dma_wait3A_240 = arith.constant 0 : i32
        %dma_wait3A_241 = tpu.memref_slice %arg23[%dma_wait3A_239, %dma_wait3A_240] : memref<10000x144xf32, #tpu.memory_space<vmem_shared>> -> memref<16x144xf32, #tpu.memory_space<vmem_shared>>
        %dma_wait3A_242 = arith.constant 9984 : i32
        %dma_wait3A_243 = arith.constant 0 : i32
        %dma_wait3A_244 = tpu.memref_slice %arg23[%dma_wait3A_242, %dma_wait3A_243] : memref<10000x144xf32, #tpu.memory_space<vmem_shared>> -> memref<16x144xf32, #tpu.memory_space<vmem_shared>>
        %dma_wait3A_245 = arith.constant 0 : i32
        %dma_wait3A_246 = arith.constant 0 : i32
        %dma_wait3A_247 = tpu.memref_slice %arg20[%dma_wait3A_245, %dma_wait3A_246] : memref<48x144xf32, #tpu.memory_space<vmem>> -> memref<16x144xf32, #tpu.memory_space<vmem>>
        tpu.wait_dma2 semaphore(%run_scoped3A : memref<!tpu.dma_semaphore, #tpu.memory_space<semaphore_mem>>) src(%dma_wait3A_247 : memref<16x144xf32, #tpu.memory_space<vmem>>) dst(%dma_wait3A_244 : memref<16x144xf32, #tpu.memory_space<vmem_shared>>)
        tpu.yield
      }) : () -> ()
    } else {
    }
    "tpu.region"() ({
      %run_scoped3A = tpu.sem_alloc : memref<!tpu.dma_semaphore, #tpu.memory_space<semaphore_mem>>
      tpu.enqueue_dma source(%arg6 : memref<16xf32, #tpu.memory_space<hbm>>) target(%arg22 : memref<16xf32, #tpu.memory_space<vmem>>) target_semaphore(%run_scoped3A : memref<!tpu.dma_semaphore, #tpu.memory_space<semaphore_mem>>)
      tpu.wait_dma2 semaphore(%run_scoped3A : memref<!tpu.dma_semaphore, #tpu.memory_space<semaphore_mem>>) src(%arg6 : memref<16xf32, #tpu.memory_space<hbm>>) dst(%arg22 : memref<16xf32, #tpu.memory_space<vmem>>)
      tpu.yield
    }) : () -> ()
    %barrier3A = arith.constant 0 : index
    tpu.barrier barrier_id(%barrier3A)
    %get3A = arith.constant 0 : index
    %get3A_43 = tpu.vector_load %arg22[%get3A] {strides = array<i32>} : memref<16xf32, #tpu.memory_space<vmem>>, vector<16xf32>,
    %slice3A = vector.extract_strided_slice %get3A_43 {offsets = [0], sizes = [1], strides = [1]} : vector<16xf32> to vector<1xf32>
    %squeeze3A = vector.extract %slice3A[0] : f32 from vector<1xf32>
    %slice3A_44 = vector.extract_strided_slice %get3A_43 {offsets = [1], sizes = [1], strides = [1]} : vector<16xf32> to vector<1xf32>
    %squeeze3A_45 = vector.extract %slice3A_44[0] : f32 from vector<1xf32>
    %iota3A = tpu.iota {dimensions = array<i32: 0>} : vector<16xi32>
    %eq3A_46 = arith.constant 0 : i32
    %eq3A_47 = vector.broadcast %eq3A_46 : i32 to vector<16xi32>
    %eq3A_48 = arith.cmpi eq, %iota3A, %eq3A_47 : vector<16xi32>
    %jit3A = arith.constant 1.000000e+00 : f32
    %jit3A_49 = arith.constant 0.000000e+00 : f32
    %broadcast_in_dim3A_50 = vector.broadcast %jit3A : f32 to vector<16xf32>
    %broadcast_in_dim3A_51 = vector.broadcast %jit3A_49 : f32 to vector<16xf32>
    %select_n3A = arith.select %eq3A_48, %broadcast_in_dim3A_50, %broadcast_in_dim3A_51 : vector<16xi1>, vector<16xf32>
    %mul3A_52 = arith.constant 10000 : i32
    %mul3A_53 = arith.muli %add3A, %mul3A_52 : i32
    %add3A_54 = arith.constant 0 : i32
    %add3A_55 = arith.addi %mul3A_53, %add3A_54 : i32
    %dma_start3A = tpu.memref_slice %arg2[%add3A_55] : memref<320000xi32, #tpu.memory_space<hbm>> -> memref<48xi32, #tpu.memory_space<hbm>>
    %dma_start3A_56 = tpu.memref_slice %arg2[%add3A_55] : memref<320000xi32, #tpu.memory_space<hbm>> -> memref<48xi32, #tpu.memory_space<hbm>>
    tpu.enqueue_dma source(%dma_start3A_56 : memref<48xi32, #tpu.memory_space<hbm>>) target(%arg8 : memref<48xi32, #tpu.memory_space<vmem>>) target_semaphore(%arg28 : memref<!tpu.dma_semaphore, #tpu.memory_space<semaphore_mem>>)
    %dma_start3A_57 = tpu.memref_slice %arg3[%add3A_55] : memref<320000xi32, #tpu.memory_space<hbm>> -> memref<48xi32, #tpu.memory_space<hbm>>
    %dma_start3A_58 = tpu.memref_slice %arg3[%add3A_55] : memref<320000xi32, #tpu.memory_space<hbm>> -> memref<48xi32, #tpu.memory_space<hbm>>
    tpu.enqueue_dma source(%dma_start3A_58 : memref<48xi32, #tpu.memory_space<hbm>>) target(%arg9 : memref<48xi32, #tpu.memory_space<vmem>>) target_semaphore(%arg29 : memref<!tpu.dma_semaphore, #tpu.memory_space<semaphore_mem>>)
    %add3A_59 = arith.constant 0 : i32
    %add3A_60 = arith.addi %mul3A_53, %add3A_59 : i32
    %dma_wait3A = tpu.memref_slice %arg2[%add3A_60] : memref<320000xi32, #tpu.memory_space<hbm>> -> memref<48xi32, #tpu.memory_space<hbm>>
    %dma_wait3A_61 = tpu.memref_slice %arg2[%add3A_60] : memref<320000xi32, #tpu.memory_space<hbm>> -> memref<48xi32, #tpu.memory_space<hbm>>
    tpu.wait_dma2 semaphore(%arg28 : memref<!tpu.dma_semaphore, #tpu.memory_space<semaphore_mem>>) src(%dma_wait3A_61 : memref<48xi32, #tpu.memory_space<hbm>>) dst(%arg8 : memref<48xi32, #tpu.memory_space<vmem>>)
    %dma_wait3A_62 = tpu.memref_slice %arg3[%add3A_60] : memref<320000xi32, #tpu.memory_space<hbm>> -> memref<48xi32, #tpu.memory_space<hbm>>
    %dma_wait3A_63 = tpu.memref_slice %arg3[%add3A_60] : memref<320000xi32, #tpu.memory_space<hbm>> -> memref<48xi32, #tpu.memory_space<hbm>>
    tpu.wait_dma2 semaphore(%arg29 : memref<!tpu.dma_semaphore, #tpu.memory_space<semaphore_mem>>) src(%dma_wait3A_63 : memref<48xi32, #tpu.memory_space<hbm>>) dst(%arg9 : memref<48xi32, #tpu.memory_space<vmem>>)
    %dma_start3A_64 = arith.constant 0 : i32
    %dma_start3A_65 = arith.constant 0 : i32
    %dma_start3A_66 = tpu.memref_slice %arg5[%dma_start3A_64, %dma_start3A_65] : memref<10000x144xf32, #tpu.memory_space<hbm>> -> memref<10000x144xf32, #tpu.memory_space<hbm>>
    tpu.enqueue_indirect_dma source(%dma_start3A_66 : memref<10000x144xf32, #tpu.memory_space<hbm>>) target(%arg16 : memref<48x144xf32, #tpu.memory_space<vmem>>) offsets(%arg8 : memref<48xi32, #tpu.memory_space<vmem>>) semaphore(%arg24 : memref<!tpu.dma_semaphore, #tpu.memory_space<semaphore_mem>>)
    %dma_start3A_67 = arith.constant 0 : i32
    %dma_start3A_68 = arith.constant 0 : i32
    %dma_start3A_69 = tpu.memref_slice %arg4[%dma_start3A_67, %dma_start3A_68] : memref<10000x128xbf16, #tpu.memory_space<hbm>> -> memref<10000x128xbf16, #tpu.memory_space<hbm>>
    tpu.enqueue_indirect_dma source(%dma_start3A_69 : memref<10000x128xbf16, #tpu.memory_space<hbm>>) target(%arg18 : memref<48x128xbf16, #tpu.memory_space<vmem>>) offsets(%arg9 : memref<48xi32, #tpu.memory_space<vmem>>) semaphore(%arg25 : memref<!tpu.dma_semaphore, #tpu.memory_space<semaphore_mem>>)
    %add3A_70 = arith.constant 48 : i32
    %add3A_71 = arith.addi %mul3A_53, %add3A_70 : i32
    %dma_start3A_72 = tpu.memref_slice %arg2[%add3A_71] : memref<320000xi32, #tpu.memory_space<hbm>> -> memref<48xi32, #tpu.memory_space<hbm>>
    %dma_start3A_73 = tpu.memref_slice %arg2[%add3A_71] : memref<320000xi32, #tpu.memory_space<hbm>> -> memref<48xi32, #tpu.memory_space<hbm>>
    tpu.enqueue_dma source(%dma_start3A_73 : memref<48xi32, #tpu.memory_space<hbm>>) target(%arg10 : memref<48xi32, #tpu.memory_space<vmem>>) target_semaphore(%arg30 : memref<!tpu.dma_semaphore, #tpu.memory_space<semaphore_mem>>)
    %dma_start3A_74 = tpu.memref_slice %arg3[%add3A_71] : memref<320000xi32, #tpu.memory_space<hbm>> -> memref<48xi32, #tpu.memory_space<hbm>>
    %dma_start3A_75 = tpu.memref_slice %arg3[%add3A_71] : memref<320000xi32, #tpu.memory_space<hbm>> -> memref<48xi32, #tpu.memory_space<hbm>>
    tpu.enqueue_dma source(%dma_start3A_75 : memref<48xi32, #tpu.memory_space<hbm>>) target(%arg11 : memref<48xi32, #tpu.memory_space<vmem>>) target_semaphore(%arg31 : memref<!tpu.dma_semaphore, #tpu.memory_space<semaphore_mem>>)
    %get3A_76 = arith.constant 0 : index
    %get3A_77 = tpu.vector_load %arg9[%get3A_76] {strides = array<i32>} : memref<48xi32, #tpu.memory_space<vmem>>, vector<16xi32>,
    %swap3A = arith.constant 0 : index
    %swap3A_78 = tpu.vector_load %arg12[%swap3A] {strides = array<i32>} : memref<48xi32, #tpu.memory_space<vmem>>, vector<16xi32>,
    tpu.vector_store %arg12[%swap3A], %get3A_77 {strides = array<i32>} : memref<48xi32, #tpu.memory_space<vmem>>, vector<16xi32>,
    %get3A_79 = arith.constant 16 : index
    %get3A_80 = tpu.vector_load %arg9[%get3A_79] {strides = array<i32>} : memref<48xi32, #tpu.memory_space<vmem>>, vector<16xi32>,
    %swap3A_81 = arith.constant 16 : index
    %swap3A_82 = tpu.vector_load %arg12[%swap3A_81] {strides = array<i32>} : memref<48xi32, #tpu.memory_space<vmem>>, vector<16xi32>,
    tpu.vector_store %arg12[%swap3A_81], %get3A_80 {strides = array<i32>} : memref<48xi32, #tpu.memory_space<vmem>>, vector<16xi32>,
    %get3A_83 = arith.constant 32 : index
    %get3A_84 = tpu.vector_load %arg9[%get3A_83] {strides = array<i32>} : memref<48xi32, #tpu.memory_space<vmem>>, vector<16xi32>,
    %swap3A_85 = arith.constant 32 : index
    %swap3A_86 = tpu.vector_load %arg12[%swap3A_85] {strides = array<i32>} : memref<48xi32, #tpu.memory_space<vmem>>, vector<16xi32>,
    tpu.vector_store %arg12[%swap3A_85], %get3A_84 {strides = array<i32>} : memref<48xi32, #tpu.memory_space<vmem>>, vector<16xi32>,
    %dma_start3A_87 = arith.constant 0 : i32
    %dma_start3A_88 = arith.constant 0 : i32
    %dma_start3A_89 = tpu.memref_slice %arg23[%dma_start3A_87, %dma_start3A_88] : memref<10000x144xf32, #tpu.memory_space<vmem_shared>> -> memref<10000x144xf32, #tpu.memory_space<vmem_shared>>
    tpu.enqueue_indirect_dma source(%arg20 : memref<48x144xf32, #tpu.memory_space<vmem>>) target(%dma_start3A_89 : memref<10000x144xf32, #tpu.memory_space<vmem_shared>>) offsets(%arg12 : memref<48xi32, #tpu.memory_space<vmem>>) semaphore(%arg32 : memref<!tpu.dma_semaphore, #tpu.memory_space<semaphore_mem>>) {add = true}
    %get3A_90 = arith.constant 0 : index
    %get3A_91 = tpu.vector_load %arg9[%get3A_90] {strides = array<i32>} : memref<48xi32, #tpu.memory_space<vmem>>, vector<16xi32>,
    %swap3A_92 = arith.constant 0 : index
    %swap3A_93 = tpu.vector_load %arg13[%swap3A_92] {strides = array<i32>} : memref<48xi32, #tpu.memory_space<vmem>>, vector<16xi32>,
    tpu.vector_store %arg13[%swap3A_92], %get3A_91 {strides = array<i32>} : memref<48xi32, #tpu.memory_space<vmem>>, vector<16xi32>,
    %get3A_94 = arith.constant 16 : index
    %get3A_95 = tpu.vector_load %arg9[%get3A_94] {strides = array<i32>} : memref<48xi32, #tpu.memory_space<vmem>>, vector<16xi32>,
    %swap3A_96 = arith.constant 16 : index
    %swap3A_97 = tpu.vector_load %arg13[%swap3A_96] {strides = array<i32>} : memref<48xi32, #tpu.memory_space<vmem>>, vector<16xi32>,
    tpu.vector_store %arg13[%swap3A_96], %get3A_95 {strides = array<i32>} : memref<48xi32, #tpu.memory_space<vmem>>, vector<16xi32>,
    %get3A_98 = arith.constant 32 : index
    %get3A_99 = tpu.vector_load %arg9[%get3A_98] {strides = array<i32>} : memref<48xi32, #tpu.memory_space<vmem>>, vector<16xi32>,
    %swap3A_100 = arith.constant 32 : index
    %swap3A_101 = tpu.vector_load %arg13[%swap3A_100] {strides = array<i32>} : memref<48xi32, #tpu.memory_space<vmem>>, vector<16xi32>,
    tpu.vector_store %arg13[%swap3A_100], %get3A_99 {strides = array<i32>} : memref<48xi32, #tpu.memory_space<vmem>>, vector<16xi32>,
    %dma_start3A_102 = arith.constant 0 : i32
    %dma_start3A_103 = arith.constant 0 : i32
    %dma_start3A_104 = tpu.memref_slice %arg23[%dma_start3A_102, %dma_start3A_103] : memref<10000x144xf32, #tpu.memory_space<vmem_shared>> -> memref<10000x144xf32, #tpu.memory_space<vmem_shared>>
    tpu.enqueue_indirect_dma source(%arg21 : memref<48x144xf32, #tpu.memory_space<vmem>>) target(%dma_start3A_104 : memref<10000x144xf32, #tpu.memory_space<vmem_shared>>) offsets(%arg13 : memref<48xi32, #tpu.memory_space<vmem>>) semaphore(%arg33 : memref<!tpu.dma_semaphore, #tpu.memory_space<semaphore_mem>>) {add = true}
    %scan3A_105 = arith.constant 0 : i32
    %scan3A_106 = arith.constant 0 : i32
    %scan3A_107 = arith.constant 103 : i32
    %scan3A_108 = arith.addi %scan3A_106, %scan3A_107 : i32
    %scan3A_109 = arith.constant 1 : i32
    scf.for %scan3A_224 = %scan3A_106 to %scan3A_108 step %scan3A_109  : i32 {
      %mul3A_225 = arith.constant 2 : i32
      %mul3A_226 = arith.muli %mul3A_225, %scan3A_224 : i32
      %dma_wait3A_227 = arith.constant 0 : i32
      %dma_wait3A_228 = arith.constant 0 : i32
      %dma_wait3A_229 = tpu.memref_slice %arg5[%dma_wait3A_227, %dma_wait3A_228] : memref<10000x144xf32, #tpu.memory_space<hbm>> -> memref<10000x144xf32, #tpu.memory_space<hbm>>
      tpu.wait_indirect_dma semaphore(%arg24 : memref<!tpu.dma_semaphore, #tpu.memory_space<semaphore_mem>>) src(%dma_wait3A_229 : memref<10000x144xf32, #tpu.memory_space<hbm>>) dst(%arg16 : memref<48x144xf32, #tpu.memory_space<vmem>>)
      %dma_wait3A_230 = arith.constant 0 : i32
      %dma_wait3A_231 = arith.constant 0 : i32
      %dma_wait3A_232 = tpu.memref_slice %arg4[%dma_wait3A_230, %dma_wait3A_231] : memref<10000x128xbf16, #tpu.memory_space<hbm>> -> memref<10000x128xbf16, #tpu.memory_space<hbm>>
      tpu.wait_indirect_dma semaphore(%arg25 : memref<!tpu.dma_semaphore, #tpu.memory_space<semaphore_mem>>) src(%dma_wait3A_232 : memref<10000x128xbf16, #tpu.memory_space<hbm>>) dst(%arg18 : memref<48x128xbf16, #tpu.memory_space<vmem>>)
      %add3A_233 = arith.constant 1 : i32
      %add3A_234 = arith.addi %mul3A_226, %add3A_233 : i32
      %mul3A_235 = arith.constant 48 : i32
      %mul3A_236 = arith.muli %add3A_234, %mul3A_235 : i32
      %add3A_237 = arith.addi %mul3A_53, %mul3A_236 : i32
      %dma_wait3A_238 = tpu.memref_slice %arg2[%add3A_237] : memref<320000xi32, #tpu.memory_space<hbm>> -> memref<48xi32, #tpu.memory_space<hbm>>
      %dma_wait3A_239 = tpu.memref_slice %arg2[%add3A_237] : memref<320000xi32, #tpu.memory_space<hbm>> -> memref<48xi32, #tpu.memory_space<hbm>>
      tpu.wait_dma2 semaphore(%arg30 : memref<!tpu.dma_semaphore, #tpu.memory_space<semaphore_mem>>) src(%dma_wait3A_239 : memref<48xi32, #tpu.memory_space<hbm>>) dst(%arg10 : memref<48xi32, #tpu.memory_space<vmem>>)
      %dma_wait3A_240 = tpu.memref_slice %arg3[%add3A_237] : memref<320000xi32, #tpu.memory_space<hbm>> -> memref<48xi32, #tpu.memory_space<hbm>>
      %dma_wait3A_241 = tpu.memref_slice %arg3[%add3A_237] : memref<320000xi32, #tpu.memory_space<hbm>> -> memref<48xi32, #tpu.memory_space<hbm>>
      tpu.wait_dma2 semaphore(%arg31 : memref<!tpu.dma_semaphore, #tpu.memory_space<semaphore_mem>>) src(%dma_wait3A_241 : memref<48xi32, #tpu.memory_space<hbm>>) dst(%arg11 : memref<48xi32, #tpu.memory_space<vmem>>)
      %dma_start3A_242 = arith.constant 0 : i32
      %dma_start3A_243 = arith.constant 0 : i32
      %dma_start3A_244 = tpu.memref_slice %arg5[%dma_start3A_242, %dma_start3A_243] : memref<10000x144xf32, #tpu.memory_space<hbm>> -> memref<10000x144xf32, #tpu.memory_space<hbm>>
      tpu.enqueue_indirect_dma source(%dma_start3A_244 : memref<10000x144xf32, #tpu.memory_space<hbm>>) target(%arg17 : memref<48x144xf32, #tpu.memory_space<vmem>>) offsets(%arg10 : memref<48xi32, #tpu.memory_space<vmem>>) semaphore(%arg26 : memref<!tpu.dma_semaphore, #tpu.memory_space<semaphore_mem>>)
      %dma_start3A_245 = arith.constant 0 : i32
      %dma_start3A_246 = arith.constant 0 : i32
      %dma_start3A_247 = tpu.memref_slice %arg4[%dma_start3A_245, %dma_start3A_246] : memref<10000x128xbf16, #tpu.memory_space<hbm>> -> memref<10000x128xbf16, #tpu.memory_space<hbm>>
      tpu.enqueue_indirect_dma source(%dma_start3A_247 : memref<10000x128xbf16, #tpu.memory_space<hbm>>) target(%arg19 : memref<48x128xbf16, #tpu.memory_space<vmem>>) offsets(%arg11 : memref<48xi32, #tpu.memory_space<vmem>>) semaphore(%arg27 : memref<!tpu.dma_semaphore, #tpu.memory_space<semaphore_mem>>)
      %dma_wait3A_248 = arith.constant 0 : i32
      %dma_wait3A_249 = arith.constant 0 : i32
      %dma_wait3A_250 = tpu.memref_slice %arg23[%dma_wait3A_248, %dma_wait3A_249] : memref<10000x144xf32, #tpu.memory_space<vmem_shared>> -> memref<10000x144xf32, #tpu.memory_space<vmem_shared>>
      tpu.wait_indirect_dma semaphore(%arg32 : memref<!tpu.dma_semaphore, #tpu.memory_space<semaphore_mem>>) src(%arg20 : memref<48x144xf32, #tpu.memory_space<vmem>>) dst(%dma_wait3A_250 : memref<10000x144xf32, #tpu.memory_space<vmem_shared>>)
      %parallel_loop3A_251 = arith.constant 0 : i32
      %parallel_loop3A_252 = arith.constant 48 : i32
      %parallel_loop3A_253 = arith.constant 1 : i32
      scf.for %parallel_loop3A_329 = %parallel_loop3A_251 to %parallel_loop3A_252 step %parallel_loop3A_253  : i32 {
        %parallel_loop3A_330 = arith.index_cast %parallel_loop3A_329 : i32 to index
        %parallel_loop3A_331 = arith.constant 0 : index
        %parallel_loop3A_332 = tpu.vector_load %arg16[%parallel_loop3A_330, %parallel_loop3A_331] {strides = array<i32>} : memref<48x144xf32, #tpu.memory_space<vmem>>, vector<16xf32>,
        %parallel_loop3A_333 = arith.index_cast %parallel_loop3A_329 : i32 to index
        %parallel_loop3A_334 = arith.constant 16 : index
        %parallel_loop3A_335 = tpu.vector_load %arg16[%parallel_loop3A_333, %parallel_loop3A_334] {strides = array<i32>} : memref<48x144xf32, #tpu.memory_space<vmem>>, vector<16xf32>,
        %parallel_loop3A_336 = arith.index_cast %parallel_loop3A_329 : i32 to index
        %parallel_loop3A_337 = arith.constant 32 : index
        %parallel_loop3A_338 = tpu.vector_load %arg16[%parallel_loop3A_336, %parallel_loop3A_337] {strides = array<i32>} : memref<48x144xf32, #tpu.memory_space<vmem>>, vector<16xf32>,
        %parallel_loop3A_339 = arith.index_cast %parallel_loop3A_329 : i32 to index
        %parallel_loop3A_340 = arith.constant 48 : index
        %parallel_loop3A_341 = tpu.vector_load %arg16[%parallel_loop3A_339, %parallel_loop3A_340] {strides = array<i32>} : memref<48x144xf32, #tpu.memory_space<vmem>>, vector<16xf32>,
        %parallel_loop3A_342 = arith.index_cast %parallel_loop3A_329 : i32 to index
        %parallel_loop3A_343 = arith.constant 64 : index
        %parallel_loop3A_344 = tpu.vector_load %arg16[%parallel_loop3A_342, %parallel_loop3A_343] {strides = array<i32>} : memref<48x144xf32, #tpu.memory_space<vmem>>, vector<16xf32>,
        %parallel_loop3A_345 = arith.index_cast %parallel_loop3A_329 : i32 to index
        %parallel_loop3A_346 = arith.constant 80 : index
        %parallel_loop3A_347 = tpu.vector_load %arg16[%parallel_loop3A_345, %parallel_loop3A_346] {strides = array<i32>} : memref<48x144xf32, #tpu.memory_space<vmem>>, vector<16xf32>,
        %parallel_loop3A_348 = arith.index_cast %parallel_loop3A_329 : i32 to index
        %parallel_loop3A_349 = arith.constant 96 : index
        %parallel_loop3A_350 = tpu.vector_load %arg16[%parallel_loop3A_348, %parallel_loop3A_349] {strides = array<i32>} : memref<48x144xf32, #tpu.memory_space<vmem>>, vector<16xf32>,
        %parallel_loop3A_351 = arith.index_cast %parallel_loop3A_329 : i32 to index
        %parallel_loop3A_352 = arith.constant 112 : index
        %parallel_loop3A_353 = tpu.vector_load %arg16[%parallel_loop3A_351, %parallel_loop3A_352] {strides = array<i32>} : memref<48x144xf32, #tpu.memory_space<vmem>>, vector<16xf32>,
        %parallel_loop3A_354 = arith.index_cast %parallel_loop3A_329 : i32 to index
        %parallel_loop3A_355 = arith.constant 0 : index
        %parallel_loop3A_356 = tpu.vector_load %arg18[%parallel_loop3A_354, %parallel_loop3A_355] {strides = array<i32>} : memref<48x128xbf16, #tpu.memory_space<vmem>>, vector<32xbf16>,
        %parallel_loop3A_357 = tpu.unpack_subelements %parallel_loop3A_356, 0 {pack_format = #tpu.pack_format<interleaved>} : vector<32xbf16> -> vector<16xf32>
        %parallel_loop3A_358 = tpu.unpack_subelements %parallel_loop3A_356, 1 {pack_format = #tpu.pack_format<interleaved>} : vector<32xbf16> -> vector<16xf32>
        %parallel_loop3A_359 = arith.index_cast %parallel_loop3A_329 : i32 to index
        %parallel_loop3A_360 = arith.constant 32 : index
        %parallel_loop3A_361 = tpu.vector_load %arg18[%parallel_loop3A_359, %parallel_loop3A_360] {strides = array<i32>} : memref<48x128xbf16, #tpu.memory_space<vmem>>, vector<32xbf16>,
        %parallel_loop3A_362 = tpu.unpack_subelements %parallel_loop3A_361, 0 {pack_format = #tpu.pack_format<interleaved>} : vector<32xbf16> -> vector<16xf32>
        %parallel_loop3A_363 = tpu.unpack_subelements %parallel_loop3A_361, 1 {pack_format = #tpu.pack_format<interleaved>} : vector<32xbf16> -> vector<16xf32>
        %parallel_loop3A_364 = arith.index_cast %parallel_loop3A_329 : i32 to index
        %parallel_loop3A_365 = arith.constant 64 : index
        %parallel_loop3A_366 = tpu.vector_load %arg18[%parallel_loop3A_364, %parallel_loop3A_365] {strides = array<i32>} : memref<48x128xbf16, #tpu.memory_space<vmem>>, vector<32xbf16>,
        %parallel_loop3A_367 = tpu.unpack_subelements %parallel_loop3A_366, 0 {pack_format = #tpu.pack_format<interleaved>} : vector<32xbf16> -> vector<16xf32>
        %parallel_loop3A_368 = tpu.unpack_subelements %parallel_loop3A_366, 1 {pack_format = #tpu.pack_format<interleaved>} : vector<32xbf16> -> vector<16xf32>
        %parallel_loop3A_369 = arith.index_cast %parallel_loop3A_329 : i32 to index
        %parallel_loop3A_370 = arith.constant 96 : index
        %parallel_loop3A_371 = tpu.vector_load %arg18[%parallel_loop3A_369, %parallel_loop3A_370] {strides = array<i32>} : memref<48x128xbf16, #tpu.memory_space<vmem>>, vector<32xbf16>,
        %parallel_loop3A_372 = tpu.unpack_subelements %parallel_loop3A_371, 0 {pack_format = #tpu.pack_format<interleaved>} : vector<32xbf16> -> vector<16xf32>
        %parallel_loop3A_373 = tpu.unpack_subelements %parallel_loop3A_371, 1 {pack_format = #tpu.pack_format<interleaved>} : vector<32xbf16> -> vector<16xf32>
        %parallel_loop3A_374 = arith.index_cast %parallel_loop3A_329 : i32 to index
        %parallel_loop3A_375 = arith.constant 128 : index
        %parallel_loop3A_376 = tpu.vector_load %arg16[%parallel_loop3A_374, %parallel_loop3A_375] {strides = array<i32>} : memref<48x144xf32, #tpu.memory_space<vmem>>, vector<16xf32>,
        %parallel_loop3A_377 = arith.mulf %parallel_loop3A_332, %parallel_loop3A_357 : vector<16xf32>
        %parallel_loop3A_378 = arith.mulf %parallel_loop3A_335, %parallel_loop3A_358 : vector<16xf32>
        %parallel_loop3A_379 = arith.addf %parallel_loop3A_377, %parallel_loop3A_378 : vector<16xf32>
        %parallel_loop3A_380 = arith.mulf %parallel_loop3A_338, %parallel_loop3A_362 : vector<16xf32>
        %parallel_loop3A_381 = arith.mulf %parallel_loop3A_341, %parallel_loop3A_363 : vector<16xf32>
        %parallel_loop3A_382 = arith.addf %parallel_loop3A_380, %parallel_loop3A_381 : vector<16xf32>
        %parallel_loop3A_383 = arith.mulf %parallel_loop3A_344, %parallel_loop3A_367 : vector<16xf32>
        %parallel_loop3A_384 = arith.mulf %parallel_loop3A_347, %parallel_loop3A_368 : vector<16xf32>
        %parallel_loop3A_385 = arith.addf %parallel_loop3A_383, %parallel_loop3A_384 : vector<16xf32>
        %parallel_loop3A_386 = arith.mulf %parallel_loop3A_350, %parallel_loop3A_372 : vector<16xf32>
        %parallel_loop3A_387 = arith.mulf %parallel_loop3A_353, %parallel_loop3A_373 : vector<16xf32>
        %parallel_loop3A_388 = arith.addf %parallel_loop3A_386, %parallel_loop3A_387 : vector<16xf32>
        %parallel_loop3A_389 = arith.addf %parallel_loop3A_379, %parallel_loop3A_382 : vector<16xf32>
        %parallel_loop3A_390 = arith.addf %parallel_loop3A_385, %parallel_loop3A_388 : vector<16xf32>
        %parallel_loop3A_391 = arith.addf %parallel_loop3A_389, %parallel_loop3A_390 : vector<16xf32>
        %parallel_loop3A_392 = arith.constant true
        %parallel_loop3A_393 = vector.broadcast %parallel_loop3A_392 : i1 to vector<16xi1>
        %parallel_loop3A_394 = tpu.scan <sum>, %parallel_loop3A_391 masked %parallel_loop3A_393 : vector<16xf32>, vector<16xi1> -> vector<16xf32>
        %parallel_loop3A_395 = vector.extract %parallel_loop3A_394[15] : f32 from vector<16xf32>
        %parallel_loop3A_396 = vector.broadcast %parallel_loop3A_395 : f32 to vector<16xf32>
        %parallel_loop3A_397 = vector.broadcast %squeeze3A : f32 to vector<16xf32>
        %parallel_loop3A_398 = arith.mulf %parallel_loop3A_397, %parallel_loop3A_396 : vector<16xf32>
        %parallel_loop3A_399 = vector.broadcast %squeeze3A_45 : f32 to vector<16xf32>
        %parallel_loop3A_400 = arith.subf %parallel_loop3A_398, %parallel_loop3A_399 : vector<16xf32>
        %parallel_loop3A_401 = math.exp %parallel_loop3A_400 : vector<16xf32>
        %parallel_loop3A_402 = vector.extract_strided_slice %parallel_loop3A_376 {offsets = [0], sizes = [1], strides = [1]} : vector<16xf32> to vector<1xf32>
        %parallel_loop3A_403 = vector.extract %parallel_loop3A_402[0] : f32 from vector<1xf32>
        %parallel_loop3A_404 = vector.broadcast %parallel_loop3A_403 : f32 to vector<16xf32>
        %parallel_loop3A_405 = arith.mulf %parallel_loop3A_401, %parallel_loop3A_404 : vector<16xf32>
        %parallel_loop3A_406 = arith.mulf %parallel_loop3A_332, %parallel_loop3A_405 : vector<16xf32>
        %parallel_loop3A_407 = arith.index_cast %parallel_loop3A_329 : i32 to index
        %parallel_loop3A_408 = arith.constant 0 : index
        %parallel_loop3A_409 = tpu.vector_load %arg20[%parallel_loop3A_407, %parallel_loop3A_408] {strides = array<i32>} : memref<48x144xf32, #tpu.memory_space<vmem>>, vector<16xf32>,
        tpu.vector_store %arg20[%parallel_loop3A_407, %parallel_loop3A_408], %parallel_loop3A_406 {strides = array<i32>} : memref<48x144xf32, #tpu.memory_space<vmem>>, vector<16xf32>,
        %parallel_loop3A_410 = arith.mulf %parallel_loop3A_335, %parallel_loop3A_405 : vector<16xf32>
        %parallel_loop3A_411 = arith.index_cast %parallel_loop3A_329 : i32 to index
        %parallel_loop3A_412 = arith.constant 16 : index
        %parallel_loop3A_413 = tpu.vector_load %arg20[%parallel_loop3A_411, %parallel_loop3A_412] {strides = array<i32>} : memref<48x144xf32, #tpu.memory_space<vmem>>, vector<16xf32>,
        tpu.vector_store %arg20[%parallel_loop3A_411, %parallel_loop3A_412], %parallel_loop3A_410 {strides = array<i32>} : memref<48x144xf32, #tpu.memory_space<vmem>>, vector<16xf32>,
        %parallel_loop3A_414 = arith.mulf %parallel_loop3A_338, %parallel_loop3A_405 : vector<16xf32>
        %parallel_loop3A_415 = arith.index_cast %parallel_loop3A_329 : i32 to index
        %parallel_loop3A_416 = arith.constant 32 : index
        %parallel_loop3A_417 = tpu.vector_load %arg20[%parallel_loop3A_415, %parallel_loop3A_416] {strides = array<i32>} : memref<48x144xf32, #tpu.memory_space<vmem>>, vector<16xf32>,
        tpu.vector_store %arg20[%parallel_loop3A_415, %parallel_loop3A_416], %parallel_loop3A_414 {strides = array<i32>} : memref<48x144xf32, #tpu.memory_space<vmem>>, vector<16xf32>,
        %parallel_loop3A_418 = arith.mulf %parallel_loop3A_341, %parallel_loop3A_405 : vector<16xf32>
        %parallel_loop3A_419 = arith.index_cast %parallel_loop3A_329 : i32 to index
        %parallel_loop3A_420 = arith.constant 48 : index
        %parallel_loop3A_421 = tpu.vector_load %arg20[%parallel_loop3A_419, %parallel_loop3A_420] {strides = array<i32>} : memref<48x144xf32, #tpu.memory_space<vmem>>, vector<16xf32>,
        tpu.vector_store %arg20[%parallel_loop3A_419, %parallel_loop3A_420], %parallel_loop3A_418 {strides = array<i32>} : memref<48x144xf32, #tpu.memory_space<vmem>>, vector<16xf32>,
        %parallel_loop3A_422 = arith.mulf %parallel_loop3A_344, %parallel_loop3A_405 : vector<16xf32>
        %parallel_loop3A_423 = arith.index_cast %parallel_loop3A_329 : i32 to index
        %parallel_loop3A_424 = arith.constant 64 : index
        %parallel_loop3A_425 = tpu.vector_load %arg20[%parallel_loop3A_423, %parallel_loop3A_424] {strides = array<i32>} : memref<48x144xf32, #tpu.memory_space<vmem>>, vector<16xf32>,
        tpu.vector_store %arg20[%parallel_loop3A_423, %parallel_loop3A_424], %parallel_loop3A_422 {strides = array<i32>} : memref<48x144xf32, #tpu.memory_space<vmem>>, vector<16xf32>,
        %parallel_loop3A_426 = arith.mulf %parallel_loop3A_347, %parallel_loop3A_405 : vector<16xf32>
        %parallel_loop3A_427 = arith.index_cast %parallel_loop3A_329 : i32 to index
        %parallel_loop3A_428 = arith.constant 80 : index
        %parallel_loop3A_429 = tpu.vector_load %arg20[%parallel_loop3A_427, %parallel_loop3A_428] {strides = array<i32>} : memref<48x144xf32, #tpu.memory_space<vmem>>, vector<16xf32>,
        tpu.vector_store %arg20[%parallel_loop3A_427, %parallel_loop3A_428], %parallel_loop3A_426 {strides = array<i32>} : memref<48x144xf32, #tpu.memory_space<vmem>>, vector<16xf32>,
        %parallel_loop3A_430 = arith.mulf %parallel_loop3A_350, %parallel_loop3A_405 : vector<16xf32>
        %parallel_loop3A_431 = arith.index_cast %parallel_loop3A_329 : i32 to index
        %parallel_loop3A_432 = arith.constant 96 : index
        %parallel_loop3A_433 = tpu.vector_load %arg20[%parallel_loop3A_431, %parallel_loop3A_432] {strides = array<i32>} : memref<48x144xf32, #tpu.memory_space<vmem>>, vector<16xf32>,
        tpu.vector_store %arg20[%parallel_loop3A_431, %parallel_loop3A_432], %parallel_loop3A_430 {strides = array<i32>} : memref<48x144xf32, #tpu.memory_space<vmem>>, vector<16xf32>,
        %parallel_loop3A_434 = arith.mulf %parallel_loop3A_353, %parallel_loop3A_405 : vector<16xf32>
        %parallel_loop3A_435 = arith.index_cast %parallel_loop3A_329 : i32 to index
        %parallel_loop3A_436 = arith.constant 112 : index
        %parallel_loop3A_437 = tpu.vector_load %arg20[%parallel_loop3A_435, %parallel_loop3A_436] {strides = array<i32>} : memref<48x144xf32, #tpu.memory_space<vmem>>, vector<16xf32>,
        tpu.vector_store %arg20[%parallel_loop3A_435, %parallel_loop3A_436], %parallel_loop3A_434 {strides = array<i32>} : memref<48x144xf32, #tpu.memory_space<vmem>>, vector<16xf32>,
        %parallel_loop3A_438 = arith.mulf %parallel_loop3A_401, %select_n3A : vector<16xf32>
        %parallel_loop3A_439 = arith.index_cast %parallel_loop3A_329 : i32 to index
        %parallel_loop3A_440 = arith.constant 128 : index
        %parallel_loop3A_441 = tpu.vector_load %arg20[%parallel_loop3A_439, %parallel_loop3A_440] {strides = array<i32>} : memref<48x144xf32, #tpu.memory_space<vmem>>, vector<16xf32>,
        tpu.vector_store %arg20[%parallel_loop3A_439, %parallel_loop3A_440], %parallel_loop3A_438 {strides = array<i32>} : memref<48x144xf32, #tpu.memory_space<vmem>>, vector<16xf32>,
      } {sc.loop_unroll_factor = 2 : i64, sc.parallel_access}
      %get3A_254 = arith.constant 0 : index
      %get3A_255 = tpu.vector_load %arg9[%get3A_254] {strides = array<i32>} : memref<48xi32, #tpu.memory_space<vmem>>, vector<16xi32>,
      %swap3A_256 = arith.constant 0 : index
      %swap3A_257 = tpu.vector_load %arg12[%swap3A_256] {strides = array<i32>} : memref<48xi32, #tpu.memory_space<vmem>>, vector<16xi32>,
      tpu.vector_store %arg12[%swap3A_256], %get3A_255 {strides = array<i32>} : memref<48xi32, #tpu.memory_space<vmem>>, vector<16xi32>,
      %get3A_258 = arith.constant 16 : index
      %get3A_259 = tpu.vector_load %arg9[%get3A_258] {strides = array<i32>} : memref<48xi32, #tpu.memory_space<vmem>>, vector<16xi32>,
      %swap3A_260 = arith.constant 16 : index
      %swap3A_261 = tpu.vector_load %arg12[%swap3A_260] {strides = array<i32>} : memref<48xi32, #tpu.memory_space<vmem>>, vector<16xi32>,
      tpu.vector_store %arg12[%swap3A_260], %get3A_259 {strides = array<i32>} : memref<48xi32, #tpu.memory_space<vmem>>, vector<16xi32>,
      %get3A_262 = arith.constant 32 : index
      %get3A_263 = tpu.vector_load %arg9[%get3A_262] {strides = array<i32>} : memref<48xi32, #tpu.memory_space<vmem>>, vector<16xi32>,
      %swap3A_264 = arith.constant 32 : index
      %swap3A_265 = tpu.vector_load %arg12[%swap3A_264] {strides = array<i32>} : memref<48xi32, #tpu.memory_space<vmem>>, vector<16xi32>,
      tpu.vector_store %arg12[%swap3A_264], %get3A_263 {strides = array<i32>} : memref<48xi32, #tpu.memory_space<vmem>>, vector<16xi32>,
      %dma_start3A_266 = arith.constant 0 : i32
      %dma_start3A_267 = arith.constant 0 : i32
      %dma_start3A_268 = tpu.memref_slice %arg23[%dma_start3A_266, %dma_start3A_267] : memref<10000x144xf32, #tpu.memory_space<vmem_shared>> -> memref<10000x144xf32, #tpu.memory_space<vmem_shared>>
      tpu.enqueue_indirect_dma source(%arg20 : memref<48x144xf32, #tpu.memory_space<vmem>>) target(%dma_start3A_268 : memref<10000x144xf32, #tpu.memory_space<vmem_shared>>) offsets(%arg12 : memref<48xi32, #tpu.memory_space<vmem>>) semaphore(%arg32 : memref<!tpu.dma_semaphore, #tpu.memory_space<semaphore_mem>>) {add = true}
      %add3A_269 = arith.constant 2 : i32
      %add3A_270 = arith.addi %mul3A_226, %add3A_269 : i32
      %mul3A_271 = arith.constant 48 : i32
      %mul3A_272 = arith.muli %add3A_270, %mul3A_271 : i32
      %add3A_273 = arith.addi %mul3A_53, %mul3A_272 : i32
      %dma_start3A_274 = tpu.memref_slice %arg2[%add3A_273] : memref<320000xi32, #tpu.memory_space<hbm>> -> memref<48xi32, #tpu.memory_space<hbm>>
      %dma_start3A_275 = tpu.memref_slice %arg2[%add3A_273] : memref<320000xi32, #tpu.memory_space<hbm>> -> memref<48xi32, #tpu.memory_space<hbm>>
      tpu.enqueue_dma source(%dma_start3A_275 : memref<48xi32, #tpu.memory_space<hbm>>) target(%arg8 : memref<48xi32, #tpu.memory_space<vmem>>) target_semaphore(%arg28 : memref<!tpu.dma_semaphore, #tpu.memory_space<semaphore_mem>>)
      %dma_start3A_276 = tpu.memref_slice %arg3[%add3A_273] : memref<320000xi32, #tpu.memory_space<hbm>> -> memref<48xi32, #tpu.memory_space<hbm>>
      %dma_start3A_277 = tpu.memref_slice %arg3[%add3A_273] : memref<320000xi32, #tpu.memory_space<hbm>> -> memref<48xi32, #tpu.memory_space<hbm>>
      tpu.enqueue_dma source(%dma_start3A_277 : memref<48xi32, #tpu.memory_space<hbm>>) target(%arg9 : memref<48xi32, #tpu.memory_space<vmem>>) target_semaphore(%arg29 : memref<!tpu.dma_semaphore, #tpu.memory_space<semaphore_mem>>)
      %dma_wait3A_278 = arith.constant 0 : i32
      %dma_wait3A_279 = arith.constant 0 : i32
      %dma_wait3A_280 = tpu.memref_slice %arg5[%dma_wait3A_278, %dma_wait3A_279] : memref<10000x144xf32, #tpu.memory_space<hbm>> -> memref<10000x144xf32, #tpu.memory_space<hbm>>
      tpu.wait_indirect_dma semaphore(%arg26 : memref<!tpu.dma_semaphore, #tpu.memory_space<semaphore_mem>>) src(%dma_wait3A_280 : memref<10000x144xf32, #tpu.memory_space<hbm>>) dst(%arg17 : memref<48x144xf32, #tpu.memory_space<vmem>>)
      %dma_wait3A_281 = arith.constant 0 : i32
      %dma_wait3A_282 = arith.constant 0 : i32
      %dma_wait3A_283 = tpu.memref_slice %arg4[%dma_wait3A_281, %dma_wait3A_282] : memref<10000x128xbf16, #tpu.memory_space<hbm>> -> memref<10000x128xbf16, #tpu.memory_space<hbm>>
      tpu.wait_indirect_dma semaphore(%arg27 : memref<!tpu.dma_semaphore, #tpu.memory_space<semaphore_mem>>) src(%dma_wait3A_283 : memref<10000x128xbf16, #tpu.memory_space<hbm>>) dst(%arg19 : memref<48x128xbf16, #tpu.memory_space<vmem>>)
      %dma_wait3A_284 = arith.constant 0 : i32
      %dma_wait3A_285 = arith.constant 0 : i32
      %dma_wait3A_286 = tpu.memref_slice %arg23[%dma_wait3A_284, %dma_wait3A_285] : memref<10000x144xf32, #tpu.memory_space<vmem_shared>> -> memref<10000x144xf32, #tpu.memory_space<vmem_shared>>
      tpu.wait_indirect_dma semaphore(%arg33 : memref<!tpu.dma_semaphore, #tpu.memory_space<semaphore_mem>>) src(%arg21 : memref<48x144xf32, #tpu.memory_space<vmem>>) dst(%dma_wait3A_286 : memref<10000x144xf32, #tpu.memory_space<vmem_shared>>)
      %parallel_loop3A_287 = arith.constant 0 : i32
      %parallel_loop3A_288 = arith.constant 48 : i32
      %parallel_loop3A_289 = arith.constant 1 : i32
      scf.for %parallel_loop3A_329 = %parallel_loop3A_287 to %parallel_loop3A_288 step %parallel_loop3A_289  : i32 {
        %parallel_loop3A_330 = arith.index_cast %parallel_loop3A_329 : i32 to index
        %parallel_loop3A_331 = arith.constant 0 : index
        %parallel_loop3A_332 = tpu.vector_load %arg17[%parallel_loop3A_330, %parallel_loop3A_331] {strides = array<i32>} : memref<48x144xf32, #tpu.memory_space<vmem>>, vector<16xf32>,
        %parallel_loop3A_333 = arith.index_cast %parallel_loop3A_329 : i32 to index
        %parallel_loop3A_334 = arith.constant 16 : index
        %parallel_loop3A_335 = tpu.vector_load %arg17[%parallel_loop3A_333, %parallel_loop3A_334] {strides = array<i32>} : memref<48x144xf32, #tpu.memory_space<vmem>>, vector<16xf32>,
        %parallel_loop3A_336 = arith.index_cast %parallel_loop3A_329 : i32 to index
        %parallel_loop3A_337 = arith.constant 32 : index
        %parallel_loop3A_338 = tpu.vector_load %arg17[%parallel_loop3A_336, %parallel_loop3A_337] {strides = array<i32>} : memref<48x144xf32, #tpu.memory_space<vmem>>, vector<16xf32>,
        %parallel_loop3A_339 = arith.index_cast %parallel_loop3A_329 : i32 to index
        %parallel_loop3A_340 = arith.constant 48 : index
        %parallel_loop3A_341 = tpu.vector_load %arg17[%parallel_loop3A_339, %parallel_loop3A_340] {strides = array<i32>} : memref<48x144xf32, #tpu.memory_space<vmem>>, vector<16xf32>,
        %parallel_loop3A_342 = arith.index_cast %parallel_loop3A_329 : i32 to index
        %parallel_loop3A_343 = arith.constant 64 : index
        %parallel_loop3A_344 = tpu.vector_load %arg17[%parallel_loop3A_342, %parallel_loop3A_343] {strides = array<i32>} : memref<48x144xf32, #tpu.memory_space<vmem>>, vector<16xf32>,
        %parallel_loop3A_345 = arith.index_cast %parallel_loop3A_329 : i32 to index
        %parallel_loop3A_346 = arith.constant 80 : index
        %parallel_loop3A_347 = tpu.vector_load %arg17[%parallel_loop3A_345, %parallel_loop3A_346] {strides = array<i32>} : memref<48x144xf32, #tpu.memory_space<vmem>>, vector<16xf32>,
        %parallel_loop3A_348 = arith.index_cast %parallel_loop3A_329 : i32 to index
        %parallel_loop3A_349 = arith.constant 96 : index
        %parallel_loop3A_350 = tpu.vector_load %arg17[%parallel_loop3A_348, %parallel_loop3A_349] {strides = array<i32>} : memref<48x144xf32, #tpu.memory_space<vmem>>, vector<16xf32>,
        %parallel_loop3A_351 = arith.index_cast %parallel_loop3A_329 : i32 to index
        %parallel_loop3A_352 = arith.constant 112 : index
        %parallel_loop3A_353 = tpu.vector_load %arg17[%parallel_loop3A_351, %parallel_loop3A_352] {strides = array<i32>} : memref<48x144xf32, #tpu.memory_space<vmem>>, vector<16xf32>,
        %parallel_loop3A_354 = arith.index_cast %parallel_loop3A_329 : i32 to index
        %parallel_loop3A_355 = arith.constant 0 : index
        %parallel_loop3A_356 = tpu.vector_load %arg19[%parallel_loop3A_354, %parallel_loop3A_355] {strides = array<i32>} : memref<48x128xbf16, #tpu.memory_space<vmem>>, vector<32xbf16>,
        %parallel_loop3A_357 = tpu.unpack_subelements %parallel_loop3A_356, 0 {pack_format = #tpu.pack_format<interleaved>} : vector<32xbf16> -> vector<16xf32>
        %parallel_loop3A_358 = tpu.unpack_subelements %parallel_loop3A_356, 1 {pack_format = #tpu.pack_format<interleaved>} : vector<32xbf16> -> vector<16xf32>
        %parallel_loop3A_359 = arith.index_cast %parallel_loop3A_329 : i32 to index
        %parallel_loop3A_360 = arith.constant 32 : index
        %parallel_loop3A_361 = tpu.vector_load %arg19[%parallel_loop3A_359, %parallel_loop3A_360] {strides = array<i32>} : memref<48x128xbf16, #tpu.memory_space<vmem>>, vector<32xbf16>,
        %parallel_loop3A_362 = tpu.unpack_subelements %parallel_loop3A_361, 0 {pack_format = #tpu.pack_format<interleaved>} : vector<32xbf16> -> vector<16xf32>
        %parallel_loop3A_363 = tpu.unpack_subelements %parallel_loop3A_361, 1 {pack_format = #tpu.pack_format<interleaved>} : vector<32xbf16> -> vector<16xf32>
        %parallel_loop3A_364 = arith.index_cast %parallel_loop3A_329 : i32 to index
        %parallel_loop3A_365 = arith.constant 64 : index
        %parallel_loop3A_366 = tpu.vector_load %arg19[%parallel_loop3A_364, %parallel_loop3A_365] {strides = array<i32>} : memref<48x128xbf16, #tpu.memory_space<vmem>>, vector<32xbf16>,
        %parallel_loop3A_367 = tpu.unpack_subelements %parallel_loop3A_366, 0 {pack_format = #tpu.pack_format<interleaved>} : vector<32xbf16> -> vector<16xf32>
        %parallel_loop3A_368 = tpu.unpack_subelements %parallel_loop3A_366, 1 {pack_format = #tpu.pack_format<interleaved>} : vector<32xbf16> -> vector<16xf32>
        %parallel_loop3A_369 = arith.index_cast %parallel_loop3A_329 : i32 to index
        %parallel_loop3A_370 = arith.constant 96 : index
        %parallel_loop3A_371 = tpu.vector_load %arg19[%parallel_loop3A_369, %parallel_loop3A_370] {strides = array<i32>} : memref<48x128xbf16, #tpu.memory_space<vmem>>, vector<32xbf16>,
        %parallel_loop3A_372 = tpu.unpack_subelements %parallel_loop3A_371, 0 {pack_format = #tpu.pack_format<interleaved>} : vector<32xbf16> -> vector<16xf32>
        %parallel_loop3A_373 = tpu.unpack_subelements %parallel_loop3A_371, 1 {pack_format = #tpu.pack_format<interleaved>} : vector<32xbf16> -> vector<16xf32>
        %parallel_loop3A_374 = arith.index_cast %parallel_loop3A_329 : i32 to index
        %parallel_loop3A_375 = arith.constant 128 : index
        %parallel_loop3A_376 = tpu.vector_load %arg17[%parallel_loop3A_374, %parallel_loop3A_375] {strides = array<i32>} : memref<48x144xf32, #tpu.memory_space<vmem>>, vector<16xf32>,
        %parallel_loop3A_377 = arith.mulf %parallel_loop3A_332, %parallel_loop3A_357 : vector<16xf32>
        %parallel_loop3A_378 = arith.mulf %parallel_loop3A_335, %parallel_loop3A_358 : vector<16xf32>
        %parallel_loop3A_379 = arith.addf %parallel_loop3A_377, %parallel_loop3A_378 : vector<16xf32>
        %parallel_loop3A_380 = arith.mulf %parallel_loop3A_338, %parallel_loop3A_362 : vector<16xf32>
        %parallel_loop3A_381 = arith.mulf %parallel_loop3A_341, %parallel_loop3A_363 : vector<16xf32>
        %parallel_loop3A_382 = arith.addf %parallel_loop3A_380, %parallel_loop3A_381 : vector<16xf32>
        %parallel_loop3A_383 = arith.mulf %parallel_loop3A_344, %parallel_loop3A_367 : vector<16xf32>
        %parallel_loop3A_384 = arith.mulf %parallel_loop3A_347, %parallel_loop3A_368 : vector<16xf32>
        %parallel_loop3A_385 = arith.addf %parallel_loop3A_383, %parallel_loop3A_384 : vector<16xf32>
        %parallel_loop3A_386 = arith.mulf %parallel_loop3A_350, %parallel_loop3A_372 : vector<16xf32>
        %parallel_loop3A_387 = arith.mulf %parallel_loop3A_353, %parallel_loop3A_373 : vector<16xf32>
        %parallel_loop3A_388 = arith.addf %parallel_loop3A_386, %parallel_loop3A_387 : vector<16xf32>
        %parallel_loop3A_389 = arith.addf %parallel_loop3A_379, %parallel_loop3A_382 : vector<16xf32>
        %parallel_loop3A_390 = arith.addf %parallel_loop3A_385, %parallel_loop3A_388 : vector<16xf32>
        %parallel_loop3A_391 = arith.addf %parallel_loop3A_389, %parallel_loop3A_390 : vector<16xf32>
        %parallel_loop3A_392 = arith.constant true
        %parallel_loop3A_393 = vector.broadcast %parallel_loop3A_392 : i1 to vector<16xi1>
        %parallel_loop3A_394 = tpu.scan <sum>, %parallel_loop3A_391 masked %parallel_loop3A_393 : vector<16xf32>, vector<16xi1> -> vector<16xf32>
        %parallel_loop3A_395 = vector.extract %parallel_loop3A_394[15] : f32 from vector<16xf32>
        %parallel_loop3A_396 = vector.broadcast %parallel_loop3A_395 : f32 to vector<16xf32>
        %parallel_loop3A_397 = vector.broadcast %squeeze3A : f32 to vector<16xf32>
        %parallel_loop3A_398 = arith.mulf %parallel_loop3A_397, %parallel_loop3A_396 : vector<16xf32>
        %parallel_loop3A_399 = vector.broadcast %squeeze3A_45 : f32 to vector<16xf32>
        %parallel_loop3A_400 = arith.subf %parallel_loop3A_398, %parallel_loop3A_399 : vector<16xf32>
        %parallel_loop3A_401 = math.exp %parallel_loop3A_400 : vector<16xf32>
        %parallel_loop3A_402 = vector.extract_strided_slice %parallel_loop3A_376 {offsets = [0], sizes = [1], strides = [1]} : vector<16xf32> to vector<1xf32>
        %parallel_loop3A_403 = vector.extract %parallel_loop3A_402[0] : f32 from vector<1xf32>
        %parallel_loop3A_404 = vector.broadcast %parallel_loop3A_403 : f32 to vector<16xf32>
        %parallel_loop3A_405 = arith.mulf %parallel_loop3A_401, %parallel_loop3A_404 : vector<16xf32>
        %parallel_loop3A_406 = arith.mulf %parallel_loop3A_332, %parallel_loop3A_405 : vector<16xf32>
        %parallel_loop3A_407 = arith.index_cast %parallel_loop3A_329 : i32 to index
        %parallel_loop3A_408 = arith.constant 0 : index
        %parallel_loop3A_409 = tpu.vector_load %arg21[%parallel_loop3A_407, %parallel_loop3A_408] {strides = array<i32>} : memref<48x144xf32, #tpu.memory_space<vmem>>, vector<16xf32>,
        tpu.vector_store %arg21[%parallel_loop3A_407, %parallel_loop3A_408], %parallel_loop3A_406 {strides = array<i32>} : memref<48x144xf32, #tpu.memory_space<vmem>>, vector<16xf32>,
        %parallel_loop3A_410 = arith.mulf %parallel_loop3A_335, %parallel_loop3A_405 : vector<16xf32>
        %parallel_loop3A_411 = arith.index_cast %parallel_loop3A_329 : i32 to index
        %parallel_loop3A_412 = arith.constant 16 : index
        %parallel_loop3A_413 = tpu.vector_load %arg21[%parallel_loop3A_411, %parallel_loop3A_412] {strides = array<i32>} : memref<48x144xf32, #tpu.memory_space<vmem>>, vector<16xf32>,
        tpu.vector_store %arg21[%parallel_loop3A_411, %parallel_loop3A_412], %parallel_loop3A_410 {strides = array<i32>} : memref<48x144xf32, #tpu.memory_space<vmem>>, vector<16xf32>,
        %parallel_loop3A_414 = arith.mulf %parallel_loop3A_338, %parallel_loop3A_405 : vector<16xf32>
        %parallel_loop3A_415 = arith.index_cast %parallel_loop3A_329 : i32 to index
        %parallel_loop3A_416 = arith.constant 32 : index
        %parallel_loop3A_417 = tpu.vector_load %arg21[%parallel_loop3A_415, %parallel_loop3A_416] {strides = array<i32>} : memref<48x144xf32, #tpu.memory_space<vmem>>, vector<16xf32>,
        tpu.vector_store %arg21[%parallel_loop3A_415, %parallel_loop3A_416], %parallel_loop3A_414 {strides = array<i32>} : memref<48x144xf32, #tpu.memory_space<vmem>>, vector<16xf32>,
        %parallel_loop3A_418 = arith.mulf %parallel_loop3A_341, %parallel_loop3A_405 : vector<16xf32>
        %parallel_loop3A_419 = arith.index_cast %parallel_loop3A_329 : i32 to index
        %parallel_loop3A_420 = arith.constant 48 : index
        %parallel_loop3A_421 = tpu.vector_load %arg21[%parallel_loop3A_419, %parallel_loop3A_420] {strides = array<i32>} : memref<48x144xf32, #tpu.memory_space<vmem>>, vector<16xf32>,
        tpu.vector_store %arg21[%parallel_loop3A_419, %parallel_loop3A_420], %parallel_loop3A_418 {strides = array<i32>} : memref<48x144xf32, #tpu.memory_space<vmem>>, vector<16xf32>,
        %parallel_loop3A_422 = arith.mulf %parallel_loop3A_344, %parallel_loop3A_405 : vector<16xf32>
        %parallel_loop3A_423 = arith.index_cast %parallel_loop3A_329 : i32 to index
        %parallel_loop3A_424 = arith.constant 64 : index
        %parallel_loop3A_425 = tpu.vector_load %arg21[%parallel_loop3A_423, %parallel_loop3A_424] {strides = array<i32>} : memref<48x144xf32, #tpu.memory_space<vmem>>, vector<16xf32>,
        tpu.vector_store %arg21[%parallel_loop3A_423, %parallel_loop3A_424], %parallel_loop3A_422 {strides = array<i32>} : memref<48x144xf32, #tpu.memory_space<vmem>>, vector<16xf32>,
        %parallel_loop3A_426 = arith.mulf %parallel_loop3A_347, %parallel_loop3A_405 : vector<16xf32>
        %parallel_loop3A_427 = arith.index_cast %parallel_loop3A_329 : i32 to index
        %parallel_loop3A_428 = arith.constant 80 : index
        %parallel_loop3A_429 = tpu.vector_load %arg21[%parallel_loop3A_427, %parallel_loop3A_428] {strides = array<i32>} : memref<48x144xf32, #tpu.memory_space<vmem>>, vector<16xf32>,
        tpu.vector_store %arg21[%parallel_loop3A_427, %parallel_loop3A_428], %parallel_loop3A_426 {strides = array<i32>} : memref<48x144xf32, #tpu.memory_space<vmem>>, vector<16xf32>,
        %parallel_loop3A_430 = arith.mulf %parallel_loop3A_350, %parallel_loop3A_405 : vector<16xf32>
        %parallel_loop3A_431 = arith.index_cast %parallel_loop3A_329 : i32 to index
        %parallel_loop3A_432 = arith.constant 96 : index
        %parallel_loop3A_433 = tpu.vector_load %arg21[%parallel_loop3A_431, %parallel_loop3A_432] {strides = array<i32>} : memref<48x144xf32, #tpu.memory_space<vmem>>, vector<16xf32>,
        tpu.vector_store %arg21[%parallel_loop3A_431, %parallel_loop3A_432], %parallel_loop3A_430 {strides = array<i32>} : memref<48x144xf32, #tpu.memory_space<vmem>>, vector<16xf32>,
        %parallel_loop3A_434 = arith.mulf %parallel_loop3A_353, %parallel_loop3A_405 : vector<16xf32>
        %parallel_loop3A_435 = arith.index_cast %parallel_loop3A_329 : i32 to index
        %parallel_loop3A_436 = arith.constant 112 : index
        %parallel_loop3A_437 = tpu.vector_load %arg21[%parallel_loop3A_435, %parallel_loop3A_436] {strides = array<i32>} : memref<48x144xf32, #tpu.memory_space<vmem>>, vector<16xf32>,
        tpu.vector_store %arg21[%parallel_loop3A_435, %parallel_loop3A_436], %parallel_loop3A_434 {strides = array<i32>} : memref<48x144xf32, #tpu.memory_space<vmem>>, vector<16xf32>,
        %parallel_loop3A_438 = arith.mulf %parallel_loop3A_401, %select_n3A : vector<16xf32>
        %parallel_loop3A_439 = arith.index_cast %parallel_loop3A_329 : i32 to index
        %parallel_loop3A_440 = arith.constant 128 : index
        %parallel_loop3A_441 = tpu.vector_load %arg21[%parallel_loop3A_439, %parallel_loop3A_440] {strides = array<i32>} : memref<48x144xf32, #tpu.memory_space<vmem>>, vector<16xf32>,
        tpu.vector_store %arg21[%parallel_loop3A_439, %parallel_loop3A_440], %parallel_loop3A_438 {strides = array<i32>} : memref<48x144xf32, #tpu.memory_space<vmem>>, vector<16xf32>,
      } {sc.loop_unroll_factor = 2 : i64, sc.parallel_access}
      %get3A_290 = arith.constant 0 : index
      %get3A_291 = tpu.vector_load %arg11[%get3A_290] {strides = array<i32>} : memref<48xi32, #tpu.memory_space<vmem>>, vector<16xi32>,
      %swap3A_292 = arith.constant 0 : index
      %swap3A_293 = tpu.vector_load %arg13[%swap3A_292] {strides = array<i32>} : memref<48xi32, #tpu.memory_space<vmem>>, vector<16xi32>,
      tpu.vector_store %arg13[%swap3A_292], %get3A_291 {strides = array<i32>} : memref<48xi32, #tpu.memory_space<vmem>>, vector<16xi32>,
      %get3A_294 = arith.constant 16 : index
      %get3A_295 = tpu.vector_load %arg11[%get3A_294] {strides = array<i32>} : memref<48xi32, #tpu.memory_space<vmem>>, vector<16xi32>,
      %swap3A_296 = arith.constant 16 : index
      %swap3A_297 = tpu.vector_load %arg13[%swap3A_296] {strides = array<i32>} : memref<48xi32, #tpu.memory_space<vmem>>, vector<16xi32>,
      tpu.vector_store %arg13[%swap3A_296], %get3A_295 {strides = array<i32>} : memref<48xi32, #tpu.memory_space<vmem>>, vector<16xi32>,
      %get3A_298 = arith.constant 32 : index
      %get3A_299 = tpu.vector_load %arg11[%get3A_298] {strides = array<i32>} : memref<48xi32, #tpu.memory_space<vmem>>, vector<16xi32>,
      %swap3A_300 = arith.constant 32 : index
      %swap3A_301 = tpu.vector_load %arg13[%swap3A_300] {strides = array<i32>} : memref<48xi32, #tpu.memory_space<vmem>>, vector<16xi32>,
      tpu.vector_store %arg13[%swap3A_300], %get3A_299 {strides = array<i32>} : memref<48xi32, #tpu.memory_space<vmem>>, vector<16xi32>,
      %dma_start3A_302 = arith.constant 0 : i32
      %dma_start3A_303 = arith.constant 0 : i32
      %dma_start3A_304 = tpu.memref_slice %arg23[%dma_start3A_302, %dma_start3A_303] : memref<10000x144xf32, #tpu.memory_space<vmem_shared>> -> memref<10000x144xf32, #tpu.memory_space<vmem_shared>>
      tpu.enqueue_indirect_dma source(%arg21 : memref<48x144xf32, #tpu.memory_space<vmem>>) target(%dma_start3A_304 : memref<10000x144xf32, #tpu.memory_space<vmem_shared>>) offsets(%arg13 : memref<48xi32, #tpu.memory_space<vmem>>) semaphore(%arg33 : memref<!tpu.dma_semaphore, #tpu.memory_space<semaphore_mem>>) {add = true}
      %add3A_305 = arith.constant 2 : i32
      %add3A_306 = arith.addi %mul3A_226, %add3A_305 : i32
      %mul3A_307 = arith.constant 48 : i32
      %mul3A_308 = arith.muli %add3A_306, %mul3A_307 : i32
      %add3A_309 = arith.addi %mul3A_53, %mul3A_308 : i32
      %dma_wait3A_310 = tpu.memref_slice %arg2[%add3A_309] : memref<320000xi32, #tpu.memory_space<hbm>> -> memref<48xi32, #tpu.memory_space<hbm>>
      %dma_wait3A_311 = tpu.memref_slice %arg2[%add3A_309] : memref<320000xi32, #tpu.memory_space<hbm>> -> memref<48xi32, #tpu.memory_space<hbm>>
      tpu.wait_dma2 semaphore(%arg28 : memref<!tpu.dma_semaphore, #tpu.memory_space<semaphore_mem>>) src(%dma_wait3A_311 : memref<48xi32, #tpu.memory_space<hbm>>) dst(%arg8 : memref<48xi32, #tpu.memory_space<vmem>>)
      %dma_wait3A_312 = tpu.memref_slice %arg3[%add3A_309] : memref<320000xi32, #tpu.memory_space<hbm>> -> memref<48xi32, #tpu.memory_space<hbm>>
      %dma_wait3A_313 = tpu.memref_slice %arg3[%add3A_309] : memref<320000xi32, #tpu.memory_space<hbm>> -> memref<48xi32, #tpu.memory_space<hbm>>
      tpu.wait_dma2 semaphore(%arg29 : memref<!tpu.dma_semaphore, #tpu.memory_space<semaphore_mem>>) src(%dma_wait3A_313 : memref<48xi32, #tpu.memory_space<hbm>>) dst(%arg9 : memref<48xi32, #tpu.memory_space<vmem>>)
      %dma_start3A_314 = arith.constant 0 : i32
      %dma_start3A_315 = arith.constant 0 : i32
      %dma_start3A_316 = tpu.memref_slice %arg5[%dma_start3A_314, %dma_start3A_315] : memref<10000x144xf32, #tpu.memory_space<hbm>> -> memref<10000x144xf32, #tpu.memory_space<hbm>>
      tpu.enqueue_indirect_dma source(%dma_start3A_316 : memref<10000x144xf32, #tpu.memory_space<hbm>>) target(%arg16 : memref<48x144xf32, #tpu.memory_space<vmem>>) offsets(%arg8 : memref<48xi32, #tpu.memory_space<vmem>>) semaphore(%arg24 : memref<!tpu.dma_semaphore, #tpu.memory_space<semaphore_mem>>)
      %dma_start3A_317 = arith.constant 0 : i32
      %dma_start3A_318 = arith.constant 0 : i32
      %dma_start3A_319 = tpu.memref_slice %arg4[%dma_start3A_317, %dma_start3A_318] : memref<10000x128xbf16, #tpu.memory_space<hbm>> -> memref<10000x128xbf16, #tpu.memory_space<hbm>>
      tpu.enqueue_indirect_dma source(%dma_start3A_319 : memref<10000x128xbf16, #tpu.memory_space<hbm>>) target(%arg18 : memref<48x128xbf16, #tpu.memory_space<vmem>>) offsets(%arg9 : memref<48xi32, #tpu.memory_space<vmem>>) semaphore(%arg25 : memref<!tpu.dma_semaphore, #tpu.memory_space<semaphore_mem>>)
      %add3A_320 = arith.constant 3 : i32
      %add3A_321 = arith.addi %mul3A_226, %add3A_320 : i32
      %mul3A_322 = arith.constant 48 : i32
      %mul3A_323 = arith.muli %add3A_321, %mul3A_322 : i32
      %add3A_324 = arith.addi %mul3A_53, %mul3A_323 : i32
      %dma_start3A_325 = tpu.memref_slice %arg2[%add3A_324] : memref<320000xi32, #tpu.memory_space<hbm>> -> memref<48xi32, #tpu.memory_space<hbm>>
      %dma_start3A_326 = tpu.memref_slice %arg2[%add3A_324] : memref<320000xi32, #tpu.memory_space<hbm>> -> memref<48xi32, #tpu.memory_space<hbm>>
      tpu.enqueue_dma source(%dma_start3A_326 : memref<48xi32, #tpu.memory_space<hbm>>) target(%arg10 : memref<48xi32, #tpu.memory_space<vmem>>) target_semaphore(%arg30 : memref<!tpu.dma_semaphore, #tpu.memory_space<semaphore_mem>>)
      %dma_start3A_327 = tpu.memref_slice %arg3[%add3A_324] : memref<320000xi32, #tpu.memory_space<hbm>> -> memref<48xi32, #tpu.memory_space<hbm>>
      %dma_start3A_328 = tpu.memref_slice %arg3[%add3A_324] : memref<320000xi32, #tpu.memory_space<hbm>> -> memref<48xi32, #tpu.memory_space<hbm>>
      tpu.enqueue_dma source(%dma_start3A_328 : memref<48xi32, #tpu.memory_space<hbm>>) target(%arg11 : memref<48xi32, #tpu.memory_space<vmem>>) target_semaphore(%arg31 : memref<!tpu.dma_semaphore, #tpu.memory_space<semaphore_mem>>)
    }
    %scan3A_110 = arith.constant 103 : i32
    %dma_wait3A_111 = arith.constant 0 : i32
    %dma_wait3A_112 = arith.constant 0 : i32
    %dma_wait3A_113 = tpu.memref_slice %arg5[%dma_wait3A_111, %dma_wait3A_112] : memref<10000x144xf32, #tpu.memory_space<hbm>> -> memref<10000x144xf32, #tpu.memory_space<hbm>>
    tpu.wait_indirect_dma semaphore(%arg24 : memref<!tpu.dma_semaphore, #tpu.memory_space<semaphore_mem>>) src(%dma_wait3A_113 : memref<10000x144xf32, #tpu.memory_space<hbm>>) dst(%arg16 : memref<48x144xf32, #tpu.memory_space<vmem>>)
    %dma_wait3A_114 = arith.constant 0 : i32
    %dma_wait3A_115 = arith.constant 0 : i32
    %dma_wait3A_116 = tpu.memref_slice %arg4[%dma_wait3A_114, %dma_wait3A_115] : memref<10000x128xbf16, #tpu.memory_space<hbm>> -> memref<10000x128xbf16, #tpu.memory_space<hbm>>
    tpu.wait_indirect_dma semaphore(%arg25 : memref<!tpu.dma_semaphore, #tpu.memory_space<semaphore_mem>>) src(%dma_wait3A_116 : memref<10000x128xbf16, #tpu.memory_space<hbm>>) dst(%arg18 : memref<48x128xbf16, #tpu.memory_space<vmem>>)
    %add3A_117 = arith.constant 9936 : i32
    %add3A_118 = arith.addi %mul3A_53, %add3A_117 : i32
    %dma_wait3A_119 = tpu.memref_slice %arg2[%add3A_118] : memref<320000xi32, #tpu.memory_space<hbm>> -> memref<48xi32, #tpu.memory_space<hbm>>
    %dma_wait3A_120 = tpu.memref_slice %arg2[%add3A_118] : memref<320000xi32, #tpu.memory_space<hbm>> -> memref<48xi32, #tpu.memory_space<hbm>>
    tpu.wait_dma2 semaphore(%arg30 : memref<!tpu.dma_semaphore, #tpu.memory_space<semaphore_mem>>) src(%dma_wait3A_120 : memref<48xi32, #tpu.memory_space<hbm>>) dst(%arg10 : memref<48xi32, #tpu.memory_space<vmem>>)
    %dma_wait3A_121 = tpu.memref_slice %arg3[%add3A_118] : memref<320000xi32, #tpu.memory_space<hbm>> -> memref<48xi32, #tpu.memory_space<hbm>>
    %dma_wait3A_122 = tpu.memref_slice %arg3[%add3A_118] : memref<320000xi32, #tpu.memory_space<hbm>> -> memref<48xi32, #tpu.memory_space<hbm>>
    tpu.wait_dma2 semaphore(%arg31 : memref<!tpu.dma_semaphore, #tpu.memory_space<semaphore_mem>>) src(%dma_wait3A_122 : memref<48xi32, #tpu.memory_space<hbm>>) dst(%arg11 : memref<48xi32, #tpu.memory_space<vmem>>)
    %dma_start3A_123 = arith.constant 0 : i32
    %dma_start3A_124 = arith.constant 0 : i32
    %dma_start3A_125 = tpu.memref_slice %arg5[%dma_start3A_123, %dma_start3A_124] : memref<10000x144xf32, #tpu.memory_space<hbm>> -> memref<10000x144xf32, #tpu.memory_space<hbm>>
    tpu.enqueue_indirect_dma source(%dma_start3A_125 : memref<10000x144xf32, #tpu.memory_space<hbm>>) target(%arg17 : memref<48x144xf32, #tpu.memory_space<vmem>>) offsets(%arg10 : memref<48xi32, #tpu.memory_space<vmem>>) semaphore(%arg26 : memref<!tpu.dma_semaphore, #tpu.memory_space<semaphore_mem>>)
    %dma_start3A_126 = arith.constant 0 : i32
    %dma_start3A_127 = arith.constant 0 : i32
    %dma_start3A_128 = tpu.memref_slice %arg4[%dma_start3A_126, %dma_start3A_127] : memref<10000x128xbf16, #tpu.memory_space<hbm>> -> memref<10000x128xbf16, #tpu.memory_space<hbm>>
    tpu.enqueue_indirect_dma source(%dma_start3A_128 : memref<10000x128xbf16, #tpu.memory_space<hbm>>) target(%arg19 : memref<48x128xbf16, #tpu.memory_space<vmem>>) offsets(%arg11 : memref<48xi32, #tpu.memory_space<vmem>>) semaphore(%arg27 : memref<!tpu.dma_semaphore, #tpu.memory_space<semaphore_mem>>)
    %dma_wait3A_129 = arith.constant 0 : i32
    %dma_wait3A_130 = arith.constant 0 : i32
    %dma_wait3A_131 = tpu.memref_slice %arg23[%dma_wait3A_129, %dma_wait3A_130] : memref<10000x144xf32, #tpu.memory_space<vmem_shared>> -> memref<10000x144xf32, #tpu.memory_space<vmem_shared>>
    tpu.wait_indirect_dma semaphore(%arg32 : memref<!tpu.dma_semaphore, #tpu.memory_space<semaphore_mem>>) src(%arg20 : memref<48x144xf32, #tpu.memory_space<vmem>>) dst(%dma_wait3A_131 : memref<10000x144xf32, #tpu.memory_space<vmem_shared>>)
    %parallel_loop3A = arith.constant 0 : i32
    %parallel_loop3A_132 = arith.constant 48 : i32
    %parallel_loop3A_133 = arith.constant 1 : i32
    scf.for %parallel_loop3A_224 = %parallel_loop3A to %parallel_loop3A_132 step %parallel_loop3A_133  : i32 {
      %parallel_loop3A_225 = arith.index_cast %parallel_loop3A_224 : i32 to index
      %parallel_loop3A_226 = arith.constant 0 : index
      %parallel_loop3A_227 = tpu.vector_load %arg16[%parallel_loop3A_225, %parallel_loop3A_226] {strides = array<i32>} : memref<48x144xf32, #tpu.memory_space<vmem>>, vector<16xf32>,
      %parallel_loop3A_228 = arith.index_cast %parallel_loop3A_224 : i32 to index
      %parallel_loop3A_229 = arith.constant 16 : index
      %parallel_loop3A_230 = tpu.vector_load %arg16[%parallel_loop3A_228, %parallel_loop3A_229] {strides = array<i32>} : memref<48x144xf32, #tpu.memory_space<vmem>>, vector<16xf32>,
      %parallel_loop3A_231 = arith.index_cast %parallel_loop3A_224 : i32 to index
      %parallel_loop3A_232 = arith.constant 32 : index
      %parallel_loop3A_233 = tpu.vector_load %arg16[%parallel_loop3A_231, %parallel_loop3A_232] {strides = array<i32>} : memref<48x144xf32, #tpu.memory_space<vmem>>, vector<16xf32>,
      %parallel_loop3A_234 = arith.index_cast %parallel_loop3A_224 : i32 to index
      %parallel_loop3A_235 = arith.constant 48 : index
      %parallel_loop3A_236 = tpu.vector_load %arg16[%parallel_loop3A_234, %parallel_loop3A_235] {strides = array<i32>} : memref<48x144xf32, #tpu.memory_space<vmem>>, vector<16xf32>,
      %parallel_loop3A_237 = arith.index_cast %parallel_loop3A_224 : i32 to index
      %parallel_loop3A_238 = arith.constant 64 : index
      %parallel_loop3A_239 = tpu.vector_load %arg16[%parallel_loop3A_237, %parallel_loop3A_238] {strides = array<i32>} : memref<48x144xf32, #tpu.memory_space<vmem>>, vector<16xf32>,
      %parallel_loop3A_240 = arith.index_cast %parallel_loop3A_224 : i32 to index
      %parallel_loop3A_241 = arith.constant 80 : index
      %parallel_loop3A_242 = tpu.vector_load %arg16[%parallel_loop3A_240, %parallel_loop3A_241] {strides = array<i32>} : memref<48x144xf32, #tpu.memory_space<vmem>>, vector<16xf32>,
      %parallel_loop3A_243 = arith.index_cast %parallel_loop3A_224 : i32 to index
      %parallel_loop3A_244 = arith.constant 96 : index
      %parallel_loop3A_245 = tpu.vector_load %arg16[%parallel_loop3A_243, %parallel_loop3A_244] {strides = array<i32>} : memref<48x144xf32, #tpu.memory_space<vmem>>, vector<16xf32>,
      %parallel_loop3A_246 = arith.index_cast %parallel_loop3A_224 : i32 to index
      %parallel_loop3A_247 = arith.constant 112 : index
      %parallel_loop3A_248 = tpu.vector_load %arg16[%parallel_loop3A_246, %parallel_loop3A_247] {strides = array<i32>} : memref<48x144xf32, #tpu.memory_space<vmem>>, vector<16xf32>,
      %parallel_loop3A_249 = arith.index_cast %parallel_loop3A_224 : i32 to index
      %parallel_loop3A_250 = arith.constant 0 : index
      %parallel_loop3A_251 = tpu.vector_load %arg18[%parallel_loop3A_249, %parallel_loop3A_250] {strides = array<i32>} : memref<48x128xbf16, #tpu.memory_space<vmem>>, vector<32xbf16>,
      %parallel_loop3A_252 = tpu.unpack_subelements %parallel_loop3A_251, 0 {pack_format = #tpu.pack_format<interleaved>} : vector<32xbf16> -> vector<16xf32>
      %parallel_loop3A_253 = tpu.unpack_subelements %parallel_loop3A_251, 1 {pack_format = #tpu.pack_format<interleaved>} : vector<32xbf16> -> vector<16xf32>
      %parallel_loop3A_254 = arith.index_cast %parallel_loop3A_224 : i32 to index
      %parallel_loop3A_255 = arith.constant 32 : index
      %parallel_loop3A_256 = tpu.vector_load %arg18[%parallel_loop3A_254, %parallel_loop3A_255] {strides = array<i32>} : memref<48x128xbf16, #tpu.memory_space<vmem>>, vector<32xbf16>,
      %parallel_loop3A_257 = tpu.unpack_subelements %parallel_loop3A_256, 0 {pack_format = #tpu.pack_format<interleaved>} : vector<32xbf16> -> vector<16xf32>
      %parallel_loop3A_258 = tpu.unpack_subelements %parallel_loop3A_256, 1 {pack_format = #tpu.pack_format<interleaved>} : vector<32xbf16> -> vector<16xf32>
      %parallel_loop3A_259 = arith.index_cast %parallel_loop3A_224 : i32 to index
      %parallel_loop3A_260 = arith.constant 64 : index
      %parallel_loop3A_261 = tpu.vector_load %arg18[%parallel_loop3A_259, %parallel_loop3A_260] {strides = array<i32>} : memref<48x128xbf16, #tpu.memory_space<vmem>>, vector<32xbf16>,
      %parallel_loop3A_262 = tpu.unpack_subelements %parallel_loop3A_261, 0 {pack_format = #tpu.pack_format<interleaved>} : vector<32xbf16> -> vector<16xf32>
      %parallel_loop3A_263 = tpu.unpack_subelements %parallel_loop3A_261, 1 {pack_format = #tpu.pack_format<interleaved>} : vector<32xbf16> -> vector<16xf32>
      %parallel_loop3A_264 = arith.index_cast %parallel_loop3A_224 : i32 to index
      %parallel_loop3A_265 = arith.constant 96 : index
      %parallel_loop3A_266 = tpu.vector_load %arg18[%parallel_loop3A_264, %parallel_loop3A_265] {strides = array<i32>} : memref<48x128xbf16, #tpu.memory_space<vmem>>, vector<32xbf16>,
      %parallel_loop3A_267 = tpu.unpack_subelements %parallel_loop3A_266, 0 {pack_format = #tpu.pack_format<interleaved>} : vector<32xbf16> -> vector<16xf32>
      %parallel_loop3A_268 = tpu.unpack_subelements %parallel_loop3A_266, 1 {pack_format = #tpu.pack_format<interleaved>} : vector<32xbf16> -> vector<16xf32>
      %parallel_loop3A_269 = arith.index_cast %parallel_loop3A_224 : i32 to index
      %parallel_loop3A_270 = arith.constant 128 : index
      %parallel_loop3A_271 = tpu.vector_load %arg16[%parallel_loop3A_269, %parallel_loop3A_270] {strides = array<i32>} : memref<48x144xf32, #tpu.memory_space<vmem>>, vector<16xf32>,
      %parallel_loop3A_272 = arith.mulf %parallel_loop3A_227, %parallel_loop3A_252 : vector<16xf32>
      %parallel_loop3A_273 = arith.mulf %parallel_loop3A_230, %parallel_loop3A_253 : vector<16xf32>
      %parallel_loop3A_274 = arith.addf %parallel_loop3A_272, %parallel_loop3A_273 : vector<16xf32>
      %parallel_loop3A_275 = arith.mulf %parallel_loop3A_233, %parallel_loop3A_257 : vector<16xf32>
      %parallel_loop3A_276 = arith.mulf %parallel_loop3A_236, %parallel_loop3A_258 : vector<16xf32>
      %parallel_loop3A_277 = arith.addf %parallel_loop3A_275, %parallel_loop3A_276 : vector<16xf32>
      %parallel_loop3A_278 = arith.mulf %parallel_loop3A_239, %parallel_loop3A_262 : vector<16xf32>
      %parallel_loop3A_279 = arith.mulf %parallel_loop3A_242, %parallel_loop3A_263 : vector<16xf32>
      %parallel_loop3A_280 = arith.addf %parallel_loop3A_278, %parallel_loop3A_279 : vector<16xf32>
      %parallel_loop3A_281 = arith.mulf %parallel_loop3A_245, %parallel_loop3A_267 : vector<16xf32>
      %parallel_loop3A_282 = arith.mulf %parallel_loop3A_248, %parallel_loop3A_268 : vector<16xf32>
      %parallel_loop3A_283 = arith.addf %parallel_loop3A_281, %parallel_loop3A_282 : vector<16xf32>
      %parallel_loop3A_284 = arith.addf %parallel_loop3A_274, %parallel_loop3A_277 : vector<16xf32>
      %parallel_loop3A_285 = arith.addf %parallel_loop3A_280, %parallel_loop3A_283 : vector<16xf32>
      %parallel_loop3A_286 = arith.addf %parallel_loop3A_284, %parallel_loop3A_285 : vector<16xf32>
      %parallel_loop3A_287 = arith.constant true
      %parallel_loop3A_288 = vector.broadcast %parallel_loop3A_287 : i1 to vector<16xi1>
      %parallel_loop3A_289 = tpu.scan <sum>, %parallel_loop3A_286 masked %parallel_loop3A_288 : vector<16xf32>, vector<16xi1> -> vector<16xf32>
      %parallel_loop3A_290 = vector.extract %parallel_loop3A_289[15] : f32 from vector<16xf32>
      %parallel_loop3A_291 = vector.broadcast %parallel_loop3A_290 : f32 to vector<16xf32>
      %parallel_loop3A_292 = vector.broadcast %squeeze3A : f32 to vector<16xf32>
      %parallel_loop3A_293 = arith.mulf %parallel_loop3A_292, %parallel_loop3A_291 : vector<16xf32>
      %parallel_loop3A_294 = vector.broadcast %squeeze3A_45 : f32 to vector<16xf32>
      %parallel_loop3A_295 = arith.subf %parallel_loop3A_293, %parallel_loop3A_294 : vector<16xf32>
      %parallel_loop3A_296 = math.exp %parallel_loop3A_295 : vector<16xf32>
      %parallel_loop3A_297 = vector.extract_strided_slice %parallel_loop3A_271 {offsets = [0], sizes = [1], strides = [1]} : vector<16xf32> to vector<1xf32>
      %parallel_loop3A_298 = vector.extract %parallel_loop3A_297[0] : f32 from vector<1xf32>
      %parallel_loop3A_299 = vector.broadcast %parallel_loop3A_298 : f32 to vector<16xf32>
      %parallel_loop3A_300 = arith.mulf %parallel_loop3A_296, %parallel_loop3A_299 : vector<16xf32>
      %parallel_loop3A_301 = arith.mulf %parallel_loop3A_227, %parallel_loop3A_300 : vector<16xf32>
      %parallel_loop3A_302 = arith.index_cast %parallel_loop3A_224 : i32 to index
      %parallel_loop3A_303 = arith.constant 0 : index
      %parallel_loop3A_304 = tpu.vector_load %arg20[%parallel_loop3A_302, %parallel_loop3A_303] {strides = array<i32>} : memref<48x144xf32, #tpu.memory_space<vmem>>, vector<16xf32>,
      tpu.vector_store %arg20[%parallel_loop3A_302, %parallel_loop3A_303], %parallel_loop3A_301 {strides = array<i32>} : memref<48x144xf32, #tpu.memory_space<vmem>>, vector<16xf32>,
      %parallel_loop3A_305 = arith.mulf %parallel_loop3A_230, %parallel_loop3A_300 : vector<16xf32>
      %parallel_loop3A_306 = arith.index_cast %parallel_loop3A_224 : i32 to index
      %parallel_loop3A_307 = arith.constant 16 : index
      %parallel_loop3A_308 = tpu.vector_load %arg20[%parallel_loop3A_306, %parallel_loop3A_307] {strides = array<i32>} : memref<48x144xf32, #tpu.memory_space<vmem>>, vector<16xf32>,
      tpu.vector_store %arg20[%parallel_loop3A_306, %parallel_loop3A_307], %parallel_loop3A_305 {strides = array<i32>} : memref<48x144xf32, #tpu.memory_space<vmem>>, vector<16xf32>,
      %parallel_loop3A_309 = arith.mulf %parallel_loop3A_233, %parallel_loop3A_300 : vector<16xf32>
      %parallel_loop3A_310 = arith.index_cast %parallel_loop3A_224 : i32 to index
      %parallel_loop3A_311 = arith.constant 32 : index
      %parallel_loop3A_312 = tpu.vector_load %arg20[%parallel_loop3A_310, %parallel_loop3A_311] {strides = array<i32>} : memref<48x144xf32, #tpu.memory_space<vmem>>, vector<16xf32>,
      tpu.vector_store %arg20[%parallel_loop3A_310, %parallel_loop3A_311], %parallel_loop3A_309 {strides = array<i32>} : memref<48x144xf32, #tpu.memory_space<vmem>>, vector<16xf32>,
      %parallel_loop3A_313 = arith.mulf %parallel_loop3A_236, %parallel_loop3A_300 : vector<16xf32>
      %parallel_loop3A_314 = arith.index_cast %parallel_loop3A_224 : i32 to index
      %parallel_loop3A_315 = arith.constant 48 : index
      %parallel_loop3A_316 = tpu.vector_load %arg20[%parallel_loop3A_314, %parallel_loop3A_315] {strides = array<i32>} : memref<48x144xf32, #tpu.memory_space<vmem>>, vector<16xf32>,
      tpu.vector_store %arg20[%parallel_loop3A_314, %parallel_loop3A_315], %parallel_loop3A_313 {strides = array<i32>} : memref<48x144xf32, #tpu.memory_space<vmem>>, vector<16xf32>,
      %parallel_loop3A_317 = arith.mulf %parallel_loop3A_239, %parallel_loop3A_300 : vector<16xf32>
      %parallel_loop3A_318 = arith.index_cast %parallel_loop3A_224 : i32 to index
      %parallel_loop3A_319 = arith.constant 64 : index
      %parallel_loop3A_320 = tpu.vector_load %arg20[%parallel_loop3A_318, %parallel_loop3A_319] {strides = array<i32>} : memref<48x144xf32, #tpu.memory_space<vmem>>, vector<16xf32>,
      tpu.vector_store %arg20[%parallel_loop3A_318, %parallel_loop3A_319], %parallel_loop3A_317 {strides = array<i32>} : memref<48x144xf32, #tpu.memory_space<vmem>>, vector<16xf32>,
      %parallel_loop3A_321 = arith.mulf %parallel_loop3A_242, %parallel_loop3A_300 : vector<16xf32>
      %parallel_loop3A_322 = arith.index_cast %parallel_loop3A_224 : i32 to index
      %parallel_loop3A_323 = arith.constant 80 : index
      %parallel_loop3A_324 = tpu.vector_load %arg20[%parallel_loop3A_322, %parallel_loop3A_323] {strides = array<i32>} : memref<48x144xf32, #tpu.memory_space<vmem>>, vector<16xf32>,
      tpu.vector_store %arg20[%parallel_loop3A_322, %parallel_loop3A_323], %parallel_loop3A_321 {strides = array<i32>} : memref<48x144xf32, #tpu.memory_space<vmem>>, vector<16xf32>,
      %parallel_loop3A_325 = arith.mulf %parallel_loop3A_245, %parallel_loop3A_300 : vector<16xf32>
      %parallel_loop3A_326 = arith.index_cast %parallel_loop3A_224 : i32 to index
      %parallel_loop3A_327 = arith.constant 96 : index
      %parallel_loop3A_328 = tpu.vector_load %arg20[%parallel_loop3A_326, %parallel_loop3A_327] {strides = array<i32>} : memref<48x144xf32, #tpu.memory_space<vmem>>, vector<16xf32>,
      tpu.vector_store %arg20[%parallel_loop3A_326, %parallel_loop3A_327], %parallel_loop3A_325 {strides = array<i32>} : memref<48x144xf32, #tpu.memory_space<vmem>>, vector<16xf32>,
      %parallel_loop3A_329 = arith.mulf %parallel_loop3A_248, %parallel_loop3A_300 : vector<16xf32>
      %parallel_loop3A_330 = arith.index_cast %parallel_loop3A_224 : i32 to index
      %parallel_loop3A_331 = arith.constant 112 : index
      %parallel_loop3A_332 = tpu.vector_load %arg20[%parallel_loop3A_330, %parallel_loop3A_331] {strides = array<i32>} : memref<48x144xf32, #tpu.memory_space<vmem>>, vector<16xf32>,
      tpu.vector_store %arg20[%parallel_loop3A_330, %parallel_loop3A_331], %parallel_loop3A_329 {strides = array<i32>} : memref<48x144xf32, #tpu.memory_space<vmem>>, vector<16xf32>,
      %parallel_loop3A_333 = arith.mulf %parallel_loop3A_296, %select_n3A : vector<16xf32>
      %parallel_loop3A_334 = arith.index_cast %parallel_loop3A_224 : i32 to index
      %parallel_loop3A_335 = arith.constant 128 : index
      %parallel_loop3A_336 = tpu.vector_load %arg20[%parallel_loop3A_334, %parallel_loop3A_335] {strides = array<i32>} : memref<48x144xf32, #tpu.memory_space<vmem>>, vector<16xf32>,
      tpu.vector_store %arg20[%parallel_loop3A_334, %parallel_loop3A_335], %parallel_loop3A_333 {strides = array<i32>} : memref<48x144xf32, #tpu.memory_space<vmem>>, vector<16xf32>,
    } {sc.loop_unroll_factor = 2 : i64, sc.parallel_access}
    %get3A_134 = arith.constant 0 : index
    %get3A_135 = tpu.vector_load %arg9[%get3A_134] {strides = array<i32>} : memref<48xi32, #tpu.memory_space<vmem>>, vector<16xi32>,
    %swap3A_136 = arith.constant 0 : index
    %swap3A_137 = tpu.vector_load %arg12[%swap3A_136] {strides = array<i32>} : memref<48xi32, #tpu.memory_space<vmem>>, vector<16xi32>,
    tpu.vector_store %arg12[%swap3A_136], %get3A_135 {strides = array<i32>} : memref<48xi32, #tpu.memory_space<vmem>>, vector<16xi32>,
    %get3A_138 = arith.constant 16 : index
    %get3A_139 = tpu.vector_load %arg9[%get3A_138] {strides = array<i32>} : memref<48xi32, #tpu.memory_space<vmem>>, vector<16xi32>,
    %swap3A_140 = arith.constant 16 : index
    %swap3A_141 = tpu.vector_load %arg12[%swap3A_140] {strides = array<i32>} : memref<48xi32, #tpu.memory_space<vmem>>, vector<16xi32>,
    tpu.vector_store %arg12[%swap3A_140], %get3A_139 {strides = array<i32>} : memref<48xi32, #tpu.memory_space<vmem>>, vector<16xi32>,
    %get3A_142 = arith.constant 32 : index
    %get3A_143 = tpu.vector_load %arg9[%get3A_142] {strides = array<i32>} : memref<48xi32, #tpu.memory_space<vmem>>, vector<16xi32>,
    %swap3A_144 = arith.constant 32 : index
    %swap3A_145 = tpu.vector_load %arg12[%swap3A_144] {strides = array<i32>} : memref<48xi32, #tpu.memory_space<vmem>>, vector<16xi32>,
    tpu.vector_store %arg12[%swap3A_144], %get3A_143 {strides = array<i32>} : memref<48xi32, #tpu.memory_space<vmem>>, vector<16xi32>,
    %dma_start3A_146 = arith.constant 0 : i32
    %dma_start3A_147 = arith.constant 0 : i32
    %dma_start3A_148 = tpu.memref_slice %arg23[%dma_start3A_146, %dma_start3A_147] : memref<10000x144xf32, #tpu.memory_space<vmem_shared>> -> memref<10000x144xf32, #tpu.memory_space<vmem_shared>>
    tpu.enqueue_indirect_dma source(%arg20 : memref<48x144xf32, #tpu.memory_space<vmem>>) target(%dma_start3A_148 : memref<10000x144xf32, #tpu.memory_space<vmem_shared>>) offsets(%arg12 : memref<48xi32, #tpu.memory_space<vmem>>) semaphore(%arg32 : memref<!tpu.dma_semaphore, #tpu.memory_space<semaphore_mem>>) {add = true}
    %dma_wait3A_149 = arith.constant 0 : i32
    %dma_wait3A_150 = arith.constant 0 : i32
    %dma_wait3A_151 = tpu.memref_slice %arg5[%dma_wait3A_149, %dma_wait3A_150] : memref<10000x144xf32, #tpu.memory_space<hbm>> -> memref<10000x144xf32, #tpu.memory_space<hbm>>
    tpu.wait_indirect_dma semaphore(%arg26 : memref<!tpu.dma_semaphore, #tpu.memory_space<semaphore_mem>>) src(%dma_wait3A_151 : memref<10000x144xf32, #tpu.memory_space<hbm>>) dst(%arg17 : memref<48x144xf32, #tpu.memory_space<vmem>>)
    %dma_wait3A_152 = arith.constant 0 : i32
    %dma_wait3A_153 = arith.constant 0 : i32
    %dma_wait3A_154 = tpu.memref_slice %arg4[%dma_wait3A_152, %dma_wait3A_153] : memref<10000x128xbf16, #tpu.memory_space<hbm>> -> memref<10000x128xbf16, #tpu.memory_space<hbm>>
    tpu.wait_indirect_dma semaphore(%arg27 : memref<!tpu.dma_semaphore, #tpu.memory_space<semaphore_mem>>) src(%dma_wait3A_154 : memref<10000x128xbf16, #tpu.memory_space<hbm>>) dst(%arg19 : memref<48x128xbf16, #tpu.memory_space<vmem>>)
    %dma_wait3A_155 = arith.constant 0 : i32
    %dma_wait3A_156 = arith.constant 0 : i32
    %dma_wait3A_157 = tpu.memref_slice %arg23[%dma_wait3A_155, %dma_wait3A_156] : memref<10000x144xf32, #tpu.memory_space<vmem_shared>> -> memref<10000x144xf32, #tpu.memory_space<vmem_shared>>
    tpu.wait_indirect_dma semaphore(%arg33 : memref<!tpu.dma_semaphore, #tpu.memory_space<semaphore_mem>>) src(%arg21 : memref<48x144xf32, #tpu.memory_space<vmem>>) dst(%dma_wait3A_157 : memref<10000x144xf32, #tpu.memory_space<vmem_shared>>)
    %parallel_loop3A_158 = arith.constant 0 : i32
    %parallel_loop3A_159 = arith.constant 48 : i32
    %parallel_loop3A_160 = arith.constant 1 : i32
    scf.for %parallel_loop3A_224 = %parallel_loop3A_158 to %parallel_loop3A_159 step %parallel_loop3A_160  : i32 {
      %parallel_loop3A_225 = arith.index_cast %parallel_loop3A_224 : i32 to index
      %parallel_loop3A_226 = arith.constant 0 : index
      %parallel_loop3A_227 = tpu.vector_load %arg17[%parallel_loop3A_225, %parallel_loop3A_226] {strides = array<i32>} : memref<48x144xf32, #tpu.memory_space<vmem>>, vector<16xf32>,
      %parallel_loop3A_228 = arith.index_cast %parallel_loop3A_224 : i32 to index
      %parallel_loop3A_229 = arith.constant 16 : index
      %parallel_loop3A_230 = tpu.vector_load %arg17[%parallel_loop3A_228, %parallel_loop3A_229] {strides = array<i32>} : memref<48x144xf32, #tpu.memory_space<vmem>>, vector<16xf32>,
      %parallel_loop3A_231 = arith.index_cast %parallel_loop3A_224 : i32 to index
      %parallel_loop3A_232 = arith.constant 32 : index
      %parallel_loop3A_233 = tpu.vector_load %arg17[%parallel_loop3A_231, %parallel_loop3A_232] {strides = array<i32>} : memref<48x144xf32, #tpu.memory_space<vmem>>, vector<16xf32>,
      %parallel_loop3A_234 = arith.index_cast %parallel_loop3A_224 : i32 to index
      %parallel_loop3A_235 = arith.constant 48 : index
      %parallel_loop3A_236 = tpu.vector_load %arg17[%parallel_loop3A_234, %parallel_loop3A_235] {strides = array<i32>} : memref<48x144xf32, #tpu.memory_space<vmem>>, vector<16xf32>,
      %parallel_loop3A_237 = arith.index_cast %parallel_loop3A_224 : i32 to index
      %parallel_loop3A_238 = arith.constant 64 : index
      %parallel_loop3A_239 = tpu.vector_load %arg17[%parallel_loop3A_237, %parallel_loop3A_238] {strides = array<i32>} : memref<48x144xf32, #tpu.memory_space<vmem>>, vector<16xf32>,
      %parallel_loop3A_240 = arith.index_cast %parallel_loop3A_224 : i32 to index
      %parallel_loop3A_241 = arith.constant 80 : index
      %parallel_loop3A_242 = tpu.vector_load %arg17[%parallel_loop3A_240, %parallel_loop3A_241] {strides = array<i32>} : memref<48x144xf32, #tpu.memory_space<vmem>>, vector<16xf32>,
      %parallel_loop3A_243 = arith.index_cast %parallel_loop3A_224 : i32 to index
      %parallel_loop3A_244 = arith.constant 96 : index
      %parallel_loop3A_245 = tpu.vector_load %arg17[%parallel_loop3A_243, %parallel_loop3A_244] {strides = array<i32>} : memref<48x144xf32, #tpu.memory_space<vmem>>, vector<16xf32>,
      %parallel_loop3A_246 = arith.index_cast %parallel_loop3A_224 : i32 to index
      %parallel_loop3A_247 = arith.constant 112 : index
      %parallel_loop3A_248 = tpu.vector_load %arg17[%parallel_loop3A_246, %parallel_loop3A_247] {strides = array<i32>} : memref<48x144xf32, #tpu.memory_space<vmem>>, vector<16xf32>,
      %parallel_loop3A_249 = arith.index_cast %parallel_loop3A_224 : i32 to index
      %parallel_loop3A_250 = arith.constant 0 : index
      %parallel_loop3A_251 = tpu.vector_load %arg19[%parallel_loop3A_249, %parallel_loop3A_250] {strides = array<i32>} : memref<48x128xbf16, #tpu.memory_space<vmem>>, vector<32xbf16>,
      %parallel_loop3A_252 = tpu.unpack_subelements %parallel_loop3A_251, 0 {pack_format = #tpu.pack_format<interleaved>} : vector<32xbf16> -> vector<16xf32>
      %parallel_loop3A_253 = tpu.unpack_subelements %parallel_loop3A_251, 1 {pack_format = #tpu.pack_format<interleaved>} : vector<32xbf16> -> vector<16xf32>
      %parallel_loop3A_254 = arith.index_cast %parallel_loop3A_224 : i32 to index
      %parallel_loop3A_255 = arith.constant 32 : index
      %parallel_loop3A_256 = tpu.vector_load %arg19[%parallel_loop3A_254, %parallel_loop3A_255] {strides = array<i32>} : memref<48x128xbf16, #tpu.memory_space<vmem>>, vector<32xbf16>,
      %parallel_loop3A_257 = tpu.unpack_subelements %parallel_loop3A_256, 0 {pack_format = #tpu.pack_format<interleaved>} : vector<32xbf16> -> vector<16xf32>
      %parallel_loop3A_258 = tpu.unpack_subelements %parallel_loop3A_256, 1 {pack_format = #tpu.pack_format<interleaved>} : vector<32xbf16> -> vector<16xf32>
      %parallel_loop3A_259 = arith.index_cast %parallel_loop3A_224 : i32 to index
      %parallel_loop3A_260 = arith.constant 64 : index
      %parallel_loop3A_261 = tpu.vector_load %arg19[%parallel_loop3A_259, %parallel_loop3A_260] {strides = array<i32>} : memref<48x128xbf16, #tpu.memory_space<vmem>>, vector<32xbf16>,
      %parallel_loop3A_262 = tpu.unpack_subelements %parallel_loop3A_261, 0 {pack_format = #tpu.pack_format<interleaved>} : vector<32xbf16> -> vector<16xf32>
      %parallel_loop3A_263 = tpu.unpack_subelements %parallel_loop3A_261, 1 {pack_format = #tpu.pack_format<interleaved>} : vector<32xbf16> -> vector<16xf32>
      %parallel_loop3A_264 = arith.index_cast %parallel_loop3A_224 : i32 to index
      %parallel_loop3A_265 = arith.constant 96 : index
      %parallel_loop3A_266 = tpu.vector_load %arg19[%parallel_loop3A_264, %parallel_loop3A_265] {strides = array<i32>} : memref<48x128xbf16, #tpu.memory_space<vmem>>, vector<32xbf16>,
      %parallel_loop3A_267 = tpu.unpack_subelements %parallel_loop3A_266, 0 {pack_format = #tpu.pack_format<interleaved>} : vector<32xbf16> -> vector<16xf32>
      %parallel_loop3A_268 = tpu.unpack_subelements %parallel_loop3A_266, 1 {pack_format = #tpu.pack_format<interleaved>} : vector<32xbf16> -> vector<16xf32>
      %parallel_loop3A_269 = arith.index_cast %parallel_loop3A_224 : i32 to index
      %parallel_loop3A_270 = arith.constant 128 : index
      %parallel_loop3A_271 = tpu.vector_load %arg17[%parallel_loop3A_269, %parallel_loop3A_270] {strides = array<i32>} : memref<48x144xf32, #tpu.memory_space<vmem>>, vector<16xf32>,
      %parallel_loop3A_272 = arith.mulf %parallel_loop3A_227, %parallel_loop3A_252 : vector<16xf32>
      %parallel_loop3A_273 = arith.mulf %parallel_loop3A_230, %parallel_loop3A_253 : vector<16xf32>
      %parallel_loop3A_274 = arith.addf %parallel_loop3A_272, %parallel_loop3A_273 : vector<16xf32>
      %parallel_loop3A_275 = arith.mulf %parallel_loop3A_233, %parallel_loop3A_257 : vector<16xf32>
      %parallel_loop3A_276 = arith.mulf %parallel_loop3A_236, %parallel_loop3A_258 : vector<16xf32>
      %parallel_loop3A_277 = arith.addf %parallel_loop3A_275, %parallel_loop3A_276 : vector<16xf32>
      %parallel_loop3A_278 = arith.mulf %parallel_loop3A_239, %parallel_loop3A_262 : vector<16xf32>
      %parallel_loop3A_279 = arith.mulf %parallel_loop3A_242, %parallel_loop3A_263 : vector<16xf32>
      %parallel_loop3A_280 = arith.addf %parallel_loop3A_278, %parallel_loop3A_279 : vector<16xf32>
      %parallel_loop3A_281 = arith.mulf %parallel_loop3A_245, %parallel_loop3A_267 : vector<16xf32>
      %parallel_loop3A_282 = arith.mulf %parallel_loop3A_248, %parallel_loop3A_268 : vector<16xf32>
      %parallel_loop3A_283 = arith.addf %parallel_loop3A_281, %parallel_loop3A_282 : vector<16xf32>
      %parallel_loop3A_284 = arith.addf %parallel_loop3A_274, %parallel_loop3A_277 : vector<16xf32>
      %parallel_loop3A_285 = arith.addf %parallel_loop3A_280, %parallel_loop3A_283 : vector<16xf32>
      %parallel_loop3A_286 = arith.addf %parallel_loop3A_284, %parallel_loop3A_285 : vector<16xf32>
      %parallel_loop3A_287 = arith.constant true
      %parallel_loop3A_288 = vector.broadcast %parallel_loop3A_287 : i1 to vector<16xi1>
      %parallel_loop3A_289 = tpu.scan <sum>, %parallel_loop3A_286 masked %parallel_loop3A_288 : vector<16xf32>, vector<16xi1> -> vector<16xf32>
      %parallel_loop3A_290 = vector.extract %parallel_loop3A_289[15] : f32 from vector<16xf32>
      %parallel_loop3A_291 = vector.broadcast %parallel_loop3A_290 : f32 to vector<16xf32>
      %parallel_loop3A_292 = vector.broadcast %squeeze3A : f32 to vector<16xf32>
      %parallel_loop3A_293 = arith.mulf %parallel_loop3A_292, %parallel_loop3A_291 : vector<16xf32>
      %parallel_loop3A_294 = vector.broadcast %squeeze3A_45 : f32 to vector<16xf32>
      %parallel_loop3A_295 = arith.subf %parallel_loop3A_293, %parallel_loop3A_294 : vector<16xf32>
      %parallel_loop3A_296 = math.exp %parallel_loop3A_295 : vector<16xf32>
      %parallel_loop3A_297 = vector.extract_strided_slice %parallel_loop3A_271 {offsets = [0], sizes = [1], strides = [1]} : vector<16xf32> to vector<1xf32>
      %parallel_loop3A_298 = vector.extract %parallel_loop3A_297[0] : f32 from vector<1xf32>
      %parallel_loop3A_299 = vector.broadcast %parallel_loop3A_298 : f32 to vector<16xf32>
      %parallel_loop3A_300 = arith.mulf %parallel_loop3A_296, %parallel_loop3A_299 : vector<16xf32>
      %parallel_loop3A_301 = arith.mulf %parallel_loop3A_227, %parallel_loop3A_300 : vector<16xf32>
      %parallel_loop3A_302 = arith.index_cast %parallel_loop3A_224 : i32 to index
      %parallel_loop3A_303 = arith.constant 0 : index
      %parallel_loop3A_304 = tpu.vector_load %arg21[%parallel_loop3A_302, %parallel_loop3A_303] {strides = array<i32>} : memref<48x144xf32, #tpu.memory_space<vmem>>, vector<16xf32>,
      tpu.vector_store %arg21[%parallel_loop3A_302, %parallel_loop3A_303], %parallel_loop3A_301 {strides = array<i32>} : memref<48x144xf32, #tpu.memory_space<vmem>>, vector<16xf32>,
      %parallel_loop3A_305 = arith.mulf %parallel_loop3A_230, %parallel_loop3A_300 : vector<16xf32>
      %parallel_loop3A_306 = arith.index_cast %parallel_loop3A_224 : i32 to index
      %parallel_loop3A_307 = arith.constant 16 : index
      %parallel_loop3A_308 = tpu.vector_load %arg21[%parallel_loop3A_306, %parallel_loop3A_307] {strides = array<i32>} : memref<48x144xf32, #tpu.memory_space<vmem>>, vector<16xf32>,
      tpu.vector_store %arg21[%parallel_loop3A_306, %parallel_loop3A_307], %parallel_loop3A_305 {strides = array<i32>} : memref<48x144xf32, #tpu.memory_space<vmem>>, vector<16xf32>,
      %parallel_loop3A_309 = arith.mulf %parallel_loop3A_233, %parallel_loop3A_300 : vector<16xf32>
      %parallel_loop3A_310 = arith.index_cast %parallel_loop3A_224 : i32 to index
      %parallel_loop3A_311 = arith.constant 32 : index
      %parallel_loop3A_312 = tpu.vector_load %arg21[%parallel_loop3A_310, %parallel_loop3A_311] {strides = array<i32>} : memref<48x144xf32, #tpu.memory_space<vmem>>, vector<16xf32>,
      tpu.vector_store %arg21[%parallel_loop3A_310, %parallel_loop3A_311], %parallel_loop3A_309 {strides = array<i32>} : memref<48x144xf32, #tpu.memory_space<vmem>>, vector<16xf32>,
      %parallel_loop3A_313 = arith.mulf %parallel_loop3A_236, %parallel_loop3A_300 : vector<16xf32>
      %parallel_loop3A_314 = arith.index_cast %parallel_loop3A_224 : i32 to index
      %parallel_loop3A_315 = arith.constant 48 : index
      %parallel_loop3A_316 = tpu.vector_load %arg21[%parallel_loop3A_314, %parallel_loop3A_315] {strides = array<i32>} : memref<48x144xf32, #tpu.memory_space<vmem>>, vector<16xf32>,
      tpu.vector_store %arg21[%parallel_loop3A_314, %parallel_loop3A_315], %parallel_loop3A_313 {strides = array<i32>} : memref<48x144xf32, #tpu.memory_space<vmem>>, vector<16xf32>,
      %parallel_loop3A_317 = arith.mulf %parallel_loop3A_239, %parallel_loop3A_300 : vector<16xf32>
      %parallel_loop3A_318 = arith.index_cast %parallel_loop3A_224 : i32 to index
      %parallel_loop3A_319 = arith.constant 64 : index
      %parallel_loop3A_320 = tpu.vector_load %arg21[%parallel_loop3A_318, %parallel_loop3A_319] {strides = array<i32>} : memref<48x144xf32, #tpu.memory_space<vmem>>, vector<16xf32>,
      tpu.vector_store %arg21[%parallel_loop3A_318, %parallel_loop3A_319], %parallel_loop3A_317 {strides = array<i32>} : memref<48x144xf32, #tpu.memory_space<vmem>>, vector<16xf32>,
      %parallel_loop3A_321 = arith.mulf %parallel_loop3A_242, %parallel_loop3A_300 : vector<16xf32>
      %parallel_loop3A_322 = arith.index_cast %parallel_loop3A_224 : i32 to index
      %parallel_loop3A_323 = arith.constant 80 : index
      %parallel_loop3A_324 = tpu.vector_load %arg21[%parallel_loop3A_322, %parallel_loop3A_323] {strides = array<i32>} : memref<48x144xf32, #tpu.memory_space<vmem>>, vector<16xf32>,
      tpu.vector_store %arg21[%parallel_loop3A_322, %parallel_loop3A_323], %parallel_loop3A_321 {strides = array<i32>} : memref<48x144xf32, #tpu.memory_space<vmem>>, vector<16xf32>,
      %parallel_loop3A_325 = arith.mulf %parallel_loop3A_245, %parallel_loop3A_300 : vector<16xf32>
      %parallel_loop3A_326 = arith.index_cast %parallel_loop3A_224 : i32 to index
      %parallel_loop3A_327 = arith.constant 96 : index
      %parallel_loop3A_328 = tpu.vector_load %arg21[%parallel_loop3A_326, %parallel_loop3A_327] {strides = array<i32>} : memref<48x144xf32, #tpu.memory_space<vmem>>, vector<16xf32>,
      tpu.vector_store %arg21[%parallel_loop3A_326, %parallel_loop3A_327], %parallel_loop3A_325 {strides = array<i32>} : memref<48x144xf32, #tpu.memory_space<vmem>>, vector<16xf32>,
      %parallel_loop3A_329 = arith.mulf %parallel_loop3A_248, %parallel_loop3A_300 : vector<16xf32>
      %parallel_loop3A_330 = arith.index_cast %parallel_loop3A_224 : i32 to index
      %parallel_loop3A_331 = arith.constant 112 : index
      %parallel_loop3A_332 = tpu.vector_load %arg21[%parallel_loop3A_330, %parallel_loop3A_331] {strides = array<i32>} : memref<48x144xf32, #tpu.memory_space<vmem>>, vector<16xf32>,
      tpu.vector_store %arg21[%parallel_loop3A_330, %parallel_loop3A_331], %parallel_loop3A_329 {strides = array<i32>} : memref<48x144xf32, #tpu.memory_space<vmem>>, vector<16xf32>,
      %parallel_loop3A_333 = arith.mulf %parallel_loop3A_296, %select_n3A : vector<16xf32>
      %parallel_loop3A_334 = arith.index_cast %parallel_loop3A_224 : i32 to index
      %parallel_loop3A_335 = arith.constant 128 : index
      %parallel_loop3A_336 = tpu.vector_load %arg21[%parallel_loop3A_334, %parallel_loop3A_335] {strides = array<i32>} : memref<48x144xf32, #tpu.memory_space<vmem>>, vector<16xf32>,
      tpu.vector_store %arg21[%parallel_loop3A_334, %parallel_loop3A_335], %parallel_loop3A_333 {strides = array<i32>} : memref<48x144xf32, #tpu.memory_space<vmem>>, vector<16xf32>,
    } {sc.loop_unroll_factor = 2 : i64, sc.parallel_access}
    %get3A_161 = arith.constant 0 : index
    %get3A_162 = tpu.vector_load %arg11[%get3A_161] {strides = array<i32>} : memref<48xi32, #tpu.memory_space<vmem>>, vector<16xi32>,
    %swap3A_163 = arith.constant 0 : index
    %swap3A_164 = tpu.vector_load %arg13[%swap3A_163] {strides = array<i32>} : memref<48xi32, #tpu.memory_space<vmem>>, vector<16xi32>,
    tpu.vector_store %arg13[%swap3A_163], %get3A_162 {strides = array<i32>} : memref<48xi32, #tpu.memory_space<vmem>>, vector<16xi32>,
    %get3A_165 = arith.constant 16 : index
    %get3A_166 = tpu.vector_load %arg11[%get3A_165] {strides = array<i32>} : memref<48xi32, #tpu.memory_space<vmem>>, vector<16xi32>,
    %swap3A_167 = arith.constant 16 : index
    %swap3A_168 = tpu.vector_load %arg13[%swap3A_167] {strides = array<i32>} : memref<48xi32, #tpu.memory_space<vmem>>, vector<16xi32>,
    tpu.vector_store %arg13[%swap3A_167], %get3A_166 {strides = array<i32>} : memref<48xi32, #tpu.memory_space<vmem>>, vector<16xi32>,
    %get3A_169 = arith.constant 32 : index
    %get3A_170 = tpu.vector_load %arg11[%get3A_169] {strides = array<i32>} : memref<48xi32, #tpu.memory_space<vmem>>, vector<16xi32>,
    %swap3A_171 = arith.constant 32 : index
    %swap3A_172 = tpu.vector_load %arg13[%swap3A_171] {strides = array<i32>} : memref<48xi32, #tpu.memory_space<vmem>>, vector<16xi32>,
    tpu.vector_store %arg13[%swap3A_171], %get3A_170 {strides = array<i32>} : memref<48xi32, #tpu.memory_space<vmem>>, vector<16xi32>,
    %dma_start3A_173 = arith.constant 0 : i32
    %dma_start3A_174 = arith.constant 0 : i32
    %dma_start3A_175 = tpu.memref_slice %arg23[%dma_start3A_173, %dma_start3A_174] : memref<10000x144xf32, #tpu.memory_space<vmem_shared>> -> memref<10000x144xf32, #tpu.memory_space<vmem_shared>>
    tpu.enqueue_indirect_dma source(%arg21 : memref<48x144xf32, #tpu.memory_space<vmem>>) target(%dma_start3A_175 : memref<10000x144xf32, #tpu.memory_space<vmem_shared>>) offsets(%arg13 : memref<48xi32, #tpu.memory_space<vmem>>) semaphore(%arg33 : memref<!tpu.dma_semaphore, #tpu.memory_space<semaphore_mem>>) {add = true}
    %add3A_176 = arith.constant 9984 : i32
    %add3A_177 = arith.addi %mul3A_53, %add3A_176 : i32
    "tpu.region"() ({
      %run_scoped3A = tpu.sem_alloc : memref<!tpu.dma_semaphore, #tpu.memory_space<semaphore_mem>>
      %dma_start3A_224 = tpu.memref_slice %arg2[%add3A_177] : memref<320000xi32, #tpu.memory_space<hbm>> -> memref<16xi32, #tpu.memory_space<hbm>>
      %dma_start3A_225 = tpu.memref_slice %arg2[%add3A_177] : memref<320000xi32, #tpu.memory_space<hbm>> -> memref<16xi32, #tpu.memory_space<hbm>>
      tpu.enqueue_dma source(%dma_start3A_225 : memref<16xi32, #tpu.memory_space<hbm>>) target(%arg14 : memref<16xi32, #tpu.memory_space<vmem>>) target_semaphore(%run_scoped3A : memref<!tpu.dma_semaphore, #tpu.memory_space<semaphore_mem>>)
      %dma_wait3A_226 = tpu.memref_slice %arg2[%add3A_177] : memref<320000xi32, #tpu.memory_space<hbm>> -> memref<16xi32, #tpu.memory_space<hbm>>
      %dma_wait3A_227 = tpu.memref_slice %arg2[%add3A_177] : memref<320000xi32, #tpu.memory_space<hbm>> -> memref<16xi32, #tpu.memory_space<hbm>>
      tpu.wait_dma2 semaphore(%run_scoped3A : memref<!tpu.dma_semaphore, #tpu.memory_space<semaphore_mem>>) src(%dma_wait3A_227 : memref<16xi32, #tpu.memory_space<hbm>>) dst(%arg14 : memref<16xi32, #tpu.memory_space<vmem>>)
      tpu.yield
    }) : () -> ()
    "tpu.region"() ({
      %run_scoped3A = tpu.sem_alloc : memref<!tpu.dma_semaphore, #tpu.memory_space<semaphore_mem>>
      %dma_start3A_224 = tpu.memref_slice %arg3[%add3A_177] : memref<320000xi32, #tpu.memory_space<hbm>> -> memref<16xi32, #tpu.memory_space<hbm>>
      %dma_start3A_225 = tpu.memref_slice %arg3[%add3A_177] : memref<320000xi32, #tpu.memory_space<hbm>> -> memref<16xi32, #tpu.memory_space<hbm>>
      tpu.enqueue_dma source(%dma_start3A_225 : memref<16xi32, #tpu.memory_space<hbm>>) target(%arg15 : memref<16xi32, #tpu.memory_space<vmem>>) target_semaphore(%run_scoped3A : memref<!tpu.dma_semaphore, #tpu.memory_space<semaphore_mem>>)
      %dma_wait3A_226 = tpu.memref_slice %arg3[%add3A_177] : memref<320000xi32, #tpu.memory_space<hbm>> -> memref<16xi32, #tpu.memory_space<hbm>>
      %dma_wait3A_227 = tpu.memref_slice %arg3[%add3A_177] : memref<320000xi32, #tpu.memory_space<hbm>> -> memref<16xi32, #tpu.memory_space<hbm>>
      tpu.wait_dma2 semaphore(%run_scoped3A : memref<!tpu.dma_semaphore, #tpu.memory_space<semaphore_mem>>) src(%dma_wait3A_227 : memref<16xi32, #tpu.memory_space<hbm>>) dst(%arg15 : memref<16xi32, #tpu.memory_space<vmem>>)
      tpu.yield
    }) : () -> ()
    %dma_start3A_178 = arith.constant 0 : i32
    %dma_start3A_179 = arith.constant 0 : i32
    %dma_start3A_180 = tpu.memref_slice %arg17[%dma_start3A_178, %dma_start3A_179] : memref<48x144xf32, #tpu.memory_space<vmem>> -> memref<16x144xf32, #tpu.memory_space<vmem>>
    %dma_start3A_181 = arith.constant 0 : i32
    %dma_start3A_182 = arith.constant 0 : i32
    %dma_start3A_183 = tpu.memref_slice %arg5[%dma_start3A_181, %dma_start3A_182] : memref<10000x144xf32, #tpu.memory_space<hbm>> -> memref<10000x144xf32, #tpu.memory_space<hbm>>
    tpu.enqueue_indirect_dma source(%dma_start3A_183 : memref<10000x144xf32, #tpu.memory_space<hbm>>) target(%dma_start3A_180 : memref<16x144xf32, #tpu.memory_space<vmem>>) offsets(%arg14 : memref<16xi32, #tpu.memory_space<vmem>>) semaphore(%arg24 : memref<!tpu.dma_semaphore, #tpu.memory_space<semaphore_mem>>)
    %dma_start3A_184 = arith.constant 0 : i32
    %dma_start3A_185 = arith.constant 0 : i32
    %dma_start3A_186 = tpu.memref_slice %arg19[%dma_start3A_184, %dma_start3A_185] : memref<48x128xbf16, #tpu.memory_space<vmem>> -> memref<16x128xbf16, #tpu.memory_space<vmem>>
    %dma_start3A_187 = arith.constant 0 : i32
    %dma_start3A_188 = arith.constant 0 : i32
    %dma_start3A_189 = tpu.memref_slice %arg4[%dma_start3A_187, %dma_start3A_188] : memref<10000x128xbf16, #tpu.memory_space<hbm>> -> memref<10000x128xbf16, #tpu.memory_space<hbm>>
    tpu.enqueue_indirect_dma source(%dma_start3A_189 : memref<10000x128xbf16, #tpu.memory_space<hbm>>) target(%dma_start3A_186 : memref<16x128xbf16, #tpu.memory_space<vmem>>) offsets(%arg15 : memref<16xi32, #tpu.memory_space<vmem>>) semaphore(%arg25 : memref<!tpu.dma_semaphore, #tpu.memory_space<semaphore_mem>>)
    %dma_wait3A_190 = arith.constant 0 : i32
    %dma_wait3A_191 = arith.constant 0 : i32
    %dma_wait3A_192 = tpu.memref_slice %arg17[%dma_wait3A_190, %dma_wait3A_191] : memref<48x144xf32, #tpu.memory_space<vmem>> -> memref<16x144xf32, #tpu.memory_space<vmem>>
    %dma_wait3A_193 = arith.constant 0 : i32
    %dma_wait3A_194 = arith.constant 0 : i32
    %dma_wait3A_195 = tpu.memref_slice %arg5[%dma_wait3A_193, %dma_wait3A_194] : memref<10000x144xf32, #tpu.memory_space<hbm>> -> memref<10000x144xf32, #tpu.memory_space<hbm>>
    tpu.wait_indirect_dma semaphore(%arg24 : memref<!tpu.dma_semaphore, #tpu.memory_space<semaphore_mem>>) src(%dma_wait3A_195 : memref<10000x144xf32, #tpu.memory_space<hbm>>) dst(%dma_wait3A_192 : memref<16x144xf32, #tpu.memory_space<vmem>>)
    %dma_wait3A_196 = arith.constant 0 : i32
    %dma_wait3A_197 = arith.constant 0 : i32
    %dma_wait3A_198 = tpu.memref_slice %arg19[%dma_wait3A_196, %dma_wait3A_197] : memref<48x128xbf16, #tpu.memory_space<vmem>> -> memref<16x128xbf16, #tpu.memory_space<vmem>>
    %dma_wait3A_199 = arith.constant 0 : i32
    %dma_wait3A_200 = arith.constant 0 : i32
    %dma_wait3A_201 = tpu.memref_slice %arg4[%dma_wait3A_199, %dma_wait3A_200] : memref<10000x128xbf16, #tpu.memory_space<hbm>> -> memref<10000x128xbf16, #tpu.memory_space<hbm>>
    tpu.wait_indirect_dma semaphore(%arg25 : memref<!tpu.dma_semaphore, #tpu.memory_space<semaphore_mem>>) src(%dma_wait3A_201 : memref<10000x128xbf16, #tpu.memory_space<hbm>>) dst(%dma_wait3A_198 : memref<16x128xbf16, #tpu.memory_space<vmem>>)
    %dma_wait3A_202 = arith.constant 0 : i32
    %dma_wait3A_203 = arith.constant 0 : i32
    %dma_wait3A_204 = tpu.memref_slice %arg23[%dma_wait3A_202, %dma_wait3A_203] : memref<10000x144xf32, #tpu.memory_space<vmem_shared>> -> memref<10000x144xf32, #tpu.memory_space<vmem_shared>>
    tpu.wait_indirect_dma semaphore(%arg32 : memref<!tpu.dma_semaphore, #tpu.memory_space<semaphore_mem>>) src(%arg20 : memref<48x144xf32, #tpu.memory_space<vmem>>) dst(%dma_wait3A_204 : memref<10000x144xf32, #tpu.memory_space<vmem_shared>>)
    %parallel_loop3A_205 = arith.constant 0 : i32
    %parallel_loop3A_206 = arith.constant 16 : i32
    %parallel_loop3A_207 = arith.constant 1 : i32
    scf.for %parallel_loop3A_224 = %parallel_loop3A_205 to %parallel_loop3A_206 step %parallel_loop3A_207  : i32 {
      %parallel_loop3A_225 = arith.index_cast %parallel_loop3A_224 : i32 to index
      %parallel_loop3A_226 = arith.constant 0 : index
      %parallel_loop3A_227 = tpu.vector_load %arg17[%parallel_loop3A_225, %parallel_loop3A_226] {strides = array<i32>} : memref<48x144xf32, #tpu.memory_space<vmem>>, vector<16xf32>,
      %parallel_loop3A_228 = arith.index_cast %parallel_loop3A_224 : i32 to index
      %parallel_loop3A_229 = arith.constant 16 : index
      %parallel_loop3A_230 = tpu.vector_load %arg17[%parallel_loop3A_228, %parallel_loop3A_229] {strides = array<i32>} : memref<48x144xf32, #tpu.memory_space<vmem>>, vector<16xf32>,
      %parallel_loop3A_231 = arith.index_cast %parallel_loop3A_224 : i32 to index
      %parallel_loop3A_232 = arith.constant 32 : index
      %parallel_loop3A_233 = tpu.vector_load %arg17[%parallel_loop3A_231, %parallel_loop3A_232] {strides = array<i32>} : memref<48x144xf32, #tpu.memory_space<vmem>>, vector<16xf32>,
      %parallel_loop3A_234 = arith.index_cast %parallel_loop3A_224 : i32 to index
      %parallel_loop3A_235 = arith.constant 48 : index
      %parallel_loop3A_236 = tpu.vector_load %arg17[%parallel_loop3A_234, %parallel_loop3A_235] {strides = array<i32>} : memref<48x144xf32, #tpu.memory_space<vmem>>, vector<16xf32>,
      %parallel_loop3A_237 = arith.index_cast %parallel_loop3A_224 : i32 to index
      %parallel_loop3A_238 = arith.constant 64 : index
      %parallel_loop3A_239 = tpu.vector_load %arg17[%parallel_loop3A_237, %parallel_loop3A_238] {strides = array<i32>} : memref<48x144xf32, #tpu.memory_space<vmem>>, vector<16xf32>,
      %parallel_loop3A_240 = arith.index_cast %parallel_loop3A_224 : i32 to index
      %parallel_loop3A_241 = arith.constant 80 : index
      %parallel_loop3A_242 = tpu.vector_load %arg17[%parallel_loop3A_240, %parallel_loop3A_241] {strides = array<i32>} : memref<48x144xf32, #tpu.memory_space<vmem>>, vector<16xf32>,
      %parallel_loop3A_243 = arith.index_cast %parallel_loop3A_224 : i32 to index
      %parallel_loop3A_244 = arith.constant 96 : index
      %parallel_loop3A_245 = tpu.vector_load %arg17[%parallel_loop3A_243, %parallel_loop3A_244] {strides = array<i32>} : memref<48x144xf32, #tpu.memory_space<vmem>>, vector<16xf32>,
      %parallel_loop3A_246 = arith.index_cast %parallel_loop3A_224 : i32 to index
      %parallel_loop3A_247 = arith.constant 112 : index
      %parallel_loop3A_248 = tpu.vector_load %arg17[%parallel_loop3A_246, %parallel_loop3A_247] {strides = array<i32>} : memref<48x144xf32, #tpu.memory_space<vmem>>, vector<16xf32>,
      %parallel_loop3A_249 = arith.index_cast %parallel_loop3A_224 : i32 to index
      %parallel_loop3A_250 = arith.constant 0 : index
      %parallel_loop3A_251 = tpu.vector_load %arg19[%parallel_loop3A_249, %parallel_loop3A_250] {strides = array<i32>} : memref<48x128xbf16, #tpu.memory_space<vmem>>, vector<32xbf16>,
      %parallel_loop3A_252 = tpu.unpack_subelements %parallel_loop3A_251, 0 {pack_format = #tpu.pack_format<interleaved>} : vector<32xbf16> -> vector<16xf32>
      %parallel_loop3A_253 = tpu.unpack_subelements %parallel_loop3A_251, 1 {pack_format = #tpu.pack_format<interleaved>} : vector<32xbf16> -> vector<16xf32>
      %parallel_loop3A_254 = arith.index_cast %parallel_loop3A_224 : i32 to index
      %parallel_loop3A_255 = arith.constant 32 : index
      %parallel_loop3A_256 = tpu.vector_load %arg19[%parallel_loop3A_254, %parallel_loop3A_255] {strides = array<i32>} : memref<48x128xbf16, #tpu.memory_space<vmem>>, vector<32xbf16>,
      %parallel_loop3A_257 = tpu.unpack_subelements %parallel_loop3A_256, 0 {pack_format = #tpu.pack_format<interleaved>} : vector<32xbf16> -> vector<16xf32>
      %parallel_loop3A_258 = tpu.unpack_subelements %parallel_loop3A_256, 1 {pack_format = #tpu.pack_format<interleaved>} : vector<32xbf16> -> vector<16xf32>
      %parallel_loop3A_259 = arith.index_cast %parallel_loop3A_224 : i32 to index
      %parallel_loop3A_260 = arith.constant 64 : index
      %parallel_loop3A_261 = tpu.vector_load %arg19[%parallel_loop3A_259, %parallel_loop3A_260] {strides = array<i32>} : memref<48x128xbf16, #tpu.memory_space<vmem>>, vector<32xbf16>,
      %parallel_loop3A_262 = tpu.unpack_subelements %parallel_loop3A_261, 0 {pack_format = #tpu.pack_format<interleaved>} : vector<32xbf16> -> vector<16xf32>
      %parallel_loop3A_263 = tpu.unpack_subelements %parallel_loop3A_261, 1 {pack_format = #tpu.pack_format<interleaved>} : vector<32xbf16> -> vector<16xf32>
      %parallel_loop3A_264 = arith.index_cast %parallel_loop3A_224 : i32 to index
      %parallel_loop3A_265 = arith.constant 96 : index
      %parallel_loop3A_266 = tpu.vector_load %arg19[%parallel_loop3A_264, %parallel_loop3A_265] {strides = array<i32>} : memref<48x128xbf16, #tpu.memory_space<vmem>>, vector<32xbf16>,
      %parallel_loop3A_267 = tpu.unpack_subelements %parallel_loop3A_266, 0 {pack_format = #tpu.pack_format<interleaved>} : vector<32xbf16> -> vector<16xf32>
      %parallel_loop3A_268 = tpu.unpack_subelements %parallel_loop3A_266, 1 {pack_format = #tpu.pack_format<interleaved>} : vector<32xbf16> -> vector<16xf32>
      %parallel_loop3A_269 = arith.index_cast %parallel_loop3A_224 : i32 to index
      %parallel_loop3A_270 = arith.constant 128 : index
      %parallel_loop3A_271 = tpu.vector_load %arg17[%parallel_loop3A_269, %parallel_loop3A_270] {strides = array<i32>} : memref<48x144xf32, #tpu.memory_space<vmem>>, vector<16xf32>,
      %parallel_loop3A_272 = arith.mulf %parallel_loop3A_227, %parallel_loop3A_252 : vector<16xf32>
      %parallel_loop3A_273 = arith.mulf %parallel_loop3A_230, %parallel_loop3A_253 : vector<16xf32>
      %parallel_loop3A_274 = arith.addf %parallel_loop3A_272, %parallel_loop3A_273 : vector<16xf32>
      %parallel_loop3A_275 = arith.mulf %parallel_loop3A_233, %parallel_loop3A_257 : vector<16xf32>
      %parallel_loop3A_276 = arith.mulf %parallel_loop3A_236, %parallel_loop3A_258 : vector<16xf32>
      %parallel_loop3A_277 = arith.addf %parallel_loop3A_275, %parallel_loop3A_276 : vector<16xf32>
      %parallel_loop3A_278 = arith.mulf %parallel_loop3A_239, %parallel_loop3A_262 : vector<16xf32>
      %parallel_loop3A_279 = arith.mulf %parallel_loop3A_242, %parallel_loop3A_263 : vector<16xf32>
      %parallel_loop3A_280 = arith.addf %parallel_loop3A_278, %parallel_loop3A_279 : vector<16xf32>
      %parallel_loop3A_281 = arith.mulf %parallel_loop3A_245, %parallel_loop3A_267 : vector<16xf32>
      %parallel_loop3A_282 = arith.mulf %parallel_loop3A_248, %parallel_loop3A_268 : vector<16xf32>
      %parallel_loop3A_283 = arith.addf %parallel_loop3A_281, %parallel_loop3A_282 : vector<16xf32>
      %parallel_loop3A_284 = arith.addf %parallel_loop3A_274, %parallel_loop3A_277 : vector<16xf32>
      %parallel_loop3A_285 = arith.addf %parallel_loop3A_280, %parallel_loop3A_283 : vector<16xf32>
      %parallel_loop3A_286 = arith.addf %parallel_loop3A_284, %parallel_loop3A_285 : vector<16xf32>
      %parallel_loop3A_287 = arith.constant true
      %parallel_loop3A_288 = vector.broadcast %parallel_loop3A_287 : i1 to vector<16xi1>
      %parallel_loop3A_289 = tpu.scan <sum>, %parallel_loop3A_286 masked %parallel_loop3A_288 : vector<16xf32>, vector<16xi1> -> vector<16xf32>
      %parallel_loop3A_290 = vector.extract %parallel_loop3A_289[15] : f32 from vector<16xf32>
      %parallel_loop3A_291 = vector.broadcast %parallel_loop3A_290 : f32 to vector<16xf32>
      %parallel_loop3A_292 = vector.broadcast %squeeze3A : f32 to vector<16xf32>
      %parallel_loop3A_293 = arith.mulf %parallel_loop3A_292, %parallel_loop3A_291 : vector<16xf32>
      %parallel_loop3A_294 = vector.broadcast %squeeze3A_45 : f32 to vector<16xf32>
      %parallel_loop3A_295 = arith.subf %parallel_loop3A_293, %parallel_loop3A_294 : vector<16xf32>
      %parallel_loop3A_296 = math.exp %parallel_loop3A_295 : vector<16xf32>
      %parallel_loop3A_297 = vector.extract_strided_slice %parallel_loop3A_271 {offsets = [0], sizes = [1], strides = [1]} : vector<16xf32> to vector<1xf32>
      %parallel_loop3A_298 = vector.extract %parallel_loop3A_297[0] : f32 from vector<1xf32>
      %parallel_loop3A_299 = vector.broadcast %parallel_loop3A_298 : f32 to vector<16xf32>
      %parallel_loop3A_300 = arith.mulf %parallel_loop3A_296, %parallel_loop3A_299 : vector<16xf32>
      %parallel_loop3A_301 = arith.mulf %parallel_loop3A_227, %parallel_loop3A_300 : vector<16xf32>
      %parallel_loop3A_302 = arith.index_cast %parallel_loop3A_224 : i32 to index
      %parallel_loop3A_303 = arith.constant 0 : index
      %parallel_loop3A_304 = tpu.vector_load %arg20[%parallel_loop3A_302, %parallel_loop3A_303] {strides = array<i32>} : memref<48x144xf32, #tpu.memory_space<vmem>>, vector<16xf32>,
      tpu.vector_store %arg20[%parallel_loop3A_302, %parallel_loop3A_303], %parallel_loop3A_301 {strides = array<i32>} : memref<48x144xf32, #tpu.memory_space<vmem>>, vector<16xf32>,
      %parallel_loop3A_305 = arith.mulf %parallel_loop3A_230, %parallel_loop3A_300 : vector<16xf32>
      %parallel_loop3A_306 = arith.index_cast %parallel_loop3A_224 : i32 to index
      %parallel_loop3A_307 = arith.constant 16 : index
      %parallel_loop3A_308 = tpu.vector_load %arg20[%parallel_loop3A_306, %parallel_loop3A_307] {strides = array<i32>} : memref<48x144xf32, #tpu.memory_space<vmem>>, vector<16xf32>,
      tpu.vector_store %arg20[%parallel_loop3A_306, %parallel_loop3A_307], %parallel_loop3A_305 {strides = array<i32>} : memref<48x144xf32, #tpu.memory_space<vmem>>, vector<16xf32>,
      %parallel_loop3A_309 = arith.mulf %parallel_loop3A_233, %parallel_loop3A_300 : vector<16xf32>
      %parallel_loop3A_310 = arith.index_cast %parallel_loop3A_224 : i32 to index
      %parallel_loop3A_311 = arith.constant 32 : index
      %parallel_loop3A_312 = tpu.vector_load %arg20[%parallel_loop3A_310, %parallel_loop3A_311] {strides = array<i32>} : memref<48x144xf32, #tpu.memory_space<vmem>>, vector<16xf32>,
      tpu.vector_store %arg20[%parallel_loop3A_310, %parallel_loop3A_311], %parallel_loop3A_309 {strides = array<i32>} : memref<48x144xf32, #tpu.memory_space<vmem>>, vector<16xf32>,
      %parallel_loop3A_313 = arith.mulf %parallel_loop3A_236, %parallel_loop3A_300 : vector<16xf32>
      %parallel_loop3A_314 = arith.index_cast %parallel_loop3A_224 : i32 to index
      %parallel_loop3A_315 = arith.constant 48 : index
      %parallel_loop3A_316 = tpu.vector_load %arg20[%parallel_loop3A_314, %parallel_loop3A_315] {strides = array<i32>} : memref<48x144xf32, #tpu.memory_space<vmem>>, vector<16xf32>,
      tpu.vector_store %arg20[%parallel_loop3A_314, %parallel_loop3A_315], %parallel_loop3A_313 {strides = array<i32>} : memref<48x144xf32, #tpu.memory_space<vmem>>, vector<16xf32>,
      %parallel_loop3A_317 = arith.mulf %parallel_loop3A_239, %parallel_loop3A_300 : vector<16xf32>
      %parallel_loop3A_318 = arith.index_cast %parallel_loop3A_224 : i32 to index
      %parallel_loop3A_319 = arith.constant 64 : index
      %parallel_loop3A_320 = tpu.vector_load %arg20[%parallel_loop3A_318, %parallel_loop3A_319] {strides = array<i32>} : memref<48x144xf32, #tpu.memory_space<vmem>>, vector<16xf32>,
      tpu.vector_store %arg20[%parallel_loop3A_318, %parallel_loop3A_319], %parallel_loop3A_317 {strides = array<i32>} : memref<48x144xf32, #tpu.memory_space<vmem>>, vector<16xf32>,
      %parallel_loop3A_321 = arith.mulf %parallel_loop3A_242, %parallel_loop3A_300 : vector<16xf32>
      %parallel_loop3A_322 = arith.index_cast %parallel_loop3A_224 : i32 to index
      %parallel_loop3A_323 = arith.constant 80 : index
      %parallel_loop3A_324 = tpu.vector_load %arg20[%parallel_loop3A_322, %parallel_loop3A_323] {strides = array<i32>} : memref<48x144xf32, #tpu.memory_space<vmem>>, vector<16xf32>,
      tpu.vector_store %arg20[%parallel_loop3A_322, %parallel_loop3A_323], %parallel_loop3A_321 {strides = array<i32>} : memref<48x144xf32, #tpu.memory_space<vmem>>, vector<16xf32>,
      %parallel_loop3A_325 = arith.mulf %parallel_loop3A_245, %parallel_loop3A_300 : vector<16xf32>
      %parallel_loop3A_326 = arith.index_cast %parallel_loop3A_224 : i32 to index
      %parallel_loop3A_327 = arith.constant 96 : index
      %parallel_loop3A_328 = tpu.vector_load %arg20[%parallel_loop3A_326, %parallel_loop3A_327] {strides = array<i32>} : memref<48x144xf32, #tpu.memory_space<vmem>>, vector<16xf32>,
      tpu.vector_store %arg20[%parallel_loop3A_326, %parallel_loop3A_327], %parallel_loop3A_325 {strides = array<i32>} : memref<48x144xf32, #tpu.memory_space<vmem>>, vector<16xf32>,
      %parallel_loop3A_329 = arith.mulf %parallel_loop3A_248, %parallel_loop3A_300 : vector<16xf32>
      %parallel_loop3A_330 = arith.index_cast %parallel_loop3A_224 : i32 to index
      %parallel_loop3A_331 = arith.constant 112 : index
      %parallel_loop3A_332 = tpu.vector_load %arg20[%parallel_loop3A_330, %parallel_loop3A_331] {strides = array<i32>} : memref<48x144xf32, #tpu.memory_space<vmem>>, vector<16xf32>,
      tpu.vector_store %arg20[%parallel_loop3A_330, %parallel_loop3A_331], %parallel_loop3A_329 {strides = array<i32>} : memref<48x144xf32, #tpu.memory_space<vmem>>, vector<16xf32>,
      %parallel_loop3A_333 = arith.mulf %parallel_loop3A_296, %select_n3A : vector<16xf32>
      %parallel_loop3A_334 = arith.index_cast %parallel_loop3A_224 : i32 to index
      %parallel_loop3A_335 = arith.constant 128 : index
      %parallel_loop3A_336 = tpu.vector_load %arg20[%parallel_loop3A_334, %parallel_loop3A_335] {strides = array<i32>} : memref<48x144xf32, #tpu.memory_space<vmem>>, vector<16xf32>,
      tpu.vector_store %arg20[%parallel_loop3A_334, %parallel_loop3A_335], %parallel_loop3A_333 {strides = array<i32>} : memref<48x144xf32, #tpu.memory_space<vmem>>, vector<16xf32>,
    } {sc.loop_unroll_factor = 2 : i64, sc.parallel_access}
    "tpu.region"() ({
      %run_scoped3A = tpu.sem_alloc : memref<!tpu.dma_semaphore, #tpu.memory_space<semaphore_mem>>
      %dma_start3A_224 = arith.constant 0 : i32
      %dma_start3A_225 = arith.constant 0 : i32
      %dma_start3A_226 = tpu.memref_slice %arg20[%dma_start3A_224, %dma_start3A_225] : memref<48x144xf32, #tpu.memory_space<vmem>> -> memref<16x144xf32, #tpu.memory_space<vmem>>
      %dma_start3A_227 = arith.constant 0 : i32
      %dma_start3A_228 = arith.constant 0 : i32
      %dma_start3A_229 = tpu.memref_slice %arg23[%dma_start3A_227, %dma_start3A_228] : memref<10000x144xf32, #tpu.memory_space<vmem_shared>> -> memref<10000x144xf32, #tpu.memory_space<vmem_shared>>
      tpu.enqueue_indirect_dma source(%dma_start3A_226 : memref<16x144xf32, #tpu.memory_space<vmem>>) target(%dma_start3A_229 : memref<10000x144xf32, #tpu.memory_space<vmem_shared>>) offsets(%arg15 : memref<16xi32, #tpu.memory_space<vmem>>) semaphore(%run_scoped3A : memref<!tpu.dma_semaphore, #tpu.memory_space<semaphore_mem>>) {add = true}
      %dma_wait3A_230 = arith.constant 0 : i32
      %dma_wait3A_231 = arith.constant 0 : i32
      %dma_wait3A_232 = tpu.memref_slice %arg20[%dma_wait3A_230, %dma_wait3A_231] : memref<48x144xf32, #tpu.memory_space<vmem>> -> memref<16x144xf32, #tpu.memory_space<vmem>>
      %dma_wait3A_233 = arith.constant 0 : i32
      %dma_wait3A_234 = arith.constant 0 : i32
      %dma_wait3A_235 = tpu.memref_slice %arg23[%dma_wait3A_233, %dma_wait3A_234] : memref<10000x144xf32, #tpu.memory_space<vmem_shared>> -> memref<10000x144xf32, #tpu.memory_space<vmem_shared>>
      tpu.wait_indirect_dma semaphore(%run_scoped3A : memref<!tpu.dma_semaphore, #tpu.memory_space<semaphore_mem>>) src(%dma_wait3A_232 : memref<16x144xf32, #tpu.memory_space<vmem>>) dst(%dma_wait3A_235 : memref<10000x144xf32, #tpu.memory_space<vmem_shared>>)
      tpu.yield
    }) : () -> ()
    %dma_wait3A_208 = arith.constant 0 : i32
    %dma_wait3A_209 = arith.constant 0 : i32
    %dma_wait3A_210 = tpu.memref_slice %arg23[%dma_wait3A_208, %dma_wait3A_209] : memref<10000x144xf32, #tpu.memory_space<vmem_shared>> -> memref<10000x144xf32, #tpu.memory_space<vmem_shared>>
    tpu.wait_indirect_dma semaphore(%arg33 : memref<!tpu.dma_semaphore, #tpu.memory_space<semaphore_mem>>) src(%arg21 : memref<48x144xf32, #tpu.memory_space<vmem>>) dst(%dma_wait3A_210 : memref<10000x144xf32, #tpu.memory_space<vmem_shared>>)
    %barrier3A_211 = arith.constant 0 : index
    tpu.barrier barrier_id(%barrier3A_211)
    %mul3A_212 = arith.constant 10000 : i32
    %mul3A_213 = arith.muli %arg0, %mul3A_212 : i32
    %mul3A_214 = arith.constant 624 : i32
    %mul3A_215 = arith.muli %arg1, %mul3A_214 : i32
    %add3A_216 = arith.addi %mul3A_213, %mul3A_215 : i32
    %mul3A_217 = arith.constant 624 : i32
    %mul3A_218 = arith.muli %arg1, %mul3A_217 : i32
    "tpu.region"() ({
      %run_scoped3A = tpu.sem_alloc : memref<!tpu.dma_semaphore, #tpu.memory_space<semaphore_mem>>
      %dma_start3A_224 = arith.constant 0 : i32
      %dma_start3A_225 = tpu.memref_slice %arg7[%add3A_216, %dma_start3A_224] : memref<20000x144xf32, #tpu.memory_space<hbm>> -> memref<624x144xf32, #tpu.memory_space<hbm>>
      %dma_start3A_226 = arith.constant 0 : i32
      %dma_start3A_227 = tpu.memref_slice %arg23[%mul3A_218, %dma_start3A_226] : memref<10000x144xf32, #tpu.memory_space<vmem_shared>> -> memref<624x144xf32, #tpu.memory_space<vmem_shared>>
      tpu.enqueue_dma source(%dma_start3A_227 : memref<624x144xf32, #tpu.memory_space<vmem_shared>>) target(%dma_start3A_225 : memref<624x144xf32, #tpu.memory_space<hbm>>) target_semaphore(%run_scoped3A : memref<!tpu.dma_semaphore, #tpu.memory_space<semaphore_mem>>)
      %dma_wait3A_228 = arith.constant 0 : i32
      %dma_wait3A_229 = tpu.memref_slice %arg7[%add3A_216, %dma_wait3A_228] : memref<20000x144xf32, #tpu.memory_space<hbm>> -> memref<624x144xf32, #tpu.memory_space<hbm>>
      %dma_wait3A_230 = arith.constant 0 : i32
      %dma_wait3A_231 = tpu.memref_slice %arg23[%mul3A_218, %dma_wait3A_230] : memref<10000x144xf32, #tpu.memory_space<vmem_shared>> -> memref<624x144xf32, #tpu.memory_space<vmem_shared>>
      tpu.wait_dma2 semaphore(%run_scoped3A : memref<!tpu.dma_semaphore, #tpu.memory_space<semaphore_mem>>) src(%dma_wait3A_231 : memref<624x144xf32, #tpu.memory_space<vmem_shared>>) dst(%dma_wait3A_229 : memref<624x144xf32, #tpu.memory_space<hbm>>)
      tpu.yield
    }) : () -> ()
    %eq3A_219 = arith.constant 15 : i32
    %eq3A_220 = arith.cmpi eq, %arg1, %eq3A_219 : i32
    %convert_element_type3A_221 = arith.extui %eq3A_220 : i1 to i32
    %cond3A_222 = arith.constant 0 : i32
    %cond3A_223 = arith.cmpi ne, %convert_element_type3A_221, %cond3A_222 : i32
    scf.if %cond3A_223 {
      %mul3A_224 = arith.constant 10000 : i32
      %mul3A_225 = arith.muli %arg0, %mul3A_224 : i32
      %add3A_226 = arith.constant 9984 : i32
      %add3A_227 = arith.addi %mul3A_225, %add3A_226 : i32
      "tpu.region"() ({
        %run_scoped3A = tpu.sem_alloc : memref<!tpu.dma_semaphore, #tpu.memory_space<semaphore_mem>>
        %dma_start3A_228 = arith.constant 0 : i32
        %dma_start3A_229 = tpu.memref_slice %arg7[%add3A_227, %dma_start3A_228] : memref<20000x144xf32, #tpu.memory_space<hbm>> -> memref<16x144xf32, #tpu.memory_space<hbm>>
        %dma_start3A_230 = arith.constant 9984 : i32
        %dma_start3A_231 = arith.constant 0 : i32
        %dma_start3A_232 = tpu.memref_slice %arg23[%dma_start3A_230, %dma_start3A_231] : memref<10000x144xf32, #tpu.memory_space<vmem_shared>> -> memref<16x144xf32, #tpu.memory_space<vmem_shared>>
        tpu.enqueue_dma source(%dma_start3A_232 : memref<16x144xf32, #tpu.memory_space<vmem_shared>>) target(%dma_start3A_229 : memref<16x144xf32, #tpu.memory_space<hbm>>) target_semaphore(%run_scoped3A : memref<!tpu.dma_semaphore, #tpu.memory_space<semaphore_mem>>)
        %dma_wait3A_233 = arith.constant 0 : i32
        %dma_wait3A_234 = tpu.memref_slice %arg7[%add3A_227, %dma_wait3A_233] : memref<20000x144xf32, #tpu.memory_space<hbm>> -> memref<16x144xf32, #tpu.memory_space<hbm>>
        %dma_wait3A_235 = arith.constant 9984 : i32
        %dma_wait3A_236 = arith.constant 0 : i32
        %dma_wait3A_237 = tpu.memref_slice %arg23[%dma_wait3A_235, %dma_wait3A_236] : memref<10000x144xf32, #tpu.memory_space<vmem_shared>> -> memref<16x144xf32, #tpu.memory_space<vmem_shared>>
        tpu.wait_dma2 semaphore(%run_scoped3A : memref<!tpu.dma_semaphore, #tpu.memory_space<semaphore_mem>>) src(%dma_wait3A_237 : memref<16x144xf32, #tpu.memory_space<vmem_shared>>) dst(%dma_wait3A_234 : memref<16x144xf32, #tpu.memory_space<hbm>>)
        tpu.yield
      }) : () -> ()
    } else {
    }
    return
  }
}

module attributes {stable_mosaic.version = 14 : i64} {
  func.func @_pre_body(%arg0: i32, %arg1: memref<1000x128xf32, #tpu.memory_space<vmem>>, %arg2: memref<1x1xf32, #tpu.memory_space<vmem>>, %arg3: memref<1000x128xf32, #tpu.memory_space<vmem>>, %arg4: memref<1000x144xf32, #tpu.memory_space<vmem>>, %arg5: memref<1000x1xf32, #tpu.memory_space<vmem>>) attributes {dimension_semantics = [#tpu.dimension_semantics<arbitrary>], iteration_bounds = array<i64: 10>, scalar_prefetch = 0 : i64, scratch_operands = 0 : i64, tpu.core_type = #tpu.core_type<tc>, window_params = [{transform_indices = @transform_0, window_bounds = array<i64: 1000, 128>}, {pipeline_mode = #tpu.pipeline_mode<synchronous>, transform_indices = @transform_1, window_bounds = array<i64: 1, 1>}, {transform_indices = @transform_2, window_bounds = array<i64: 1000, 128>}, {transform_indices = @transform_3, window_bounds = array<i64: 1000, 144>}, {transform_indices = @transform_4, window_bounds = array<i64: 1000, 1>}]} {
    %get3A = arith.constant 0 : index
    %get3A_0 = arith.constant 0 : index
    %get3A_1 = vector.load %arg1[%get3A, %get3A_0] : memref<1000x128xf32, #tpu.memory_space<vmem>>, vector<1000x128xf32>
    %get3A_2 = arith.constant 0 : index
    %get3A_3 = arith.constant 0 : index
    %get3A_4 = vector.load %arg2[%get3A_2, %get3A_3] : memref<1x1xf32, #tpu.memory_space<vmem>>, vector<1x1xf32>
    %get3A_5 = vector.extract %get3A_4[0, 0] : f32 from vector<1x1xf32>
    %mul3A = arith.mulf %get3A_1, %get3A_1 : vector<1000x128xf32>
    %reduce_sum3A = arith.constant dense<0.000000e+00> : vector<1000xf32>
    %reduce_sum3A_6 = vector.multi_reduction <add>, %mul3A, %reduce_sum3A [1] : vector<1000x128xf32> to vector<1000xf32>
    %broadcast_in_dim3A = vector.shape_cast %reduce_sum3A_6 : vector<1000xf32> to vector<1000x1xf32>
    %sqrt3A = math.sqrt %broadcast_in_dim3A : vector<1000x1xf32>
    %max3A = arith.constant 9.99999996E-13 : f32
    %max3A_7 = vector.broadcast %max3A : f32 to vector<1000x1xf32>
    %max3A_8 = arith.maximumf %sqrt3A, %max3A_7 : vector<1000x1xf32>
    %div3A = vector.broadcast %max3A_8 : vector<1000x1xf32> to vector<1000x128xf32>
    %div3A_9 = arith.divf %get3A_1, %div3A : vector<1000x128xf32>
    %mul3A_10 = arith.mulf %div3A_9, %div3A_9 : vector<1000x128xf32>
    %reduce_sum3A_11 = arith.constant dense<0.000000e+00> : vector<1000xf32>
    %reduce_sum3A_12 = vector.multi_reduction <add>, %mul3A_10, %reduce_sum3A_11 [1] : vector<1000x128xf32> to vector<1000xf32>
    %broadcast_in_dim3A_13 = vector.shape_cast %reduce_sum3A_12 : vector<1000xf32> to vector<1000x1xf32>
    %mul3A_14 = vector.broadcast %get3A_5 : f32 to vector<1000x1xf32>
    %mul3A_15 = arith.mulf %mul3A_14, %broadcast_in_dim3A_13 : vector<1000x1xf32>
    %abs3A = math.absf %get3A_5 : f32
    %sub3A = vector.broadcast %abs3A : f32 to vector<1000x1xf32>
    %sub3A_16 = arith.subf %mul3A_15, %sub3A : vector<1000x1xf32>
    %exp3A = math.exp %sub3A_16 : vector<1000x1xf32>
    %swap3A = arith.constant 0 : index
    %swap3A_17 = arith.constant 0 : index
    %swap3A_18 = vector.load %arg3[%swap3A, %swap3A_17] : memref<1000x128xf32, #tpu.memory_space<vmem>>, vector<1000x128xf32>
    tpu.vector_store %arg3[%swap3A, %swap3A_17], %div3A_9 {strides = array<i32>} : memref<1000x128xf32, #tpu.memory_space<vmem>>, vector<1000x128xf32>,
    %broadcast_in_dim3A_19 = arith.constant 0.000000e+00 : f32
    %broadcast_in_dim3A_20 = vector.broadcast %broadcast_in_dim3A_19 : f32 to vector<1000x15xf32>
    %concatenate3A = tpu.concatenate %div3A_9, %sqrt3A, %broadcast_in_dim3A_20 in 1 : vector<1000x128xf32>, vector<1000x1xf32>, vector<1000x15xf32> -> vector<1000x144xf32>
    %swap3A_21 = arith.constant 0 : index
    %swap3A_22 = arith.constant 0 : index
    %swap3A_23 = vector.load %arg4[%swap3A_21, %swap3A_22] : memref<1000x144xf32, #tpu.memory_space<vmem>>, vector<1000x144xf32>
    tpu.vector_store %arg4[%swap3A_21, %swap3A_22], %concatenate3A {strides = array<i32>} : memref<1000x144xf32, #tpu.memory_space<vmem>>, vector<1000x144xf32>,
    %swap3A_24 = arith.constant 0 : index
    %swap3A_25 = arith.constant 0 : index
    %swap3A_26 = vector.load %arg5[%swap3A_24, %swap3A_25] : memref<1000x1xf32, #tpu.memory_space<vmem>>, vector<1000x1xf32>
    tpu.vector_store %arg5[%swap3A_24, %swap3A_25], %exp3A {strides = array<i32>} : memref<1000x1xf32, #tpu.memory_space<vmem>>, vector<1000x1xf32>,
    return
  }
  func.func @transform_0(%arg0: i32) -> (i32, i32) {
    %c0_i32 = arith.constant 0 : i32
    %c0_i32_0 = arith.constant 0 : i32
    return %arg0, %c0_i32 : i32, i32
  }
  func.func @transform_1(%arg0: i32) -> (i32, i32) {
    %c0_i32 = arith.constant 0 : i32
    %c0_i32_0 = arith.constant 0 : i32
    %c0_i32_1 = arith.constant 0 : i32
    return %c0_i32, %c0_i32_0 : i32, i32
  }
  func.func @transform_2(%arg0: i32) -> (i32, i32) {
    %c0_i32 = arith.constant 0 : i32
    %c0_i32_0 = arith.constant 0 : i32
    return %arg0, %c0_i32 : i32, i32
  }
  func.func @transform_3(%arg0: i32) -> (i32, i32) {
    %c0_i32 = arith.constant 0 : i32
    %c0_i32_0 = arith.constant 0 : i32
    return %arg0, %c0_i32 : i32, i32
  }
  func.func @transform_4(%arg0: i32) -> (i32, i32) {
    %c0_i32 = arith.constant 0 : i32
    %c0_i32_0 = arith.constant 0 : i32
    return %arg0, %c0_i32 : i32, i32
  }
}

module attributes {stable_mosaic.version = 14 : i64} {
  func.func @_post_body(%arg0: i32, %arg1: memref<2x1000x144xf32, #tpu.memory_space<vmem>>, %arg2: memref<1000x128xf32, #tpu.memory_space<vmem>>, %arg3: memref<1000x1xf32, #tpu.memory_space<vmem>>, %arg4: memref<1000x128xf32, #tpu.memory_space<vmem>>) attributes {dimension_semantics = [#tpu.dimension_semantics<arbitrary>], iteration_bounds = array<i64: 10>, scalar_prefetch = 0 : i64, scratch_operands = 0 : i64, tpu.core_type = #tpu.core_type<tc>, window_params = [{transform_indices = @transform_0, window_bounds = array<i64: 2, 1000, 144>}, {transform_indices = @transform_1, window_bounds = array<i64: 1000, 128>}, {transform_indices = @transform_2, window_bounds = array<i64: 1000, 1>}, {transform_indices = @transform_3, window_bounds = array<i64: 1000, 128>}]} {
    %get3A = arith.constant 0 : index
    %get3A_0 = arith.constant 0 : index
    %get3A_1 = arith.constant 0 : index
    %get3A_2 = vector.load %arg1[%get3A, %get3A_0, %get3A_1] : memref<2x1000x144xf32, #tpu.memory_space<vmem>>, vector<2x1000x144xf32>
    %slice3A = vector.extract_strided_slice %get3A_2 {offsets = [0, 0, 0], sizes = [1, 1000, 128], strides = [1, 1, 1]} : vector<2x1000x144xf32> to vector<1x1000x128xf32>
    %squeeze3A = vector.shape_cast %slice3A : vector<1x1000x128xf32> to vector<1000x128xf32>
    %slice3A_3 = vector.extract_strided_slice %get3A_2 {offsets = [1, 0, 0], sizes = [1, 1000, 128], strides = [1, 1, 1]} : vector<2x1000x144xf32> to vector<1x1000x128xf32>
    %squeeze3A_4 = vector.shape_cast %slice3A_3 : vector<1x1000x128xf32> to vector<1000x128xf32>
    %add3A = arith.addf %squeeze3A, %squeeze3A_4 : vector<1000x128xf32>
    %slice3A_5 = vector.extract_strided_slice %get3A_2 {offsets = [0, 0, 128], sizes = [1, 1000, 1], strides = [1, 1, 1]} : vector<2x1000x144xf32> to vector<1x1000x1xf32>
    %squeeze3A_6 = vector.shape_cast %slice3A_5 : vector<1x1000x1xf32> to vector<1000x1xf32>
    %slice3A_7 = vector.extract_strided_slice %get3A_2 {offsets = [1, 0, 128], sizes = [1, 1000, 1], strides = [1, 1, 1]} : vector<2x1000x144xf32> to vector<1x1000x1xf32>
    %squeeze3A_8 = vector.shape_cast %slice3A_7 : vector<1x1000x1xf32> to vector<1000x1xf32>
    %add3A_9 = arith.addf %squeeze3A_6, %squeeze3A_8 : vector<1000x1xf32>
    %get3A_10 = arith.constant 0 : index
    %get3A_11 = arith.constant 0 : index
    %get3A_12 = vector.load %arg3[%get3A_10, %get3A_11] : memref<1000x1xf32, #tpu.memory_space<vmem>>, vector<1000x1xf32>
    %get3A_13 = arith.constant 0 : index
    %get3A_14 = arith.constant 0 : index
    %get3A_15 = vector.load %arg2[%get3A_13, %get3A_14] : memref<1000x128xf32, #tpu.memory_space<vmem>>, vector<1000x128xf32>
    %mul3A = vector.broadcast %get3A_12 : vector<1000x1xf32> to vector<1000x128xf32>
    %mul3A_16 = arith.mulf %mul3A, %get3A_15 : vector<1000x128xf32>
    %add3A_17 = arith.addf %add3A, %mul3A_16 : vector<1000x128xf32>
    %add3A_18 = arith.addf %add3A_9, %get3A_12 : vector<1000x1xf32>
    %add3A_19 = arith.constant 1.000000e-16 : f32
    %add3A_20 = vector.broadcast %add3A_19 : f32 to vector<1000x1xf32>
    %add3A_21 = arith.addf %add3A_18, %add3A_20 : vector<1000x1xf32>
    %div3A = vector.broadcast %add3A_21 : vector<1000x1xf32> to vector<1000x128xf32>
    %div3A_22 = arith.divf %add3A_17, %div3A : vector<1000x128xf32>
    %tanh3A = math.tanh %div3A_22 : vector<1000x128xf32>
    %swap3A = arith.constant 0 : index
    %swap3A_23 = arith.constant 0 : index
    %swap3A_24 = vector.load %arg4[%swap3A, %swap3A_23] : memref<1000x128xf32, #tpu.memory_space<vmem>>, vector<1000x128xf32>
    tpu.vector_store %arg4[%swap3A, %swap3A_23], %tanh3A {strides = array<i32>} : memref<1000x128xf32, #tpu.memory_space<vmem>>, vector<1000x128xf32>,
    return
  }
  func.func @transform_0(%arg0: i32) -> (i32, i32, i32) {
    %c0_i32 = arith.constant 0 : i32
    %c0_i32_0 = arith.constant 0 : i32
    %c0_i32_1 = arith.constant 0 : i32
    return %c0_i32, %arg0, %c0_i32_0 : i32, i32, i32
  }
  func.func @transform_1(%arg0: i32) -> (i32, i32) {
    %c0_i32 = arith.constant 0 : i32
    %c0_i32_0 = arith.constant 0 : i32
    return %arg0, %c0_i32 : i32, i32
  }
  func.func @transform_2(%arg0: i32) -> (i32, i32) {
    %c0_i32 = arith.constant 0 : i32
    %c0_i32_0 = arith.constant 0 : i32
    return %arg0, %c0_i32 : i32, i32
  }
  func.func @transform_3(%arg0: i32) -> (i32, i32) {
    %c0_i32 = arith.constant 0 : i32
    %c0_i32_0 = arith.constant 0 : i32
    return %arg0, %c0_i32 : i32, i32
  }
}

</mosaic_0001>

<sc_bundles>
// kernel: kernel.5.cloned.1.call-start
scs
__scs_entry_jumppad:
0x0: {  	(pc) =	sbr.rel $0x88, $3  }
0x1: {  	(tag) =	ssettag $0x0;
	lr =	simm.s32 $0x1  }
0x2: {  	[smem:$0x3F9E] =	sst lr;
	_ =	strace $0xD0000000  }
0x3: {  	_ = 	snop  }
0x4: {  	_ = 	snop  }
0x5: {  	_ = 	snop  }
0x6: {  	_ = 	snop  }
0x7: {  	_ = 	snop  }
__scs_overlays_trampoline_lowered:
0x8: {  	[smem:$0x3FAD] =	sst s0  }
0x9: {  	[smem:$0x3FAE] =	sst s1  }
0xa: {  	[smem:$0x3FAF] =	sst s2  }
0xb: {  	[smem:$0x3FB0] =	sst s3  }
0xc: {  	[smem:$0x3FB1] =	sst s4  }
0xd: {  	[smem:$0x3FB2] =	sst s5  }
0xe: {  	[smem:$0x3FB3] =	sst s6  }
0xf: {  	[smem:$0x3FB4] =	sst s7  }
0x10: {  	[smem:$0x3FB5] =	sst s8  }
0x11: {  	[smem:$0x3FB6] =	sst s9;
	s0 =	simm.s32 @!p0 $0x0  }
0x12: {  	s1 =	sld [smem:$0x3F9C];
	s0 =	simm.s32 @p0 $0x1  }
0x13: {  	[smem:$0x3FB7] =	sst s0;
	s0 =	simm.s32 @!p1 $0x0  }
0x14: {  	s2 =	sld [smem:$0x3F9B];
	s0 =	simm.s32 @p1 $0x1  }
0x15: {  	[smem:$0x3FB8] =	sst s0;
	s0 =	simm.s32 @!p2 $0x0  }
0x16: {  	s3 =	sld [smem:$0x3FDB];
	s0 =	simm.s32 @p2 $0x1  }
0x17: {  	s4 =	simm.s32 $0x1BF5;
	[smem:$0x3FBA] =	sst s0  }
0x18: {  	s0 =	sld [smem:$0x3F9D];
	_ =	swait.ge [sflag:s4], $0x0  }
0x19: {  	s7 =	sld [smem:$0x3F9E]  }
0x1a: {  	s8 =	sadd.s32 $0xFFFFE003, lr  }
0x1b: {  	s9 =	sadd.s32 $0xFFFFFEF7, lr;
	s5 =	simm.s32 $0xFFFFFFFF;
	p2 =	slt.u32 s8, $0xFFFFF086  }
0x1c: {  	p1 =	slt.u32 s9, $0xF7A;
	s5 =	simm.s32 @!p2 $0x0  }
0x1d: {  	s5 =	simm.s32 @p1 $0x1;
	p0 =	seq.s32 s7, s2  }
0x1e: {  	s7 =	smul.u32 @!p0 $0xF7A, s2;
	p2 =	seq.s32 @!p0 s5, $0x0  }
0x1f: {  	s9 =	smul.u32 $0xF7A, s1;
	s8 =	simm.s32 @!p0 $0x1BF5;
	p2 =	por !p2, p0  }
0x20: {  	[sflag:s8] =	ssyncset.s32 @!p0 $0xFFFFF086;
	s6 =	sadd.s32 @!p0 s3, s7;
	s7 =	simm.s32 @!p0 $0x108  }
0x21: {  	s3 =	sadd.s32 s3, s9;
	s6 =	sadd.s32 @!p0 $0x88, s6;
	s7 =	simm.s32 @p2 $0x1082  }
0x22: {  	[simem:s7], [sflag:s8] =	dma.local @!p0 [hbm:s6], $0xF7A  }
0x23: {  	s9 =	sor.u32 $0xD0000000, s2;
	s6 =	simm.s32 $0x108;
	_ =	swait.ge @!p0 [sflag:s8], $0x0  }
0x24: {  	s3 =	sadd.s32 $0x88, s3;
	s6 =	simm.s32 @!p1 $0x1082;
	[sflag:s4] =	ssyncset.s32 $0xFFFFF086  }
0x25: {  	[simem:s6], [sflag:s4] =	dma.local [hbm:s3], $0xF7A  }
0x26: {  	[smem:$0x3F9E] =	sst s1;
	(tag) =	ssettag s2;
	_ =	strace s9  }
0x27: {  	s1 =	sld [smem:$0x3FAE]  }
0x28: {  	s2 =	sld [smem:$0x3FAF]  }
0x29: {  	s4 =	sld [smem:$0x3FB1]  }
0x2a: {  	p0 =	seq.s32 s5, $0x0;
	s5 =	sld [smem:$0x3FB2]  }
0x2b: {  	s6 =	sld [smem:$0x3FB3]  }
0x2c: {  	s7 =	sld [smem:$0x3FB4]  }
0x2d: {  	s3 =	simm.s32 $0x108;
	s8 =	sld [smem:$0x3FB5]  }
0x2e: {  	s3 =	simm.s32 @!p0 $0x1082;
	s9 =	sld [smem:$0x3FB6]  }
0x2f: {  	lr =	sadd.s32 s0, s3;
	s0 =	sld [smem:$0x3FAD]  }
0x30: {  	s3 =	sld [smem:$0x3FB0]  }
0x31: {  	[smem:$0x3FB9] =	sst s10  }
0x32: {  	s10 =	sld [smem:$0x3FB7];
	_ =	sdelay $0x3  }
0x33: {  	p0 =	seq.s32 s10, $0x1;
	s10 =	sld [smem:$0x3FB9];
	_ =	sdelay $0x3  }
0x34: {  	[smem:$0x3FB9] =	sst s10  }
0x35: {  	s10 =	sld [smem:$0x3FB8];
	_ =	sdelay $0x3  }
0x36: {  	p1 =	seq.s32 s10, $0x1;
	s10 =	sld [smem:$0x3FB9];
	_ =	sdelay $0x3  }
0x37: {  	[smem:$0x3FB9] =	sst s10  }
0x38: {  	s10 =	sld [smem:$0x3FBA]  }
0x39: {  	_ = 	snop;
	(pc) =	sbr.ind lr, $3  }
0x3a: {  	_ = 	snop  }
0x3b: {  	_ = 	snop  }
0x3c: {  	p2 =	seq.s32 s10, $0x1;
	s10 =	sld [smem:$0x3FB9]  }
0x3d: {  	_ =	shalt  }
0x3e: {  	_ =	shalt  }
0x3f: {  	_ =	shalt  }
0x40: {  	_ =	shalt  }
0x41: {  	_ =	shalt  }
0x42: {  	_ =	shalt  }
0x43: {  	_ =	shalt  }
0x44: {  	_ =	shalt  }
0x45: {  	_ =	shalt  }
0x46: {  	_ =	shalt  }
0x47: {  	_ =	shalt  }
0x48: {  	_ =	shalt  }
0x49: {  	_ =	shalt  }
0x4a: {  	_ =	shalt  }
0x4b: {  	_ =	shalt  }
0x4c: {  	_ =	shalt  }
0x4d: {  	_ =	shalt  }
0x4e: {  	_ =	shalt  }
0x4f: {  	_ =	shalt  }
0x50: {  	_ =	shalt  }
0x51: {  	_ =	shalt  }
0x52: {  	_ =	shalt  }
0x53: {  	_ =	shalt  }
0x54: {  	_ =	shalt  }
0x55: {  	_ =	shalt  }
0x56: {  	_ =	shalt  }
0x57: {  	_ =	shalt  }
0x58: {  	_ =	shalt  }
0x59: {  	_ =	shalt  }
0x5a: {  	_ =	shalt  }
0x5b: {  	_ =	shalt  }
0x5c: {  	_ =	shalt  }
0x5d: {  	_ =	shalt  }
0x5e: {  	_ =	shalt  }
0x5f: {  	_ =	shalt  }
0x60: {  	_ =	shalt  }
0x61: {  	_ =	shalt  }
0x62: {  	_ =	shalt  }
0x63: {  	_ =	shalt  }
0x64: {  	_ =	shalt  }
0x65: {  	_ =	shalt  }
0x66: {  	_ =	shalt  }
0x67: {  	_ =	shalt  }
0x68: {  	_ =	shalt  }
0x69: {  	_ =	shalt  }
0x6a: {  	_ =	shalt  }
0x6b: {  	_ =	shalt  }
0x6c: {  	_ =	shalt  }
0x6d: {  	_ =	shalt  }
0x6e: {  	_ =	shalt  }
0x6f: {  	_ =	shalt  }
0x70: {  	_ =	shalt  }
0x71: {  	_ =	shalt  }
0x72: {  	_ =	shalt  }
0x73: {  	_ =	shalt  }
0x74: {  	_ =	shalt  }
0x75: {  	_ =	shalt  }
0x76: {  	_ =	shalt  }
0x77: {  	_ =	shalt  }
0x78: {  	_ =	shalt  }
0x79: {  	_ =	shalt  }
0x7a: {  	_ =	shalt  }
0x7b: {  	_ =	shalt  }
0x7c: {  	_ =	shalt  }
0x7d: {  	_ =	shalt  }
0x7e: {  	_ =	shalt  }
0x7f: {  	_ =	shalt  }
0x80: {  	_ =	shalt  }
0x81: {  	_ =	shalt  }
0x82: {  	_ =	shalt  }
0x83: {  	_ =	shalt  }
0x84: {  	_ =	shalt  }
0x85: {  	_ =	shalt  }
0x86: {  	_ =	shalt  }
0x87: {  	_ =	shalt  }
.Lfunc_end0:
.L_simem_size_0:
called_computation_lowered:
.L_overlay_start_0:
0x88: {  	s2 =	sld [smem:$0x3FD9]  }
0x89: {  	s3 =	sld [smem:$0x3FFE];
	_ =	sdelay $0x1  }
0x8a: {  	s1 =	srdreg.scid  }
0x8b: {  	s0 =	sand.u32 $0x1, s1  }
0x8c: {  	s17 =	sshll.u32 s0, $0xA;
	s2 =	sadd.s32 s3, s2  }
0x8d: {  	s2 =	sadd.s32 s2, s17  }
0x8e: {  	[smem:$0x3FC5] =	sst s2  }
0x8f: {  	_ = 	snop  }
0x90: {  	s2 =	sld [smem:$0x3FD0];
	(tm) =	ssettm $0x1  }
0x91: {  	s18 =	sld [smem:$0x3FFB];
	_ =	sdelay $0x3  }
0x92: {  	_ =	strace s18  }
0x93: {  	s3 =	sld [smem:$0x3FFC];
	_ =	sdelay $0x3  }
0x94: {  	_ =	strace s3  }
0x95: {  	s3 =	sld [smem:$0x3FFD];
	_ =	sdelay $0x3  }
0x96: {  	_ =	strace s3  }
0x97: {  	_ =	strace $0x8FFFFFFF  }
0x98: {  	s19 =	sld [smem:$0x3FDB];
	_ =	sdelay $0x1  }
0x99: {  	s4 =	simm.s32 $_scs_section_size  }
0x9a: {  	s5 =	simm.s32 $_size__tile_overlayer_lowered;
	s6 =	simm.s32 $_tile_overlayer_lowered  }
0x9b: {  	s22 =	simm.s32 $0x1BFF;
	s21 =	sshll.u32 s6, $0x1;
	s3 =	sadd.s32 s4, s19  }
0x9c: {  	s7 =	simm.s32 $0x0;
	s20 =	sshll.u32 s5, $0x1;
	s5 =	sadd.s32 s21, s3  }
0x9d: {  	[timem:s7], [sflag:s22] =	dma.local [hbm:s5], s20  }
0x9e: {  	_ =	swait.ge [sflag:s22], s20  }
0x9f: {  	s4 =	ssub.s32 $0x0, s20;
	[sflag:s22] =	ssyncset.done $0x0  }
0xa0: {  	[sflag:s22] =	ssyncadd.s32 s4;
	_ =	sdelay $0x1  }
0xa1: {  	s23 =	simm.s32 $0x1B8B  }
0xa2: {  	_ =	swait.ge [sflag:s23], $0x1  }
0xa3: {  	[sflag:s23] =	ssyncset.done $0x0  }
0xa4: {  	s25 =	simm.s32 $0x1B8E;
	s24 =	sld [smem:$0x3FFE];
	[sflag:s23] =	ssyncadd.s32 $0xFFFFFFFF  }
0xa5: {  	s26 =	simm.s32 $execute0_lowered;
	[smem:$0x3FD2] =	sst s25  }
0xa6: {  	s5 =	sshll.u32 s26, $0x1;
	_ =	strace $0x80000046;
	[dreg:$0x1] =	wrdreg $0xFFFFFFFF  }
0xa7: {  	s28 =	simm.s32 $_size_execute0_lowered;
	s3 =	sadd.s32 s3, s5;
	[dreg:$0x0] =	wrdreg $0x0  }
0xa8: {  	s5 =	sshll.u32 s28, $0x1;
	[dreg:$0x2] =	wrdreg s3  }
0xa9: {  	[dreg:$0x3] =	wrdreg s5  }
0xaa: {  	[dreg:$0x4] =	wrdreg $0xC0  }
0xab: {  	_ =	task [dreg:s7], $0x5FFFF  }
0xac: {  	[dreg:$0x1] =	wrdreg $0xFFFFFFFF  }
0xad: {  	[dreg:$0x0] =	wrdreg $0x60  }
0xae: {  	[dreg:$0x2] =	wrdreg s24  }
0xaf: {  	[dreg:$0x3] =	wrdreg s2  }
0xb0: {  	[dreg:$0x4] =	wrdreg $0x85500  }
0xb1: {  	[dreg:$0x5] =	wrdreg $0x9  }
0xb2: {  	_ =	task.clear_ibuf [dreg:s7], $0x6FFFF;
	_ =	strace $0x90000046  }
0xb3: {  	s29 =	simm.s32 $0x9;
	_ =	strace $0x80000048  }
0xb4: {  	_ =	swait.ge [sflag:s29], $0x1  }
0xb5: {  	[sflag:s29] =	ssyncadd.s32 $0xFFFFFFFF  }
0xb6: {  	_ =	strace $0x90000048  }
0xb7: {  	_ =	sfence  }
0xb8: {  	s30 =	sld [smem:$0x0];
	_ =	sdelay $0x2  }
0xb9: {  	s31 =	sshll.u32 s1, $0xD;
	s1 =	sshrl.u32 s1, $0x2  }
0xba: {  	s3 =	sand.u32 $0x4000, s31;
	s1 =	sadd.s32 s1, s30  }
0xbb: {  	s0 =	sor.u32 s3, s0;
	s1 =	sshll.u32 s1, $0x11  }
0xbc: {  	s0 =	sor.u32 s1, s0  }
0xbd: {  	s0 =	sadd.s32 $0x8F2B, s0  }
0xbe: {  	[sflag:s0] =	ssyncadd.remote.s32 $0x1  }
0xbf: {  	_ =	sfence.sel $0xFFFF  }
0xc0: {  	[dreg:$0x0] =	wrdreg $0xFFFFFFFF;
	(pc) =	sbr.abs _section_cstart, $3  }
0xc1: {  	[dreg:$0x1] =	wrdreg $0xFFFFFFFF  }
0xc2: {  	_ =	task.clear_ibuf [dreg:s7], $0x2FFFF;
	_ =	strace $0x9FFFFFFF  }
0xc3: {  	(tm) =	ssettm $0x7FFFFFFF  }
tec
execute0_lowered:
.L_overlay_start_1:
0x0: {  	(tag) =	ssettag $0x1  }
0x1: {  	s0 =	rddreg [dreg:$0x0]  }
0x2: {  	s1 =	rddreg [dreg:$0x1]  }
0x3: {  	s2 =	rddreg [dreg:$0x2];
	s3 =	simm.s32 $0x0  }
0x4: {  	s4 =	srdreg.scid;
	s14 =	stileid.u32;
	s28 =	simm.s32 $0x8  }
0x5: {  	s31 =	simm.s32 $0x9;
	[smem:$0x7FF] =	sst s3;
	s5 =	sadd.s32 $0xAC00, s0  }
0x6: {  	s6 =	sadd.s32 $0xE00, s0;
	s7 =	sadd.s32 $0x14A00, s0;
	s4 =	sand.u32 $0x1, s4  }
0x7: {  	s8 =	sadd.s32 $0x40A00, s0;
	s9 =	smul.u32 $0x57C00, s14;
	s0 =	sadd.s32 $0x40C00, s0  }
0x8: {  	s12 =	smul.u32 $0x2BE0, s14;
	p0 =	sne.s32 s14, $0xF;
	_ =	strace $0x80000047  }
0x9: {  	[dreg:$0x4] =	wrdreg s8;
	s17 =	ssub.s32 $0x2, s4;
	s13 =	smul.u32 $0x2BF20, s4  }
0xa: {  	s11 =	sshll.u32 s4, $0x4;
	s4 =	smul.u32 $0x15F900, s4;
	s9 =	sshrl.u32 s9, $0x2  }
0xb: {  	s10 =	sshrl.u32 s17, $0x1;
	s11 =	sor.u32 s14, s11;
	s16 =	sadd.s32 s9, s2  }
0xc: {  	s14 =	simm.s32 $0x6;
	s20 =	sadd.s32 $0x1B00, s16;
	[dreg:$0x5] =	wrdreg s16  }
0xd: {  	s8 =	ssub.s32 s17, s10;
	s21 =	sadd.s32 $0x3600, s16;
	[dreg:$0x6] =	wrdreg s20  }
0xe: {  	s18 =	smul.u32 $0x2710, s11;
	s22 =	sadd.s32 $0x5100, s16;
	[dreg:$0x7] =	wrdreg s21  }
0xf: {  	s12 =	sadd.s32 s12, s13;
	s23 =	sadd.s32 $0x6C00, s16;
	[dreg:$0x8] =	wrdreg s22  }
0x10: {  	s4 =	sshrl.u32 s4, $0x3;
	s24 =	sadd.s32 $0x8700, s16;
	[dreg:$0x9] =	wrdreg s23  }
0x11: {  	s10 =	simm.s32 $0x4F40;
	[dreg:$0xa] =	wrdreg s24;
	s21 =	smax.u32 s8, $0x1  }
0x12: {  	s25 =	sshrl.u32 s18, $0x3;
	s22 =	sadd.s32 $0xA200, s16;
	[dreg:$0x13] =	wrdreg s21  }
0x13: {  	s19 =	sadd.s32 $0x60, s18;
	s23 =	sadd.s32 $0xBD00, s16;
	[dreg:$0x14] =	wrdreg s22  }
0x14: {  	s20 =	sadd.s32 $0x90, s18;
	s24 =	sadd.s32 $0xD800, s16;
	[dreg:$0x15] =	wrdreg s23  }
0x15: {  	s8 =	simm.s32 $0xA;
	s26 =	sadd.s32 s5, s25;
	[dreg:$0x16] =	wrdreg s24  }
0x16: {  	s29 =	sadd.s32 $0x6, s25;
	s15 =	sadd.s32 s6, s25;
	[dreg:$0xb] =	wrdreg s26  }
0x17: {  	s13 =	sadd.s32 $0x4E0, s25;
	s25 =	sadd.s32 $0xF300, s16;
	[dreg:$0xc] =	wrdreg s15  }
0x18: {  	s22 =	sadd.s32 $0x15F000, s2;
	s24 =	simm.s32 $0x1;
	[dreg:$0x17] =	wrdreg s25  }
0x19: {  	s21 =	simm.s32 $0x0;
	s30 =	sadd.s32 s5, s29;
	[dreg:$0x1b] =	wrdreg s22  }
0x1a: {  	s11 =	sadd.s32 s6, s29;
	s15 =	sadd.s32 s0, s12;
	[dreg:$0xd] =	wrdreg s30  }
0x1b: {  	s0 =	sadd.s32 s0, s4;
	s17 =	sadd.s32 s5, s13;
	[dreg:$0xe] =	wrdreg s11  }
0x1c: {  	s18 =	sadd.s32 s6, s13;
	s26 =	sadd.s32 $0x10E00, s16;
	[dreg:$0xf] =	wrdreg s15  }
0x1d: {  	s29 =	sadd.s32 $0x12900, s16;
	s12 =	simm.s32 $0x30;
	[dreg:$0x10] =	wrdreg s17  }
0x1e: {  	s13 =	simm.s32 $0x5;
	s25 =	simm.s32 $0x2;
	[dreg:$0x11] =	wrdreg s18  }
0x1f: {  	s4 =	simm.s32 $0x4;
	s0 =	sadd.s32 $0x2BE00, s0;
	[dreg:$0x18] =	wrdreg s26  }
0x20: {  	[dreg:$0x19] =	wrdreg s29;
	s30 =	sadd.s32 $0x14400, s16;
	s11 =	simm.s32 $0xB  }
0x21: {  	v0 =	vimm.f32 $0.0e+00;
	vm0 =	vcmask $0x300;
	s17 =	simm.s32 $0x60;
	s18 =	simm.s32 $0x90;
	[dreg:$0x12] =	wrdreg s0  }
0x22: {  	v1 =	vsel vm0, $0x3F800000, v0;
	s26 =	simm.s32 $0x7;
	[dreg:$0x1a] =	wrdreg s30;
	s0 =	simm.s32 $0x3  }
.LBB2_1:
0x23: {  	s9 =	simm.s32 $0x0;
	s15 =	simm.s32 $0x240  }
.LBB2_2:
0x24: {  	p1 =	sne.s32 s15, $0x69C0;
	[tilespmem:s9+$0x4FC0] =	vst v0  }
0x25: {  	[tilespmem:s9+$0x4F40] =	vst v0  }
0x26: {  	[tilespmem:s9+$0x4F50] =	vst v0  }
0x27: {  	[tilespmem:s9+$0x4F60] =	vst v0  }
.Ltmp0:
0x28: {  	[tilespmem:s9+$0x4F70] =	vst v0;
	(pc) =	sbr.rel @p1 .LBB2_2-.Ltmp0, $4  }
0x29: {  	[tilespmem:s9+$0x4F80] =	vst v0  }
0x2a: {  	[tilespmem:s9+$0x4F90] =	vst v0  }
0x2b: {  	[tilespmem:s9+$0x4FA0] =	vst v0  }
0x2c: {  	[tilespmem:s9+$0x4FB0] =	vst v0;
	s9 =	sshra.s32 s15, $0x2;
	s15 =	sadd.s32 $0x240, s15  }
0x2d: {  	[tilespmem:s9+$0x4FC0] =	vst v0  }
0x2e: {  	[tilespmem:s9+$0x4F40] =	vst v0  }
0x2f: {  	[tilespmem:s9+$0x4F50] =	vst v0  }
0x30: {  	[tilespmem:s9+$0x4F60] =	vst v0  }
0x31: {  	[tilespmem:s9+$0x4F70] =	vst v0  }
0x32: {  	[tilespmem:s9+$0x4F80] =	vst v0  }
0x33: {  	[tilespmem:s9+$0x4F90] =	vst v0  }
0x34: {  	[tilespmem:s9+$0x4FA0] =	vst v0  }
0x35: {  	[dreg:$0x1c] =	wrdreg s21;
	[tilespmem:s9+$0x4FB0] =	vst v0;
	s9 =	simm.s32 $0x0;
	s15 =	simm.s32 $0x240  }
.LBB2_4:
0x36: {  	p1 =	sne.s32 s15, $0x69C0;
	[tilespmem:s9+$0x6AC0] =	vst v0  }
0x37: {  	[tilespmem:s9+$0x6A40] =	vst v0  }
0x38: {  	[tilespmem:s9+$0x6A50] =	vst v0  }
0x39: {  	[tilespmem:s9+$0x6A60] =	vst v0  }
.Ltmp1:
0x3a: {  	[tilespmem:s9+$0x6A70] =	vst v0;
	(pc) =	sbr.rel @p1 .LBB2_4-.Ltmp1, $4  }
0x3b: {  	[tilespmem:s9+$0x6A80] =	vst v0  }
0x3c: {  	[tilespmem:s9+$0x6A90] =	vst v0  }
0x3d: {  	[tilespmem:s9+$0x6AA0] =	vst v0  }
0x3e: {  	[tilespmem:s9+$0x6AB0] =	vst v0;
	s9 =	sshra.s32 s15, $0x2;
	s15 =	sadd.s32 $0x240, s15  }
0x3f: {  	[tilespmem:s9+$0x6AC0] =	vst v0  }
0x40: {  	[tilespmem:s9+$0x6A40] =	vst v0  }
0x41: {  	[tilespmem:s9+$0x6A50] =	vst v0  }
0x42: {  	[tilespmem:s9+$0x6A60] =	vst v0  }
0x43: {  	[tilespmem:s9+$0x6A70] =	vst v0  }
0x44: {  	[tilespmem:s9+$0x6A80] =	vst v0  }
0x45: {  	[tilespmem:s9+$0x6A90] =	vst v0  }
0x46: {  	[tilespmem:s9+$0x6AA0] =	vst v0  }
0x47: {  	[tilespmem:s9+$0x6AB0] =	vst v0  }
0x48: {  	[spmem:s16] =	stream.linear.scatter [tilespmem:s10], [sflag:$0xB], $0x1B00, $0x38;
	[tilespmem:$0x1E4E0] =	vst v63  }
0x49: {  	_ =	swait.ge [sflag:s11], $0x1B00  }
0x4a: {  	[sflag:s11] =	ssyncset.done $0x0  }
0x4b: {  	s23 =	rddreg [dreg:$0x6];
	[sflag:s11] =	ssyncadd.s32 $0xFFFFE500  }
0x4c: {  	[spmem:s23] =	stream.linear.scatter [tilespmem:s10], [sflag:$0xB], $0x1B00, $0x38;
	[tilespmem:$0x1E4E0] =	vst v63  }
0x4d: {  	_ =	swait.ge [sflag:s11], $0x1B00  }
0x4e: {  	[sflag:s11] =	ssyncset.done $0x0  }
0x4f: {  	s29 =	rddreg [dreg:$0x7];
	[sflag:s11] =	ssyncadd.s32 $0xFFFFE500  }
0x50: {  	[spmem:s29] =	stream.linear.scatter [tilespmem:s10], [sflag:$0xB], $0x1B00, $0x38;
	[tilespmem:$0x1E4E0] =	vst v63  }
0x51: {  	_ =	swait.ge [sflag:s11], $0x1B00  }
0x52: {  	[sflag:s11] =	ssyncset.done $0x0  }
0x53: {  	s30 =	rddreg [dreg:$0x8];
	[sflag:s11] =	ssyncadd.s32 $0xFFFFE500  }
0x54: {  	[spmem:s30] =	stream.linear.scatter [tilespmem:s10], [sflag:$0xB], $0x1B00, $0x38;
	[tilespmem:$0x1E4E0] =	vst v63  }
0x55: {  	_ =	swait.ge [sflag:s11], $0x1B00  }
0x56: {  	[sflag:s11] =	ssyncset.done $0x0  }
0x57: {  	s15 =	rddreg [dreg:$0x9];
	[sflag:s11] =	ssyncadd.s32 $0xFFFFE500  }
0x58: {  	[spmem:s15] =	stream.linear.scatter [tilespmem:s10], [sflag:$0xB], $0x1B00, $0x38;
	[tilespmem:$0x1E4E0] =	vst v63  }
0x59: {  	_ =	swait.ge [sflag:s11], $0x1B00  }
0x5a: {  	[sflag:s11] =	ssyncset.done $0x0  }
0x5b: {  	s16 =	rddreg [dreg:$0xa];
	[sflag:s11] =	ssyncadd.s32 $0xFFFFE500  }
0x5c: {  	[spmem:s16] =	stream.linear.scatter [tilespmem:s10], [sflag:$0xB], $0x1B00, $0x38;
	[tilespmem:$0x1E4E0] =	vst v63  }
0x5d: {  	_ =	swait.ge [sflag:s11], $0x1B00  }
0x5e: {  	[sflag:s11] =	ssyncset.done $0x0  }
0x5f: {  	s21 =	rddreg [dreg:$0x14];
	[sflag:s11] =	ssyncadd.s32 $0xFFFFE500  }
0x60: {  	[spmem:s21] =	stream.linear.scatter [tilespmem:s10], [sflag:$0xB], $0x1B00, $0x38;
	[tilespmem:$0x1E4E0] =	vst v63  }
0x61: {  	_ =	swait.ge [sflag:s11], $0x1B00  }
0x62: {  	[sflag:s11] =	ssyncset.done $0x0  }
0x63: {  	s23 =	rddreg [dreg:$0x15];
	[sflag:s11] =	ssyncadd.s32 $0xFFFFE500  }
0x64: {  	[spmem:s23] =	stream.linear.scatter [tilespmem:s10], [sflag:$0xB], $0x1B00, $0x38;
	[tilespmem:$0x1E4E0] =	vst v63  }
0x65: {  	_ =	swait.ge [sflag:s11], $0x1B00  }
0x66: {  	[sflag:s11] =	ssyncset.done $0x0  }
0x67: {  	s29 =	rddreg [dreg:$0x16];
	[sflag:s11] =	ssyncadd.s32 $0xFFFFE500  }
0x68: {  	[spmem:s29] =	stream.linear.scatter [tilespmem:s10], [sflag:$0xB], $0x1B00, $0x38;
	[tilespmem:$0x1E4E0] =	vst v63  }
0x69: {  	_ =	swait.ge [sflag:s11], $0x1B00  }
0x6a: {  	[sflag:s11] =	ssyncset.done $0x0  }
0x6b: {  	s30 =	rddreg [dreg:$0x17];
	[sflag:s11] =	ssyncadd.s32 $0xFFFFE500  }
0x6c: {  	[spmem:s30] =	stream.linear.scatter [tilespmem:s10], [sflag:$0xB], $0x1B00, $0x38;
	[tilespmem:$0x1E4E0] =	vst v63  }
0x6d: {  	_ =	swait.ge [sflag:s11], $0x1B00  }
0x6e: {  	[sflag:s11] =	ssyncset.done $0x0  }
0x6f: {  	s15 =	rddreg [dreg:$0x18];
	[sflag:s11] =	ssyncadd.s32 $0xFFFFE500  }
0x70: {  	[spmem:s15] =	stream.linear.scatter [tilespmem:s10], [sflag:$0xB], $0x1B00, $0x38;
	[tilespmem:$0x1E4E0] =	vst v63  }
0x71: {  	_ =	swait.ge [sflag:s11], $0x1B00  }
0x72: {  	[sflag:s11] =	ssyncset.done $0x0  }
0x73: {  	s16 =	rddreg [dreg:$0x19];
	[sflag:s11] =	ssyncadd.s32 $0xFFFFE500  }
0x74: {  	[spmem:s16] =	stream.linear.scatter [tilespmem:s10], [sflag:$0xB], $0x1B00, $0x38;
	[tilespmem:$0x1E4E0] =	vst v63  }
0x75: {  	_ =	swait.ge [sflag:s11], $0x1B00  }
0x76: {  	[sflag:s11] =	ssyncset.done $0x0  }
0x77: {  	s21 =	rddreg [dreg:$0x1a];
	[sflag:s11] =	ssyncadd.s32 $0xFFFFE500  }
0x78: {  	[spmem:s21] =	stream.linear.scatter [tilespmem:s10], [sflag:$0xB], $0x1B00, $0x38;
	[tilespmem:$0x1E4E0] =	vst v63  }
0x79: {  	_ =	swait.ge [sflag:s11], $0x1B00  }
0x7a: {  	[sflag:s11] =	ssyncset.done $0x0  }
0x7b: {  	s9 =	simm.s32 @!p0 $0x4F40;
	[sflag:s11] =	ssyncadd.s32 $0xFFFFE500  }
0x7c: {  	[spmem:s22] =	stream.linear.scatter @!p0 [tilespmem:s9], [sflag:$0xB], $0x900, $0x38;
	[tilespmem:$0x1E4E0] =	vst v63  }
0x7d: {  	s9 =	simm.s32 @!p0 $0xB  }
0x7e: {  	_ =	swait.ge @!p0 [sflag:s9], $0x900  }
0x7f: {  	s22 =	simm.s32 $0x8540;
	[sflag:s9] =	ssyncset.done @!p0 $0x0  }
0x80: {  	s15 =	rddreg [dreg:$0x4];
	[sflag:s9] =	ssyncadd.s32 @!p0 $0xFFFFF700;
	s9 =	simm.s32 $0x0  }
0x81: {  	[tilespmem:s22], [sflag:$0xB] =	stream.linear.gather [hbm4b:s15+s9], $0x10, $0x38;
	[tilespmem:$0x1E4E0] =	vst v63  }
0x82: {  	_ =	swait.ge [sflag:s11], $0x10  }
0x83: {  	[sflag:s11] =	ssyncset.done $0x0  }
0x84: {  	[sflag:s11] =	ssyncadd.s32 $0xFFFFFFF0  }
0x85: {  	[bflag:$0x0] =	sbarrier.arrive $0xFFFF  }
0x86: {  	s23 =	rddreg [dreg:$0xb]  }
0x87: {  	v2 =	vld [tilespmem:$0x8540];
	[tilespmem:s9], [sflag:$0x5] =	stream.linear.gather [hbm4b:s23+s9], $0x30, $0x38  }
0x88: {  	s29 =	rddreg [dreg:$0xc]  }
0x89: {  	[tilespmem:s12], [sflag:$0x6] =	stream.linear.gather [hbm4b:s29+s9], $0x30, $0x38;
	[tilespmem:$0x1E4E0] =	vst v63  }
0x8a: {  	_ =	swait.ge [sflag:s13], $0x30  }
0x8b: {  	[sflag:s13] =	ssyncset.done $0x0  }
0x8c: {  	[sflag:s13] =	ssyncadd.s32 $0xFFFFFFD0  }
0x8d: {  	_ =	swait.ge [sflag:s14], $0x30  }
0x8e: {  	[sflag:s14] =	ssyncset.done $0x0  }
0x8f: {  	s30 =	simm.s32 $0x140;
	[sflag:s14] =	ssyncadd.s32 $0xFFFFFFD0  }
0x90: {  	[tilespmem:s30], [sflag:$0x1] =	stream.indirect.gather [hbm4b:s7+s12], $0x90, s9, s12, $0xb8;
	[tilespmem:$0x1E4E0] =	vst v63  }
0x91: {  	s16 =	simm.s32 $0x3740  }
0x92: {  	[tilespmem:s16], [sflag:$0x2] =	stream.indirect.gather [hbm4b:s1+s12], $0x40, s12, s12, $0xb8;
	[tilespmem:$0x1E4E0] =	vst v63  }
0x93: {  	s21 =	rddreg [dreg:$0xd]  }
0x94: {  	[tilespmem:s17], [sflag:$0x7] =	stream.linear.gather [hbm4b:s21+s9], $0x30, $0x38;
	[tilespmem:$0x1E4E0] =	vst v63  }
0x95: {  	s22 =	rddreg [dreg:$0xe]  }
0x96: {  	[tilespmem:s18], [sflag:$0x8] =	stream.linear.gather [hbm4b:s22+s9], $0x30, $0x38;
	[tilespmem:$0x1E4E0] =	vst v63  }
0x97: {  	v3 =	vld [tilespmem:$0x30]  }
0x98: {  	v4 =	vld [tilespmem:$0x40]  }
0x99: {  	v5 =	vld [tilespmem:$0x50];
	_ =	sdelay $0x2  }
0x9a: {  	[tilespmem:$0xC0] =	vst v3  }
0x9b: {  	[tilespmem:$0xD0] =	vst v4  }
0x9c: {  	s23 =	simm.s32 $0xC0;
	[tilespmem:$0xE0] =	vst v5  }
0x9d: {  	[spmem:s2] =	stream.indirect.scatter.add.f32 [tilespmem:s10], [sflag:$0x9], $0x90, s23, s12, $0xb8;
	[tilespmem:$0x1E4E0] =	vst v63  }
0x9e: {  	v3 =	vld [tilespmem:$0x30]  }
0x9f: {  	v4 =	vld [tilespmem:$0x40]  }
0xa0: {  	v5 =	vld [tilespmem:$0x50];
	_ =	sdelay $0x2  }
0xa1: {  	[tilespmem:$0xF0] =	vst v3  }
0xa2: {  	[tilespmem:$0x100] =	vst v4  }
0xa3: {  	s29 =	simm.s32 $0xF0;
	s30 =	simm.s32 $0x6A40;
	[tilespmem:$0x110] =	vst v5  }
0xa4: {  	v3 =	vbroadcast v2, $0x0;
	v2 =	vbroadcast v2, $0x1;
	[spmem:s2] =	stream.indirect.scatter.add.f32 [tilespmem:s30], [sflag:$0xA], $0x90, s29, s12, $0xb8;
	[tilespmem:$0x1E4E0] =	vst v63  }
.LBB2_6:
0xa5: {  	_ =	swait.ge [sflag:s24], $0x1B00  }
0xa6: {  	[sflag:s24] =	ssyncset.done $0x0  }
0xa7: {  	[sflag:s24] =	ssyncadd.s32 $0xFFFFE500  }
0xa8: {  	_ =	swait.ge [sflag:s25], $0xC00  }
0xa9: {  	[sflag:s25] =	ssyncset.done $0x0  }
0xaa: {  	[sflag:s25] =	ssyncadd.s32 $0xFFFFF400  }
0xab: {  	_ =	swait.ge [sflag:s26], $0x30  }
0xac: {  	[sflag:s26] =	ssyncset.done $0x0  }
0xad: {  	[sflag:s26] =	ssyncadd.s32 $0xFFFFFFD0  }
0xae: {  	_ =	swait.ge [sflag:s28], $0x30  }
0xaf: {  	[sflag:s28] =	ssyncset.done $0x0  }
0xb0: {  	s15 =	simm.s32 $0x1C40;
	[sflag:s28] =	ssyncadd.s32 $0xFFFFFFD0  }
0xb1: {  	[tilespmem:s15], [sflag:$0x3] =	stream.indirect.gather [hbm4b:s7+s12], $0x90, s17, s12, $0xb8;
	[tilespmem:$0x1E4E0] =	vst v63  }
0xb2: {  	s22 =	simm.s32 $0x4340  }
0xb3: {  	[tilespmem:s22], [sflag:$0x4] =	stream.indirect.gather [hbm4b:s1+s12], $0x40, s18, s12, $0xb8;
	[tilespmem:$0x1E4E0] =	vst v63  }
0xb4: {  	_ =	swait.ge [sflag:s31], $0x1B00  }
0xb5: {  	[sflag:s31] =	ssyncset.done $0x0  }
0xb6: {  	s23 =	simm.s32 $0x1D0;
	[sflag:s31] =	ssyncadd.s32 $0xFFFFE500  }
0xb7: {  	v34 =	vld [tilespmem:s23+$0x0]  }
0xb8: {  	v33 =	vld [tilespmem:s23+$0x10]  }
0xb9: {  	v26 =	vld [tilespmem:s23+$0x20]  }
0xba: {  	v28 =	vld [tilespmem:s23+$0x30]  }
0xbb: {  	s16 =	simm.s32 $0x3780;
	v27 =	vld [tilespmem:s23+$0x40]  }
0xbc: {  	v4 =	vld [tilespmem:s16+$0x0]  }
0xbd: {  	v5 =	vld [tilespmem:s16+$0x10]  }
0xbe: {  	v6 =	vld [tilespmem:s16+$0x20]  }
0xbf: {  	v30 =	vld [tilespmem:s23+$0x50]  }
0xc0: {  	v7 =	vld [tilespmem:s16+$0x30]  }
0xc1: {  	v31 =	vld [tilespmem:s23+$0x60]  }
0xc2: {  	v38 =	vld [tilespmem:s23+$0x70]  }
0xc3: {  	v11 =	vld [tilespmem:s16+$0xFFFFFFC0]  }
0xc4: {  	v13 =	vld [tilespmem:s16+$0xFFFFFFD0]  }
0xc5: {  	v14 =	vld [tilespmem:s16+$0xFFFFFFE0]  }
0xc6: {  	v15 =	vld [tilespmem:s16+$0xFFFFFFF0];
	v8 =	vunpack.i.u.bf16.f32 v4;
	v4 =	vunpack.i.l.bf16.f32 v4  }
0xc7: {  	v29 =	vld [tilespmem:s23+$0xFFFFFFA0];
	v9 =	vunpack.i.u.bf16.f32 v5;
	v5 =	vunpack.i.l.bf16.f32 v5;
	v10 =	vunpack.i.u.bf16.f32 v6  }
0xc8: {  	v32 =	vld [tilespmem:s23+$0xFFFFFFB0];
	v6 =	vunpack.i.l.bf16.f32 v6;
	v4 =	vmul.f32 v4, v34;
	v8 =	vmul.f32 v8, v33  }
0xc9: {  	v35 =	vld [tilespmem:s23+$0xFFFFFFC0];
	v12 =	vunpack.i.u.bf16.f32 v7;
	v5 =	vmul.f32 v5, v26;
	v9 =	vmul.f32 v9, v28  }
0xca: {  	v37 =	vld [tilespmem:s23+$0xFFFFFFD0];
	v7 =	vunpack.i.l.bf16.f32 v7;
	v6 =	vmul.f32 v6, v27;
	v10 =	vmul.f32 v10, v30  }
0xcb: {  	v36 =	vld [tilespmem:s23+$0xFFFFFFE0];
	v7 =	vmul.f32 v7, v31;
	v12 =	vmul.f32 v12, v38  }
0xcc: {  	v8 =	vadd.f32 v4, v8;
	v9 =	vadd.f32 v5, v9;
	v4 =	vld [tilespmem:s23+$0xFFFFFF80]  }
0xcd: {  	v6 =	vadd.f32 v6, v10;
	v7 =	vadd.f32 v7, v12;
	v5 =	vld [tilespmem:s23+$0xFFFFFF90]  }
0xce: {  	s22 =	simm.s32 $0x2F0;
	v40 =	vld [tilespmem:s23+$0xFFFFFF70];
	v10 =	vunpack.i.l.bf16.f32 v13;
	v12 =	vunpack.i.l.bf16.f32 v14  }
0xcf: {  	v19 =	vld [tilespmem:s22+$0x40];
	v8 =	vadd.f32 v9, v8;
	v6 =	vadd.f32 v7, v6;
	v9 =	vunpack.i.u.bf16.f32 v13  }
0xd0: {  	v24 =	vld [tilespmem:s22+$0x50];
	v12 =	vmul.f32 v12, v32;
	v7 =	vunpack.i.u.bf16.f32 v11;
	v16 =	vmul.f32 v9, v29  }
0xd1: {  	v25 =	vld [tilespmem:s22+$0x60];
	v6 =	vadd.f32 v6, v8;
	v8 =	vunpack.i.l.bf16.f32 v11;
	v11 =	vunpack.i.u.bf16.f32 v14  }
0xd2: {  	v9 =	vld [tilespmem:s22+$0x20];
	v14 =	vunpack.i.l.bf16.f32 v15;
	v13 =	vmul.f32 v7, v4;
	v10 =	vmul.f32 v10, v5  }
0xd3: {  	v15 =	vunpack.i.u.bf16.f32 v15;
	v7 =	vld [tilespmem:s22+$0x10];
	v11 =	vmul.f32 v11, v35;
	v17 =	vmul.f32 v14, v37  }
0xd4: {  	s30 =	simm.s32 $0x3800;
	v15 =	vmul.f32 v15, v36;
	v8 =	vmul.f32 v8, v40;
	(xrf2) =	vadd.scan.msk.f32 $0xffff, v6;
	v6 =	vld [tilespmem:s22+$0x0]  }
0xd5: {  	v10 =	vadd.f32 v10, v16;
	v11 =	vadd.f32 v12, v11;
	v12 =	vld [tilespmem:s30+$0x0]  }
0xd6: {  	v15 =	vadd.f32 v17, v15;
	v8 =	vadd.f32 v8, v13;
	v13 =	vld [tilespmem:s30+$0x10]  }
0xd7: {  	v16 =	vld [tilespmem:s30+$0x20]  }
0xd8: {  	v14 =	vld [tilespmem:s22+$0x30];
	v11 =	vadd.f32 v15, v11;
	v8 =	vadd.f32 v10, v8  }
0xd9: {  	v15 =	vld [tilespmem:s30+$0x30]  }
0xda: {  	v44 =	vld [tilespmem:s22+$0x70];
	v8 =	vadd.f32 v11, v8  }
0xdb: {  	v22 =	vld [tilespmem:s30+$0xFFFFFFD0];
	v11 =	vunpack.i.u.bf16.f32 v12;
	v12 =	vunpack.i.l.bf16.f32 v12;
	v17 =	vunpack.i.u.bf16.f32 v13  }
0xdc: {  	v13 =	vunpack.i.l.bf16.f32 v13;
	v18 =	vunpack.i.u.bf16.f32 v16;
	v12 =	vmul.f32 v12, v6  }
0xdd: {  	v16 =	vunpack.i.l.bf16.f32 v16;
	v11 =	vmul.f32 v11, v7;
	v13 =	vmul.f32 v13, v9  }
0xde: {  	v17 =	vmul.f32 v17, v14;
	v16 =	vmul.f32 v16, v19;
	v21 =	vunpack.i.u.bf16.f32 v15;
	v10, _, _ =	vpop (xrf2)  }
0xdf: {  	v20 =	vld [tilespmem:s30+$0xFFFFFFC0];
	v21 =	vmul.f32 v21, v44;
	(xrf2) =	vadd.scan.msk.f32 $0xffff, v8;
	v8 =	vunpack.i.l.bf16.f32 v15;
	v10 =	vbroadcast v10, $0xF  }
0xe0: {  	v39 =	vld [tilespmem:s30+$0xFFFFFFF0];
	s16 =	simm.s32 $0x3880;
	v41 =	vunpack.i.u.bf16.f32 v22;
	v15 =	vmul.f32 v18, v24;
	v23 =	vmul.f32 v8, v25  }
0xe1: {  	v61 =	vld [tilespmem:s16+$0x20];
	v11 =	vadd.f32 v12, v11;
	v12 =	vadd.f32 v13, v17;
	v10 =	vmul.f32 v10, v3  }
0xe2: {  	v42 =	vunpack.i.l.bf16.f32 v22;
	v22 =	vld [tilespmem:s22+$0xFFFFFF70];
	v13 =	vadd.f32 v16, v15;
	v16 =	vadd.f32 v23, v21  }
0xe3: {  	v18 =	vld [tilespmem:s30+$0xFFFFFFE0];
	v10 =	vsub.f32 v10, v2  }
0xe4: {  	v8 =	vld [tilespmem:s22+$0xFFFFFF80];
	v11 =	vadd.f32 v12, v11;
	v12 =	vadd.f32 v16, v13  }
0xe5: {  	v15 =	vld [tilespmem:s22+$0xFFFFFFA0];
	v17 =	vmul.f32 $1.442695020e+00, v10  }
0xe6: {  	v13 =	vld [tilespmem:s22+$0xFFFFFFB0];
	v16 =	vadd.f32 v12, v11  }
0xe7: {  	v10 =	vld [tilespmem:s22+$0xFFFFFF90];
	(erf) = vpow2.f32 v17  }
0xe8: {  	v12 =	vld [tilespmem:s22+$0xFFFFFFC0];
	(xrf2) =	vadd.scan.msk.f32 $0xffff, v16  }
0xe9: {  	v21 =	vunpack.i.u.bf16.f32 v20;
	v20 =	vunpack.i.l.bf16.f32 v20;
	v11 =	vld [tilespmem:s22+$0xFFFFFFD0]  }
0xea: {  	v54 =	vunpack.i.u.bf16.f32 v61;
	v52 =	vmul.f32 v20, v22;
	v16 =	vld [tilespmem:s22+$0xFFFFFFE0]  }
0xeb: {  	s15 =	simm.s32 $0x410;
	v23 =	vld.msk [tilespmem:s23+$0x80 ss:$0x0], $0xffff;
	v43 =	vunpack.i.u.bf16.f32 v18;
	v46 =	vunpack.i.l.bf16.f32 v18;
	v47 =	vmul.f32 v21, v8;
	v17, _, _ =	vpop (xrf2)  }
0xec: {  	v20 =	vld [tilespmem:s15+$0x40];
	v21 =	vunpack.i.u.bf16.f32 v39;
	v41 =	vmul.f32 v41, v15;
	v17 =	vbroadcast v17, $0xF  }
0xed: {  	v45 =	vld.msk [tilespmem:s23+$0xFFFFFFF0 ss:$0x0], $0xffff;
	v39 =	vunpack.i.l.bf16.f32 v39;
	v46 =	vmul.f32 v46, v13;
	v43 =	vmul.f32 v43, v12  }
0xee: {  	v58 =	vld [tilespmem:s16+$0x0];
	v57 =	vadd.f32 v52, v47;
	v42 =	vmul.f32 v42, v10;
	v48 =	vmul.f32 v17, v3  }
0xef: {  	v59 =	vld [tilespmem:s16+$0x10];
	v39 =	vmul.f32 v39, v11;
	v50 =	vmul.f32 v21, v16;
	v43 =	vadd.f32 v46, v43  }
0xf0: {  	v62 =	vld [tilespmem:s16+$0x30];
	v41 =	vadd.f32 v42, v41;
	v42 =	vunpack.i.l.bf16.f32 v61;
	v48 =	vsub.f32 v48, v2;
	v49 =	vpop (erf)  }
0xf1: {  	v18 =	vld [tilespmem:s15+$0x0];
	v61 =	vmul.f32 v42, v20;
	v39 =	vadd.f32 v39, v50;
	v51 =	vmul.f32 v49, v23  }
0xf2: {  	v17 =	vld [tilespmem:s15+$0x10];
	v41 =	vadd.f32 v41, v57;
	v56 =	vmul.f32 $1.442695020e+00, v48;
	v60, _, _ =	vpop (xrf2);
	v53 =	vmul.f32 v1, v49  }
0xf3: {  	v21 =	vld [tilespmem:s15+$0x20];
	v39 =	vadd.f32 v39, v43;
	v46 =	vbroadcast v60, $0xF;
	v38 =	vmul.f32 v51, v38  }
0xf4: {  	v63 =	vunpack.i.u.bf16.f32 v59;
	v23 =	vld [tilespmem:s15+$0x30];
	v34 =	vmul.f32 v51, v34;
	v48 =	vmul.f32 v51, v26  }
0xf5: {  	v50 =	vmul.f32 v51, v28;
	v26 =	vld [tilespmem:s15+$0x50];
	v28 =	vadd.f32 v39, v41;
	v46 =	vmul.f32 v46, v3  }
0xf6: {  	v43 =	vunpack.i.l.bf16.f32 v59;
	v33 =	vmul.f32 v51, v33;
	v39 =	vmul.f32 v51, v27;
	v27 =	vld [tilespmem:s15+$0x60]  }
0xf7: {  	v52 =	vmul.f32 v51, v30;
	v51 =	vmul.f32 v51, v31;
	v31 =	vld [tilespmem:s15+$0x70];
	(xrf2) =	vadd.scan.msk.f32 $0xffff, v28;
	v46 =	vsub.f32 v46, v2  }
0xf8: {  	v55 =	vld [tilespmem:s16+$0xFFFFFFD0];
	(erf) = vpow2.f32 v56;
	v56 =	vmul.f32 v43, v21;
	v30 =	vunpack.i.l.bf16.f32 v58  }
0xf9: {  	v49 =	vld [tilespmem:s16+$0xFFFFFFC0];
	v30 =	vmul.f32 v30, v18;
	v28 =	vunpack.i.u.bf16.f32 v58;
	v46 =	vmul.f32 $1.442695020e+00, v46  }
0xfa: {  	v42 =	vld [tilespmem:s15+$0xFFFFFF80];
	v60 =	vunpack.i.u.bf16.f32 v62;
	v28 =	vmul.f32 v28, v17;
	v47 =	vmul.f32 v63, v23  }
0xfb: {  	s21 =	simm.s32 $0x4FD0;
	v57 =	vld [tilespmem:s16+$0xFFFFFFE0];
	v41 =	vunpack.i.l.bf16.f32 v62;
	v54 =	vmul.f32 v54, v26;
	(erf) = vpow2.f32 v46  }
0xfc: {  	v43 =	vld [tilespmem:s15+$0xFFFFFF90];
	[tilespmem:s21+$0x70] =	vst v38;
	v62 =	vmul.f32 v41, v27;
	v63 =	vmul.f32 v60, v31  }
0xfd: {  	v58 =	vld [tilespmem:s16+$0xFFFFFFF0];
	[tilespmem:s21+$0x0] =	vst v34;
	v30 =	vadd.f32 v30, v28;
	v56 =	vadd.f32 v56, v47  }
0xfe: {  	[tilespmem:s21+$0x10] =	vst v33;
	v34 =	vld [tilespmem:s15+$0xFFFFFFB0];
	v59 =	vunpack.i.u.bf16.f32 v49;
	v60 =	vadd.f32 v61, v54;
	v38 =	vadd.f32 v62, v63  }
0xff: {  	[tilespmem:s21+$0x20] =	vst v48;
	v28 =	vld [tilespmem:s15+$0xFFFFFFA0];
	v47 =	vunpack.i.l.bf16.f32 v49;
	v49 =	vmul.f32 v59, v42  }
0x100: {  	[tilespmem:s21+$0x30] =	vst v50;
	v46 =	vld.msk [tilespmem:s22+$0x80 ss:$0x0], $0xffff;
	v61 =	vunpack.i.u.bf16.f32 v55;
	v56 =	vadd.f32 v56, v30;
	v38 =	vadd.f32 v38, v60  }
0x101: {  	[tilespmem:s21+$0x40] =	vst v39;
	v62 =	vunpack.i.l.bf16.f32 v55;
	v54 =	vunpack.i.u.bf16.f32 v57;
	v55 =	vunpack.i.l.bf16.f32 v57;
	v30 =	vld [tilespmem:s15+$0xFFFFFFC0];
	v63, _, _ =	vpop (xrf2)  }
0x102: {  	v33 =	vld [tilespmem:s15+$0xFFFFFFD0];
	[tilespmem:s21+$0x60] =	vst v51;
	v57 =	vpop (erf);
	v59 =	vmul.f32 v62, v43;
	v51 =	vadd.f32 v38, v56;
	v39 =	vbroadcast v63, $0xF  }
0x103: {  	[tilespmem:s21+$0x50] =	vst v52;
	v52 =	vmul.f32 v55, v34;
	v48 =	vmul.f32 v57, v45;
	v38 =	vld [tilespmem:s15+$0xFFFFFFE0]  }
0x104: {  	v50 =	vunpack.i.u.bf16.f32 v58;
	v60 =	vmul.f32 v61, v28;
	(xrf2) =	vadd.scan.msk.f32 $0xffff, v51;
	v61 =	vmul.f32 v39, v3;
	v39 =	vld [tilespmem:s15+$0xFFFFFF70];
	v45 =	vpop (erf)  }
0x105: {  	v58 =	vunpack.i.l.bf16.f32 v58;
	v57 =	vmul.f32 v1, v57;
	v46 =	vmul.f32 v45, v46  }
0x106: {  	[tilespmem:s21+$0x80] =	vst v53;
	v41 =	vld.msk [tilespmem:s22+$0xFFFFFFF0 ss:$0x0], $0xffff;
	v53 =	vmul.f32 v48, v40;
	v56 =	vmul.f32 v54, v30;
	v54 =	vsub.f32 v61, v2  }
0x107: {  	s29 =	simm.s32 $0x530;
	s23 =	simm.s32 $0x4;
	s22 =	simm.s32 $0x4FD0;
	v55 =	vmul.f32 v58, v33;
	v40 =	vld.msk [tilespmem:s15+$0xFFFFFFF0 ss:$0x0], $0xffff;
	[tilespmem:s21+$0xFFFFFFF0] =	vst v57;
	v51 =	vadd.f32 v59, v60;
	v44 =	vmul.f32 v46, v44  }
.LBB2_7:
0x108: {  	v57 =	vld [tilespmem:s29+$0x0];
	v52 =	vadd.f32 v52, v56;
	v50 =	vmul.f32 v50, v38;
	v54 =	vmul.f32 $1.442695020e+00, v54;
	[tilespmem:s21+$0xFFFFFF70] =	vst v53;
	s22 =	sadd.s32 $0x120, s22  }
0x109: {  	v53 =	vld [tilespmem:s29+$0x10];
	v47 =	vmul.f32 v47, v39;
	[tilespmem:s22+$0x70] =	vst v44;
	v44 =	vmul.f32 v48, v4;
	v4 =	vmovc v8;
	v8 =	vmov v42  }
0x10a: {  	v42 =	vld [tilespmem:s29+$0x20];
	v50 =	vadd.f32 v55, v50;
	(erf) = vpow2.f32 v54;
	v54 =	vmul.f32 v48, v5;
	v5 =	vmovc v10;
	v10 =	vmovc v43  }
0x10b: {  	v29 =	vmul.f32 v48, v29;
	v32 =	vmul.f32 v48, v32;
	v43 =	vld [tilespmem:s29+$0x30];
	v47 =	vadd.f32 v47, v49;
	[tilespmem:s21+$0xFFFFFF80] =	vst v44  }
0x10c: {  	s16 =	sadd.s32 $0x80, s16;
	v35 =	vmul.f32 v48, v35;
	v37 =	vmul.f32 v48, v37;
	v44 =	vld [tilespmem:s29+$0x40];
	v49 =	vadd.f32 v50, v52;
	[tilespmem:s21+$0xFFFFFF90] =	vst v54  }
0x10d: {  	v50 =	vld [tilespmem:s16+$0x0];
	v47 =	vadd.f32 v51, v47;
	v51 =	vmul.f32 v46, v6;
	[tilespmem:s21+$0xFFFFFFA0] =	vst v29;
	v29 =	vmul.f32 v48, v36  }
0x10e: {  	v52 =	vmul.f32 v46, v7;
	v54 =	vmul.f32 v46, v9;
	v6 =	vmov v18;
	v36 =	vld [tilespmem:s16+$0x10];
	v48, _, _ =	vpop (xrf2);
	[tilespmem:s21+$0xFFFFFFB0] =	vst v32  }
0x10f: {  	v18 =	vmovc v57;
	v32 =	vld [tilespmem:s16+$0x20];
	v56 =	vadd.f32 v49, v47;
	v47 =	vbroadcast v48, $0xF;
	v48 =	vmul.f32 v46, v14;
	[tilespmem:s21+$0xFFFFFFC0] =	vst v35  }
0x110: {  	v55 =	vmul.f32 v46, v24;
	v7 =	vmovc v17;
	v17 =	vmov v53;
	v49 =	vmul.f32 v46, v19;
	v35 =	vld [tilespmem:s29+$0x50];
	[tilespmem:s21+$0xFFFFFFD0] =	vst v37  }
0x111: {  	v9 =	vmovc v21;
	v46 =	vmul.f32 v46, v25;
	v37 =	vld [tilespmem:s16+$0x30];
	v19 =	vmul.f32 v47, v3;
	(xrf2) =	vadd.scan.msk.f32 $0xffff, v56;
	[tilespmem:s21+$0xFFFFFFE0] =	vst v29;
	s21 =	smov.u32 s22  }
0x112: {  	s23 =	sadd.s32 $0x2, s23;
	v45 =	vmul.f32 v1, v45;
	v21 =	vmovc v42;
	v14 =	vmovc v23;
	v29 =	vld [tilespmem:s29+$0x60];
	v24 =	vunpack.i.u.bf16.f32 v50;
	v25 =	vunpack.i.l.bf16.f32 v50;
	[tilespmem:s22+$0x0] =	vst v51  }
0x113: {  	p1 =	slt.u32 s23, $0x2E;
	v57 =	vld [tilespmem:s29+$0x70];
	v42 =	vunpack.i.u.bf16.f32 v36;
	v36 =	vunpack.i.l.bf16.f32 v36;
	v56 =	vsub.f32 v19, v2;
	[tilespmem:s22+$0x10] =	vst v52;
	v51 =	vpop (erf)  }
0x114: {  	v23 =	vmovc v43;
	v52 =	vmul.f32 v25, v18;
	v53 =	vmul.f32 v24, v17;
	v47 =	vld [tilespmem:s16+$0xFFFFFFC0];
	v50 =	vunpack.i.u.bf16.f32 v32;
	[tilespmem:s22+$0x20] =	vst v54  }
0x115: {  	v58 =	vunpack.i.l.bf16.f32 v32;
	v32 =	vmul.f32 v36, v21;
	v54 =	vld [tilespmem:s16+$0xFFFFFFD0];
	v56 =	vmul.f32 $1.442695020e+00, v56;
	[tilespmem:s22+$0x30] =	vst v48;
	v19 =	vmovc v20;
	v20 =	vmovc v44  }
0x116: {  	v44 =	vmul.f32 v42, v23;
	v24 =	vmovc v26;
	v36 =	vld [tilespmem:s16+$0xFFFFFFE0];
	v43 =	vunpack.i.u.bf16.f32 v37;
	v48 =	vmul.f32 v58, v20;
	[tilespmem:s22+$0x40] =	vst v49  }
0x117: {  	v50 =	vmul.f32 v50, v35;
	v26 =	vmovc v35;
	v25 =	vmovc v27;
	v37 =	vunpack.i.l.bf16.f32 v37;
	v49 =	vld [tilespmem:s16+$0xFFFFFFF0];
	(erf) = vpow2.f32 v56;
	[tilespmem:s22+$0x50] =	vst v55  }
0x118: {  	v35 =	vmul.f32 v37, v29;
	v27 =	vmovc v29;
	v29 =	vmov v15;
	v42 =	vld [tilespmem:s29+$0xFFFFFF80];
	v37 =	vmul.f32 v43, v57;
	[tilespmem:s22+$0x60] =	vst v46  }
0x119: {  	v52 =	vadd.f32 v52, v53;
	v44 =	vadd.f32 v32, v44;
	v15 =	vmovc v28;
	v43 =	vld [tilespmem:s29+$0xFFFFFF90];
	v46 =	vunpack.i.u.bf16.f32 v47;
	[tilespmem:s22+$0x80] =	vst v45  }
0x11a: {  	v32 =	vmovc v13;
	v13 =	vmovc v34;
	v47 =	vunpack.i.l.bf16.f32 v47;
	v45 =	vadd.f32 v48, v50;
	v28 =	vld [tilespmem:s29+$0xFFFFFFA0];
	v60 =	vadd.f32 v35, v37  }
0x11b: {  	v48 =	vunpack.i.u.bf16.f32 v54;
	v53 =	vunpack.i.l.bf16.f32 v54;
	v54 =	vunpack.i.u.bf16.f32 v36;
	v55 =	vld.msk [tilespmem:s15+$0x80 ss:$0x0], $0xffff;
	v56, _, _ =	vpop (xrf2);
	s15 =	smov.u32 s29  }
0x11c: {  	v52 =	vadd.f32 v44, v52;
	v58 =	vunpack.i.l.bf16.f32 v36;
	v35 =	vmovc v12;
	v12 =	vmovc v30;
	v34 =	vld [tilespmem:s29+$0xFFFFFFB0];
	v44 =	vadd.f32 v60, v45  }
0x11d: {  	v50 =	vunpack.i.u.bf16.f32 v49;
	v59 =	vunpack.i.l.bf16.f32 v49;
	v37 =	vmovc v11;
	v11 =	vmovc v33;
	v30 =	vld [tilespmem:s29+$0xFFFFFFC0];
	v49 =	vmul.f32 v46, v42  }
0x11e: {  	v36 =	vmovc v16;
	v16 =	vmovc v38;
	v33 =	vld [tilespmem:s29+$0xFFFFFFD0];
	v46 =	vmul.f32 v53, v43;
	v44 =	vadd.f32 v44, v52;
	v53 =	vbroadcast v56, $0xF  }
.Ltmp2:
0x11f: {  	v60 =	vmovc v39;
	v38 =	vld [tilespmem:s29+$0xFFFFFFE0];
	v52 =	vmul.f32 v48, v28;
	v48 =	vmul.f32 v51, v41;
	v41 =	vmov v40;
	(pc) =	sbr.rel @p1 .LBB2_7-.Ltmp2, $4  }
0x120: {  	v61 =	vmul.f32 v1, v51;
	v39 =	vld [tilespmem:s29+$0xFFFFFF70];
	(xrf2) =	vadd.scan.msk.f32 $0xffff, v44;
	v44 =	vmul.f32 v53, v3;
	v45 =	vpop (erf)  }
0x121: {  	v51 =	vadd.f32 v46, v52;
	v52 =	vmul.f32 v58, v34;
	v40 =	vld.msk [tilespmem:s29+$0xFFFFFFF0 ss:$0x0], $0xffff;
	v46 =	vmul.f32 v45, v55  }
0x122: {  	v53 =	vmul.f32 v48, v22;
	v56 =	vmul.f32 v54, v30;
	v54 =	vsub.f32 v44, v2;
	[tilespmem:s22+$0xFFFFFFF0] =	vst v61  }
0x123: {  	s29 =	sadd.s32 $0x120, s29;
	v22 =	vmovc v60;
	v55 =	vmul.f32 v59, v33;
	v44 =	vmul.f32 v46, v31;
	v31 =	vmov v57  }
0x124: {  	_ =	sdelay $0x2  }
0x125: {  	v50 =	vmul.f32 v50, v38;
	v47 =	vmul.f32 v47, v39  }
0x126: {  	v52 =	vadd.f32 v52, v56  }
0x127: {  	v50 =	vadd.f32 v55, v50;
	v47 =	vadd.f32 v47, v49  }
0x128: {  	v61, _, _ =	vpop (xrf2)  }
0x129: {  	v50 =	vadd.f32 v50, v52;
	v47 =	vadd.f32 v51, v47;
	v62 =	vbroadcast v61, $0xF  }
0x12a: {  	v63 =	vmul.f32 $1.442695020e+00, v54;
	[tilespmem:s21+$0xFFFFFF70] =	vst v53;
	s16 =	sadd.s32 $0x120, s22;
	v4 =	vmul.f32 v48, v4  }
0x12b: {  	v5 =	vmul.f32 v48, v5;
	[tilespmem:s16+$0x70] =	vst v44;
	v50 =	vadd.f32 v50, v47;
	v49 =	vmul.f32 v62, v3  }
0x12c: {  	v53 =	vmul.f32 v48, v35;
	v6 =	vmul.f32 v46, v6;
	[tilespmem:s21+$0xFFFFFF80] =	vst v4  }
0x12d: {  	(erf) = vpow2.f32 v63;
	[tilespmem:s21+$0xFFFFFF90] =	vst v5;
	(xrf2) =	vadd.scan.msk.f32 $0xffff, v50;
	v52 =	vsub.f32 v49, v2  }
0x12e: {  	v4 =	vmul.f32 v48, v29;
	[tilespmem:s21+$0xFFFFFFC0] =	vst v53  }
0x12f: {  	v29 =	vmul.f32 v48, v32;
	[tilespmem:s16+$0x0] =	vst v6;
	v5 =	vmul.f32 $1.442695020e+00, v52  }
0x130: {  	v6 =	vmul.f32 v46, v14;
	[tilespmem:s21+$0xFFFFFFA0] =	vst v4  }
0x131: {  	v4 =	vmul.f32 v48, v37;
	[tilespmem:s21+$0xFFFFFFB0] =	vst v29;
	(erf) = vpow2.f32 v5  }
0x132: {  	[tilespmem:s16+$0x30] =	vst v6;
	v5 =	vmul.f32 v48, v36  }
0x133: {  	[tilespmem:s21+$0xFFFFFFD0] =	vst v4;
	v4 =	vmul.f32 v46, v7;
	v7 =	vmul.f32 v46, v19  }
0x134: {  	[tilespmem:s21+$0xFFFFFFE0] =	vst v5;
	v5 =	vmul.f32 v46, v9  }
0x135: {  	[tilespmem:s16+$0x10] =	vst v4  }
0x136: {  	v4 =	vld.msk [tilespmem:s15+$0x80 ss:$0x0], $0xffff;
	v9 =	vpop (erf);
	[tilespmem:s16+$0x20] =	vst v5;
	v5 =	vmul.f32 v46, v24  }
0x137: {  	v14 =	vmul.f32 v1, v45;
	v6 =	vmul.f32 v46, v25;
	[tilespmem:s16+$0x40] =	vst v7;
	v7, _, _ =	vpop (xrf2)  }
0x138: {  	[tilespmem:s16+$0x50] =	vst v5;
	v5 =	vbroadcast v7, $0xF;
	v7 =	vmul.f32 v9, v41  }
0x139: {  	[tilespmem:s16+$0x60] =	vst v6;
	v6 =	vmul.f32 v1, v9  }
0x13a: {  	[tilespmem:s16+$0x80] =	vst v14;
	v5 =	vmul.f32 v5, v3;
	v8 =	vmul.f32 v7, v8;
	v19 =	vpop (erf)  }
0x13b: {  	[tilespmem:s16+$0xFFFFFFF0] =	vst v6;
	v9 =	vmul.f32 v7, v22;
	v4 =	vmul.f32 v19, v4  }
0x13c: {  	v5 =	vsub.f32 v5, v2;
	[tilespmem:s16+$0xFFFFFF80] =	vst v8;
	v8 =	vmul.f32 v7, v15  }
0x13d: {  	[tilespmem:s16+$0xFFFFFF70] =	vst v9;
	v6 =	vmul.f32 v4, v31  }
0x13e: {  	s22 =	sadd.s32 $0x120, s16;
	v9 =	vmul.f32 v7, v13;
	v5 =	vmul.f32 $1.442695020e+00, v5;
	[tilespmem:s16+$0xFFFFFFA0] =	vst v8  }
0x13f: {  	[tilespmem:s22+$0x70] =	vst v6;
	v6 =	vmul.f32 v7, v10  }
0x140: {  	[tilespmem:s16+$0xFFFFFFB0] =	vst v9;
	(erf) = vpow2.f32 v5;
	v5 =	vmul.f32 v7, v12  }
0x141: {  	[tilespmem:s16+$0xFFFFFF90] =	vst v6;
	v6 =	vmul.f32 v7, v11  }
0x142: {  	v7 =	vmul.f32 v7, v16;
	[tilespmem:s16+$0xFFFFFFC0] =	vst v5  }
0x143: {  	v5 =	vmul.f32 v4, v18;
	[tilespmem:s16+$0xFFFFFFD0] =	vst v6  }
0x144: {  	v6 =	vmul.f32 v4, v17;
	[tilespmem:s16+$0xFFFFFFE0] =	vst v7  }
0x145: {  	v7 =	vmul.f32 v4, v21;
	[tilespmem:s22+$0x0] =	vst v5;
	v5 =	vmul.f32 v4, v23  }
0x146: {  	[tilespmem:s22+$0x10] =	vst v6  }
0x147: {  	v6 =	vmul.f32 v4, v20;
	[tilespmem:s22+$0x20] =	vst v7  }
0x148: {  	v7 =	vmul.f32 v4, v26;
	[tilespmem:s22+$0x30] =	vst v5  }
0x149: {  	v4 =	vmul.f32 v4, v27;
	[tilespmem:s22+$0x40] =	vst v6;
	v5 =	vpop (erf)  }
0x14a: {  	v6 =	vmul.f32 v1, v19;
	[tilespmem:s22+$0x50] =	vst v7;
	v7 =	vmul.f32 v5, v40  }
0x14b: {  	[tilespmem:s22+$0x60] =	vst v4;
	v4 =	vmul.f32 v1, v5  }
0x14c: {  	[tilespmem:s22+$0x80] =	vst v6;
	v5 =	vmul.f32 v7, v39  }
0x14d: {  	[tilespmem:s22+$0xFFFFFFF0] =	vst v4;
	v4 =	vmul.f32 v7, v42  }
0x14e: {  	v6 =	vmul.f32 v7, v34;
	[tilespmem:s22+$0xFFFFFF70] =	vst v5  }
0x14f: {  	v5 =	vmul.f32 v7, v43;
	[tilespmem:s22+$0xFFFFFF80] =	vst v4  }
0x150: {  	v4 =	vmul.f32 v7, v28;
	[tilespmem:s22+$0xFFFFFFB0] =	vst v6  }
0x151: {  	v6 =	vmul.f32 v7, v38;
	[tilespmem:s22+$0xFFFFFF90] =	vst v5  }
0x152: {  	v5 =	vmul.f32 v7, v30;
	[tilespmem:s22+$0xFFFFFFA0] =	vst v4  }
0x153: {  	v4 =	vmul.f32 v7, v33;
	[tilespmem:s22+$0xFFFFFFE0] =	vst v6  }
0x154: {  	[tilespmem:s22+$0xFFFFFFC0] =	vst v5  }
0x155: {  	[tilespmem:s22+$0xFFFFFFD0] =	vst v4  }
0x156: {  	v4 =	vld [tilespmem:$0x30]  }
0x157: {  	v5 =	vld [tilespmem:$0x40]  }
0x158: {  	v6 =	vld [tilespmem:$0x50];
	_ =	sdelay $0x1  }
0x159: {  	s15 =	smul.u32 $0x60, s9  }
0x15a: {  	[tilespmem:$0xC0] =	vst v4  }
0x15b: {  	s21 =	sadd.s32 s15, s19;
	[tilespmem:$0xD0] =	vst v5  }
0x15c: {  	s23 =	simm.s32 $0xC0;
	s16 =	sshrl.u32 s21, $0x3;
	[tilespmem:$0xE0] =	vst v6  }
0x15d: {  	[spmem:s2] =	stream.indirect.scatter.add.f32 [tilespmem:s10], [sflag:$0x9], $0x90, s23, s12, $0xb8;
	[tilespmem:$0x1E4E0] =	vst v63  }
0x15e: {  	s22 =	sadd.s32 s5, s16  }
0x15f: {  	[tilespmem:s3], [sflag:$0x5] =	stream.linear.gather [hbm4b:s22+s3], $0x30, $0x38;
	[tilespmem:$0x1E4E0] =	vst v63  }
0x160: {  	s16 =	sadd.s32 s6, s16  }
0x161: {  	[tilespmem:s12], [sflag:$0x6] =	stream.linear.gather [hbm4b:s16+s3], $0x30, $0x38;
	[tilespmem:$0x1E4E0] =	vst v63  }
0x162: {  	_ =	swait.ge [sflag:s0], $0x1B00  }
0x163: {  	[sflag:s0] =	ssyncset.done $0x0  }
0x164: {  	[sflag:s0] =	ssyncadd.s32 $0xFFFFE500  }
0x165: {  	_ =	swait.ge [sflag:s4], $0xC00  }
0x166: {  	[sflag:s4] =	ssyncset.done $0x0  }
0x167: {  	[sflag:s4] =	ssyncadd.s32 $0xFFFFF400  }
0x168: {  	_ =	swait.ge [sflag:s8], $0x1B00  }
0x169: {  	[sflag:s8] =	ssyncset.done $0x0  }
0x16a: {  	s16 =	simm.s32 $0x1CD0;
	[sflag:s8] =	ssyncadd.s32 $0xFFFFE500  }
0x16b: {  	v34 =	vld [tilespmem:s16+$0x0]  }
0x16c: {  	v33 =	vld [tilespmem:s16+$0x10]  }
0x16d: {  	v26 =	vld [tilespmem:s16+$0x20]  }
0x16e: {  	v28 =	vld [tilespmem:s16+$0x30]  }
0x16f: {  	s23 =	simm.s32 $0x4380;
	v27 =	vld [tilespmem:s16+$0x40]  }
0x170: {  	v4 =	vld [tilespmem:s23+$0x0]  }
0x171: {  	v5 =	vld [tilespmem:s23+$0x10]  }
0x172: {  	v6 =	vld [tilespmem:s23+$0x20]  }
0x173: {  	v30 =	vld [tilespmem:s16+$0x50]  }
0x174: {  	v7 =	vld [tilespmem:s23+$0x30]  }
0x175: {  	v31 =	vld [tilespmem:s16+$0x60]  }
0x176: {  	v38 =	vld [tilespmem:s16+$0x70]  }
0x177: {  	v11 =	vld [tilespmem:s23+$0xFFFFFFC0]  }
0x178: {  	v13 =	vld [tilespmem:s23+$0xFFFFFFD0]  }
0x179: {  	v14 =	vld [tilespmem:s23+$0xFFFFFFE0]  }
0x17a: {  	v15 =	vld [tilespmem:s23+$0xFFFFFFF0];
	v8 =	vunpack.i.u.bf16.f32 v4;
	v4 =	vunpack.i.l.bf16.f32 v4  }
0x17b: {  	v29 =	vld [tilespmem:s16+$0xFFFFFFA0];
	v9 =	vunpack.i.u.bf16.f32 v5;
	v5 =	vunpack.i.l.bf16.f32 v5;
	v10 =	vunpack.i.u.bf16.f32 v6  }
0x17c: {  	v32 =	vld [tilespmem:s16+$0xFFFFFFB0];
	v6 =	vunpack.i.l.bf16.f32 v6;
	v4 =	vmul.f32 v4, v34;
	v8 =	vmul.f32 v8, v33  }
0x17d: {  	v35 =	vld [tilespmem:s16+$0xFFFFFFC0];
	v12 =	vunpack.i.u.bf16.f32 v7;
	v5 =	vmul.f32 v5, v26;
	v9 =	vmul.f32 v9, v28  }
0x17e: {  	v37 =	vld [tilespmem:s16+$0xFFFFFFD0];
	v7 =	vunpack.i.l.bf16.f32 v7;
	v6 =	vmul.f32 v6, v27;
	v10 =	vmul.f32 v10, v30  }
0x17f: {  	v36 =	vld [tilespmem:s16+$0xFFFFFFE0];
	v7 =	vmul.f32 v7, v31;
	v12 =	vmul.f32 v12, v38  }
0x180: {  	v8 =	vadd.f32 v4, v8;
	v9 =	vadd.f32 v5, v9;
	v4 =	vld [tilespmem:s16+$0xFFFFFF80]  }
0x181: {  	v6 =	vadd.f32 v6, v10;
	v7 =	vadd.f32 v7, v12;
	v5 =	vld [tilespmem:s16+$0xFFFFFF90]  }
0x182: {  	s22 =	simm.s32 $0x4400;
	v40 =	vld [tilespmem:s16+$0xFFFFFF70];
	v10 =	vunpack.i.l.bf16.f32 v13;
	v12 =	vunpack.i.l.bf16.f32 v14  }
0x183: {  	s23 =	simm.s32 $0x1DF0;
	v22 =	vld [tilespmem:s22+$0xFFFFFFD0];
	v8 =	vadd.f32 v9, v8;
	v6 =	vadd.f32 v7, v6;
	v9 =	vunpack.i.u.bf16.f32 v13  }
0x184: {  	v19 =	vld [tilespmem:s23+$0x40];
	v12 =	vmul.f32 v12, v32;
	v7 =	vunpack.i.u.bf16.f32 v11;
	v16 =	vmul.f32 v9, v29  }
0x185: {  	v24 =	vld [tilespmem:s23+$0x50];
	v6 =	vadd.f32 v6, v8;
	v8 =	vunpack.i.l.bf16.f32 v11;
	v11 =	vunpack.i.u.bf16.f32 v14  }
0x186: {  	v9 =	vld [tilespmem:s23+$0x20];
	v14 =	vunpack.i.l.bf16.f32 v15;
	v13 =	vmul.f32 v7, v4;
	v10 =	vmul.f32 v10, v5  }
0x187: {  	v15 =	vunpack.i.u.bf16.f32 v15;
	v7 =	vld [tilespmem:s23+$0x10];
	v11 =	vmul.f32 v11, v35;
	v17 =	vmul.f32 v14, v37  }
0x188: {  	v15 =	vmul.f32 v15, v36;
	v8 =	vmul.f32 v8, v40;
	(xrf2) =	vadd.scan.msk.f32 $0xffff, v6;
	v6 =	vld [tilespmem:s23+$0x0]  }
0x189: {  	v10 =	vadd.f32 v10, v16;
	v11 =	vadd.f32 v12, v11;
	v12 =	vld [tilespmem:s22+$0x0]  }
0x18a: {  	v15 =	vadd.f32 v17, v15;
	v8 =	vadd.f32 v8, v13;
	v13 =	vld [tilespmem:s22+$0x10]  }
0x18b: {  	v16 =	vld [tilespmem:s22+$0x20]  }
0x18c: {  	v14 =	vld [tilespmem:s23+$0x30];
	v11 =	vadd.f32 v15, v11;
	v8 =	vadd.f32 v10, v8  }
0x18d: {  	v15 =	vld [tilespmem:s22+$0x30]  }
0x18e: {  	v25 =	vld [tilespmem:s23+$0x60];
	v8 =	vadd.f32 v11, v8  }
0x18f: {  	v44 =	vld [tilespmem:s23+$0x70];
	v11 =	vunpack.i.u.bf16.f32 v12;
	v12 =	vunpack.i.l.bf16.f32 v12;
	v17 =	vunpack.i.u.bf16.f32 v13  }
0x190: {  	v13 =	vunpack.i.l.bf16.f32 v13;
	v18 =	vunpack.i.u.bf16.f32 v16;
	v12 =	vmul.f32 v12, v6  }
0x191: {  	v16 =	vunpack.i.l.bf16.f32 v16;
	v11 =	vmul.f32 v11, v7;
	v13 =	vmul.f32 v13, v9  }
0x192: {  	v17 =	vmul.f32 v17, v14;
	(xrf2) =	vadd.scan.msk.f32 $0xffff, v8;
	v16 =	vmul.f32 v16, v19;
	v8 =	vunpack.i.l.bf16.f32 v15  }
0x193: {  	v20 =	vld [tilespmem:s22+$0xFFFFFFC0];
	v21 =	vunpack.i.u.bf16.f32 v15;
	v15 =	vmul.f32 v18, v24;
	v23 =	vmul.f32 v8, v25;
	v10, _, _ =	vpop (xrf2)  }
0x194: {  	v54 =	vld [tilespmem:s22+$0xFFFFFFF0];
	v55 =	vunpack.i.u.bf16.f32 v22;
	v21 =	vmul.f32 v21, v44;
	v10 =	vbroadcast v10, $0xF  }
0x195: {  	v56 =	vunpack.i.l.bf16.f32 v22;
	v22 =	vld [tilespmem:s23+$0xFFFFFF70];
	v11 =	vadd.f32 v12, v11;
	v12 =	vadd.f32 v13, v17  }
0x196: {  	v18 =	vld [tilespmem:s22+$0xFFFFFFE0];
	v13 =	vadd.f32 v16, v15;
	v16 =	vadd.f32 v23, v21;
	v10 =	vmul.f32 v10, v3  }
0x197: {  	v8 =	vld [tilespmem:s23+$0xFFFFFF80];
	v11 =	vadd.f32 v12, v11  }
0x198: {  	v15 =	vld [tilespmem:s23+$0xFFFFFFA0];
	v12 =	vadd.f32 v16, v13;
	v10 =	vsub.f32 v10, v2  }
0x199: {  	v13 =	vld [tilespmem:s23+$0xFFFFFFB0]  }
0x19a: {  	v16 =	vadd.f32 v12, v11;
	v12 =	vld [tilespmem:s23+$0xFFFFFFC0];
	v17 =	vmul.f32 $1.442695020e+00, v10  }
0x19b: {  	v11 =	vld [tilespmem:s23+$0xFFFFFFD0]  }
0x19c: {  	(xrf2) =	vadd.scan.msk.f32 $0xffff, v16;
	v16 =	vld [tilespmem:s23+$0xFFFFFFE0];
	(erf) = vpow2.f32 v17  }
0x19d: {  	v39 =	vunpack.i.l.bf16.f32 v54;
	v21 =	vunpack.i.u.bf16.f32 v20;
	v20 =	vunpack.i.l.bf16.f32 v20;
	v10 =	vld [tilespmem:s23+$0xFFFFFF90]  }
0x19e: {  	v63 =	vmul.f32 v20, v22;
	v58 =	vunpack.i.l.bf16.f32 v18;
	v59 =	vmul.f32 v21, v8  }
0x19f: {  	v45 =	vld.msk [tilespmem:s16+$0xFFFFFFF0 ss:$0x0], $0xffff;
	v57 =	vunpack.i.u.bf16.f32 v18;
	v41 =	vmul.f32 v55, v15;
	v46 =	vmul.f32 v58, v13;
	v17, _, _ =	vpop (xrf2)  }
0x1a0: {  	v23 =	vld.msk [tilespmem:s16+$0x80 ss:$0x0], $0xffff;
	s16 =	simm.s32 $0x1F10;
	v21 =	vunpack.i.u.bf16.f32 v54;
	v43 =	vmul.f32 v57, v12;
	v17 =	vbroadcast v17, $0xF  }
0x1a1: {  	s21 =	simm.s32 $0x4480;
	v20 =	vld [tilespmem:s16+$0x40];
	v39 =	vmul.f32 v39, v11;
	v61 =	vmul.f32 v21, v16  }
0x1a2: {  	v57 =	vadd.f32 v63, v59;
	v59 =	vld [tilespmem:s21+$0x10];
	v42 =	vmul.f32 v56, v10;
	v60 =	vmul.f32 v17, v3  }
0x1a3: {  	v43 =	vadd.f32 v46, v43;
	v39 =	vadd.f32 v39, v61;
	v61 =	vld [tilespmem:s21+$0x20]  }
0x1a4: {  	v21 =	vld [tilespmem:s16+$0x20];
	v41 =	vadd.f32 v42, v41;
	v48 =	vsub.f32 v60, v2  }
0x1a5: {  	v49 =	vpop (erf)  }
0x1a6: {  	v18 =	vld [tilespmem:s16+$0x0];
	v39 =	vadd.f32 v39, v43;
	v41 =	vadd.f32 v41, v57;
	v56 =	vmul.f32 $1.442695020e+00, v48;
	v60, _, _ =	vpop (xrf2)  }
0x1a7: {  	v58 =	vld [tilespmem:s21+$0x0];
	v43 =	vunpack.i.l.bf16.f32 v59;
	v62 =	vmul.f32 v49, v23;
	v46 =	vbroadcast v60, $0xF  }
0x1a8: {  	v17 =	vld [tilespmem:s16+$0x10];
	v53 =	vmul.f32 v1, v49;
	v42 =	vunpack.i.l.bf16.f32 v61;
	(erf) = vpow2.f32 v56  }
0x1a9: {  	v23 =	vld [tilespmem:s16+$0x30];
	v63 =	vunpack.i.u.bf16.f32 v61;
	v56 =	vmul.f32 v43, v21;
	v61 =	vmul.f32 v42, v20  }
0x1aa: {  	v38 =	vmul.f32 v62, v38;
	v48 =	vmul.f32 v62, v26;
	v26 =	vld [tilespmem:s16+$0x50]  }
0x1ab: {  	v50 =	vmul.f32 v62, v28;
	v28 =	vadd.f32 v39, v41;
	v41 =	vld [tilespmem:s21+$0x30];
	v46 =	vmul.f32 v46, v3  }
0x1ac: {  	v34 =	vmul.f32 v62, v34;
	v39 =	vmul.f32 v62, v27;
	v27 =	vld [tilespmem:s16+$0x60]  }
0x1ad: {  	v33 =	vmul.f32 v62, v33;
	v51 =	vmul.f32 v62, v31;
	v31 =	vld [tilespmem:s16+$0x70];
	(xrf2) =	vadd.scan.msk.f32 $0xffff, v28;
	v46 =	vsub.f32 v46, v2  }
0x1ae: {  	v55 =	vld [tilespmem:s21+$0xFFFFFFD0];
	v52 =	vmul.f32 v62, v30;
	v30 =	vunpack.i.l.bf16.f32 v58;
	v62 =	vunpack.i.u.bf16.f32 v59  }
0x1af: {  	v49 =	vld [tilespmem:s21+$0xFFFFFFC0];
	v30 =	vmul.f32 v30, v18;
	v28 =	vunpack.i.u.bf16.f32 v58;
	v46 =	vmul.f32 $1.442695020e+00, v46  }
0x1b0: {  	v42 =	vld [tilespmem:s16+$0xFFFFFF80];
	v28 =	vmul.f32 v28, v17;
	v47 =	vmul.f32 v62, v23;
	v60 =	vunpack.i.u.bf16.f32 v41  }
0x1b1: {  	v57 =	vld [tilespmem:s21+$0xFFFFFFE0];
	v41 =	vunpack.i.l.bf16.f32 v41;
	v54 =	vmul.f32 v63, v26;
	(erf) = vpow2.f32 v46  }
0x1b2: {  	s22 =	simm.s32 $0x6AD0;
	v43 =	vld [tilespmem:s16+$0xFFFFFF90];
	v62 =	vmul.f32 v41, v27;
	v63 =	vmul.f32 v60, v31  }
0x1b3: {  	v58 =	vld [tilespmem:s21+$0xFFFFFFF0];
	[tilespmem:s22+$0x70] =	vst v38;
	v30 =	vadd.f32 v30, v28;
	v56 =	vadd.f32 v56, v47  }
0x1b4: {  	[tilespmem:s22+$0x0] =	vst v34;
	v34 =	vld [tilespmem:s16+$0xFFFFFFB0];
	v59 =	vunpack.i.u.bf16.f32 v49;
	v60 =	vadd.f32 v61, v54;
	v38 =	vadd.f32 v62, v63  }
0x1b5: {  	[tilespmem:s22+$0x10] =	vst v33;
	v28 =	vld [tilespmem:s16+$0xFFFFFFA0];
	v47 =	vunpack.i.l.bf16.f32 v49;
	v49 =	vmul.f32 v59, v42  }
0x1b6: {  	[tilespmem:s22+$0x20] =	vst v48;
	v46 =	vld.msk [tilespmem:s23+$0x80 ss:$0x0], $0xffff;
	v61 =	vunpack.i.u.bf16.f32 v55;
	v56 =	vadd.f32 v56, v30;
	v38 =	vadd.f32 v38, v60  }
0x1b7: {  	[tilespmem:s22+$0x40] =	vst v39;
	v54 =	vunpack.i.u.bf16.f32 v57;
	v30 =	vld [tilespmem:s16+$0xFFFFFFC0];
	v62 =	vunpack.i.l.bf16.f32 v55;
	v55 =	vunpack.i.l.bf16.f32 v57;
	v63, _, _ =	vpop (xrf2)  }
0x1b8: {  	v33 =	vld [tilespmem:s16+$0xFFFFFFD0];
	[tilespmem:s22+$0x60] =	vst v51;
	v57 =	vpop (erf);
	v59 =	vmul.f32 v62, v43;
	v51 =	vadd.f32 v38, v56;
	v39 =	vbroadcast v63, $0xF  }
0x1b9: {  	[tilespmem:s22+$0x30] =	vst v50;
	v48 =	vmul.f32 v57, v45;
	v57 =	vmul.f32 v1, v57;
	v38 =	vld [tilespmem:s16+$0xFFFFFFE0]  }
0x1ba: {  	v50 =	vunpack.i.u.bf16.f32 v58;
	v60 =	vmul.f32 v61, v28;
	(xrf2) =	vadd.scan.msk.f32 $0xffff, v51;
	v61 =	vmul.f32 v39, v3;
	v45 =	vpop (erf);
	v39 =	vld [tilespmem:s16+$0xFFFFFF70]  }
0x1bb: {  	[tilespmem:s22+$0x50] =	vst v52;
	v58 =	vunpack.i.l.bf16.f32 v58;
	v52 =	vmul.f32 v55, v34;
	v46 =	vmul.f32 v45, v46  }
0x1bc: {  	[tilespmem:s22+$0x80] =	vst v53;
	v41 =	vld.msk [tilespmem:s23+$0xFFFFFFF0 ss:$0x0], $0xffff;
	v53 =	vmul.f32 v48, v40;
	v56 =	vmul.f32 v54, v30;
	v54 =	vsub.f32 v61, v2  }
0x1bd: {  	s29 =	simm.s32 $0x4;
	s30 =	simm.s32 $0x2030;
	s23 =	simm.s32 $0x6AD0;
	v55 =	vmul.f32 v58, v33;
	v40 =	vld.msk [tilespmem:s16+$0xFFFFFFF0 ss:$0x0], $0xffff;
	[tilespmem:s22+$0xFFFFFFF0] =	vst v57;
	v51 =	vadd.f32 v59, v60;
	v44 =	vmul.f32 v46, v44  }
.LBB2_9:
0x1be: {  	v57 =	vld [tilespmem:s30+$0x0];
	v52 =	vadd.f32 v52, v56;
	v50 =	vmul.f32 v50, v38;
	v54 =	vmul.f32 $1.442695020e+00, v54;
	[tilespmem:s22+$0xFFFFFF70] =	vst v53;
	s23 =	sadd.s32 $0x120, s23  }
0x1bf: {  	v53 =	vld [tilespmem:s30+$0x10];
	v47 =	vmul.f32 v47, v39;
	[tilespmem:s23+$0x70] =	vst v44;
	v44 =	vmul.f32 v48, v4;
	v4 =	vmovc v8;
	v8 =	vmov v42  }
0x1c0: {  	v42 =	vld [tilespmem:s30+$0x20];
	v50 =	vadd.f32 v55, v50;
	(erf) = vpow2.f32 v54;
	v54 =	vmul.f32 v48, v5;
	v5 =	vmovc v10;
	v10 =	vmovc v43  }
0x1c1: {  	v29 =	vmul.f32 v48, v29;
	v32 =	vmul.f32 v48, v32;
	v43 =	vld [tilespmem:s30+$0x30];
	v47 =	vadd.f32 v47, v49;
	[tilespmem:s22+$0xFFFFFF80] =	vst v44  }
0x1c2: {  	s21 =	sadd.s32 $0x80, s21;
	v35 =	vmul.f32 v48, v35;
	v37 =	vmul.f32 v48, v37;
	v44 =	vld [tilespmem:s30+$0x40];
	v49 =	vadd.f32 v50, v52;
	[tilespmem:s22+$0xFFFFFF90] =	vst v54  }
0x1c3: {  	v50 =	vld [tilespmem:s21+$0x0];
	v47 =	vadd.f32 v51, v47;
	v51 =	vmul.f32 v46, v6;
	[tilespmem:s22+$0xFFFFFFA0] =	vst v29;
	v29 =	vmul.f32 v48, v36  }
0x1c4: {  	v52 =	vmul.f32 v46, v7;
	v54 =	vmul.f32 v46, v9;
	v6 =	vmov v18;
	v36 =	vld [tilespmem:s21+$0x10];
	v48, _, _ =	vpop (xrf2);
	[tilespmem:s22+$0xFFFFFFB0] =	vst v32  }
0x1c5: {  	v18 =	vmovc v57;
	v32 =	vld [tilespmem:s21+$0x20];
	v56 =	vadd.f32 v49, v47;
	v47 =	vbroadcast v48, $0xF;
	v48 =	vmul.f32 v46, v14;
	[tilespmem:s22+$0xFFFFFFC0] =	vst v35  }
0x1c6: {  	v55 =	vmul.f32 v46, v24;
	v7 =	vmovc v17;
	v17 =	vmov v53;
	v49 =	vmul.f32 v46, v19;
	v35 =	vld [tilespmem:s30+$0x50];
	[tilespmem:s22+$0xFFFFFFD0] =	vst v37  }
0x1c7: {  	v9 =	vmovc v21;
	v46 =	vmul.f32 v46, v25;
	v37 =	vld [tilespmem:s21+$0x30];
	v19 =	vmul.f32 v47, v3;
	(xrf2) =	vadd.scan.msk.f32 $0xffff, v56;
	[tilespmem:s22+$0xFFFFFFE0] =	vst v29;
	s22 =	smov.u32 s23  }
0x1c8: {  	s29 =	sadd.s32 $0x2, s29;
	v45 =	vmul.f32 v1, v45;
	v21 =	vmovc v42;
	v14 =	vmovc v23;
	v29 =	vld [tilespmem:s30+$0x60];
	v24 =	vunpack.i.u.bf16.f32 v50;
	v25 =	vunpack.i.l.bf16.f32 v50;
	[tilespmem:s23+$0x0] =	vst v51  }
0x1c9: {  	p1 =	slt.u32 s29, $0x2E;
	v57 =	vld [tilespmem:s30+$0x70];
	v42 =	vunpack.i.u.bf16.f32 v36;
	v36 =	vunpack.i.l.bf16.f32 v36;
	v56 =	vsub.f32 v19, v2;
	[tilespmem:s23+$0x10] =	vst v52;
	v51 =	vpop (erf)  }
0x1ca: {  	v23 =	vmovc v43;
	v52 =	vmul.f32 v25, v18;
	v53 =	vmul.f32 v24, v17;
	v47 =	vld [tilespmem:s21+$0xFFFFFFC0];
	v50 =	vunpack.i.u.bf16.f32 v32;
	[tilespmem:s23+$0x20] =	vst v54  }
0x1cb: {  	v58 =	vunpack.i.l.bf16.f32 v32;
	v32 =	vmul.f32 v36, v21;
	v54 =	vld [tilespmem:s21+$0xFFFFFFD0];
	v56 =	vmul.f32 $1.442695020e+00, v56;
	[tilespmem:s23+$0x30] =	vst v48;
	v19 =	vmovc v20;
	v20 =	vmovc v44  }
0x1cc: {  	v44 =	vmul.f32 v42, v23;
	v24 =	vmovc v26;
	v36 =	vld [tilespmem:s21+$0xFFFFFFE0];
	v43 =	vunpack.i.u.bf16.f32 v37;
	v48 =	vmul.f32 v58, v20;
	[tilespmem:s23+$0x40] =	vst v49  }
0x1cd: {  	v50 =	vmul.f32 v50, v35;
	v26 =	vmovc v35;
	v25 =	vmovc v27;
	v37 =	vunpack.i.l.bf16.f32 v37;
	v49 =	vld [tilespmem:s21+$0xFFFFFFF0];
	(erf) = vpow2.f32 v56;
	[tilespmem:s23+$0x50] =	vst v55  }
0x1ce: {  	v35 =	vmul.f32 v37, v29;
	v27 =	vmovc v29;
	v29 =	vmov v15;
	v42 =	vld [tilespmem:s30+$0xFFFFFF80];
	v37 =	vmul.f32 v43, v57;
	[tilespmem:s23+$0x60] =	vst v46  }
0x1cf: {  	v52 =	vadd.f32 v52, v53;
	v44 =	vadd.f32 v32, v44;
	v15 =	vmovc v28;
	v43 =	vld [tilespmem:s30+$0xFFFFFF90];
	v46 =	vunpack.i.u.bf16.f32 v47;
	[tilespmem:s23+$0x80] =	vst v45  }
0x1d0: {  	v32 =	vmovc v13;
	v13 =	vmovc v34;
	v47 =	vunpack.i.l.bf16.f32 v47;
	v45 =	vadd.f32 v48, v50;
	v28 =	vld [tilespmem:s30+$0xFFFFFFA0];
	v60 =	vadd.f32 v35, v37  }
0x1d1: {  	v48 =	vunpack.i.u.bf16.f32 v54;
	v53 =	vunpack.i.l.bf16.f32 v54;
	v54 =	vunpack.i.u.bf16.f32 v36;
	v55 =	vld.msk [tilespmem:s16+$0x80 ss:$0x0], $0xffff;
	v56, _, _ =	vpop (xrf2);
	s16 =	smov.u32 s30  }
0x1d2: {  	v52 =	vadd.f32 v44, v52;
	v58 =	vunpack.i.l.bf16.f32 v36;
	v35 =	vmovc v12;
	v12 =	vmovc v30;
	v34 =	vld [tilespmem:s30+$0xFFFFFFB0];
	v44 =	vadd.f32 v60, v45  }
0x1d3: {  	v50 =	vunpack.i.u.bf16.f32 v49;
	v59 =	vunpack.i.l.bf16.f32 v49;
	v37 =	vmovc v11;
	v11 =	vmovc v33;
	v30 =	vld [tilespmem:s30+$0xFFFFFFC0];
	v49 =	vmul.f32 v46, v42  }
0x1d4: {  	v36 =	vmovc v16;
	v16 =	vmovc v38;
	v33 =	vld [tilespmem:s30+$0xFFFFFFD0];
	v46 =	vmul.f32 v53, v43;
	v44 =	vadd.f32 v44, v52;
	v53 =	vbroadcast v56, $0xF  }
.Ltmp3:
0x1d5: {  	v60 =	vmovc v39;
	v38 =	vld [tilespmem:s30+$0xFFFFFFE0];
	v52 =	vmul.f32 v48, v28;
	v48 =	vmul.f32 v51, v41;
	v41 =	vmov v40;
	(pc) =	sbr.rel @p1 .LBB2_9-.Ltmp3, $4  }
0x1d6: {  	v61 =	vmul.f32 v1, v51;
	v39 =	vld [tilespmem:s30+$0xFFFFFF70];
	(xrf2) =	vadd.scan.msk.f32 $0xffff, v44;
	v44 =	vmul.f32 v53, v3;
	v45 =	vpop (erf)  }
0x1d7: {  	v51 =	vadd.f32 v46, v52;
	v52 =	vmul.f32 v58, v34;
	v40 =	vld.msk [tilespmem:s30+$0xFFFFFFF0 ss:$0x0], $0xffff;
	v46 =	vmul.f32 v45, v55  }
0x1d8: {  	v53 =	vmul.f32 v48, v22;
	v56 =	vmul.f32 v54, v30;
	v54 =	vsub.f32 v44, v2;
	[tilespmem:s23+$0xFFFFFFF0] =	vst v61  }
0x1d9: {  	s30 =	sadd.s32 $0x120, s30;
	v22 =	vmovc v60;
	v55 =	vmul.f32 v59, v33;
	v44 =	vmul.f32 v46, v31;
	v31 =	vmov v57  }
0x1da: {  	_ =	sdelay $0x1  }
0x1db: {  	v50 =	vmul.f32 v50, v38;
	v47 =	vmul.f32 v47, v39  }
0x1dc: {  	v52 =	vadd.f32 v52, v56  }
0x1dd: {  	v50 =	vadd.f32 v55, v50;
	v47 =	vadd.f32 v47, v49;
	_ =	sdelay $0x1  }
0x1de: {  	v50 =	vadd.f32 v50, v52;
	v47 =	vadd.f32 v51, v47;
	v63, _, _ =	vpop (xrf2)  }
0x1df: {  	v58 =	vbroadcast v63, $0xF  }
0x1e0: {  	[tilespmem:s22+$0xFFFFFF70] =	vst v53;
	s21 =	sadd.s32 $0x120, s23;
	v4 =	vmul.f32 v48, v4;
	v60 =	vadd.f32 v50, v47  }
0x1e1: {  	v5 =	vmul.f32 v48, v5;
	[tilespmem:s21+$0x70] =	vst v44;
	v49 =	vmul.f32 v58, v3  }
0x1e2: {  	v59 =	vmul.f32 $1.442695020e+00, v54;
	v62 =	vmul.f32 v48, v32;
	[tilespmem:s22+$0xFFFFFF80] =	vst v4;
	(xrf2) =	vadd.scan.msk.f32 $0xffff, v60  }
0x1e3: {  	v6 =	vmul.f32 v46, v6;
	[tilespmem:s22+$0xFFFFFF90] =	vst v5;
	v61 =	vsub.f32 v49, v2  }
0x1e4: {  	v45 =	vmul.f32 v1, v45;
	(erf) = vpow2.f32 v59;
	[tilespmem:s22+$0xFFFFFFB0] =	vst v62  }
0x1e5: {  	v44 =	vmul.f32 v46, v25;
	[tilespmem:s21+$0x0] =	vst v6;
	v5 =	vmul.f32 $1.442695020e+00, v61  }
0x1e6: {  	v4 =	vmul.f32 v48, v29;
	[tilespmem:s21+$0x80] =	vst v45  }
0x1e7: {  	[tilespmem:s21+$0x60] =	vst v44;
	(erf) = vpow2.f32 v5;
	v5 =	vmul.f32 v48, v36  }
0x1e8: {  	[tilespmem:s22+$0xFFFFFFA0] =	vst v4;
	v4 =	vmul.f32 v48, v37  }
0x1e9: {  	v37 =	vmul.f32 v46, v24;
	[tilespmem:s22+$0xFFFFFFE0] =	vst v5;
	v5 =	vmul.f32 v46, v9  }
0x1ea: {  	[tilespmem:s22+$0xFFFFFFD0] =	vst v4;
	v4 =	vmul.f32 v46, v7  }
0x1eb: {  	[tilespmem:s21+$0x50] =	vst v37;
	v63 =	vmul.f32 v48, v35  }
0x1ec: {  	v35 =	vmul.f32 v46, v14;
	[tilespmem:s21+$0x10] =	vst v4;
	v4 =	vld.msk [tilespmem:s16+$0x80 ss:$0x0], $0xffff;
	v36 =	vmul.f32 v46, v19;
	v46, _, _ =	vpop (xrf2)  }
0x1ed: {  	[tilespmem:s21+$0x20] =	vst v5;
	v5 =	vpop (erf)  }
0x1ee: {  	[tilespmem:s22+$0xFFFFFFC0] =	vst v63;
	v7 =	vbroadcast v46, $0xF;
	v47 =	vmul.f32 v5, v41  }
0x1ef: {  	[tilespmem:s21+$0x30] =	vst v35;
	v5 =	vmul.f32 v1, v5  }
0x1f0: {  	[tilespmem:s21+$0x40] =	vst v36;
	v49 =	vmul.f32 v7, v3;
	v48 =	vpop (erf);
	v50 =	vmul.f32 v47, v22  }
0x1f1: {  	[tilespmem:s21+$0xFFFFFFF0] =	vst v5;
	v51 =	vmul.f32 v47, v8;
	v4 =	vmul.f32 v48, v4  }
0x1f2: {  	v6 =	vsub.f32 v49, v2;
	v52 =	vmul.f32 v47, v15;
	[tilespmem:s21+$0xFFFFFF70] =	vst v50  }
0x1f3: {  	[tilespmem:s21+$0xFFFFFF80] =	vst v51;
	v5 =	vmul.f32 v4, v31  }
0x1f4: {  	s30 =	sadd.s32 $0x120, s21;
	v53 =	vmul.f32 v47, v13;
	v6 =	vmul.f32 $1.442695020e+00, v6;
	[tilespmem:s21+$0xFFFFFFA0] =	vst v52  }
0x1f5: {  	[tilespmem:s30+$0x70] =	vst v5;
	v5 =	vmul.f32 v47, v10  }
0x1f6: {  	v54 =	vmul.f32 v47, v11;
	[tilespmem:s21+$0xFFFFFFB0] =	vst v53;
	(erf) = vpow2.f32 v6  }
0x1f7: {  	[tilespmem:s21+$0xFFFFFF90] =	vst v5;
	v5 =	vmul.f32 v47, v12  }
0x1f8: {  	v55 =	vmul.f32 v47, v16;
	[tilespmem:s21+$0xFFFFFFD0] =	vst v54  }
0x1f9: {  	[tilespmem:s21+$0xFFFFFFC0] =	vst v5;
	v5 =	vmul.f32 v4, v18  }
0x1fa: {  	v60 =	vmul.f32 v1, v48;
	[tilespmem:s21+$0xFFFFFFE0] =	vst v55  }
0x1fb: {  	v56 =	vmul.f32 v4, v17;
	[tilespmem:s30+$0x0] =	vst v5;
	v5 =	vmul.f32 v4, v23  }
0x1fc: {  	v57 =	vmul.f32 v4, v21;
	[tilespmem:s30+$0x80] =	vst v60  }
0x1fd: {  	[tilespmem:s30+$0x10] =	vst v56  }
0x1fe: {  	v58 =	vmul.f32 v4, v20;
	[tilespmem:s30+$0x20] =	vst v57  }
0x1ff: {  	v59 =	vmul.f32 v4, v26;
	v4 =	vmul.f32 v4, v27;
	[tilespmem:s30+$0x30] =	vst v5;
	v5 =	vpop (erf)  }
0x200: {  	[tilespmem:s30+$0x40] =	vst v58;
	v61 =	vmul.f32 v5, v40  }
0x201: {  	[tilespmem:s30+$0x60] =	vst v4;
	v4 =	vmul.f32 v1, v5  }
0x202: {  	[tilespmem:s30+$0x50] =	vst v59;
	v5 =	vmul.f32 v61, v39  }
0x203: {  	[tilespmem:s30+$0xFFFFFFF0] =	vst v4;
	v4 =	vmul.f32 v61, v42  }
0x204: {  	v62 =	vmul.f32 v61, v34;
	[tilespmem:s30+$0xFFFFFF70] =	vst v5  }
0x205: {  	v63 =	vmul.f32 v61, v38;
	[tilespmem:s30+$0xFFFFFF80] =	vst v4  }
0x206: {  	v5 =	vmul.f32 v61, v43;
	[tilespmem:s30+$0xFFFFFFB0] =	vst v62  }
0x207: {  	v4 =	vmul.f32 v61, v28;
	[tilespmem:s30+$0xFFFFFFE0] =	vst v63  }
0x208: {  	[tilespmem:s30+$0xFFFFFF90] =	vst v5;
	v5 =	vmul.f32 v61, v30  }
0x209: {  	[tilespmem:s30+$0xFFFFFFA0] =	vst v4;
	v4 =	vmul.f32 v61, v33  }
0x20a: {  	[tilespmem:s30+$0xFFFFFFC0] =	vst v5  }
0x20b: {  	[tilespmem:s30+$0xFFFFFFD0] =	vst v4  }
0x20c: {  	v4 =	vld [tilespmem:$0x90]  }
0x20d: {  	v5 =	vld [tilespmem:$0xA0]  }
0x20e: {  	v6 =	vld [tilespmem:$0xB0];
	_ =	sdelay $0x2  }
0x20f: {  	[tilespmem:$0xF0] =	vst v4  }
0x210: {  	[tilespmem:$0x100] =	vst v5  }
0x211: {  	s22 =	simm.s32 $0x6A40;
	s21 =	simm.s32 $0xF0;
	[tilespmem:$0x110] =	vst v6  }
0x212: {  	[spmem:s2] =	stream.indirect.scatter.add.f32 [tilespmem:s22], [sflag:$0xA], $0x90, s21, s12, $0xb8;
	[tilespmem:$0x1E4E0] =	vst v63  }
0x213: {  	_ =	swait.ge [sflag:s13], $0x30  }
0x214: {  	[sflag:s13] =	ssyncset.done $0x0  }
0x215: {  	[sflag:s13] =	ssyncadd.s32 $0xFFFFFFD0  }
0x216: {  	_ =	swait.ge [sflag:s14], $0x30  }
0x217: {  	[sflag:s14] =	ssyncset.done $0x0  }
0x218: {  	s23 =	simm.s32 $0x140;
	s9 =	sadd.s32 $0x1, s9;
	[sflag:s14] =	ssyncadd.s32 $0xFFFFFFD0  }
0x219: {  	[tilespmem:s23], [sflag:$0x1] =	stream.indirect.gather [hbm4b:s7+s12], $0x90, s3, s12, $0xb8;
	[tilespmem:$0x1E4E0] =	vst v63  }
0x21a: {  	s29 =	simm.s32 $0x3740;
	s15 =	sadd.s32 s15, s20;
	p1 =	sne.s32 s9, $0x67  }
0x21b: {  	[tilespmem:s29], [sflag:$0x2] =	stream.indirect.gather [hbm4b:s1+s12], $0x40, s12, s12, $0xb8;
	[tilespmem:$0x1E4E0] =	vst v63  }
.Ltmp4:
0x21c: {  	s15 =	sshrl.u32 s15, $0x3;
	(pc) =	sbr.rel @p1 .LBB2_6-.Ltmp4, $4  }
0x21d: {  	s30 =	sadd.s32 s5, s15  }
0x21e: {  	[tilespmem:s17], [sflag:$0x7] =	stream.linear.gather [hbm4b:s30+s3], $0x30, $0x38;
	[tilespmem:$0x1E4E0] =	vst v63  }
0x21f: {  	s15 =	sadd.s32 s6, s15  }
0x220: {  	[tilespmem:s18], [sflag:$0x8] =	stream.linear.gather [hbm4b:s15+s3], $0x30, $0x38;
	[tilespmem:$0x1E4E0] =	vst v63  }
0x221: {  	_ =	swait.ge [sflag:s24], $0x1B00  }
0x222: {  	[sflag:s24] =	ssyncset.done $0x0  }
0x223: {  	[sflag:s24] =	ssyncadd.s32 $0xFFFFE500  }
0x224: {  	_ =	swait.ge [sflag:s25], $0xC00  }
0x225: {  	[sflag:s25] =	ssyncset.done $0x0  }
0x226: {  	[sflag:s25] =	ssyncadd.s32 $0xFFFFF400  }
0x227: {  	_ =	swait.ge [sflag:s26], $0x30  }
0x228: {  	[sflag:s26] =	ssyncset.done $0x0  }
0x229: {  	[sflag:s26] =	ssyncadd.s32 $0xFFFFFFD0  }
0x22a: {  	_ =	swait.ge [sflag:s28], $0x30  }
0x22b: {  	[sflag:s28] =	ssyncset.done $0x0  }
0x22c: {  	s9 =	simm.s32 $0x1C40;
	[sflag:s28] =	ssyncadd.s32 $0xFFFFFFD0  }
0x22d: {  	[tilespmem:s9], [sflag:$0x3] =	stream.indirect.gather [hbm4b:s7+s12], $0x90, s17, s12, $0xb8;
	[tilespmem:$0x1E4E0] =	vst v63  }
0x22e: {  	s23 =	simm.s32 $0x4340  }
0x22f: {  	[tilespmem:s23], [sflag:$0x4] =	stream.indirect.gather [hbm4b:s1+s12], $0x40, s18, s12, $0xb8;
	[tilespmem:$0x1E4E0] =	vst v63  }
0x230: {  	_ =	swait.ge [sflag:s31], $0x1B00  }
0x231: {  	[sflag:s31] =	ssyncset.done $0x0  }
0x232: {  	s29 =	simm.s32 $0x1D0;
	[sflag:s31] =	ssyncadd.s32 $0xFFFFE500  }
0x233: {  	v34 =	vld [tilespmem:s29+$0x0]  }
0x234: {  	v33 =	vld [tilespmem:s29+$0x10]  }
0x235: {  	v26 =	vld [tilespmem:s29+$0x20]  }
0x236: {  	v28 =	vld [tilespmem:s29+$0x30]  }
0x237: {  	s15 =	simm.s32 $0x3780;
	v27 =	vld [tilespmem:s29+$0x40]  }
0x238: {  	v4 =	vld [tilespmem:s15+$0x0]  }
0x239: {  	v5 =	vld [tilespmem:s15+$0x10]  }
0x23a: {  	v6 =	vld [tilespmem:s15+$0x20]  }
0x23b: {  	v30 =	vld [tilespmem:s29+$0x50]  }
0x23c: {  	v7 =	vld [tilespmem:s15+$0x30]  }
0x23d: {  	v31 =	vld [tilespmem:s29+$0x60]  }
0x23e: {  	v38 =	vld [tilespmem:s29+$0x70]  }
0x23f: {  	v11 =	vld [tilespmem:s15+$0xFFFFFFC0]  }
0x240: {  	v13 =	vld [tilespmem:s15+$0xFFFFFFD0]  }
0x241: {  	v14 =	vld [tilespmem:s15+$0xFFFFFFE0]  }
0x242: {  	v15 =	vld [tilespmem:s15+$0xFFFFFFF0];
	v8 =	vunpack.i.u.bf16.f32 v4;
	v4 =	vunpack.i.l.bf16.f32 v4  }
0x243: {  	v29 =	vld [tilespmem:s29+$0xFFFFFFA0];
	v9 =	vunpack.i.u.bf16.f32 v5;
	v5 =	vunpack.i.l.bf16.f32 v5;
	v10 =	vunpack.i.u.bf16.f32 v6  }
0x244: {  	v32 =	vld [tilespmem:s29+$0xFFFFFFB0];
	v6 =	vunpack.i.l.bf16.f32 v6;
	v4 =	vmul.f32 v4, v34;
	v8 =	vmul.f32 v8, v33  }
0x245: {  	v35 =	vld [tilespmem:s29+$0xFFFFFFC0];
	v12 =	vunpack.i.u.bf16.f32 v7;
	v5 =	vmul.f32 v5, v26;
	v9 =	vmul.f32 v9, v28  }
0x246: {  	v37 =	vld [tilespmem:s29+$0xFFFFFFD0];
	v7 =	vunpack.i.l.bf16.f32 v7;
	v6 =	vmul.f32 v6, v27;
	v10 =	vmul.f32 v10, v30  }
0x247: {  	v36 =	vld [tilespmem:s29+$0xFFFFFFE0];
	v7 =	vmul.f32 v7, v31;
	v12 =	vmul.f32 v12, v38  }
0x248: {  	v8 =	vadd.f32 v4, v8;
	v9 =	vadd.f32 v5, v9;
	v4 =	vld [tilespmem:s29+$0xFFFFFF80]  }
0x249: {  	v6 =	vadd.f32 v6, v10;
	v7 =	vadd.f32 v7, v12;
	v5 =	vld [tilespmem:s29+$0xFFFFFF90]  }
0x24a: {  	s21 =	simm.s32 $0x2F0;
	v40 =	vld [tilespmem:s29+$0xFFFFFF70];
	v10 =	vunpack.i.l.bf16.f32 v13;
	v12 =	vunpack.i.l.bf16.f32 v14  }
0x24b: {  	v19 =	vld [tilespmem:s21+$0x40];
	v8 =	vadd.f32 v9, v8;
	v6 =	vadd.f32 v7, v6;
	v9 =	vunpack.i.u.bf16.f32 v13  }
0x24c: {  	v24 =	vld [tilespmem:s21+$0x50];
	v12 =	vmul.f32 v12, v32;
	v7 =	vunpack.i.u.bf16.f32 v11;
	v16 =	vmul.f32 v9, v29  }
0x24d: {  	v25 =	vld [tilespmem:s21+$0x60];
	v6 =	vadd.f32 v6, v8;
	v8 =	vunpack.i.l.bf16.f32 v11;
	v11 =	vunpack.i.u.bf16.f32 v14  }
0x24e: {  	v9 =	vld [tilespmem:s21+$0x20];
	v14 =	vunpack.i.l.bf16.f32 v15;
	v13 =	vmul.f32 v7, v4;
	v10 =	vmul.f32 v10, v5  }
0x24f: {  	v15 =	vunpack.i.u.bf16.f32 v15;
	v7 =	vld [tilespmem:s21+$0x10];
	v11 =	vmul.f32 v11, v35;
	v17 =	vmul.f32 v14, v37  }
0x250: {  	s30 =	simm.s32 $0x3800;
	v15 =	vmul.f32 v15, v36;
	v8 =	vmul.f32 v8, v40;
	(xrf2) =	vadd.scan.msk.f32 $0xffff, v6;
	v6 =	vld [tilespmem:s21+$0x0]  }
0x251: {  	v10 =	vadd.f32 v10, v16;
	v11 =	vadd.f32 v12, v11;
	v12 =	vld [tilespmem:s30+$0x0]  }
0x252: {  	v15 =	vadd.f32 v17, v15;
	v8 =	vadd.f32 v8, v13;
	v13 =	vld [tilespmem:s30+$0x10]  }
0x253: {  	v16 =	vld [tilespmem:s30+$0x20]  }
0x254: {  	v14 =	vld [tilespmem:s21+$0x30];
	v11 =	vadd.f32 v15, v11;
	v8 =	vadd.f32 v10, v8  }
0x255: {  	v15 =	vld [tilespmem:s30+$0x30]  }
0x256: {  	v44 =	vld [tilespmem:s21+$0x70];
	v8 =	vadd.f32 v11, v8  }
0x257: {  	v22 =	vld [tilespmem:s30+$0xFFFFFFD0];
	v11 =	vunpack.i.u.bf16.f32 v12;
	v12 =	vunpack.i.l.bf16.f32 v12;
	v17 =	vunpack.i.u.bf16.f32 v13  }
0x258: {  	v13 =	vunpack.i.l.bf16.f32 v13;
	v18 =	vunpack.i.u.bf16.f32 v16;
	v12 =	vmul.f32 v12, v6  }
0x259: {  	v16 =	vunpack.i.l.bf16.f32 v16;
	v11 =	vmul.f32 v11, v7;
	v13 =	vmul.f32 v13, v9  }
0x25a: {  	v17 =	vmul.f32 v17, v14;
	v16 =	vmul.f32 v16, v19;
	v21 =	vunpack.i.u.bf16.f32 v15;
	v10, _, _ =	vpop (xrf2)  }
0x25b: {  	v20 =	vld [tilespmem:s30+$0xFFFFFFC0];
	v21 =	vmul.f32 v21, v44;
	(xrf2) =	vadd.scan.msk.f32 $0xffff, v8;
	v8 =	vunpack.i.l.bf16.f32 v15;
	v10 =	vbroadcast v10, $0xF  }
0x25c: {  	v39 =	vld [tilespmem:s30+$0xFFFFFFF0];
	s15 =	simm.s32 $0x3880;
	v41 =	vunpack.i.u.bf16.f32 v22;
	v15 =	vmul.f32 v18, v24;
	v23 =	vmul.f32 v8, v25  }
0x25d: {  	v61 =	vld [tilespmem:s15+$0x20];
	v11 =	vadd.f32 v12, v11;
	v12 =	vadd.f32 v13, v17;
	v10 =	vmul.f32 v10, v3  }
0x25e: {  	v42 =	vunpack.i.l.bf16.f32 v22;
	v22 =	vld [tilespmem:s21+$0xFFFFFF70];
	v13 =	vadd.f32 v16, v15;
	v16 =	vadd.f32 v23, v21  }
0x25f: {  	v18 =	vld [tilespmem:s30+$0xFFFFFFE0];
	v10 =	vsub.f32 v10, v2  }
0x260: {  	v8 =	vld [tilespmem:s21+$0xFFFFFF80];
	v11 =	vadd.f32 v12, v11;
	v12 =	vadd.f32 v16, v13  }
0x261: {  	v15 =	vld [tilespmem:s21+$0xFFFFFFA0];
	v17 =	vmul.f32 $1.442695020e+00, v10  }
0x262: {  	v13 =	vld [tilespmem:s21+$0xFFFFFFB0];
	v16 =	vadd.f32 v12, v11  }
0x263: {  	v10 =	vld [tilespmem:s21+$0xFFFFFF90];
	(erf) = vpow2.f32 v17  }
0x264: {  	v12 =	vld [tilespmem:s21+$0xFFFFFFC0];
	(xrf2) =	vadd.scan.msk.f32 $0xffff, v16  }
0x265: {  	v21 =	vunpack.i.u.bf16.f32 v20;
	v20 =	vunpack.i.l.bf16.f32 v20;
	v11 =	vld [tilespmem:s21+$0xFFFFFFD0]  }
0x266: {  	v54 =	vunpack.i.u.bf16.f32 v61;
	v52 =	vmul.f32 v20, v22;
	v16 =	vld [tilespmem:s21+$0xFFFFFFE0]  }
0x267: {  	s9 =	simm.s32 $0x410;
	v23 =	vld.msk [tilespmem:s29+$0x80 ss:$0x0], $0xffff;
	v43 =	vunpack.i.u.bf16.f32 v18;
	v46 =	vunpack.i.l.bf16.f32 v18;
	v47 =	vmul.f32 v21, v8;
	v17, _, _ =	vpop (xrf2)  }
0x268: {  	v20 =	vld [tilespmem:s9+$0x40];
	v21 =	vunpack.i.u.bf16.f32 v39;
	v41 =	vmul.f32 v41, v15;
	v17 =	vbroadcast v17, $0xF  }
0x269: {  	v45 =	vld.msk [tilespmem:s29+$0xFFFFFFF0 ss:$0x0], $0xffff;
	v39 =	vunpack.i.l.bf16.f32 v39;
	v46 =	vmul.f32 v46, v13;
	v43 =	vmul.f32 v43, v12  }
0x26a: {  	v58 =	vld [tilespmem:s15+$0x0];
	v57 =	vadd.f32 v52, v47;
	v42 =	vmul.f32 v42, v10;
	v48 =	vmul.f32 v17, v3  }
0x26b: {  	v59 =	vld [tilespmem:s15+$0x10];
	v39 =	vmul.f32 v39, v11;
	v50 =	vmul.f32 v21, v16;
	v43 =	vadd.f32 v46, v43  }
0x26c: {  	v62 =	vld [tilespmem:s15+$0x30];
	v41 =	vadd.f32 v42, v41;
	v42 =	vunpack.i.l.bf16.f32 v61;
	v48 =	vsub.f32 v48, v2;
	v49 =	vpop (erf)  }
0x26d: {  	v18 =	vld [tilespmem:s9+$0x0];
	v61 =	vmul.f32 v42, v20;
	v39 =	vadd.f32 v39, v50;
	v51 =	vmul.f32 v49, v23  }
0x26e: {  	v17 =	vld [tilespmem:s9+$0x10];
	v41 =	vadd.f32 v41, v57;
	v56 =	vmul.f32 $1.442695020e+00, v48;
	v60, _, _ =	vpop (xrf2);
	v53 =	vmul.f32 v1, v49  }
0x26f: {  	v21 =	vld [tilespmem:s9+$0x20];
	v39 =	vadd.f32 v39, v43;
	v46 =	vbroadcast v60, $0xF;
	v38 =	vmul.f32 v51, v38  }
0x270: {  	v63 =	vunpack.i.u.bf16.f32 v59;
	v23 =	vld [tilespmem:s9+$0x30];
	v34 =	vmul.f32 v51, v34;
	v48 =	vmul.f32 v51, v26  }
0x271: {  	v50 =	vmul.f32 v51, v28;
	v26 =	vld [tilespmem:s9+$0x50];
	v28 =	vadd.f32 v39, v41;
	v46 =	vmul.f32 v46, v3  }
0x272: {  	v43 =	vunpack.i.l.bf16.f32 v59;
	v33 =	vmul.f32 v51, v33;
	v39 =	vmul.f32 v51, v27;
	v27 =	vld [tilespmem:s9+$0x60]  }
0x273: {  	v52 =	vmul.f32 v51, v30;
	v51 =	vmul.f32 v51, v31;
	v31 =	vld [tilespmem:s9+$0x70];
	(xrf2) =	vadd.scan.msk.f32 $0xffff, v28;
	v46 =	vsub.f32 v46, v2  }
0x274: {  	v55 =	vld [tilespmem:s15+$0xFFFFFFD0];
	(erf) = vpow2.f32 v56;
	v56 =	vmul.f32 v43, v21;
	v30 =	vunpack.i.l.bf16.f32 v58  }
0x275: {  	v49 =	vld [tilespmem:s15+$0xFFFFFFC0];
	v30 =	vmul.f32 v30, v18;
	v28 =	vunpack.i.u.bf16.f32 v58;
	v46 =	vmul.f32 $1.442695020e+00, v46  }
0x276: {  	v42 =	vld [tilespmem:s9+$0xFFFFFF80];
	v60 =	vunpack.i.u.bf16.f32 v62;
	v28 =	vmul.f32 v28, v17;
	v47 =	vmul.f32 v63, v23  }
0x277: {  	s16 =	simm.s32 $0x4FD0;
	v57 =	vld [tilespmem:s15+$0xFFFFFFE0];
	v41 =	vunpack.i.l.bf16.f32 v62;
	v54 =	vmul.f32 v54, v26;
	(erf) = vpow2.f32 v46  }
0x278: {  	v43 =	vld [tilespmem:s9+$0xFFFFFF90];
	[tilespmem:s16+$0x70] =	vst v38;
	v62 =	vmul.f32 v41, v27;
	v63 =	vmul.f32 v60, v31  }
0x279: {  	v58 =	vld [tilespmem:s15+$0xFFFFFFF0];
	[tilespmem:s16+$0x0] =	vst v34;
	v30 =	vadd.f32 v30, v28;
	v56 =	vadd.f32 v56, v47  }
0x27a: {  	[tilespmem:s16+$0x10] =	vst v33;
	v34 =	vld [tilespmem:s9+$0xFFFFFFB0];
	v59 =	vunpack.i.u.bf16.f32 v49;
	v60 =	vadd.f32 v61, v54;
	v38 =	vadd.f32 v62, v63  }
0x27b: {  	[tilespmem:s16+$0x20] =	vst v48;
	v28 =	vld [tilespmem:s9+$0xFFFFFFA0];
	v47 =	vunpack.i.l.bf16.f32 v49;
	v49 =	vmul.f32 v59, v42  }
0x27c: {  	[tilespmem:s16+$0x30] =	vst v50;
	v46 =	vld.msk [tilespmem:s21+$0x80 ss:$0x0], $0xffff;
	v61 =	vunpack.i.u.bf16.f32 v55;
	v56 =	vadd.f32 v56, v30;
	v38 =	vadd.f32 v38, v60  }
0x27d: {  	[tilespmem:s16+$0x40] =	vst v39;
	v62 =	vunpack.i.l.bf16.f32 v55;
	v54 =	vunpack.i.u.bf16.f32 v57;
	v55 =	vunpack.i.l.bf16.f32 v57;
	v30 =	vld [tilespmem:s9+$0xFFFFFFC0];
	v63, _, _ =	vpop (xrf2)  }
0x27e: {  	v33 =	vld [tilespmem:s9+$0xFFFFFFD0];
	[tilespmem:s16+$0x60] =	vst v51;
	v57 =	vpop (erf);
	v59 =	vmul.f32 v62, v43;
	v51 =	vadd.f32 v38, v56;
	v39 =	vbroadcast v63, $0xF  }
0x27f: {  	[tilespmem:s16+$0x50] =	vst v52;
	v52 =	vmul.f32 v55, v34;
	v48 =	vmul.f32 v57, v45;
	v38 =	vld [tilespmem:s9+$0xFFFFFFE0]  }
0x280: {  	v50 =	vunpack.i.u.bf16.f32 v58;
	v60 =	vmul.f32 v61, v28;
	(xrf2) =	vadd.scan.msk.f32 $0xffff, v51;
	v61 =	vmul.f32 v39, v3;
	v39 =	vld [tilespmem:s9+$0xFFFFFF70];
	v45 =	vpop (erf)  }
0x281: {  	v58 =	vunpack.i.l.bf16.f32 v58;
	v57 =	vmul.f32 v1, v57;
	v46 =	vmul.f32 v45, v46  }
0x282: {  	[tilespmem:s16+$0x80] =	vst v53;
	v41 =	vld.msk [tilespmem:s21+$0xFFFFFFF0 ss:$0x0], $0xffff;
	v53 =	vmul.f32 v48, v40;
	v56 =	vmul.f32 v54, v30;
	v54 =	vsub.f32 v61, v2  }
0x283: {  	s22 =	simm.s32 $0x4;
	s23 =	simm.s32 $0x530;
	s21 =	simm.s32 $0x4FD0;
	v55 =	vmul.f32 v58, v33;
	v40 =	vld.msk [tilespmem:s9+$0xFFFFFFF0 ss:$0x0], $0xffff;
	[tilespmem:s16+$0xFFFFFFF0] =	vst v57;
	v51 =	vadd.f32 v59, v60;
	v44 =	vmul.f32 v46, v44  }
.LBB2_12:
0x284: {  	v57 =	vld [tilespmem:s23+$0x0];
	v52 =	vadd.f32 v52, v56;
	v50 =	vmul.f32 v50, v38;
	v54 =	vmul.f32 $1.442695020e+00, v54;
	[tilespmem:s16+$0xFFFFFF70] =	vst v53;
	s21 =	sadd.s32 $0x120, s21  }
0x285: {  	v53 =	vld [tilespmem:s23+$0x10];
	v47 =	vmul.f32 v47, v39;
	[tilespmem:s21+$0x70] =	vst v44;
	v44 =	vmul.f32 v48, v4;
	v4 =	vmovc v8;
	v8 =	vmov v42  }
0x286: {  	v42 =	vld [tilespmem:s23+$0x20];
	v50 =	vadd.f32 v55, v50;
	(erf) = vpow2.f32 v54;
	v54 =	vmul.f32 v48, v5;
	v5 =	vmovc v10;
	v10 =	vmovc v43  }
0x287: {  	v29 =	vmul.f32 v48, v29;
	v32 =	vmul.f32 v48, v32;
	v43 =	vld [tilespmem:s23+$0x30];
	v47 =	vadd.f32 v47, v49;
	[tilespmem:s16+$0xFFFFFF80] =	vst v44  }
0x288: {  	s15 =	sadd.s32 $0x80, s15;
	v35 =	vmul.f32 v48, v35;
	v37 =	vmul.f32 v48, v37;
	v44 =	vld [tilespmem:s23+$0x40];
	v49 =	vadd.f32 v50, v52;
	[tilespmem:s16+$0xFFFFFF90] =	vst v54  }
0x289: {  	v50 =	vld [tilespmem:s15+$0x0];
	v47 =	vadd.f32 v51, v47;
	v51 =	vmul.f32 v46, v6;
	[tilespmem:s16+$0xFFFFFFA0] =	vst v29;
	v29 =	vmul.f32 v48, v36  }
0x28a: {  	v52 =	vmul.f32 v46, v7;
	v54 =	vmul.f32 v46, v9;
	v6 =	vmov v18;
	v36 =	vld [tilespmem:s15+$0x10];
	v48, _, _ =	vpop (xrf2);
	[tilespmem:s16+$0xFFFFFFB0] =	vst v32  }
0x28b: {  	v18 =	vmovc v57;
	v32 =	vld [tilespmem:s15+$0x20];
	v56 =	vadd.f32 v49, v47;
	v47 =	vbroadcast v48, $0xF;
	v48 =	vmul.f32 v46, v14;
	[tilespmem:s16+$0xFFFFFFC0] =	vst v35  }
0x28c: {  	v55 =	vmul.f32 v46, v24;
	v7 =	vmovc v17;
	v17 =	vmov v53;
	v49 =	vmul.f32 v46, v19;
	v35 =	vld [tilespmem:s23+$0x50];
	[tilespmem:s16+$0xFFFFFFD0] =	vst v37  }
0x28d: {  	v9 =	vmovc v21;
	v46 =	vmul.f32 v46, v25;
	v37 =	vld [tilespmem:s15+$0x30];
	v19 =	vmul.f32 v47, v3;
	(xrf2) =	vadd.scan.msk.f32 $0xffff, v56;
	[tilespmem:s16+$0xFFFFFFE0] =	vst v29;
	s16 =	smov.u32 s21  }
0x28e: {  	s22 =	sadd.s32 $0x2, s22;
	v45 =	vmul.f32 v1, v45;
	v21 =	vmovc v42;
	v14 =	vmovc v23;
	v29 =	vld [tilespmem:s23+$0x60];
	v24 =	vunpack.i.u.bf16.f32 v50;
	v25 =	vunpack.i.l.bf16.f32 v50;
	[tilespmem:s21+$0x0] =	vst v51  }
0x28f: {  	p1 =	slt.u32 s22, $0x2E;
	v57 =	vld [tilespmem:s23+$0x70];
	v42 =	vunpack.i.u.bf16.f32 v36;
	v36 =	vunpack.i.l.bf16.f32 v36;
	v56 =	vsub.f32 v19, v2;
	[tilespmem:s21+$0x10] =	vst v52;
	v51 =	vpop (erf)  }
0x290: {  	v23 =	vmovc v43;
	v52 =	vmul.f32 v25, v18;
	v53 =	vmul.f32 v24, v17;
	v47 =	vld [tilespmem:s15+$0xFFFFFFC0];
	v50 =	vunpack.i.u.bf16.f32 v32;
	[tilespmem:s21+$0x20] =	vst v54  }
0x291: {  	v58 =	vunpack.i.l.bf16.f32 v32;
	v32 =	vmul.f32 v36, v21;
	v54 =	vld [tilespmem:s15+$0xFFFFFFD0];
	v56 =	vmul.f32 $1.442695020e+00, v56;
	[tilespmem:s21+$0x30] =	vst v48;
	v19 =	vmovc v20;
	v20 =	vmovc v44  }
0x292: {  	v44 =	vmul.f32 v42, v23;
	v24 =	vmovc v26;
	v36 =	vld [tilespmem:s15+$0xFFFFFFE0];
	v43 =	vunpack.i.u.bf16.f32 v37;
	v48 =	vmul.f32 v58, v20;
	[tilespmem:s21+$0x40] =	vst v49  }
0x293: {  	v50 =	vmul.f32 v50, v35;
	v26 =	vmovc v35;
	v25 =	vmovc v27;
	v37 =	vunpack.i.l.bf16.f32 v37;
	v49 =	vld [tilespmem:s15+$0xFFFFFFF0];
	(erf) = vpow2.f32 v56;
	[tilespmem:s21+$0x50] =	vst v55  }
0x294: {  	v35 =	vmul.f32 v37, v29;
	v27 =	vmovc v29;
	v29 =	vmov v15;
	v42 =	vld [tilespmem:s23+$0xFFFFFF80];
	v37 =	vmul.f32 v43, v57;
	[tilespmem:s21+$0x60] =	vst v46  }
0x295: {  	v52 =	vadd.f32 v52, v53;
	v44 =	vadd.f32 v32, v44;
	v15 =	vmovc v28;
	v43 =	vld [tilespmem:s23+$0xFFFFFF90];
	v46 =	vunpack.i.u.bf16.f32 v47;
	[tilespmem:s21+$0x80] =	vst v45  }
0x296: {  	v32 =	vmovc v13;
	v13 =	vmovc v34;
	v47 =	vunpack.i.l.bf16.f32 v47;
	v45 =	vadd.f32 v48, v50;
	v28 =	vld [tilespmem:s23+$0xFFFFFFA0];
	v60 =	vadd.f32 v35, v37  }
0x297: {  	v48 =	vunpack.i.u.bf16.f32 v54;
	v53 =	vunpack.i.l.bf16.f32 v54;
	v54 =	vunpack.i.u.bf16.f32 v36;
	v55 =	vld.msk [tilespmem:s9+$0x80 ss:$0x0], $0xffff;
	v56, _, _ =	vpop (xrf2);
	s9 =	smov.u32 s23  }
0x298: {  	v52 =	vadd.f32 v44, v52;
	v58 =	vunpack.i.l.bf16.f32 v36;
	v35 =	vmovc v12;
	v12 =	vmovc v30;
	v34 =	vld [tilespmem:s23+$0xFFFFFFB0];
	v44 =	vadd.f32 v60, v45  }
0x299: {  	v50 =	vunpack.i.u.bf16.f32 v49;
	v59 =	vunpack.i.l.bf16.f32 v49;
	v37 =	vmovc v11;
	v11 =	vmovc v33;
	v30 =	vld [tilespmem:s23+$0xFFFFFFC0];
	v49 =	vmul.f32 v46, v42  }
0x29a: {  	v36 =	vmovc v16;
	v16 =	vmovc v38;
	v33 =	vld [tilespmem:s23+$0xFFFFFFD0];
	v46 =	vmul.f32 v53, v43;
	v44 =	vadd.f32 v44, v52;
	v53 =	vbroadcast v56, $0xF  }
.Ltmp5:
0x29b: {  	v60 =	vmovc v39;
	v38 =	vld [tilespmem:s23+$0xFFFFFFE0];
	v52 =	vmul.f32 v48, v28;
	v48 =	vmul.f32 v51, v41;
	v41 =	vmov v40;
	(pc) =	sbr.rel @p1 .LBB2_12-.Ltmp5, $4  }
0x29c: {  	v61 =	vmul.f32 v1, v51;
	v39 =	vld [tilespmem:s23+$0xFFFFFF70];
	(xrf2) =	vadd.scan.msk.f32 $0xffff, v44;
	v44 =	vmul.f32 v53, v3;
	v45 =	vpop (erf)  }
0x29d: {  	v51 =	vadd.f32 v46, v52;
	v52 =	vmul.f32 v58, v34;
	v40 =	vld.msk [tilespmem:s23+$0xFFFFFFF0 ss:$0x0], $0xffff;
	v46 =	vmul.f32 v45, v55  }
0x29e: {  	v53 =	vmul.f32 v48, v22;
	v56 =	vmul.f32 v54, v30;
	v54 =	vsub.f32 v44, v2;
	[tilespmem:s21+$0xFFFFFFF0] =	vst v61  }
0x29f: {  	s23 =	sadd.s32 $0x120, s23;
	v22 =	vmovc v60;
	v55 =	vmul.f32 v59, v33;
	v44 =	vmul.f32 v46, v31;
	v31 =	vmov v57  }
0x2a0: {  	_ =	sdelay $0x2  }
0x2a1: {  	v50 =	vmul.f32 v50, v38;
	v47 =	vmul.f32 v47, v39  }
0x2a2: {  	v52 =	vadd.f32 v52, v56  }
0x2a3: {  	v50 =	vadd.f32 v55, v50;
	v47 =	vadd.f32 v47, v49  }
0x2a4: {  	v61, _, _ =	vpop (xrf2)  }
0x2a5: {  	v50 =	vadd.f32 v50, v52;
	v47 =	vadd.f32 v51, v47;
	v62 =	vbroadcast v61, $0xF  }
0x2a6: {  	v63 =	vmul.f32 $1.442695020e+00, v54;
	[tilespmem:s16+$0xFFFFFF70] =	vst v53;
	s15 =	sadd.s32 $0x120, s21;
	v4 =	vmul.f32 v48, v4  }
0x2a7: {  	v5 =	vmul.f32 v48, v5;
	[tilespmem:s15+$0x70] =	vst v44;
	v50 =	vadd.f32 v50, v47;
	v49 =	vmul.f32 v62, v3  }
0x2a8: {  	v53 =	vmul.f32 v48, v35;
	v6 =	vmul.f32 v46, v6;
	[tilespmem:s16+$0xFFFFFF80] =	vst v4  }
0x2a9: {  	(erf) = vpow2.f32 v63;
	[tilespmem:s16+$0xFFFFFF90] =	vst v5;
	(xrf2) =	vadd.scan.msk.f32 $0xffff, v50;
	v52 =	vsub.f32 v49, v2  }
0x2aa: {  	v4 =	vmul.f32 v48, v29;
	[tilespmem:s16+$0xFFFFFFC0] =	vst v53  }
0x2ab: {  	v29 =	vmul.f32 v48, v32;
	[tilespmem:s15+$0x0] =	vst v6;
	v5 =	vmul.f32 $1.442695020e+00, v52  }
0x2ac: {  	v6 =	vmul.f32 v46, v14;
	[tilespmem:s16+$0xFFFFFFA0] =	vst v4  }
0x2ad: {  	v4 =	vmul.f32 v48, v37;
	[tilespmem:s16+$0xFFFFFFB0] =	vst v29;
	(erf) = vpow2.f32 v5  }
0x2ae: {  	[tilespmem:s15+$0x30] =	vst v6;
	v5 =	vmul.f32 v48, v36  }
0x2af: {  	[tilespmem:s16+$0xFFFFFFD0] =	vst v4;
	v4 =	vmul.f32 v46, v7;
	v7 =	vmul.f32 v46, v19  }
0x2b0: {  	[tilespmem:s16+$0xFFFFFFE0] =	vst v5;
	v5 =	vmul.f32 v46, v9  }
0x2b1: {  	[tilespmem:s15+$0x10] =	vst v4  }
0x2b2: {  	v4 =	vld.msk [tilespmem:s9+$0x80 ss:$0x0], $0xffff;
	v9 =	vpop (erf);
	[tilespmem:s15+$0x20] =	vst v5;
	v5 =	vmul.f32 v46, v24  }
0x2b3: {  	v14 =	vmul.f32 v1, v45;
	v6 =	vmul.f32 v46, v25;
	[tilespmem:s15+$0x40] =	vst v7;
	v7, _, _ =	vpop (xrf2)  }
0x2b4: {  	[tilespmem:s15+$0x50] =	vst v5;
	v5 =	vbroadcast v7, $0xF;
	v7 =	vmul.f32 v9, v41  }
0x2b5: {  	[tilespmem:s15+$0x60] =	vst v6;
	v6 =	vmul.f32 v1, v9  }
0x2b6: {  	[tilespmem:s15+$0x80] =	vst v14;
	v5 =	vmul.f32 v5, v3;
	v8 =	vmul.f32 v7, v8;
	v19 =	vpop (erf)  }
0x2b7: {  	[tilespmem:s15+$0xFFFFFFF0] =	vst v6;
	v9 =	vmul.f32 v7, v22;
	v4 =	vmul.f32 v19, v4  }
0x2b8: {  	v5 =	vsub.f32 v5, v2;
	[tilespmem:s15+$0xFFFFFF80] =	vst v8;
	v8 =	vmul.f32 v7, v15  }
0x2b9: {  	[tilespmem:s15+$0xFFFFFF70] =	vst v9;
	v6 =	vmul.f32 v4, v31  }
0x2ba: {  	s23 =	sadd.s32 $0x120, s15;
	v9 =	vmul.f32 v7, v13;
	v5 =	vmul.f32 $1.442695020e+00, v5;
	[tilespmem:s15+$0xFFFFFFA0] =	vst v8  }
0x2bb: {  	[tilespmem:s23+$0x70] =	vst v6;
	v6 =	vmul.f32 v7, v10  }
0x2bc: {  	[tilespmem:s15+$0xFFFFFFB0] =	vst v9;
	(erf) = vpow2.f32 v5;
	v5 =	vmul.f32 v7, v12  }
0x2bd: {  	[tilespmem:s15+$0xFFFFFF90] =	vst v6;
	v6 =	vmul.f32 v7, v11  }
0x2be: {  	v7 =	vmul.f32 v7, v16;
	[tilespmem:s15+$0xFFFFFFC0] =	vst v5  }
0x2bf: {  	v5 =	vmul.f32 v4, v18;
	[tilespmem:s15+$0xFFFFFFD0] =	vst v6  }
0x2c0: {  	v6 =	vmul.f32 v4, v17;
	[tilespmem:s15+$0xFFFFFFE0] =	vst v7  }
0x2c1: {  	v7 =	vmul.f32 v4, v21;
	[tilespmem:s23+$0x0] =	vst v5;
	v5 =	vmul.f32 v4, v23  }
0x2c2: {  	[tilespmem:s23+$0x10] =	vst v6  }
0x2c3: {  	v6 =	vmul.f32 v4, v20;
	[tilespmem:s23+$0x20] =	vst v7  }
0x2c4: {  	v7 =	vmul.f32 v4, v26;
	[tilespmem:s23+$0x30] =	vst v5  }
0x2c5: {  	v4 =	vmul.f32 v4, v27;
	[tilespmem:s23+$0x40] =	vst v6;
	v5 =	vpop (erf)  }
0x2c6: {  	v6 =	vmul.f32 v1, v19;
	[tilespmem:s23+$0x50] =	vst v7;
	v7 =	vmul.f32 v5, v40  }
0x2c7: {  	[tilespmem:s23+$0x60] =	vst v4;
	v4 =	vmul.f32 v1, v5  }
0x2c8: {  	[tilespmem:s23+$0x80] =	vst v6;
	v5 =	vmul.f32 v7, v39  }
0x2c9: {  	[tilespmem:s23+$0xFFFFFFF0] =	vst v4;
	v4 =	vmul.f32 v7, v42  }
0x2ca: {  	v6 =	vmul.f32 v7, v34;
	[tilespmem:s23+$0xFFFFFF70] =	vst v5  }
0x2cb: {  	v5 =	vmul.f32 v7, v43;
	[tilespmem:s23+$0xFFFFFF80] =	vst v4  }
0x2cc: {  	v4 =	vmul.f32 v7, v28;
	[tilespmem:s23+$0xFFFFFFB0] =	vst v6  }
0x2cd: {  	v6 =	vmul.f32 v7, v38;
	[tilespmem:s23+$0xFFFFFF90] =	vst v5  }
0x2ce: {  	v5 =	vmul.f32 v7, v30;
	[tilespmem:s23+$0xFFFFFFA0] =	vst v4  }
0x2cf: {  	v4 =	vmul.f32 v7, v33;
	[tilespmem:s23+$0xFFFFFFE0] =	vst v6  }
0x2d0: {  	[tilespmem:s23+$0xFFFFFFC0] =	vst v5  }
0x2d1: {  	[tilespmem:s23+$0xFFFFFFD0] =	vst v4  }
0x2d2: {  	v4 =	vld [tilespmem:$0x30]  }
0x2d3: {  	v5 =	vld [tilespmem:$0x40]  }
0x2d4: {  	v6 =	vld [tilespmem:$0x50];
	_ =	sdelay $0x2  }
0x2d5: {  	[tilespmem:$0xC0] =	vst v4  }
0x2d6: {  	[tilespmem:$0xD0] =	vst v5  }
0x2d7: {  	s15 =	simm.s32 $0xC0;
	[tilespmem:$0xE0] =	vst v6  }
0x2d8: {  	[spmem:s2] =	stream.indirect.scatter.add.f32 [tilespmem:s10], [sflag:$0x9], $0x90, s15, s12, $0xb8;
	[tilespmem:$0x1E4E0] =	vst v63  }
0x2d9: {  	_ =	swait.ge [sflag:s0], $0x1B00  }
0x2da: {  	[sflag:s0] =	ssyncset.done $0x0  }
0x2db: {  	[sflag:s0] =	ssyncadd.s32 $0xFFFFE500  }
0x2dc: {  	_ =	swait.ge [sflag:s4], $0xC00  }
0x2dd: {  	[sflag:s4] =	ssyncset.done $0x0  }
0x2de: {  	[sflag:s4] =	ssyncadd.s32 $0xFFFFF400  }
0x2df: {  	_ =	swait.ge [sflag:s8], $0x1B00  }
0x2e0: {  	[sflag:s8] =	ssyncset.done $0x0  }
0x2e1: {  	s16 =	simm.s32 $0x1CD0;
	[sflag:s8] =	ssyncadd.s32 $0xFFFFE500  }
0x2e2: {  	v34 =	vld [tilespmem:s16+$0x0]  }
0x2e3: {  	v33 =	vld [tilespmem:s16+$0x10]  }
0x2e4: {  	v26 =	vld [tilespmem:s16+$0x20]  }
0x2e5: {  	v28 =	vld [tilespmem:s16+$0x30]  }
0x2e6: {  	s21 =	simm.s32 $0x4380;
	v27 =	vld [tilespmem:s16+$0x40]  }
0x2e7: {  	v4 =	vld [tilespmem:s21+$0x0]  }
0x2e8: {  	v5 =	vld [tilespmem:s21+$0x10]  }
0x2e9: {  	v6 =	vld [tilespmem:s21+$0x20]  }
0x2ea: {  	v30 =	vld [tilespmem:s16+$0x50]  }
0x2eb: {  	v7 =	vld [tilespmem:s21+$0x30]  }
0x2ec: {  	v31 =	vld [tilespmem:s16+$0x60]  }
0x2ed: {  	v38 =	vld [tilespmem:s16+$0x70]  }
0x2ee: {  	v11 =	vld [tilespmem:s21+$0xFFFFFFC0]  }
0x2ef: {  	v13 =	vld [tilespmem:s21+$0xFFFFFFD0]  }
0x2f0: {  	v14 =	vld [tilespmem:s21+$0xFFFFFFE0]  }
0x2f1: {  	v15 =	vld [tilespmem:s21+$0xFFFFFFF0];
	v8 =	vunpack.i.u.bf16.f32 v4;
	v4 =	vunpack.i.l.bf16.f32 v4  }
0x2f2: {  	v29 =	vld [tilespmem:s16+$0xFFFFFFA0];
	v9 =	vunpack.i.u.bf16.f32 v5;
	v5 =	vunpack.i.l.bf16.f32 v5;
	v10 =	vunpack.i.u.bf16.f32 v6  }
0x2f3: {  	v32 =	vld [tilespmem:s16+$0xFFFFFFB0];
	v6 =	vunpack.i.l.bf16.f32 v6;
	v4 =	vmul.f32 v4, v34;
	v8 =	vmul.f32 v8, v33  }
0x2f4: {  	v35 =	vld [tilespmem:s16+$0xFFFFFFC0];
	v12 =	vunpack.i.u.bf16.f32 v7;
	v5 =	vmul.f32 v5, v26;
	v9 =	vmul.f32 v9, v28  }
0x2f5: {  	v37 =	vld [tilespmem:s16+$0xFFFFFFD0];
	v7 =	vunpack.i.l.bf16.f32 v7;
	v6 =	vmul.f32 v6, v27;
	v10 =	vmul.f32 v10, v30  }
0x2f6: {  	v36 =	vld [tilespmem:s16+$0xFFFFFFE0];
	v7 =	vmul.f32 v7, v31;
	v12 =	vmul.f32 v12, v38  }
0x2f7: {  	v8 =	vadd.f32 v4, v8;
	v9 =	vadd.f32 v5, v9;
	v4 =	vld [tilespmem:s16+$0xFFFFFF80]  }
0x2f8: {  	v6 =	vadd.f32 v6, v10;
	v7 =	vadd.f32 v7, v12;
	v5 =	vld [tilespmem:s16+$0xFFFFFF90]  }
0x2f9: {  	s22 =	simm.s32 $0x1DF0;
	v40 =	vld [tilespmem:s16+$0xFFFFFF70];
	v10 =	vunpack.i.l.bf16.f32 v13;
	v12 =	vunpack.i.l.bf16.f32 v14  }
0x2fa: {  	v19 =	vld [tilespmem:s22+$0x40];
	v8 =	vadd.f32 v9, v8;
	v6 =	vadd.f32 v7, v6;
	v9 =	vunpack.i.u.bf16.f32 v13  }
0x2fb: {  	v24 =	vld [tilespmem:s22+$0x50];
	v12 =	vmul.f32 v12, v32;
	v7 =	vunpack.i.u.bf16.f32 v11;
	v16 =	vmul.f32 v9, v29  }
0x2fc: {  	v25 =	vld [tilespmem:s22+$0x60];
	v6 =	vadd.f32 v6, v8;
	v8 =	vunpack.i.l.bf16.f32 v11;
	v11 =	vunpack.i.u.bf16.f32 v14  }
0x2fd: {  	v9 =	vld [tilespmem:s22+$0x20];
	v14 =	vunpack.i.l.bf16.f32 v15;
	v13 =	vmul.f32 v7, v4;
	v10 =	vmul.f32 v10, v5  }
0x2fe: {  	v15 =	vunpack.i.u.bf16.f32 v15;
	v7 =	vld [tilespmem:s22+$0x10];
	v11 =	vmul.f32 v11, v35;
	v17 =	vmul.f32 v14, v37  }
0x2ff: {  	s23 =	simm.s32 $0x4400;
	v15 =	vmul.f32 v15, v36;
	v8 =	vmul.f32 v8, v40;
	(xrf2) =	vadd.scan.msk.f32 $0xffff, v6;
	v6 =	vld [tilespmem:s22+$0x0]  }
0x300: {  	v10 =	vadd.f32 v10, v16;
	v11 =	vadd.f32 v12, v11;
	v12 =	vld [tilespmem:s23+$0x0]  }
0x301: {  	v15 =	vadd.f32 v17, v15;
	v8 =	vadd.f32 v8, v13;
	v13 =	vld [tilespmem:s23+$0x10]  }
0x302: {  	v16 =	vld [tilespmem:s23+$0x20]  }
0x303: {  	v14 =	vld [tilespmem:s22+$0x30];
	v11 =	vadd.f32 v15, v11;
	v8 =	vadd.f32 v10, v8  }
0x304: {  	v15 =	vld [tilespmem:s23+$0x30]  }
0x305: {  	v44 =	vld [tilespmem:s22+$0x70];
	v8 =	vadd.f32 v11, v8  }
0x306: {  	v22 =	vld [tilespmem:s23+$0xFFFFFFD0];
	v11 =	vunpack.i.u.bf16.f32 v12;
	v12 =	vunpack.i.l.bf16.f32 v12;
	v17 =	vunpack.i.u.bf16.f32 v13  }
0x307: {  	v13 =	vunpack.i.l.bf16.f32 v13;
	v18 =	vunpack.i.u.bf16.f32 v16;
	v12 =	vmul.f32 v12, v6  }
0x308: {  	v16 =	vunpack.i.l.bf16.f32 v16;
	v11 =	vmul.f32 v11, v7;
	v13 =	vmul.f32 v13, v9  }
0x309: {  	v17 =	vmul.f32 v17, v14;
	(xrf2) =	vadd.scan.msk.f32 $0xffff, v8;
	v16 =	vmul.f32 v16, v19;
	v8 =	vunpack.i.l.bf16.f32 v15  }
0x30a: {  	v20 =	vld [tilespmem:s23+$0xFFFFFFC0];
	v21 =	vunpack.i.u.bf16.f32 v15;
	v15 =	vmul.f32 v18, v24;
	v23 =	vmul.f32 v8, v25;
	v10, _, _ =	vpop (xrf2)  }
0x30b: {  	v54 =	vld [tilespmem:s23+$0xFFFFFFF0];
	v55 =	vunpack.i.u.bf16.f32 v22;
	v21 =	vmul.f32 v21, v44;
	v10 =	vbroadcast v10, $0xF  }
0x30c: {  	v56 =	vunpack.i.l.bf16.f32 v22;
	v22 =	vld [tilespmem:s22+$0xFFFFFF70];
	v11 =	vadd.f32 v12, v11;
	v12 =	vadd.f32 v13, v17  }
0x30d: {  	v18 =	vld [tilespmem:s23+$0xFFFFFFE0];
	v13 =	vadd.f32 v16, v15;
	v16 =	vadd.f32 v23, v21;
	v10 =	vmul.f32 v10, v3  }
0x30e: {  	v8 =	vld [tilespmem:s22+$0xFFFFFF80];
	v11 =	vadd.f32 v12, v11  }
0x30f: {  	v15 =	vld [tilespmem:s22+$0xFFFFFFA0];
	v12 =	vadd.f32 v16, v13;
	v10 =	vsub.f32 v10, v2  }
0x310: {  	v13 =	vld [tilespmem:s22+$0xFFFFFFB0]  }
0x311: {  	v16 =	vadd.f32 v12, v11;
	v12 =	vld [tilespmem:s22+$0xFFFFFFC0];
	v17 =	vmul.f32 $1.442695020e+00, v10  }
0x312: {  	v11 =	vld [tilespmem:s22+$0xFFFFFFD0]  }
0x313: {  	(xrf2) =	vadd.scan.msk.f32 $0xffff, v16;
	v16 =	vld [tilespmem:s22+$0xFFFFFFE0];
	(erf) = vpow2.f32 v17  }
0x314: {  	v39 =	vunpack.i.l.bf16.f32 v54;
	v21 =	vunpack.i.u.bf16.f32 v20;
	v20 =	vunpack.i.l.bf16.f32 v20;
	v10 =	vld [tilespmem:s22+$0xFFFFFF90]  }
0x315: {  	v63 =	vmul.f32 v20, v22;
	v58 =	vunpack.i.l.bf16.f32 v18;
	v59 =	vmul.f32 v21, v8  }
0x316: {  	v57 =	vunpack.i.u.bf16.f32 v18;
	v41 =	vmul.f32 v55, v15;
	v46 =	vmul.f32 v58, v13;
	v17, _, _ =	vpop (xrf2)  }
0x317: {  	s9 =	simm.s32 $0x1F10;
	v23 =	vld.msk [tilespmem:s16+$0x80 ss:$0x0], $0xffff;
	v21 =	vunpack.i.u.bf16.f32 v54;
	v43 =	vmul.f32 v57, v12;
	v17 =	vbroadcast v17, $0xF  }
0x318: {  	s15 =	simm.s32 $0x4480;
	v20 =	vld [tilespmem:s9+$0x40];
	v39 =	vmul.f32 v39, v11;
	v61 =	vmul.f32 v21, v16  }
0x319: {  	v57 =	vadd.f32 v63, v59;
	v59 =	vld [tilespmem:s15+$0x10];
	v42 =	vmul.f32 v56, v10;
	v60 =	vmul.f32 v17, v3  }
0x31a: {  	v43 =	vadd.f32 v46, v43;
	v39 =	vadd.f32 v39, v61;
	v61 =	vld [tilespmem:s15+$0x20]  }
0x31b: {  	v21 =	vld [tilespmem:s9+$0x20];
	v41 =	vadd.f32 v42, v41;
	v48 =	vsub.f32 v60, v2  }
0x31c: {  	v45 =	vld.msk [tilespmem:s16+$0xFFFFFFF0 ss:$0x0], $0xffff;
	v49 =	vpop (erf)  }
0x31d: {  	v18 =	vld [tilespmem:s9+$0x0];
	v39 =	vadd.f32 v39, v43;
	v41 =	vadd.f32 v41, v57;
	v56 =	vmul.f32 $1.442695020e+00, v48;
	v60, _, _ =	vpop (xrf2)  }
0x31e: {  	v58 =	vld [tilespmem:s15+$0x0];
	v43 =	vunpack.i.l.bf16.f32 v59;
	v62 =	vmul.f32 v49, v23;
	v46 =	vbroadcast v60, $0xF  }
0x31f: {  	v17 =	vld [tilespmem:s9+$0x10];
	v53 =	vmul.f32 v1, v49;
	v42 =	vunpack.i.l.bf16.f32 v61;
	(erf) = vpow2.f32 v56  }
0x320: {  	v23 =	vld [tilespmem:s9+$0x30];
	v63 =	vunpack.i.u.bf16.f32 v61;
	v56 =	vmul.f32 v43, v21;
	v61 =	vmul.f32 v42, v20  }
0x321: {  	v38 =	vmul.f32 v62, v38;
	v48 =	vmul.f32 v62, v26;
	v26 =	vld [tilespmem:s9+$0x50]  }
0x322: {  	v50 =	vmul.f32 v62, v28;
	v28 =	vadd.f32 v39, v41;
	v41 =	vld [tilespmem:s15+$0x30];
	v46 =	vmul.f32 v46, v3  }
0x323: {  	v34 =	vmul.f32 v62, v34;
	v39 =	vmul.f32 v62, v27;
	v27 =	vld [tilespmem:s9+$0x60]  }
0x324: {  	v33 =	vmul.f32 v62, v33;
	v51 =	vmul.f32 v62, v31;
	v31 =	vld [tilespmem:s9+$0x70];
	(xrf2) =	vadd.scan.msk.f32 $0xffff, v28;
	v46 =	vsub.f32 v46, v2  }
0x325: {  	v55 =	vld [tilespmem:s15+$0xFFFFFFD0];
	v52 =	vmul.f32 v62, v30;
	v30 =	vunpack.i.l.bf16.f32 v58;
	v62 =	vunpack.i.u.bf16.f32 v59  }
0x326: {  	v49 =	vld [tilespmem:s15+$0xFFFFFFC0];
	v30 =	vmul.f32 v30, v18;
	v28 =	vunpack.i.u.bf16.f32 v58;
	v46 =	vmul.f32 $1.442695020e+00, v46  }
0x327: {  	v42 =	vld [tilespmem:s9+$0xFFFFFF80];
	v28 =	vmul.f32 v28, v17;
	v47 =	vmul.f32 v62, v23;
	v60 =	vunpack.i.u.bf16.f32 v41  }
0x328: {  	v57 =	vld [tilespmem:s15+$0xFFFFFFE0];
	v41 =	vunpack.i.l.bf16.f32 v41;
	v54 =	vmul.f32 v63, v26;
	(erf) = vpow2.f32 v46  }
0x329: {  	s16 =	simm.s32 $0x6AD0;
	v43 =	vld [tilespmem:s9+$0xFFFFFF90];
	v62 =	vmul.f32 v41, v27;
	v63 =	vmul.f32 v60, v31  }
0x32a: {  	v58 =	vld [tilespmem:s15+$0xFFFFFFF0];
	[tilespmem:s16+$0x70] =	vst v38;
	v30 =	vadd.f32 v30, v28;
	v56 =	vadd.f32 v56, v47  }
0x32b: {  	[tilespmem:s16+$0x0] =	vst v34;
	v34 =	vld [tilespmem:s9+$0xFFFFFFB0];
	v59 =	vunpack.i.u.bf16.f32 v49;
	v60 =	vadd.f32 v61, v54;
	v38 =	vadd.f32 v62, v63  }
0x32c: {  	[tilespmem:s16+$0x10] =	vst v33;
	v28 =	vld [tilespmem:s9+$0xFFFFFFA0];
	v47 =	vunpack.i.l.bf16.f32 v49;
	v49 =	vmul.f32 v59, v42  }
0x32d: {  	[tilespmem:s16+$0x20] =	vst v48;
	v46 =	vld.msk [tilespmem:s22+$0x80 ss:$0x0], $0xffff;
	v61 =	vunpack.i.u.bf16.f32 v55;
	v56 =	vadd.f32 v56, v30;
	v38 =	vadd.f32 v38, v60  }
0x32e: {  	[tilespmem:s16+$0x40] =	vst v39;
	v54 =	vunpack.i.u.bf16.f32 v57;
	v30 =	vld [tilespmem:s9+$0xFFFFFFC0];
	v62 =	vunpack.i.l.bf16.f32 v55;
	v55 =	vunpack.i.l.bf16.f32 v57;
	v63, _, _ =	vpop (xrf2)  }
0x32f: {  	v33 =	vld [tilespmem:s9+$0xFFFFFFD0];
	[tilespmem:s16+$0x60] =	vst v51;
	v57 =	vpop (erf);
	v59 =	vmul.f32 v62, v43;
	v51 =	vadd.f32 v38, v56;
	v39 =	vbroadcast v63, $0xF  }
0x330: {  	[tilespmem:s16+$0x30] =	vst v50;
	v48 =	vmul.f32 v57, v45;
	v57 =	vmul.f32 v1, v57;
	v38 =	vld [tilespmem:s9+$0xFFFFFFE0]  }
0x331: {  	v50 =	vunpack.i.u.bf16.f32 v58;
	v60 =	vmul.f32 v61, v28;
	(xrf2) =	vadd.scan.msk.f32 $0xffff, v51;
	v61 =	vmul.f32 v39, v3;
	v45 =	vpop (erf);
	v39 =	vld [tilespmem:s9+$0xFFFFFF70]  }
0x332: {  	[tilespmem:s16+$0x50] =	vst v52;
	v58 =	vunpack.i.l.bf16.f32 v58;
	v52 =	vmul.f32 v55, v34;
	v46 =	vmul.f32 v45, v46  }
0x333: {  	s29 =	simm.s32 $0x130;
	s30 =	simm.s32 $0x10;
	[tilespmem:s16+$0x80] =	vst v53;
	v41 =	vld.msk [tilespmem:s22+$0xFFFFFFF0 ss:$0x0], $0xffff;
	v53 =	vmul.f32 v48, v40;
	v56 =	vmul.f32 v54, v30;
	v54 =	vsub.f32 v61, v2  }
0x334: {  	s21 =	simm.s32 $0x6AD0;
	s23 =	simm.s32 $0x2030;
	s22 =	simm.s32 $0x4;
	v55 =	vmul.f32 v58, v33;
	v40 =	vld.msk [tilespmem:s9+$0xFFFFFFF0 ss:$0x0], $0xffff;
	[tilespmem:s16+$0xFFFFFFF0] =	vst v57;
	v51 =	vadd.f32 v59, v60;
	v44 =	vmul.f32 v46, v44  }
.LBB2_14:
0x335: {  	v57 =	vld [tilespmem:s23+$0x0];
	v52 =	vadd.f32 v52, v56;
	v50 =	vmul.f32 v50, v38;
	v54 =	vmul.f32 $1.442695020e+00, v54;
	[tilespmem:s16+$0xFFFFFF70] =	vst v53;
	s21 =	sadd.s32 $0x120, s21  }
0x336: {  	v53 =	vld [tilespmem:s23+$0x10];
	v47 =	vmul.f32 v47, v39;
	[tilespmem:s21+$0x70] =	vst v44;
	v44 =	vmul.f32 v48, v4;
	v4 =	vmovc v8;
	v8 =	vmov v42  }
0x337: {  	v42 =	vld [tilespmem:s23+$0x20];
	v50 =	vadd.f32 v55, v50;
	(erf) = vpow2.f32 v54;
	v54 =	vmul.f32 v48, v5;
	v5 =	vmovc v10;
	v10 =	vmovc v43  }
0x338: {  	v29 =	vmul.f32 v48, v29;
	v32 =	vmul.f32 v48, v32;
	v43 =	vld [tilespmem:s23+$0x30];
	v47 =	vadd.f32 v47, v49;
	[tilespmem:s16+$0xFFFFFF80] =	vst v44  }
0x339: {  	s15 =	sadd.s32 $0x80, s15;
	v35 =	vmul.f32 v48, v35;
	v37 =	vmul.f32 v48, v37;
	v44 =	vld [tilespmem:s23+$0x40];
	v49 =	vadd.f32 v50, v52;
	[tilespmem:s16+$0xFFFFFF90] =	vst v54  }
0x33a: {  	v50 =	vld [tilespmem:s15+$0x0];
	v47 =	vadd.f32 v51, v47;
	v51 =	vmul.f32 v46, v6;
	[tilespmem:s16+$0xFFFFFFA0] =	vst v29;
	v29 =	vmul.f32 v48, v36  }
0x33b: {  	v52 =	vmul.f32 v46, v7;
	v54 =	vmul.f32 v46, v9;
	v6 =	vmov v18;
	v36 =	vld [tilespmem:s15+$0x10];
	v48, _, _ =	vpop (xrf2);
	[tilespmem:s16+$0xFFFFFFB0] =	vst v32  }
0x33c: {  	v18 =	vmovc v57;
	v32 =	vld [tilespmem:s15+$0x20];
	v56 =	vadd.f32 v49, v47;
	v47 =	vbroadcast v48, $0xF;
	v48 =	vmul.f32 v46, v14;
	[tilespmem:s16+$0xFFFFFFC0] =	vst v35  }
0x33d: {  	v55 =	vmul.f32 v46, v24;
	v7 =	vmovc v17;
	v17 =	vmov v53;
	v49 =	vmul.f32 v46, v19;
	v35 =	vld [tilespmem:s23+$0x50];
	[tilespmem:s16+$0xFFFFFFD0] =	vst v37  }
0x33e: {  	v9 =	vmovc v21;
	v46 =	vmul.f32 v46, v25;
	v37 =	vld [tilespmem:s15+$0x30];
	v19 =	vmul.f32 v47, v3;
	(xrf2) =	vadd.scan.msk.f32 $0xffff, v56;
	[tilespmem:s16+$0xFFFFFFE0] =	vst v29;
	s16 =	smov.u32 s21  }
0x33f: {  	s22 =	sadd.s32 $0x2, s22;
	v45 =	vmul.f32 v1, v45;
	v21 =	vmovc v42;
	v14 =	vmovc v23;
	v29 =	vld [tilespmem:s23+$0x60];
	v24 =	vunpack.i.u.bf16.f32 v50;
	v25 =	vunpack.i.l.bf16.f32 v50;
	[tilespmem:s21+$0x0] =	vst v51  }
0x340: {  	p1 =	slt.u32 s22, $0x2E;
	v57 =	vld [tilespmem:s23+$0x70];
	v42 =	vunpack.i.u.bf16.f32 v36;
	v36 =	vunpack.i.l.bf16.f32 v36;
	v56 =	vsub.f32 v19, v2;
	[tilespmem:s21+$0x10] =	vst v52;
	v51 =	vpop (erf)  }
0x341: {  	v23 =	vmovc v43;
	v52 =	vmul.f32 v25, v18;
	v53 =	vmul.f32 v24, v17;
	v47 =	vld [tilespmem:s15+$0xFFFFFFC0];
	v50 =	vunpack.i.u.bf16.f32 v32;
	[tilespmem:s21+$0x20] =	vst v54  }
0x342: {  	v58 =	vunpack.i.l.bf16.f32 v32;
	v32 =	vmul.f32 v36, v21;
	v54 =	vld [tilespmem:s15+$0xFFFFFFD0];
	v56 =	vmul.f32 $1.442695020e+00, v56;
	[tilespmem:s21+$0x30] =	vst v48;
	v19 =	vmovc v20;
	v20 =	vmovc v44  }
0x343: {  	v44 =	vmul.f32 v42, v23;
	v24 =	vmovc v26;
	v36 =	vld [tilespmem:s15+$0xFFFFFFE0];
	v43 =	vunpack.i.u.bf16.f32 v37;
	v48 =	vmul.f32 v58, v20;
	[tilespmem:s21+$0x40] =	vst v49  }
0x344: {  	v50 =	vmul.f32 v50, v35;
	v26 =	vmovc v35;
	v25 =	vmovc v27;
	v37 =	vunpack.i.l.bf16.f32 v37;
	v49 =	vld [tilespmem:s15+$0xFFFFFFF0];
	(erf) = vpow2.f32 v56;
	[tilespmem:s21+$0x50] =	vst v55  }
0x345: {  	v35 =	vmul.f32 v37, v29;
	v27 =	vmovc v29;
	v29 =	vmov v15;
	v42 =	vld [tilespmem:s23+$0xFFFFFF80];
	v37 =	vmul.f32 v43, v57;
	[tilespmem:s21+$0x60] =	vst v46  }
0x346: {  	v52 =	vadd.f32 v52, v53;
	v44 =	vadd.f32 v32, v44;
	v15 =	vmovc v28;
	v43 =	vld [tilespmem:s23+$0xFFFFFF90];
	v46 =	vunpack.i.u.bf16.f32 v47;
	[tilespmem:s21+$0x80] =	vst v45  }
0x347: {  	v32 =	vmovc v13;
	v13 =	vmovc v34;
	v47 =	vunpack.i.l.bf16.f32 v47;
	v45 =	vadd.f32 v48, v50;
	v28 =	vld [tilespmem:s23+$0xFFFFFFA0];
	v60 =	vadd.f32 v35, v37  }
0x348: {  	v48 =	vunpack.i.u.bf16.f32 v54;
	v53 =	vunpack.i.l.bf16.f32 v54;
	v54 =	vunpack.i.u.bf16.f32 v36;
	v55 =	vld.msk [tilespmem:s9+$0x80 ss:$0x0], $0xffff;
	v56, _, _ =	vpop (xrf2);
	s9 =	smov.u32 s23  }
0x349: {  	v52 =	vadd.f32 v44, v52;
	v58 =	vunpack.i.l.bf16.f32 v36;
	v35 =	vmovc v12;
	v12 =	vmovc v30;
	v34 =	vld [tilespmem:s23+$0xFFFFFFB0];
	v44 =	vadd.f32 v60, v45  }
0x34a: {  	v50 =	vunpack.i.u.bf16.f32 v49;
	v59 =	vunpack.i.l.bf16.f32 v49;
	v37 =	vmovc v11;
	v11 =	vmovc v33;
	v30 =	vld [tilespmem:s23+$0xFFFFFFC0];
	v49 =	vmul.f32 v46, v42  }
0x34b: {  	v36 =	vmovc v16;
	v16 =	vmovc v38;
	v33 =	vld [tilespmem:s23+$0xFFFFFFD0];
	v46 =	vmul.f32 v53, v43;
	v44 =	vadd.f32 v44, v52;
	v53 =	vbroadcast v56, $0xF  }
.Ltmp6:
0x34c: {  	v60 =	vmovc v39;
	v38 =	vld [tilespmem:s23+$0xFFFFFFE0];
	v52 =	vmul.f32 v48, v28;
	v48 =	vmul.f32 v51, v41;
	v41 =	vmov v40;
	(pc) =	sbr.rel @p1 .LBB2_14-.Ltmp6, $4  }
0x34d: {  	v61 =	vmul.f32 v1, v51;
	v39 =	vld [tilespmem:s23+$0xFFFFFF70];
	(xrf2) =	vadd.scan.msk.f32 $0xffff, v44;
	v44 =	vmul.f32 v53, v3;
	v45 =	vpop (erf)  }
0x34e: {  	v51 =	vadd.f32 v46, v52;
	v52 =	vmul.f32 v58, v34;
	v40 =	vld.msk [tilespmem:s23+$0xFFFFFFF0 ss:$0x0], $0xffff;
	v46 =	vmul.f32 v45, v55  }
0x34f: {  	v53 =	vmul.f32 v48, v22;
	v56 =	vmul.f32 v54, v30;
	v54 =	vsub.f32 v44, v2;
	[tilespmem:s21+$0xFFFFFFF0] =	vst v61  }
0x350: {  	s23 =	sadd.s32 $0x120, s23;
	v22 =	vmovc v60;
	v55 =	vmul.f32 v59, v33;
	v44 =	vmul.f32 v46, v31;
	v31 =	vmov v57  }
0x351: {  	_ =	sdelay $0x2  }
0x352: {  	v50 =	vmul.f32 v50, v38;
	v47 =	vmul.f32 v47, v39  }
0x353: {  	v52 =	vadd.f32 v52, v56  }
0x354: {  	v50 =	vadd.f32 v55, v50;
	v47 =	vadd.f32 v47, v49  }
0x355: {  	v61, _, _ =	vpop (xrf2)  }
0x356: {  	v50 =	vadd.f32 v50, v52;
	v47 =	vadd.f32 v51, v47;
	v62 =	vbroadcast v61, $0xF  }
0x357: {  	v63 =	vmul.f32 $1.442695020e+00, v54;
	[tilespmem:s16+$0xFFFFFF70] =	vst v53;
	s15 =	sadd.s32 $0x120, s21;
	v4 =	vmul.f32 v48, v4  }
0x358: {  	v5 =	vmul.f32 v48, v5;
	[tilespmem:s15+$0x70] =	vst v44;
	v50 =	vadd.f32 v50, v47;
	v49 =	vmul.f32 v62, v3  }
0x359: {  	v53 =	vmul.f32 v48, v35;
	v6 =	vmul.f32 v46, v6;
	[tilespmem:s16+$0xFFFFFF80] =	vst v4  }
0x35a: {  	(erf) = vpow2.f32 v63;
	[tilespmem:s16+$0xFFFFFF90] =	vst v5;
	(xrf2) =	vadd.scan.msk.f32 $0xffff, v50;
	v52 =	vsub.f32 v49, v2  }
0x35b: {  	v4 =	vmul.f32 v48, v29;
	[tilespmem:s16+$0xFFFFFFC0] =	vst v53  }
0x35c: {  	v29 =	vmul.f32 v48, v32;
	[tilespmem:s15+$0x0] =	vst v6;
	v5 =	vmul.f32 $1.442695020e+00, v52  }
0x35d: {  	v6 =	vmul.f32 v46, v14;
	[tilespmem:s16+$0xFFFFFFA0] =	vst v4  }
0x35e: {  	v4 =	vmul.f32 v48, v37;
	[tilespmem:s16+$0xFFFFFFB0] =	vst v29;
	(erf) = vpow2.f32 v5  }
0x35f: {  	[tilespmem:s15+$0x30] =	vst v6;
	v5 =	vmul.f32 v48, v36  }
0x360: {  	[tilespmem:s16+$0xFFFFFFD0] =	vst v4;
	v4 =	vmul.f32 v46, v7;
	v7 =	vmul.f32 v46, v19  }
0x361: {  	[tilespmem:s16+$0xFFFFFFE0] =	vst v5;
	v5 =	vmul.f32 v46, v9  }
0x362: {  	[tilespmem:s15+$0x10] =	vst v4  }
0x363: {  	v4 =	vld.msk [tilespmem:s9+$0x80 ss:$0x0], $0xffff;
	v9 =	vpop (erf);
	[tilespmem:s15+$0x20] =	vst v5;
	v5 =	vmul.f32 v46, v24  }
0x364: {  	v14 =	vmul.f32 v1, v45;
	v6 =	vmul.f32 v46, v25;
	[tilespmem:s15+$0x40] =	vst v7;
	v7, _, _ =	vpop (xrf2)  }
0x365: {  	[tilespmem:s15+$0x50] =	vst v5;
	v5 =	vbroadcast v7, $0xF;
	v7 =	vmul.f32 v9, v41  }
0x366: {  	[tilespmem:s15+$0x60] =	vst v6;
	v6 =	vmul.f32 v1, v9  }
0x367: {  	[tilespmem:s15+$0x80] =	vst v14;
	v5 =	vmul.f32 v5, v3;
	v8 =	vmul.f32 v7, v8;
	v19 =	vpop (erf)  }
0x368: {  	[tilespmem:s15+$0xFFFFFFF0] =	vst v6;
	v9 =	vmul.f32 v7, v22;
	v4 =	vmul.f32 v19, v4  }
0x369: {  	v5 =	vsub.f32 v5, v2;
	[tilespmem:s15+$0xFFFFFF80] =	vst v8;
	v8 =	vmul.f32 v7, v15  }
0x36a: {  	[tilespmem:s15+$0xFFFFFF70] =	vst v9;
	v6 =	vmul.f32 v4, v31  }
0x36b: {  	s21 =	sadd.s32 $0x120, s15;
	v9 =	vmul.f32 v7, v13;
	v5 =	vmul.f32 $1.442695020e+00, v5;
	[tilespmem:s15+$0xFFFFFFA0] =	vst v8  }
0x36c: {  	[tilespmem:s21+$0x70] =	vst v6;
	v6 =	vmul.f32 v7, v10  }
0x36d: {  	[tilespmem:s15+$0xFFFFFFB0] =	vst v9;
	(erf) = vpow2.f32 v5;
	v5 =	vmul.f32 v7, v12  }
0x36e: {  	[tilespmem:s15+$0xFFFFFF90] =	vst v6;
	v6 =	vmul.f32 v7, v11  }
0x36f: {  	v7 =	vmul.f32 v7, v16;
	[tilespmem:s15+$0xFFFFFFC0] =	vst v5  }
0x370: {  	v5 =	vmul.f32 v4, v18;
	[tilespmem:s15+$0xFFFFFFD0] =	vst v6  }
0x371: {  	v6 =	vmul.f32 v4, v17;
	[tilespmem:s15+$0xFFFFFFE0] =	vst v7  }
0x372: {  	v7 =	vmul.f32 v4, v21;
	[tilespmem:s21+$0x0] =	vst v5;
	v5 =	vmul.f32 v4, v23  }
0x373: {  	[tilespmem:s21+$0x10] =	vst v6  }
0x374: {  	v6 =	vmul.f32 v4, v20;
	[tilespmem:s21+$0x20] =	vst v7  }
0x375: {  	v7 =	vmul.f32 v4, v26;
	[tilespmem:s21+$0x30] =	vst v5  }
0x376: {  	v4 =	vmul.f32 v4, v27;
	[tilespmem:s21+$0x40] =	vst v6;
	v5 =	vpop (erf)  }
0x377: {  	v6 =	vmul.f32 v1, v19;
	[tilespmem:s21+$0x50] =	vst v7;
	v7 =	vmul.f32 v5, v40  }
0x378: {  	[tilespmem:s21+$0x60] =	vst v4;
	v4 =	vmul.f32 v1, v5  }
0x379: {  	[tilespmem:s21+$0x80] =	vst v6;
	v5 =	vmul.f32 v7, v39  }
0x37a: {  	[tilespmem:s21+$0xFFFFFFF0] =	vst v4;
	v4 =	vmul.f32 v7, v42  }
0x37b: {  	v6 =	vmul.f32 v7, v34;
	[tilespmem:s21+$0xFFFFFF70] =	vst v5  }
0x37c: {  	v5 =	vmul.f32 v7, v43;
	[tilespmem:s21+$0xFFFFFF80] =	vst v4  }
0x37d: {  	v4 =	vmul.f32 v7, v28;
	[tilespmem:s21+$0xFFFFFFB0] =	vst v6  }
0x37e: {  	v6 =	vmul.f32 v7, v38;
	[tilespmem:s21+$0xFFFFFF90] =	vst v5  }
0x37f: {  	v5 =	vmul.f32 v7, v30;
	[tilespmem:s21+$0xFFFFFFA0] =	vst v4  }
0x380: {  	v4 =	vmul.f32 v7, v33;
	[tilespmem:s21+$0xFFFFFFE0] =	vst v6  }
0x381: {  	[tilespmem:s21+$0xFFFFFFC0] =	vst v5  }
0x382: {  	[tilespmem:s21+$0xFFFFFFD0] =	vst v4  }
0x383: {  	v4 =	vld [tilespmem:$0x90]  }
0x384: {  	v5 =	vld [tilespmem:$0xA0]  }
0x385: {  	v6 =	vld [tilespmem:$0xB0];
	_ =	sdelay $0x2  }
0x386: {  	[tilespmem:$0xF0] =	vst v4  }
0x387: {  	[tilespmem:$0x100] =	vst v5  }
0x388: {  	s22 =	simm.s32 $0xF0;
	s23 =	simm.s32 $0x6A40;
	[tilespmem:$0x110] =	vst v6  }
0x389: {  	[spmem:s2] =	stream.indirect.scatter.add.f32 [tilespmem:s23], [sflag:$0xA], $0x90, s22, s12, $0xb8;
	[tilespmem:$0x1E4E0] =	vst v63  }
0x38a: {  	s21 =	simm.s32 $0x120;
	s16 =	rddreg [dreg:$0x10]  }
0x38b: {  	[tilespmem:s21], [sflag:$0xB] =	stream.linear.gather [hbm4b:s16+s3], $0x10, $0x38;
	[tilespmem:$0x1E4E0] =	vst v63  }
0x38c: {  	_ =	swait.ge [sflag:s11], $0x10  }
0x38d: {  	[sflag:s11] =	ssyncset.done $0x0  }
0x38e: {  	s22 =	rddreg [dreg:$0x11];
	[sflag:s11] =	ssyncadd.s32 $0xFFFFFFF0  }
0x38f: {  	[tilespmem:s29], [sflag:$0xB] =	stream.linear.gather [hbm4b:s22+s3], $0x10, $0x38;
	[tilespmem:$0x1E4E0] =	vst v63  }
0x390: {  	_ =	swait.ge [sflag:s11], $0x10  }
0x391: {  	[sflag:s11] =	ssyncset.done $0x0  }
0x392: {  	s23 =	simm.s32 $0x1C40;
	[sflag:s11] =	ssyncadd.s32 $0xFFFFFFF0  }
0x393: {  	[tilespmem:s23], [sflag:$0x1] =	stream.indirect.gather [hbm4b:s7+s30], $0x90, s21, s30, $0xb8;
	[tilespmem:$0x1E4E0] =	vst v63  }
0x394: {  	s15 =	simm.s32 $0x4340  }
0x395: {  	[tilespmem:s15], [sflag:$0x2] =	stream.indirect.gather [hbm4b:s1+s30], $0x40, s29, s30, $0xb8;
	[tilespmem:$0x1E4E0] =	vst v63  }
0x396: {  	_ =	swait.ge [sflag:s24], $0x900  }
0x397: {  	[sflag:s24] =	ssyncset.done $0x0  }
0x398: {  	[sflag:s24] =	ssyncadd.s32 $0xFFFFF700  }
0x399: {  	_ =	swait.ge [sflag:s25], $0x400  }
0x39a: {  	[sflag:s25] =	ssyncset.done $0x0  }
0x39b: {  	[sflag:s25] =	ssyncadd.s32 $0xFFFFFC00  }
0x39c: {  	_ =	swait.ge [sflag:s31], $0x1B00  }
0x39d: {  	[sflag:s31] =	ssyncset.done $0x0  }
0x39e: {  	s16 =	simm.s32 $0x1CD0;
	[sflag:s31] =	ssyncadd.s32 $0xFFFFE500  }
0x39f: {  	v34 =	vld [tilespmem:s16+$0x0]  }
0x3a0: {  	v33 =	vld [tilespmem:s16+$0x10]  }
0x3a1: {  	v26 =	vld [tilespmem:s16+$0x20]  }
0x3a2: {  	v28 =	vld [tilespmem:s16+$0x30]  }
0x3a3: {  	s21 =	simm.s32 $0x4380;
	v27 =	vld [tilespmem:s16+$0x40]  }
0x3a4: {  	v4 =	vld [tilespmem:s21+$0x0]  }
0x3a5: {  	v5 =	vld [tilespmem:s21+$0x10]  }
0x3a6: {  	v6 =	vld [tilespmem:s21+$0x20]  }
0x3a7: {  	v30 =	vld [tilespmem:s16+$0x50]  }
0x3a8: {  	v7 =	vld [tilespmem:s21+$0x30]  }
0x3a9: {  	v31 =	vld [tilespmem:s16+$0x60]  }
0x3aa: {  	v38 =	vld [tilespmem:s16+$0x70]  }
0x3ab: {  	v11 =	vld [tilespmem:s21+$0xFFFFFFC0]  }
0x3ac: {  	v13 =	vld [tilespmem:s21+$0xFFFFFFD0]  }
0x3ad: {  	v14 =	vld [tilespmem:s21+$0xFFFFFFE0]  }
0x3ae: {  	v15 =	vld [tilespmem:s21+$0xFFFFFFF0];
	v8 =	vunpack.i.u.bf16.f32 v4;
	v4 =	vunpack.i.l.bf16.f32 v4  }
0x3af: {  	v29 =	vld [tilespmem:s16+$0xFFFFFFA0];
	v9 =	vunpack.i.u.bf16.f32 v5;
	v5 =	vunpack.i.l.bf16.f32 v5;
	v10 =	vunpack.i.u.bf16.f32 v6  }
0x3b0: {  	v32 =	vld [tilespmem:s16+$0xFFFFFFB0];
	v6 =	vunpack.i.l.bf16.f32 v6;
	v4 =	vmul.f32 v4, v34;
	v8 =	vmul.f32 v8, v33  }
0x3b1: {  	v35 =	vld [tilespmem:s16+$0xFFFFFFC0];
	v12 =	vunpack.i.u.bf16.f32 v7;
	v5 =	vmul.f32 v5, v26;
	v9 =	vmul.f32 v9, v28  }
0x3b2: {  	v37 =	vld [tilespmem:s16+$0xFFFFFFD0];
	v7 =	vunpack.i.l.bf16.f32 v7;
	v6 =	vmul.f32 v6, v27;
	v10 =	vmul.f32 v10, v30  }
0x3b3: {  	v36 =	vld [tilespmem:s16+$0xFFFFFFE0];
	v7 =	vmul.f32 v7, v31;
	v12 =	vmul.f32 v12, v38  }
0x3b4: {  	v8 =	vadd.f32 v4, v8;
	v9 =	vadd.f32 v5, v9;
	v4 =	vld [tilespmem:s16+$0xFFFFFF80]  }
0x3b5: {  	v6 =	vadd.f32 v6, v10;
	v7 =	vadd.f32 v7, v12;
	v5 =	vld [tilespmem:s16+$0xFFFFFF90]  }
0x3b6: {  	s22 =	simm.s32 $0x1DF0;
	v40 =	vld [tilespmem:s16+$0xFFFFFF70];
	v10 =	vunpack.i.l.bf16.f32 v13;
	v12 =	vunpack.i.l.bf16.f32 v14  }
0x3b7: {  	v19 =	vld [tilespmem:s22+$0x40];
	v8 =	vadd.f32 v9, v8;
	v6 =	vadd.f32 v7, v6;
	v9 =	vunpack.i.u.bf16.f32 v13  }
0x3b8: {  	v24 =	vld [tilespmem:s22+$0x50];
	v12 =	vmul.f32 v12, v32;
	v7 =	vunpack.i.u.bf16.f32 v11;
	v16 =	vmul.f32 v9, v29  }
0x3b9: {  	v25 =	vld [tilespmem:s22+$0x60];
	v6 =	vadd.f32 v6, v8;
	v8 =	vunpack.i.l.bf16.f32 v11;
	v11 =	vunpack.i.u.bf16.f32 v14  }
0x3ba: {  	v9 =	vld [tilespmem:s22+$0x20];
	v14 =	vunpack.i.l.bf16.f32 v15;
	v13 =	vmul.f32 v7, v4;
	v10 =	vmul.f32 v10, v5  }
0x3bb: {  	v15 =	vunpack.i.u.bf16.f32 v15;
	v7 =	vld [tilespmem:s22+$0x10];
	v11 =	vmul.f32 v11, v35;
	v17 =	vmul.f32 v14, v37  }
0x3bc: {  	s23 =	simm.s32 $0x4400;
	v15 =	vmul.f32 v15, v36;
	v8 =	vmul.f32 v8, v40;
	(xrf2) =	vadd.scan.msk.f32 $0xffff, v6;
	v6 =	vld [tilespmem:s22+$0x0]  }
0x3bd: {  	v10 =	vadd.f32 v10, v16;
	v11 =	vadd.f32 v12, v11;
	v12 =	vld [tilespmem:s23+$0x0]  }
0x3be: {  	v15 =	vadd.f32 v17, v15;
	v8 =	vadd.f32 v8, v13;
	v13 =	vld [tilespmem:s23+$0x10]  }
0x3bf: {  	v16 =	vld [tilespmem:s23+$0x20]  }
0x3c0: {  	v14 =	vld [tilespmem:s22+$0x30];
	v11 =	vadd.f32 v15, v11;
	v8 =	vadd.f32 v10, v8  }
0x3c1: {  	v15 =	vld [tilespmem:s23+$0x30]  }
0x3c2: {  	v44 =	vld [tilespmem:s22+$0x70];
	v8 =	vadd.f32 v11, v8  }
0x3c3: {  	v22 =	vld [tilespmem:s23+$0xFFFFFFD0];
	v11 =	vunpack.i.u.bf16.f32 v12;
	v12 =	vunpack.i.l.bf16.f32 v12;
	v17 =	vunpack.i.u.bf16.f32 v13  }
0x3c4: {  	v13 =	vunpack.i.l.bf16.f32 v13;
	v18 =	vunpack.i.u.bf16.f32 v16;
	v12 =	vmul.f32 v12, v6  }
0x3c5: {  	v16 =	vunpack.i.l.bf16.f32 v16;
	v11 =	vmul.f32 v11, v7;
	v13 =	vmul.f32 v13, v9  }
0x3c6: {  	v17 =	vmul.f32 v17, v14;
	(xrf2) =	vadd.scan.msk.f32 $0xffff, v8;
	v16 =	vmul.f32 v16, v19;
	v8 =	vunpack.i.l.bf16.f32 v15  }
0x3c7: {  	v20 =	vld [tilespmem:s23+$0xFFFFFFC0];
	v21 =	vunpack.i.u.bf16.f32 v15;
	v15 =	vmul.f32 v18, v24;
	v23 =	vmul.f32 v8, v25;
	v10, _, _ =	vpop (xrf2)  }
0x3c8: {  	v54 =	vld [tilespmem:s23+$0xFFFFFFF0];
	v55 =	vunpack.i.u.bf16.f32 v22;
	v21 =	vmul.f32 v21, v44;
	v10 =	vbroadcast v10, $0xF  }
0x3c9: {  	v56 =	vunpack.i.l.bf16.f32 v22;
	v22 =	vld [tilespmem:s22+$0xFFFFFF70];
	v11 =	vadd.f32 v12, v11;
	v12 =	vadd.f32 v13, v17  }
0x3ca: {  	v18 =	vld [tilespmem:s23+$0xFFFFFFE0];
	v13 =	vadd.f32 v16, v15;
	v16 =	vadd.f32 v23, v21;
	v10 =	vmul.f32 v10, v3  }
0x3cb: {  	v8 =	vld [tilespmem:s22+$0xFFFFFF80];
	v11 =	vadd.f32 v12, v11  }
0x3cc: {  	v15 =	vld [tilespmem:s22+$0xFFFFFFA0];
	v12 =	vadd.f32 v16, v13;
	v10 =	vsub.f32 v10, v2  }
0x3cd: {  	v13 =	vld [tilespmem:s22+$0xFFFFFFB0]  }
0x3ce: {  	v16 =	vadd.f32 v12, v11;
	v12 =	vld [tilespmem:s22+$0xFFFFFFC0];
	v17 =	vmul.f32 $1.442695020e+00, v10  }
0x3cf: {  	v11 =	vld [tilespmem:s22+$0xFFFFFFD0]  }
0x3d0: {  	(xrf2) =	vadd.scan.msk.f32 $0xffff, v16;
	v16 =	vld [tilespmem:s22+$0xFFFFFFE0];
	(erf) = vpow2.f32 v17  }
0x3d1: {  	v39 =	vunpack.i.l.bf16.f32 v54;
	v21 =	vunpack.i.u.bf16.f32 v20;
	v20 =	vunpack.i.l.bf16.f32 v20;
	v10 =	vld [tilespmem:s22+$0xFFFFFF90]  }
0x3d2: {  	v63 =	vmul.f32 v20, v22;
	v58 =	vunpack.i.l.bf16.f32 v18;
	v59 =	vmul.f32 v21, v8  }
0x3d3: {  	v57 =	vunpack.i.u.bf16.f32 v18;
	v41 =	vmul.f32 v55, v15;
	v46 =	vmul.f32 v58, v13;
	v17, _, _ =	vpop (xrf2)  }
0x3d4: {  	s9 =	simm.s32 $0x1F10;
	v23 =	vld.msk [tilespmem:s16+$0x80 ss:$0x0], $0xffff;
	v21 =	vunpack.i.u.bf16.f32 v54;
	v43 =	vmul.f32 v57, v12;
	v17 =	vbroadcast v17, $0xF  }
0x3d5: {  	s15 =	simm.s32 $0x4480;
	v20 =	vld [tilespmem:s9+$0x40];
	v39 =	vmul.f32 v39, v11;
	v61 =	vmul.f32 v21, v16  }
0x3d6: {  	v57 =	vadd.f32 v63, v59;
	v59 =	vld [tilespmem:s15+$0x10];
	v42 =	vmul.f32 v56, v10;
	v60 =	vmul.f32 v17, v3  }
0x3d7: {  	v43 =	vadd.f32 v46, v43;
	v39 =	vadd.f32 v39, v61;
	v61 =	vld [tilespmem:s15+$0x20]  }
0x3d8: {  	v21 =	vld [tilespmem:s9+$0x20];
	v41 =	vadd.f32 v42, v41;
	v48 =	vsub.f32 v60, v2  }
0x3d9: {  	v45 =	vld.msk [tilespmem:s16+$0xFFFFFFF0 ss:$0x0], $0xffff;
	v49 =	vpop (erf)  }
0x3da: {  	v18 =	vld [tilespmem:s9+$0x0];
	v39 =	vadd.f32 v39, v43;
	v41 =	vadd.f32 v41, v57;
	v56 =	vmul.f32 $1.442695020e+00, v48;
	v60, _, _ =	vpop (xrf2)  }
0x3db: {  	v58 =	vld [tilespmem:s15+$0x0];
	v43 =	vunpack.i.l.bf16.f32 v59;
	v62 =	vmul.f32 v49, v23;
	v46 =	vbroadcast v60, $0xF  }
0x3dc: {  	v17 =	vld [tilespmem:s9+$0x10];
	v53 =	vmul.f32 v1, v49;
	v42 =	vunpack.i.l.bf16.f32 v61;
	(erf) = vpow2.f32 v56  }
0x3dd: {  	v23 =	vld [tilespmem:s9+$0x30];
	v63 =	vunpack.i.u.bf16.f32 v61;
	v56 =	vmul.f32 v43, v21;
	v61 =	vmul.f32 v42, v20  }
0x3de: {  	v38 =	vmul.f32 v62, v38;
	v48 =	vmul.f32 v62, v26;
	v26 =	vld [tilespmem:s9+$0x50]  }
0x3df: {  	v50 =	vmul.f32 v62, v28;
	v28 =	vadd.f32 v39, v41;
	v41 =	vld [tilespmem:s15+$0x30];
	v46 =	vmul.f32 v46, v3  }
0x3e0: {  	v34 =	vmul.f32 v62, v34;
	v39 =	vmul.f32 v62, v27;
	v27 =	vld [tilespmem:s9+$0x60]  }
0x3e1: {  	v33 =	vmul.f32 v62, v33;
	v51 =	vmul.f32 v62, v31;
	v31 =	vld [tilespmem:s9+$0x70];
	(xrf2) =	vadd.scan.msk.f32 $0xffff, v28;
	v46 =	vsub.f32 v46, v2  }
0x3e2: {  	v55 =	vld [tilespmem:s15+$0xFFFFFFD0];
	v52 =	vmul.f32 v62, v30;
	v30 =	vunpack.i.l.bf16.f32 v58;
	v62 =	vunpack.i.u.bf16.f32 v59  }
0x3e3: {  	v49 =	vld [tilespmem:s15+$0xFFFFFFC0];
	v30 =	vmul.f32 v30, v18;
	v28 =	vunpack.i.u.bf16.f32 v58;
	v46 =	vmul.f32 $1.442695020e+00, v46  }
0x3e4: {  	v42 =	vld [tilespmem:s9+$0xFFFFFF80];
	v28 =	vmul.f32 v28, v17;
	v47 =	vmul.f32 v62, v23;
	v60 =	vunpack.i.u.bf16.f32 v41  }
0x3e5: {  	v57 =	vld [tilespmem:s15+$0xFFFFFFE0];
	v41 =	vunpack.i.l.bf16.f32 v41;
	v54 =	vmul.f32 v63, v26;
	(erf) = vpow2.f32 v46  }
0x3e6: {  	s16 =	simm.s32 $0x4FD0;
	v43 =	vld [tilespmem:s9+$0xFFFFFF90];
	v62 =	vmul.f32 v41, v27;
	v63 =	vmul.f32 v60, v31  }
0x3e7: {  	v58 =	vld [tilespmem:s15+$0xFFFFFFF0];
	[tilespmem:s16+$0x70] =	vst v38;
	v30 =	vadd.f32 v30, v28;
	v56 =	vadd.f32 v56, v47  }
0x3e8: {  	[tilespmem:s16+$0x0] =	vst v34;
	v34 =	vld [tilespmem:s9+$0xFFFFFFB0];
	v59 =	vunpack.i.u.bf16.f32 v49;
	v60 =	vadd.f32 v61, v54;
	v38 =	vadd.f32 v62, v63  }
0x3e9: {  	[tilespmem:s16+$0x10] =	vst v33;
	v28 =	vld [tilespmem:s9+$0xFFFFFFA0];
	v47 =	vunpack.i.l.bf16.f32 v49;
	v49 =	vmul.f32 v59, v42  }
0x3ea: {  	[tilespmem:s16+$0x20] =	vst v48;
	v46 =	vld.msk [tilespmem:s22+$0x80 ss:$0x0], $0xffff;
	v61 =	vunpack.i.u.bf16.f32 v55;
	v56 =	vadd.f32 v56, v30;
	v38 =	vadd.f32 v38, v60  }
0x3eb: {  	[tilespmem:s16+$0x40] =	vst v39;
	v54 =	vunpack.i.u.bf16.f32 v57;
	v30 =	vld [tilespmem:s9+$0xFFFFFFC0];
	v62 =	vunpack.i.l.bf16.f32 v55;
	v55 =	vunpack.i.l.bf16.f32 v57;
	v63, _, _ =	vpop (xrf2)  }
0x3ec: {  	v33 =	vld [tilespmem:s9+$0xFFFFFFD0];
	[tilespmem:s16+$0x60] =	vst v51;
	v57 =	vpop (erf);
	v59 =	vmul.f32 v62, v43;
	v51 =	vadd.f32 v38, v56;
	v39 =	vbroadcast v63, $0xF  }
0x3ed: {  	[tilespmem:s16+$0x30] =	vst v50;
	v48 =	vmul.f32 v57, v45;
	v57 =	vmul.f32 v1, v57;
	v38 =	vld [tilespmem:s9+$0xFFFFFFE0]  }
0x3ee: {  	v50 =	vunpack.i.u.bf16.f32 v58;
	v60 =	vmul.f32 v61, v28;
	(xrf2) =	vadd.scan.msk.f32 $0xffff, v51;
	v61 =	vmul.f32 v39, v3;
	v45 =	vpop (erf);
	v39 =	vld [tilespmem:s9+$0xFFFFFF70]  }
0x3ef: {  	[tilespmem:s16+$0x50] =	vst v52;
	v58 =	vunpack.i.l.bf16.f32 v58;
	v52 =	vmul.f32 v55, v34;
	v46 =	vmul.f32 v45, v46  }
0x3f0: {  	[tilespmem:s16+$0x80] =	vst v53;
	v41 =	vld.msk [tilespmem:s22+$0xFFFFFFF0 ss:$0x0], $0xffff;
	v53 =	vmul.f32 v48, v40;
	v56 =	vmul.f32 v54, v30;
	v54 =	vsub.f32 v61, v2  }
0x3f1: {  	s21 =	simm.s32 $0x4FD0;
	s23 =	simm.s32 $0x2030;
	s22 =	simm.s32 $0x4;
	v55 =	vmul.f32 v58, v33;
	v40 =	vld.msk [tilespmem:s9+$0xFFFFFFF0 ss:$0x0], $0xffff;
	[tilespmem:s16+$0xFFFFFFF0] =	vst v57;
	v51 =	vadd.f32 v59, v60;
	v44 =	vmul.f32 v46, v44  }
.LBB2_16:
0x3f2: {  	v57 =	vld [tilespmem:s23+$0x0];
	v52 =	vadd.f32 v52, v56;
	v50 =	vmul.f32 v50, v38;
	v54 =	vmul.f32 $1.442695020e+00, v54;
	[tilespmem:s16+$0xFFFFFF70] =	vst v53;
	s21 =	sadd.s32 $0x120, s21  }
0x3f3: {  	v53 =	vld [tilespmem:s23+$0x10];
	v47 =	vmul.f32 v47, v39;
	[tilespmem:s21+$0x70] =	vst v44;
	v44 =	vmul.f32 v48, v4;
	v4 =	vmovc v8;
	v8 =	vmov v42  }
0x3f4: {  	v42 =	vld [tilespmem:s23+$0x20];
	v50 =	vadd.f32 v55, v50;
	(erf) = vpow2.f32 v54;
	v54 =	vmul.f32 v48, v5;
	v5 =	vmovc v10;
	v10 =	vmovc v43  }
0x3f5: {  	v29 =	vmul.f32 v48, v29;
	v32 =	vmul.f32 v48, v32;
	v43 =	vld [tilespmem:s23+$0x30];
	v47 =	vadd.f32 v47, v49;
	[tilespmem:s16+$0xFFFFFF80] =	vst v44  }
0x3f6: {  	s15 =	sadd.s32 $0x80, s15;
	v35 =	vmul.f32 v48, v35;
	v37 =	vmul.f32 v48, v37;
	v44 =	vld [tilespmem:s23+$0x40];
	v49 =	vadd.f32 v50, v52;
	[tilespmem:s16+$0xFFFFFF90] =	vst v54  }
0x3f7: {  	v50 =	vld [tilespmem:s15+$0x0];
	v47 =	vadd.f32 v51, v47;
	v51 =	vmul.f32 v46, v6;
	[tilespmem:s16+$0xFFFFFFA0] =	vst v29;
	v29 =	vmul.f32 v48, v36  }
0x3f8: {  	v52 =	vmul.f32 v46, v7;
	v54 =	vmul.f32 v46, v9;
	v6 =	vmov v18;
	v36 =	vld [tilespmem:s15+$0x10];
	v48, _, _ =	vpop (xrf2);
	[tilespmem:s16+$0xFFFFFFB0] =	vst v32  }
0x3f9: {  	v18 =	vmovc v57;
	v32 =	vld [tilespmem:s15+$0x20];
	v56 =	vadd.f32 v49, v47;
	v47 =	vbroadcast v48, $0xF;
	v48 =	vmul.f32 v46, v14;
	[tilespmem:s16+$0xFFFFFFC0] =	vst v35  }
0x3fa: {  	v55 =	vmul.f32 v46, v24;
	v7 =	vmovc v17;
	v17 =	vmov v53;
	v49 =	vmul.f32 v46, v19;
	v35 =	vld [tilespmem:s23+$0x50];
	[tilespmem:s16+$0xFFFFFFD0] =	vst v37  }
0x3fb: {  	v9 =	vmovc v21;
	v46 =	vmul.f32 v46, v25;
	v37 =	vld [tilespmem:s15+$0x30];
	v19 =	vmul.f32 v47, v3;
	(xrf2) =	vadd.scan.msk.f32 $0xffff, v56;
	[tilespmem:s16+$0xFFFFFFE0] =	vst v29;
	s16 =	smov.u32 s21  }
0x3fc: {  	s22 =	sadd.s32 $0x2, s22;
	v45 =	vmul.f32 v1, v45;
	v21 =	vmovc v42;
	v14 =	vmovc v23;
	v29 =	vld [tilespmem:s23+$0x60];
	v24 =	vunpack.i.u.bf16.f32 v50;
	v25 =	vunpack.i.l.bf16.f32 v50;
	[tilespmem:s21+$0x0] =	vst v51  }
0x3fd: {  	p1 =	slt.u32 s22, $0xE;
	v57 =	vld [tilespmem:s23+$0x70];
	v42 =	vunpack.i.u.bf16.f32 v36;
	v36 =	vunpack.i.l.bf16.f32 v36;
	v56 =	vsub.f32 v19, v2;
	[tilespmem:s21+$0x10] =	vst v52;
	v51 =	vpop (erf)  }
0x3fe: {  	v23 =	vmovc v43;
	v52 =	vmul.f32 v25, v18;
	v53 =	vmul.f32 v24, v17;
	v47 =	vld [tilespmem:s15+$0xFFFFFFC0];
	v50 =	vunpack.i.u.bf16.f32 v32;
	[tilespmem:s21+$0x20] =	vst v54  }
0x3ff: {  	v58 =	vunpack.i.l.bf16.f32 v32;
	v32 =	vmul.f32 v36, v21;
	v54 =	vld [tilespmem:s15+$0xFFFFFFD0];
	v56 =	vmul.f32 $1.442695020e+00, v56;
	[tilespmem:s21+$0x30] =	vst v48;
	v19 =	vmovc v20;
	v20 =	vmovc v44  }
0x400: {  	v44 =	vmul.f32 v42, v23;
	v24 =	vmovc v26;
	v36 =	vld [tilespmem:s15+$0xFFFFFFE0];
	v43 =	vunpack.i.u.bf16.f32 v37;
	v48 =	vmul.f32 v58, v20;
	[tilespmem:s21+$0x40] =	vst v49  }
0x401: {  	v50 =	vmul.f32 v50, v35;
	v26 =	vmovc v35;
	v25 =	vmovc v27;
	v37 =	vunpack.i.l.bf16.f32 v37;
	v49 =	vld [tilespmem:s15+$0xFFFFFFF0];
	(erf) = vpow2.f32 v56;
	[tilespmem:s21+$0x50] =	vst v55  }
0x402: {  	v35 =	vmul.f32 v37, v29;
	v27 =	vmovc v29;
	v29 =	vmov v15;
	v42 =	vld [tilespmem:s23+$0xFFFFFF80];
	v37 =	vmul.f32 v43, v57;
	[tilespmem:s21+$0x60] =	vst v46  }
0x403: {  	v52 =	vadd.f32 v52, v53;
	v44 =	vadd.f32 v32, v44;
	v15 =	vmovc v28;
	v43 =	vld [tilespmem:s23+$0xFFFFFF90];
	v46 =	vunpack.i.u.bf16.f32 v47;
	[tilespmem:s21+$0x80] =	vst v45  }
0x404: {  	v32 =	vmovc v13;
	v13 =	vmovc v34;
	v47 =	vunpack.i.l.bf16.f32 v47;
	v45 =	vadd.f32 v48, v50;
	v28 =	vld [tilespmem:s23+$0xFFFFFFA0];
	v60 =	vadd.f32 v35, v37  }
0x405: {  	v48 =	vunpack.i.u.bf16.f32 v54;
	v53 =	vunpack.i.l.bf16.f32 v54;
	v54 =	vunpack.i.u.bf16.f32 v36;
	v55 =	vld.msk [tilespmem:s9+$0x80 ss:$0x0], $0xffff;
	v56, _, _ =	vpop (xrf2);
	s9 =	smov.u32 s23  }
0x406: {  	v52 =	vadd.f32 v44, v52;
	v58 =	vunpack.i.l.bf16.f32 v36;
	v35 =	vmovc v12;
	v12 =	vmovc v30;
	v34 =	vld [tilespmem:s23+$0xFFFFFFB0];
	v44 =	vadd.f32 v60, v45  }
0x407: {  	v50 =	vunpack.i.u.bf16.f32 v49;
	v59 =	vunpack.i.l.bf16.f32 v49;
	v37 =	vmovc v11;
	v11 =	vmovc v33;
	v30 =	vld [tilespmem:s23+$0xFFFFFFC0];
	v49 =	vmul.f32 v46, v42  }
0x408: {  	v36 =	vmovc v16;
	v16 =	vmovc v38;
	v33 =	vld [tilespmem:s23+$0xFFFFFFD0];
	v46 =	vmul.f32 v53, v43;
	v44 =	vadd.f32 v44, v52;
	v53 =	vbroadcast v56, $0xF  }
.Ltmp7:
0x409: {  	v60 =	vmovc v39;
	v38 =	vld [tilespmem:s23+$0xFFFFFFE0];
	v52 =	vmul.f32 v48, v28;
	v48 =	vmul.f32 v51, v41;
	v41 =	vmov v40;
	(pc) =	sbr.rel @p1 .LBB2_16-.Ltmp7, $4  }
0x40a: {  	v61 =	vmul.f32 v1, v51;
	v39 =	vld [tilespmem:s23+$0xFFFFFF70];
	(xrf2) =	vadd.scan.msk.f32 $0xffff, v44;
	v44 =	vmul.f32 v53, v3;
	v45 =	vpop (erf)  }
0x40b: {  	v51 =	vadd.f32 v46, v52;
	v52 =	vmul.f32 v58, v34;
	v40 =	vld.msk [tilespmem:s23+$0xFFFFFFF0 ss:$0x0], $0xffff;
	v46 =	vmul.f32 v45, v55  }
0x40c: {  	v53 =	vmul.f32 v48, v22;
	v56 =	vmul.f32 v54, v30;
	v54 =	vsub.f32 v44, v2;
	[tilespmem:s21+$0xFFFFFFF0] =	vst v61  }
0x40d: {  	s23 =	sadd.s32 $0x120, s23;
	v22 =	vmovc v60;
	v55 =	vmul.f32 v59, v33;
	v44 =	vmul.f32 v46, v31;
	v31 =	vmov v57  }
0x40e: {  	_ = 	snop  }
0x40f: {  	v50 =	vmul.f32 v50, v38;
	v47 =	vmul.f32 v47, v39  }
0x410: {  	v52 =	vadd.f32 v52, v56  }
0x411: {  	v50 =	vadd.f32 v55, v50;
	v47 =	vadd.f32 v47, v49;
	_ =	sdelay $0x1  }
0x412: {  	v50 =	vadd.f32 v50, v52;
	v47 =	vadd.f32 v51, v47  }
0x413: {  	[tilespmem:s16+$0xFFFFFF70] =	vst v53;
	s15 =	sadd.s32 $0x120, s21;
	v4 =	vmul.f32 v48, v4  }
0x414: {  	v5 =	vmul.f32 v48, v5;
	[tilespmem:s15+$0x70] =	vst v44;
	v55 =	vmul.f32 $1.442695020e+00, v54;
	v62, _, _ =	vpop (xrf2);
	v56 =	vadd.f32 v50, v47  }
0x415: {  	v58 =	vmul.f32 v48, v29;
	[tilespmem:s16+$0xFFFFFF80] =	vst v4;
	v63 =	vbroadcast v62, $0xF  }
0x416: {  	v59 =	vmul.f32 v48, v32;
	[tilespmem:s16+$0xFFFFFF90] =	vst v5;
	(erf) = vpow2.f32 v55;
	(xrf2) =	vadd.scan.msk.f32 $0xffff, v56  }
0x417: {  	v61 =	vmul.f32 v48, v35;
	[tilespmem:s16+$0xFFFFFFA0] =	vst v58;
	v49 =	vmul.f32 v63, v3  }
0x418: {  	v6 =	vmul.f32 v46, v6;
	[tilespmem:s16+$0xFFFFFFB0] =	vst v59  }
0x419: {  	v29 =	vmul.f32 v46, v7;
	[tilespmem:s16+$0xFFFFFFC0] =	vst v61;
	v57 =	vsub.f32 v49, v2  }
0x41a: {  	v32 =	vmul.f32 v46, v9;
	[tilespmem:s15+$0x0] =	vst v6  }
0x41b: {  	v35 =	vmul.f32 v46, v14;
	[tilespmem:s15+$0x10] =	vst v29;
	v60 =	vmul.f32 $1.442695020e+00, v57  }
0x41c: {  	[tilespmem:s15+$0x20] =	vst v32;
	v62 =	vmul.f32 v48, v37  }
0x41d: {  	[tilespmem:s15+$0x30] =	vst v35;
	v37 =	vmul.f32 v46, v19;
	(erf) = vpow2.f32 v60  }
0x41e: {  	v47 =	vmul.f32 v46, v24;
	[tilespmem:s16+$0xFFFFFFD0] =	vst v62  }
0x41f: {  	v63 =	vmul.f32 v48, v36;
	[tilespmem:s15+$0x40] =	vst v37;
	v44 =	vpop (erf)  }
0x420: {  	v48 =	vmul.f32 v46, v25;
	[tilespmem:s15+$0x50] =	vst v47;
	v49 =	vmul.f32 v1, v45;
	v50, _, _ =	vpop (xrf2)  }
0x421: {  	[tilespmem:s16+$0xFFFFFFE0] =	vst v63;
	v51 =	vmul.f32 v44, v41;
	v7 =	vbroadcast v50, $0xF  }
0x422: {  	v36 =	vld.msk [tilespmem:s9+$0x80 ss:$0x0], $0xffff;
	[tilespmem:s15+$0x60] =	vst v48;
	v5 =	vmul.f32 v1, v44  }
0x423: {  	[tilespmem:s15+$0x80] =	vst v49;
	v53 =	vmul.f32 v51, v22;
	v3 =	vmul.f32 v7, v3  }
0x424: {  	[tilespmem:s15+$0xFFFFFFF0] =	vst v5;
	v55 =	vmul.f32 v51, v10  }
0x425: {  	v56 =	vmul.f32 v51, v13;
	[tilespmem:s15+$0xFFFFFF70] =	vst v53;
	v2 =	vsub.f32 v3, v2  }
0x426: {  	v57 =	vmul.f32 v51, v16;
	[tilespmem:s15+$0xFFFFFF90] =	vst v55;
	v52 =	vpop (erf);
	v3 =	vmul.f32 v51, v8  }
0x427: {  	[tilespmem:s15+$0xFFFFFFB0] =	vst v56;
	v4 =	vmul.f32 v52, v36;
	v2 =	vmul.f32 $1.442695020e+00, v2  }
0x428: {  	[tilespmem:s15+$0xFFFFFF80] =	vst v3;
	v3 =	vmul.f32 v51, v15  }
0x429: {  	[tilespmem:s15+$0xFFFFFFE0] =	vst v57;
	v54 =	vmul.f32 v4, v31;
	(erf) = vpow2.f32 v2  }
0x42a: {  	s16 =	sadd.s32 $0x120, s15;
	v58 =	vmul.f32 v4, v21;
	[tilespmem:s15+$0xFFFFFFA0] =	vst v3  }
0x42b: {  	v59 =	vmul.f32 v4, v26;
	[tilespmem:s16+$0x70] =	vst v54  }
0x42c: {  	v2 =	vmul.f32 v51, v12;
	[tilespmem:s16+$0x20] =	vst v58  }
0x42d: {  	v3 =	vmul.f32 v51, v11;
	[tilespmem:s16+$0x50] =	vst v59  }
0x42e: {  	[tilespmem:s15+$0xFFFFFFC0] =	vst v2;
	v2 =	vmul.f32 v4, v18  }
0x42f: {  	[tilespmem:s15+$0xFFFFFFD0] =	vst v3;
	v3 =	vmul.f32 v4, v17  }
0x430: {  	[tilespmem:s16+$0x0] =	vst v2;
	v2 =	vmul.f32 v4, v23  }
0x431: {  	[tilespmem:s16+$0x10] =	vst v3;
	v3 =	vmul.f32 v4, v20  }
0x432: {  	[tilespmem:s16+$0x30] =	vst v2;
	v2 =	vmul.f32 v4, v27;
	v60 =	vpop (erf)  }
0x433: {  	[tilespmem:s16+$0x40] =	vst v3;
	v3 =	vmul.f32 v1, v52;
	v61 =	vmul.f32 v60, v40  }
0x434: {  	[tilespmem:s16+$0x60] =	vst v2;
	v2 =	vmul.f32 v1, v60  }
0x435: {  	[tilespmem:s16+$0x80] =	vst v3;
	v3 =	vmul.f32 v61, v39  }
0x436: {  	[tilespmem:s16+$0xFFFFFFF0] =	vst v2;
	v2 =	vmul.f32 v61, v42  }
0x437: {  	v62 =	vmul.f32 v61, v34;
	[tilespmem:s16+$0xFFFFFF70] =	vst v3  }
0x438: {  	v63 =	vmul.f32 v61, v38;
	[tilespmem:s16+$0xFFFFFF80] =	vst v2  }
0x439: {  	v3 =	vmul.f32 v61, v43;
	[tilespmem:s16+$0xFFFFFFB0] =	vst v62  }
0x43a: {  	v2 =	vmul.f32 v61, v28;
	[tilespmem:s16+$0xFFFFFFE0] =	vst v63  }
0x43b: {  	[tilespmem:s16+$0xFFFFFF90] =	vst v3;
	v3 =	vmul.f32 v61, v30  }
0x43c: {  	[tilespmem:s16+$0xFFFFFFA0] =	vst v2;
	v2 =	vmul.f32 v61, v33  }
0x43d: {  	[tilespmem:s16+$0xFFFFFFC0] =	vst v3  }
0x43e: {  	[tilespmem:s16+$0xFFFFFFD0] =	vst v2  }
0x43f: {  	[spmem:s2] =	stream.indirect.scatter.add.f32 [tilespmem:s10], [sflag:$0xB], $0x90, s29, s30, $0xb8;
	[tilespmem:$0x1E4E0] =	vst v63  }
0x440: {  	_ =	swait.ge [sflag:s11], $0x900  }
0x441: {  	[sflag:s11] =	ssyncset.done $0x0  }
0x442: {  	[sflag:s11] =	ssyncadd.s32 $0xFFFFF700  }
0x443: {  	_ =	swait.ge [sflag:s8], $0x1B00  }
0x444: {  	[sflag:s8] =	ssyncset.done $0x0  }
0x445: {  	[sflag:s8] =	ssyncadd.s32 $0xFFFFE500  }
0x446: {  	s21 =	stileid.u32;
	[bflag:$0x0] =	sbarrier.arrive $0xFFFF  }
0x447: {  	s9 =	sshll.u32 s21, $0x6;
	s16 =	rddreg [dreg:$0x5]  }
0x448: {  	s9 =	sor.u32 $0x1C0B, s9;
	s23 =	rddreg [dreg:$0xf];
	s22 =	sshrl.u32 s16, $0x3  }
0x449: {  	[hbm:s23], [sflag:s9] =	dma.local [spmem:s22], $0x2BE0  }
0x44a: {  	_ =	swait.ge [sflag:s11], $0x2BE0  }
0x44b: {  	[sflag:s11] =	ssyncset.done $0x0;
	s22 =	rddreg [dreg:$0x1b]  }
0x44c: {  	s21 =	rddreg [dreg:$0x12];
	[sflag:s11] =	ssyncadd.s32 $0xFFFFD420;
	s15 =	sshrl.u32 @!p0 s22, $0x3  }
0x44d: {  	[hbm:s21], [sflag:s9] =	dma.local @!p0 [spmem:s15], $0x120  }
0x44e: {  	s9 =	simm.s32 @!p0 $0xB  }
0x44f: {  	_ =	swait.ge @!p0 [sflag:s9], $0x120  }
0x450: {  	s29 =	rddreg [dreg:$0x1c]  }
0x451: {  	s30 =	rddreg [dreg:$0x13];
	s21 =	sadd.s32 $0x1, s29  }
0x452: {  	p1 =	sne.s32 s21, s30  }
.Ltmp8:
0x453: {  	_ = 	snop;
	(pc) =	sbr.rel @p1 .LBB2_1-.Ltmp8, $3  }
0x454: {  	_ =	sdelay $0x1  }
0x455: {  	[sflag:s9] =	ssyncset.done @!p0 $0x0  }
0x456: {  	[sflag:s9] =	ssyncadd.s32 @!p0 $0xFFFFFEE0  }
0x457: {  	_ =	sfence.sel $0x180000  }
0x458: {  	[bflag:$0x0] =	sbarrier.arrive $0xFFFF  }
0x459: {  	_ =	strace $0x90000047  }
0x45a: {  	s0 =	stileid.u32;
	[bflag:$0x2] =	sbarrier.arrive $0xFFFF  }
0x45b: {  	p0 =	sne.s32 s0, $0x0;
	s0 =	rddreg [dreg:$0x3]  }
0x45c: {  	s0 =	sadd.s32 @!p0 $0x100000, s0  }
0x45d: {  	[sflag:s0] =	ssyncadd.tile.s32 @!p0 $0x1;
	_ =	shalt  }
.Lfunc_end2:
_tile_overlayer_lowered:
.L_overlay_start_2:
0x45e: {  	(tag) =	ssettag $0x2  }
0x45f: {  	s0 =	rddreg [dreg:$0x0];
	s2 =	stileid.u32  }
0x460: {  	s1 =	rddreg [dreg:$0x1];
	p0 =	sne.s32 s2, $0x0  }
0x461: {  	s3 =	rddreg [dreg:$0x2];
	[bflag:$0x3] =	sbarrier.arrive $0xFFFF;
	s2 =	simm.s32 @!p0 $0x1C0B  }
0x462: {  	[timem:s3], [sflag:s2] =	dma.local @!p0 [hbm:s0], s1  }
0x463: {  	s0 =	simm.s32 @!p0 $0xB  }
0x464: {  	_ =	swait.ge @!p0 [sflag:s0], s1  }
0x465: {  	s1 =	ssub.s32 @!p0 $0x0, s1;
	[sflag:s0] =	ssyncset.done @!p0 $0x0  }
0x466: {  	[sflag:s0] =	ssyncadd.s32 @!p0 s1  }
0x467: {  	[bflag:$0x3] =	sbarrier.arrive $0xFFFF  }
0x468: {  	_ =	shalt  }

</sc_bundles>
